<compile_context>
chip_gen: v7x
topology: tpu7x:2x2x1
jax: 0.10.2.dev20260603
libtpu: 0.0.44.dev20260713+nightly
codegen_flags: <defaults>
</compile_context>

<pallas_src>
import functools

import jax
import jax.numpy as jnp
from jax import lax
from jax.experimental import pallas as pl
from jax.experimental.pallas import tpu as pltpu
from jax.experimental.pallas import tpu_sc as plsc

N_NODES = 10000
N_EDGES = 320000
N_PAIRS = 100
N_GRAPHS = 200
NPG = 50
D_FEAT = 128
D_EDGE = 16
D_NODE = 64
D_GRAPH = 128
N_PROP = 5

NC = 2
NS = 16
NW = NC * NS
D_PAD = 128
CHUNK = 128
HALF = 64
EPW = N_EDGES // NW
NCHUNK = (EPW + CHUNK - 1) // CHUNK
EPW_PAD = NCHUNK * CHUNK
E_PAD = EPW_PAD * NW
ACC_ROWS = 10112
RPT = ACC_ROWS // NS
DUMMY = N_NODES

_MESH = plsc.VectorSubcoreMesh(
    core_axis_name="c", subcore_axis_name="s", num_cores=NC, num_subcores=NS)


def _sc_step_body(h_hbm, from_hbm, to_hbm, z_hbm, out_hbm,
                  fidx_v, tidx_v, rows0_v, rows1_v, acc_sh, sem0, sem1):
    cid = lax.axis_index("c")
    sid = lax.axis_index("s")
    wid = cid * NS + sid
    pltpu.sync_copy(from_hbm.at[wid], fidx_v)
    pltpu.sync_copy(to_hbm.at[wid], tidx_v)
    stripe = pl.ds(sid * RPT, RPT)
    pltpu.sync_copy(z_hbm.at[stripe], acc_sh.at[stripe])
    plsc.subcore_barrier()

    pltpu.async_copy(h_hbm.at[fidx_v.at[0, pl.ds(0, HALF)]], rows0_v, sem0)

    def body(i, carry):
        loA = fidx_v.at[i, pl.ds(0, HALF)]
        hiA = fidx_v.at[i, pl.ds(HALF, HALF)]
        pltpu.async_copy(h_hbm.at[hiA], rows1_v, sem1)
        pltpu.make_async_copy(h_hbm.at[loA], rows0_v, sem0).wait()
        pltpu.sync_copy(rows0_v, acc_sh.at[tidx_v.at[i, 0]], add=True)

        @pl.when(i + 1 < NCHUNK)
        def _():
            pltpu.async_copy(
                h_hbm.at[fidx_v.at[i + 1, pl.ds(0, HALF)]], rows0_v, sem0)
        pltpu.make_async_copy(h_hbm.at[hiA], rows1_v, sem1).wait()
        pltpu.sync_copy(rows1_v, acc_sh.at[tidx_v.at[i, 1]], add=True)
        return carry

    lax.fori_loop(0, NCHUNK, body, 0)
    plsc.subcore_barrier()
    pltpu.sync_copy(acc_sh.at[stripe], out_hbm.at[cid, stripe])


_sc_gather_scatter = functools.partial(
    pl.kernel,
    out_type=jax.ShapeDtypeStruct((NC, ACC_ROWS, D_PAD), jnp.float32),
    mesh=_MESH,
    scratch_types=[
        pltpu.VMEM((NCHUNK, CHUNK), jnp.int32),
        pltpu.VMEM((NCHUNK, 2, HALF), jnp.int32),
        pltpu.VMEM((HALF, D_PAD), jnp.float32),
        pltpu.VMEM((HALF, D_PAD), jnp.float32),
        pltpu.VMEM_SHARED((ACC_ROWS, D_PAD), jnp.float32),
        pltpu.SemaphoreType.DMA,
        pltpu.SemaphoreType.DMA,
    ],
)(_sc_step_body)


def _sc_pre_body(ef_hbm, to_hbm, z_hbm, out_hbm,
                 tidx_v, rows0_v, rows1_v, acc_sh, sem0, sem1):
    cid = lax.axis_index("c")
    sid = lax.axis_index("s")
    wid = cid * NS + sid
    pltpu.sync_copy(to_hbm.at[wid], tidx_v)
    stripe = pl.ds(sid * RPT, RPT)
    pltpu.sync_copy(z_hbm.at[stripe], acc_sh.at[stripe])
    plsc.subcore_barrier()

    pltpu.async_copy(ef_hbm.at[wid, 0, 0], rows0_v, sem0)

    def body(i, carry):
        pltpu.async_copy(ef_hbm.at[wid, i, 1], rows1_v, sem1)
        pltpu.make_async_copy(ef_hbm.at[wid, i, 0], rows0_v, sem0).wait()
        pltpu.sync_copy(rows0_v, acc_sh.at[tidx_v.at[i, 0]], add=True)

        @pl.when(i + 1 < NCHUNK)
        def _():
            pltpu.async_copy(ef_hbm.at[wid, i + 1, 0], rows0_v, sem0)
        pltpu.make_async_copy(ef_hbm.at[wid, i, 1], rows1_v, sem1).wait()
        pltpu.sync_copy(rows1_v, acc_sh.at[tidx_v.at[i, 1]], add=True)
        return carry

    lax.fori_loop(0, NCHUNK, body, 0)
    plsc.subcore_barrier()
    pltpu.sync_copy(acc_sh.at[stripe], out_hbm.at[cid, stripe])


_sc_pre = functools.partial(
    pl.kernel,
    out_type=jax.ShapeDtypeStruct((NC, ACC_ROWS, D_PAD), jnp.float32),
    mesh=_MESH,
    scratch_types=[
        pltpu.VMEM((NCHUNK, 2, HALF), jnp.int32),
        pltpu.VMEM((HALF, D_PAD), jnp.float32),
        pltpu.VMEM((HALF, D_PAD), jnp.float32),
        pltpu.VMEM_SHARED((ACC_ROWS, D_PAD), jnp.float32),
        pltpu.SemaphoreType.DMA,
        pltpu.SemaphoreType.DMA,
    ],
)(_sc_pre_body)


_F32 = jnp.float32


def _dotT(a, b):
    return lax.dot_general(a, b, (((1,), (1,)), ((), ())),
                           preferred_element_type=_F32)


_EDGE_RB = 8000


def _edge_body(ef_ref, wee_ref, bee_ref, we_ref, mb_ref, out_ref):
    e16 = jnp.dot(ef_ref[...], wee_ref[...],
                  preferred_element_type=_F32) + bee_ref[...]
    ew = jnp.dot(e16, we_ref[...], preferred_element_type=_F32) + mb_ref[...]
    n = ew.shape[0]
    out_ref[...] = jnp.concatenate(
        [ew, jnp.ones((n, 1), _F32),
         jnp.zeros((n, D_PAD - D_NODE - 1), _F32)], axis=1)


def _tc_edge(ef, wee, bee, we, mb):
    n_blk = N_EDGES // _EDGE_RB
    full = lambda arr: pl.BlockSpec(arr.shape, lambda i: (0,) * arr.ndim)
    return pl.pallas_call(
        _edge_body,
        grid=(n_blk,),
        in_specs=[
            pl.BlockSpec((_EDGE_RB, D_EDGE), lambda i: (i, 0)),
            full(wee), full(bee), full(we), full(mb),
        ],
        out_specs=pl.BlockSpec((_EDGE_RB, D_PAD), lambda i: (i, 0)),
        out_shape=jax.ShapeDtypeStruct((N_EDGES, D_PAD), _F32),
    )(ef, wee, bee, we, mb)


_ENC_RB = 2000


def _enc_body(nf_ref, wn_ref, bn_ref, wf_ref, h_ref, hf_ref):
    h64 = jnp.dot(nf_ref[...], wn_ref[...],
                  preferred_element_type=_F32) + bn_ref[...]
    zpad = jnp.zeros((h64.shape[0], D_PAD - D_NODE), _F32)
    h_ref[...] = jnp.concatenate([h64, zpad], axis=1)
    hf64 = jnp.dot(h64, wf_ref[...], preferred_element_type=_F32)
    hf_ref[...] = jnp.concatenate([hf64, zpad], axis=1)


def _tc_encode(nf, wn, bn, wf):
    n_blk = N_NODES // _ENC_RB
    full = lambda arr: pl.BlockSpec(arr.shape, lambda i: (0,) * arr.ndim)
    return pl.pallas_call(
        _enc_body,
        grid=(n_blk,),
        in_specs=[
            pl.BlockSpec((_ENC_RB, D_FEAT), lambda i: (i, 0)),
            full(wn), full(bn), full(wf),
        ],
        out_specs=[
            pl.BlockSpec((_ENC_RB, D_PAD), lambda i: (i, 0)),
            pl.BlockSpec((_ENC_RB, D_PAD), lambda i: (i, 0)),
        ],
        out_shape=[
            jax.ShapeDtypeStruct((N_NODES, D_PAD), _F32),
            jax.ShapeDtypeStruct((N_NODES, D_PAD), _F32),
        ],
    )(nf, wn, bn, wf)


_PB = 10
_RB2 = _PB * 2 * NPG


def _step_body(h_ref, p0_ref, p1_ref, q0_ref, q1_ref, wt_ref, wf_ref,
               wih_ref, bih_ref, whh_ref, bhh_ref, out_ref, hf_ref):
    hb = h_ref[...][:, :D_NODE]
    pre = q0_ref[0] + q1_ref[0]
    cnt = pre[:, D_NODE:D_NODE + 1]
    agg = (p0_ref[0] + p1_ref[0])[:, :D_NODE] \
        + cnt * jnp.dot(hb, wt_ref[...], preferred_element_type=_F32) \
        + pre[:, :D_NODE]
    wih = wih_ref[...]
    whh = whh_ref[...]
    bih = bih_ref[...]
    bhh = bhh_ref[...]
    zpad = jnp.zeros((2 * NPG, D_PAD - D_NODE), _F32)
    for q in range(_PB):
        b0 = q * 2 * NPG
        x = hb[b0:b0 + NPG]
        y = hb[b0 + NPG:b0 + 2 * NPG]
        a = _dotT(x, y)
        ax = jax.nn.softmax(a, axis=1)
        ay = jax.nn.softmax(a, axis=0)
        attx = jnp.dot(ax, y, preferred_element_type=_F32)
        atty = lax.dot_general(ay, x, (((0,), (0,)), ((), ())),
                               preferred_element_type=_F32)
        hp = hb[b0:b0 + 2 * NPG]
        ai = hp - jnp.concatenate([attx, atty], axis=0)
        gin = jnp.concatenate([agg[b0:b0 + 2 * NPG], ai], axis=1)
        gi = _dotT(gin, wih) + bih
        gh = _dotT(hp, whh) + bhh
        r = jax.nn.sigmoid(gi[:, :D_NODE] + gh[:, :D_NODE])
        z = jax.nn.sigmoid(gi[:, D_NODE:2 * D_NODE] + gh[:, D_NODE:2 * D_NODE])
        n = jnp.tanh(gi[:, 2 * D_NODE:] + r * gh[:, 2 * D_NODE:])
        hn = (1.0 - z) * n + z * hp
        out_ref[b0:b0 + 2 * NPG, :] = jnp.concatenate([hn, zpad], axis=1)
        hfn = jnp.dot(hn, wf_ref[...], preferred_element_type=_F32)
        hf_ref[b0:b0 + 2 * NPG, :] = jnp.concatenate([hfn, zpad], axis=1)


def _tc_step(h, p, pre, wt, wf, wih, bih, whh, bhh):
    n_blk = N_NODES // _RB2
    full = lambda arr: pl.BlockSpec(arr.shape, lambda i: (0,) * arr.ndim)
    return pl.pallas_call(
        _step_body,
        grid=(n_blk,),
        in_specs=[
            pl.BlockSpec((_RB2, D_PAD), lambda i: (i, 0)),
            pl.BlockSpec((1, _RB2, D_PAD), lambda i: (0, i, 0)),
            pl.BlockSpec((1, _RB2, D_PAD), lambda i: (1, i, 0)),
            pl.BlockSpec((1, _RB2, D_PAD), lambda i: (0, i, 0)),
            pl.BlockSpec((1, _RB2, D_PAD), lambda i: (1, i, 0)),
            full(wt), full(wf), full(wih), full(bih), full(whh), full(bhh),
        ],
        out_specs=[
            pl.BlockSpec((_RB2, D_PAD), lambda i: (i, 0)),
            pl.BlockSpec((_RB2, D_PAD), lambda i: (i, 0)),
        ],
        out_shape=[
            jax.ShapeDtypeStruct((N_NODES, D_PAD), _F32),
            jax.ShapeDtypeStruct((N_NODES, D_PAD), _F32),
        ],
    )(h, p, p, pre, pre, wt, wf, wih, bih, whh, bhh)


_FB = 1000


def _final_body(h_ref, w1_ref, b1_ref, w2_ref, b2_ref, out_ref):
    hb = h_ref[...][:, :D_NODE]
    w1 = w1_ref[...]
    b1 = b1_ref[...]
    gpc = _FB // NPG
    ridx = lax.broadcasted_iota(jnp.int32, (gpc, _FB), 1)
    gidx = lax.broadcasted_iota(jnp.int32, (gpc, _FB), 0)
    sel = (ridx // NPG == gidx).astype(_F32)
    pieces = []
    for c in range(N_NODES // _FB):
        g = jnp.dot(hb[c * _FB:(c + 1) * _FB], w1,
                    preferred_element_type=_F32) + b1
        vals = g[:, D_GRAPH:] * jax.nn.sigmoid(g[:, :D_GRAPH])
        pieces.append(jnp.dot(sel, vals, preferred_element_type=_F32))
    gs = jnp.concatenate(pieces, axis=0)
    gv = jnp.dot(gs, w2_ref[...], preferred_element_type=_F32) + b2_ref[...]
    pidx = lax.broadcasted_iota(jnp.int32, (N_PAIRS, N_GRAPHS), 0)
    gidx2 = lax.broadcasted_iota(jnp.int32, (N_PAIRS, N_GRAPHS), 1)
    dsel = ((gidx2 == 2 * pidx).astype(_F32)
            - (gidx2 == 2 * pidx + 1).astype(_F32))
    diff = jnp.dot(dsel, gv, preferred_element_type=_F32)
    out_ref[...] = -jnp.sum(diff * diff, axis=1)


def _tc_final(h, w1, b1, w2, b2):
    full = lambda arr: pl.BlockSpec(arr.shape, lambda i: (0,) * arr.ndim)
    return pl.pallas_call(
        _final_body,
        grid=(1,),
        in_specs=[full(h), full(w1), full(b1), full(w2), full(b2)],
        out_specs=pl.BlockSpec((N_PAIRS,), lambda i: (0,)),
        out_shape=jax.ShapeDtypeStruct((N_PAIRS,), _F32),
    )(h, w1, b1, w2, b2)


def kernel(node_features, edge_features, from_idx, to_idx, graph_idx,
           enc_node_W, enc_node_b, enc_edge_W, enc_edge_b, msg_W, msg_b,
           gru_W_ih, gru_b_ih, gru_W_hh, gru_b_hh,
           agg_W1, agg_b1, agg_W2, agg_b2):
    del graph_idx
    from_idx = from_idx.astype(jnp.int32)
    to_idx = to_idx.astype(jnp.int32)
    pad = E_PAD - N_EDGES
    from_r = jnp.concatenate(
        [from_idx, jnp.zeros((pad,), jnp.int32)]).reshape(NW, NCHUNK, CHUNK)
    to_r = jnp.concatenate(
        [to_idx, jnp.full((pad,), DUMMY, jnp.int32)]).reshape(NW, NCHUNK, 2, HALF)
    zpad = jnp.zeros((ACC_ROWS, D_PAD), _F32)

    wf = msg_W[:D_NODE]
    wt = msg_W[D_NODE:2 * D_NODE]
    we = msg_W[2 * D_NODE:]

    ew = _tc_edge(edge_features.astype(_F32), enc_edge_W, enc_edge_b,
                  we, msg_b)
    ew_r = jnp.concatenate(
        [ew, jnp.zeros((pad, D_PAD), _F32)]
    ).reshape(NW, NCHUNK, 2, HALF, D_PAD)

    pre = _sc_pre(ew_r, to_r, zpad)

    h, hf = _tc_encode(node_features.astype(_F32), enc_node_W, enc_node_b, wf)
    for _ in range(N_PROP):
        p = _sc_gather_scatter(hf, from_r, to_r, zpad)
        h, hf = _tc_step(h, p, pre, wt, wf,
                         gru_W_ih, gru_b_ih, gru_W_hh, gru_b_hh)
    return _tc_final(h, agg_W1, agg_b1, agg_W2, agg_b2)

# --- scband reference (transcript-rebuilt; emitter-appended) ---
"""Pipeline reference for scband-gmn-match-21680994910649 (READ-ONLY COPY).

The authoritative reference and input builder live on the scoring server;
editing this copy changes nothing except your own understanding.
"""

import jax, jax.numpy as jnp
import numpy as np

N_NODES = 10000
N_EDGES = 320000
N_PAIRS = 100
N_GRAPHS = 200
NPG = 50
D_FEAT = 128
D_EDGE = 16
D_NODE = 64
D_GRAPH = 128
N_PROP = 5


def setup_inputs(seed: int = 0):
    key = jax.random.key(seed)
    ks = jax.random.split(key, 24)
    s = 0.1
    inp = {}
    inp['node_features'] = jax.random.normal(ks[0], (N_NODES, D_FEAT), dtype=jnp.float32)
    inp['edge_features'] = jax.random.normal(ks[1], (N_EDGES, D_EDGE), dtype=jnp.float32)
    inp['from_idx'] = jax.random.randint(ks[2], (N_EDGES,), 0, N_NODES)
    inp['to_idx'] = jax.random.randint(ks[3], (N_EDGES,), 0, N_NODES)
    inp['graph_idx'] = jnp.arange(N_NODES, dtype=jnp.int32) // NPG
    inp['enc_node_W'] = jax.random.normal(ks[4], (D_FEAT, D_NODE), dtype=jnp.float32) * s
    inp['enc_node_b'] = jnp.zeros((D_NODE,), dtype=jnp.float32)
    inp['enc_edge_W'] = jax.random.normal(ks[5], (D_EDGE, D_EDGE), dtype=jnp.float32) * s
    inp['enc_edge_b'] = jnp.zeros((D_EDGE,), dtype=jnp.float32)
    inp['msg_W'] = jax.random.normal(ks[6], (2 * D_NODE + D_EDGE, D_NODE), dtype=jnp.float32) * s
    inp['msg_b'] = jnp.zeros((D_NODE,), dtype=jnp.float32)
    inp['gru_W_ih'] = jax.random.normal(ks[7], (3 * D_NODE, 2 * D_NODE), dtype=jnp.float32) * s
    inp['gru_b_ih'] = jnp.zeros((3 * D_NODE,), dtype=jnp.float32)
    inp['gru_W_hh'] = jax.random.normal(ks[8], (3 * D_NODE, D_NODE), dtype=jnp.float32) * s
    inp['gru_b_hh'] = jnp.zeros((3 * D_NODE,), dtype=jnp.float32)
    inp['agg_W1'] = jax.random.normal(ks[9], (D_NODE, 2 * D_GRAPH), dtype=jnp.float32) * s
    inp['agg_b1'] = jnp.zeros((2 * D_GRAPH,), dtype=jnp.float32)
    inp['agg_W2'] = jax.random.normal(ks[10], (D_GRAPH, D_GRAPH), dtype=jnp.float32) * s
    inp['agg_b2'] = jnp.zeros((D_GRAPH,), dtype=jnp.float32)
    return inp


def _forward(node_features, edge_features, enc_node_W, enc_node_b, enc_edge_W, enc_edge_b, msg_W, msg_b, gru_W_ih, gru_b_ih, gru_W_hh, gru_b_hh, agg_W1, agg_b1, agg_W2, agg_b2, from_idx, to_idx, graph_idx):
    # GraphEncoder: single-layer MLPs on node and edge features
    h = node_features @ enc_node_W + enc_node_b
    e = edge_features @ enc_edge_W + enc_edge_b
    for _ in range(N_PROP):
        # message computation: MLP([h_from, h_to, e]) + scatter-add to destination nodes
        m = jnp.concatenate([h[from_idx], h[to_idx], e], axis=-1) @ msg_W + msg_b
        agg = jax.ops.segment_sum(m, to_idx, num_segments=N_NODES)
        # cross-graph attention between paired graphs (dotproduct similarity)
        hp = h.reshape(N_PAIRS, 2, NPG, D_NODE)
        x = hp[:, 0]
        y = hp[:, 1]
        a = jnp.einsum('pid,pjd->pij', x, y)
        a_x = jax.nn.softmax(a, axis=2)
        a_y = jax.nn.softmax(a, axis=1)
        att_x = jnp.einsum('pij,pjd->pid', a_x, y)
        att_y = jnp.einsum('pij,pid->pjd', a_y, x)
        att = jnp.stack([att_x, att_y], axis=1).reshape(N_NODES, D_NODE)
        attention_input = h - att
        # GRU node update (PyTorch GRU cell math), input = [aggregated_messages, attention_input]
        gru_in = jnp.concatenate([agg, attention_input], axis=-1)
        gi = gru_in @ gru_W_ih.T + gru_b_ih
        gh = h @ gru_W_hh.T + gru_b_hh
        i_r, i_z, i_n = jnp.split(gi, 3, axis=-1)
        h_r, h_z, h_n = jnp.split(gh, 3, axis=-1)
        r = jax.nn.sigmoid(i_r + h_r)
        z = jax.nn.sigmoid(i_z + h_z)
        n = jnp.tanh(i_n + r * h_n)
        h = (1.0 - z) * n + z * h
    # gated graph aggregator
    g = h @ agg_W1 + agg_b1
    gates = jax.nn.sigmoid(g[:, :D_GRAPH])
    vals = g[:, D_GRAPH:] * gates
    graph_states = jax.ops.segment_sum(vals, graph_idx, num_segments=N_GRAPHS)
    graph_vectors = graph_states @ agg_W2 + agg_b2
    # reshape_and_split_tensor(graph_vectors, 2): even rows vs odd rows
    xg = graph_vectors[0::2]
    yg = graph_vectors[1::2]
    return -jnp.sum((xg - yg) ** 2, axis=-1)


def reference(node_features, edge_features, from_idx, to_idx, graph_idx, enc_node_W, enc_node_b, enc_edge_W, enc_edge_b, msg_W, msg_b, gru_W_ih, gru_b_ih, gru_W_hh, gru_b_hh, agg_W1, agg_b1, agg_W2, agg_b2):
    return _forward(node_features, edge_features, enc_node_W, enc_node_b, enc_edge_W, enc_edge_b, msg_W, msg_b, gru_W_ih, gru_b_ih, gru_W_hh, gru_b_hh, agg_W1, agg_b1, agg_W2, agg_b2, from_idx, to_idx, graph_idx)

if __name__ == "__main__":
    import jax
    _d = setup_inputs()
    print(jax.jit(kernel)(*tuple(_d.values())))

</pallas_src>

<mosaic_0001>
#map = affine_map<(d0, d1) -> (0, 0)>
#map1 = affine_map<(d0, d1) -> (0, 0, 0)>
#map2 = affine_map<(d0, d1) -> (0, 0, 0, 0)>
module attributes {stable_mosaic.version = 14 : i64} {
  func.func @_sc_step_body(%arg0: i32, %arg1: i32, %arg2: memref<10000x128xf32, #tpu.memory_space<hbm>>, %arg3: memref<32x79x128xi32, #tpu.memory_space<hbm>>, %arg4: memref<32x79x2x64xi32, #tpu.memory_space<hbm>>, %arg5: memref<10112x128xf32, #tpu.memory_space<hbm>>, %arg6: memref<2x10112x128xf32, #tpu.memory_space<hbm>>, %arg7: memref<79x128xi32, #tpu.memory_space<vmem>>, %arg8: memref<79x2x64xi32, #tpu.memory_space<vmem>>, %arg9: memref<64x128xf32, #tpu.memory_space<vmem>>, %arg10: memref<64x128xf32, #tpu.memory_space<vmem>>, %arg11: memref<10112x128xf32, #tpu.memory_space<vmem_shared>>, %arg12: memref<!tpu.dma_semaphore, #tpu.memory_space<semaphore_mem>>, %arg13: memref<!tpu.dma_semaphore, #tpu.memory_space<semaphore_mem>>) attributes {dimension_semantics = [#tpu.dimension_semantics<core_parallel>, #tpu.dimension_semantics<subcore_parallel>], iteration_bounds = array<i64: 2, 16>, scalar_prefetch = 0 : i64, scratch_operands = 7 : i64, tpu.core_type = #tpu.core_type<sc_vector_subcore>, window_params = [{transform_indices = #map}, {transform_indices = #map1}, {transform_indices = #map2}, {transform_indices = #map}, {transform_indices = #map1}]} {
    %mul3A = arith.constant 16 : i32
    %mul3A_0 = arith.muli %arg0, %mul3A : i32
    %add3A = arith.addi %mul3A_0, %arg1 : i32
    "tpu.region"() ({
      %run_scoped3A = tpu.sem_alloc : memref<!tpu.dma_semaphore, #tpu.memory_space<semaphore_mem>>
      %dma_start3A_15 = arith.constant 0 : i32
      %dma_start3A_16 = arith.constant 0 : i32
      %dma_start3A_17 = tpu.memref_slice %arg3[%add3A, %dma_start3A_15, %dma_start3A_16] : memref<32x79x128xi32, #tpu.memory_space<hbm>> -> memref<1x79x128xi32, #tpu.memory_space<hbm>>
      %dma_start3A_18 = tpu.memref_squeeze %dma_start3A_17 : memref<1x79x128xi32, #tpu.memory_space<hbm>> -> memref<79x128xi32, #tpu.memory_space<hbm>>
      %dma_start3A_19 = arith.constant 0 : i32
      %dma_start3A_20 = arith.constant 0 : i32
      %dma_start3A_21 = tpu.memref_slice %arg3[%add3A, %dma_start3A_19, %dma_start3A_20] : memref<32x79x128xi32, #tpu.memory_space<hbm>> -> memref<1x79x128xi32, #tpu.memory_space<hbm>>
      %dma_start3A_22 = tpu.memref_squeeze %dma_start3A_21 : memref<1x79x128xi32, #tpu.memory_space<hbm>> -> memref<79x128xi32, #tpu.memory_space<hbm>>
      tpu.enqueue_dma source(%dma_start3A_22 : memref<79x128xi32, #tpu.memory_space<hbm>>) target(%arg7 : memref<79x128xi32, #tpu.memory_space<vmem>>) target_semaphore(%run_scoped3A : memref<!tpu.dma_semaphore, #tpu.memory_space<semaphore_mem>>)
      %dma_wait3A = arith.constant 0 : i32
      %dma_wait3A_23 = arith.constant 0 : i32
      %dma_wait3A_24 = tpu.memref_slice %arg3[%add3A, %dma_wait3A, %dma_wait3A_23] : memref<32x79x128xi32, #tpu.memory_space<hbm>> -> memref<1x79x128xi32, #tpu.memory_space<hbm>>
      %dma_wait3A_25 = tpu.memref_squeeze %dma_wait3A_24 : memref<1x79x128xi32, #tpu.memory_space<hbm>> -> memref<79x128xi32, #tpu.memory_space<hbm>>
      %dma_wait3A_26 = arith.constant 0 : i32
      %dma_wait3A_27 = arith.constant 0 : i32
      %dma_wait3A_28 = tpu.memref_slice %arg3[%add3A, %dma_wait3A_26, %dma_wait3A_27] : memref<32x79x128xi32, #tpu.memory_space<hbm>> -> memref<1x79x128xi32, #tpu.memory_space<hbm>>
      %dma_wait3A_29 = tpu.memref_squeeze %dma_wait3A_28 : memref<1x79x128xi32, #tpu.memory_space<hbm>> -> memref<79x128xi32, #tpu.memory_space<hbm>>
      tpu.wait_dma2 semaphore(%run_scoped3A : memref<!tpu.dma_semaphore, #tpu.memory_space<semaphore_mem>>) src(%dma_wait3A_29 : memref<79x128xi32, #tpu.memory_space<hbm>>) dst(%arg7 : memref<79x128xi32, #tpu.memory_space<vmem>>)
      tpu.yield
    }) : () -> ()
    "tpu.region"() ({
      %run_scoped3A = tpu.sem_alloc : memref<!tpu.dma_semaphore, #tpu.memory_space<semaphore_mem>>
      %dma_start3A_15 = arith.constant 0 : i32
      %dma_start3A_16 = arith.constant 0 : i32
      %dma_start3A_17 = arith.constant 0 : i32
      %dma_start3A_18 = tpu.memref_slice %arg4[%add3A, %dma_start3A_15, %dma_start3A_16, %dma_start3A_17] : memref<32x79x2x64xi32, #tpu.memory_space<hbm>> -> memref<1x79x2x64xi32, #tpu.memory_space<hbm>>
      %dma_start3A_19 = tpu.memref_squeeze %dma_start3A_18 : memref<1x79x2x64xi32, #tpu.memory_space<hbm>> -> memref<79x2x64xi32, #tpu.memory_space<hbm>>
      %dma_start3A_20 = arith.constant 0 : i32
      %dma_start3A_21 = arith.constant 0 : i32
      %dma_start3A_22 = arith.constant 0 : i32
      %dma_start3A_23 = tpu.memref_slice %arg4[%add3A, %dma_start3A_20, %dma_start3A_21, %dma_start3A_22] : memref<32x79x2x64xi32, #tpu.memory_space<hbm>> -> memref<1x79x2x64xi32, #tpu.memory_space<hbm>>
      %dma_start3A_24 = tpu.memref_squeeze %dma_start3A_23 : memref<1x79x2x64xi32, #tpu.memory_space<hbm>> -> memref<79x2x64xi32, #tpu.memory_space<hbm>>
      tpu.enqueue_dma source(%dma_start3A_24 : memref<79x2x64xi32, #tpu.memory_space<hbm>>) target(%arg8 : memref<79x2x64xi32, #tpu.memory_space<vmem>>) target_semaphore(%run_scoped3A : memref<!tpu.dma_semaphore, #tpu.memory_space<semaphore_mem>>)
      %dma_wait3A = arith.constant 0 : i32
      %dma_wait3A_25 = arith.constant 0 : i32
      %dma_wait3A_26 = arith.constant 0 : i32
      %dma_wait3A_27 = tpu.memref_slice %arg4[%add3A, %dma_wait3A, %dma_wait3A_25, %dma_wait3A_26] : memref<32x79x2x64xi32, #tpu.memory_space<hbm>> -> memref<1x79x2x64xi32, #tpu.memory_space<hbm>>
      %dma_wait3A_28 = tpu.memref_squeeze %dma_wait3A_27 : memref<1x79x2x64xi32, #tpu.memory_space<hbm>> -> memref<79x2x64xi32, #tpu.memory_space<hbm>>
      %dma_wait3A_29 = arith.constant 0 : i32
      %dma_wait3A_30 = arith.constant 0 : i32
      %dma_wait3A_31 = arith.constant 0 : i32
      %dma_wait3A_32 = tpu.memref_slice %arg4[%add3A, %dma_wait3A_29, %dma_wait3A_30, %dma_wait3A_31] : memref<32x79x2x64xi32, #tpu.memory_space<hbm>> -> memref<1x79x2x64xi32, #tpu.memory_space<hbm>>
      %dma_wait3A_33 = tpu.memref_squeeze %dma_wait3A_32 : memref<1x79x2x64xi32, #tpu.memory_space<hbm>> -> memref<79x2x64xi32, #tpu.memory_space<hbm>>
      tpu.wait_dma2 semaphore(%run_scoped3A : memref<!tpu.dma_semaphore, #tpu.memory_space<semaphore_mem>>) src(%dma_wait3A_33 : memref<79x2x64xi32, #tpu.memory_space<hbm>>) dst(%arg8 : memref<79x2x64xi32, #tpu.memory_space<vmem>>)
      tpu.yield
    }) : () -> ()
    %mul3A_1 = arith.constant 632 : i32
    %mul3A_2 = arith.muli %arg1, %mul3A_1 : i32
    "tpu.region"() ({
      %run_scoped3A = tpu.sem_alloc : memref<!tpu.dma_semaphore, #tpu.memory_space<semaphore_mem>>
      %dma_start3A_15 = arith.constant 0 : i32
      %dma_start3A_16 = tpu.memref_slice %arg11[%mul3A_2, %dma_start3A_15] : memref<10112x128xf32, #tpu.memory_space<vmem_shared>> -> memref<632x128xf32, #tpu.memory_space<vmem_shared>>
      %dma_start3A_17 = arith.constant 0 : i32
      %dma_start3A_18 = tpu.memref_slice %arg5[%mul3A_2, %dma_start3A_17] : memref<10112x128xf32, #tpu.memory_space<hbm>> -> memref<632x128xf32, #tpu.memory_space<hbm>>
      tpu.enqueue_dma source(%dma_start3A_18 : memref<632x128xf32, #tpu.memory_space<hbm>>) target(%dma_start3A_16 : memref<632x128xf32, #tpu.memory_space<vmem_shared>>) target_semaphore(%run_scoped3A : memref<!tpu.dma_semaphore, #tpu.memory_space<semaphore_mem>>)
      %dma_wait3A = arith.constant 0 : i32
      %dma_wait3A_19 = tpu.memref_slice %arg11[%mul3A_2, %dma_wait3A] : memref<10112x128xf32, #tpu.memory_space<vmem_shared>> -> memref<632x128xf32, #tpu.memory_space<vmem_shared>>
      %dma_wait3A_20 = arith.constant 0 : i32
      %dma_wait3A_21 = tpu.memref_slice %arg5[%mul3A_2, %dma_wait3A_20] : memref<10112x128xf32, #tpu.memory_space<hbm>> -> memref<632x128xf32, #tpu.memory_space<hbm>>
      tpu.wait_dma2 semaphore(%run_scoped3A : memref<!tpu.dma_semaphore, #tpu.memory_space<semaphore_mem>>) src(%dma_wait3A_21 : memref<632x128xf32, #tpu.memory_space<hbm>>) dst(%dma_wait3A_19 : memref<632x128xf32, #tpu.memory_space<vmem_shared>>)
      tpu.yield
    }) : () -> ()
    %barrier3A = arith.constant 0 : index
    tpu.barrier barrier_id(%barrier3A)
    %dma_start3A = arith.constant 0 : i32
    %dma_start3A_3 = arith.constant 0 : i32
    %dma_start3A_4 = tpu.memref_slice %arg7[%dma_start3A, %dma_start3A_3] : memref<79x128xi32, #tpu.memory_space<vmem>> -> memref<1x64xi32, #tpu.memory_space<vmem>>
    %dma_start3A_5 = tpu.memref_squeeze %dma_start3A_4 : memref<1x64xi32, #tpu.memory_space<vmem>> -> memref<64xi32, #tpu.memory_space<vmem>>
    %dma_start3A_6 = arith.constant 0 : i32
    %dma_start3A_7 = arith.constant 0 : i32
    %dma_start3A_8 = tpu.memref_slice %arg2[%dma_start3A_6, %dma_start3A_7] : memref<10000x128xf32, #tpu.memory_space<hbm>> -> memref<10000x128xf32, #tpu.memory_space<hbm>>
    tpu.enqueue_indirect_dma source(%dma_start3A_8 : memref<10000x128xf32, #tpu.memory_space<hbm>>) target(%arg9 : memref<64x128xf32, #tpu.memory_space<vmem>>) offsets(%dma_start3A_5 : memref<64xi32, #tpu.memory_space<vmem>>) semaphore(%arg12 : memref<!tpu.dma_semaphore, #tpu.memory_space<semaphore_mem>>)
    %scan3A = arith.constant 0 : i32
    %scan3A_9 = arith.constant 0 : i32
    %scan3A_10 = arith.constant 79 : i32
    %scan3A_11 = arith.addi %scan3A_9, %scan3A_10 : i32
    %scan3A_12 = arith.constant 1 : i32
    scf.for %scan3A_15 = %scan3A_9 to %scan3A_11 step %scan3A_12  : i32 {
      %dma_start3A_16 = arith.constant 64 : i32
      %dma_start3A_17 = tpu.memref_slice %arg7[%scan3A_15, %dma_start3A_16] : memref<79x128xi32, #tpu.memory_space<vmem>> -> memref<1x64xi32, #tpu.memory_space<vmem>>
      %dma_start3A_18 = tpu.memref_squeeze %dma_start3A_17 : memref<1x64xi32, #tpu.memory_space<vmem>> -> memref<64xi32, #tpu.memory_space<vmem>>
      %dma_start3A_19 = arith.constant 0 : i32
      %dma_start3A_20 = arith.constant 0 : i32
      %dma_start3A_21 = tpu.memref_slice %arg2[%dma_start3A_19, %dma_start3A_20] : memref<10000x128xf32, #tpu.memory_space<hbm>> -> memref<10000x128xf32, #tpu.memory_space<hbm>>
      tpu.enqueue_indirect_dma source(%dma_start3A_21 : memref<10000x128xf32, #tpu.memory_space<hbm>>) target(%arg10 : memref<64x128xf32, #tpu.memory_space<vmem>>) offsets(%dma_start3A_18 : memref<64xi32, #tpu.memory_space<vmem>>) semaphore(%arg13 : memref<!tpu.dma_semaphore, #tpu.memory_space<semaphore_mem>>)
      %dma_wait3A = arith.constant 0 : i32
      %dma_wait3A_22 = tpu.memref_slice %arg7[%scan3A_15, %dma_wait3A] : memref<79x128xi32, #tpu.memory_space<vmem>> -> memref<1x64xi32, #tpu.memory_space<vmem>>
      %dma_wait3A_23 = tpu.memref_squeeze %dma_wait3A_22 : memref<1x64xi32, #tpu.memory_space<vmem>> -> memref<64xi32, #tpu.memory_space<vmem>>
      %dma_wait3A_24 = arith.constant 0 : i32
      %dma_wait3A_25 = arith.constant 0 : i32
      %dma_wait3A_26 = tpu.memref_slice %arg2[%dma_wait3A_24, %dma_wait3A_25] : memref<10000x128xf32, #tpu.memory_space<hbm>> -> memref<10000x128xf32, #tpu.memory_space<hbm>>
      tpu.wait_indirect_dma semaphore(%arg12 : memref<!tpu.dma_semaphore, #tpu.memory_space<semaphore_mem>>) src(%dma_wait3A_26 : memref<10000x128xf32, #tpu.memory_space<hbm>>) dst(%arg9 : memref<64x128xf32, #tpu.memory_space<vmem>>)
      %run_scoped3A = arith.constant 0 : i32
      "tpu.region"() ({
        %run_scoped3A_38 = tpu.sem_alloc : memref<!tpu.dma_semaphore, #tpu.memory_space<semaphore_mem>>
        %dma_start3A_39 = arith.constant 0 : i32
        %dma_start3A_40 = tpu.memref_slice %arg8[%scan3A_15, %run_scoped3A, %dma_start3A_39] : memref<79x2x64xi32, #tpu.memory_space<vmem>> -> memref<1x1x64xi32, #tpu.memory_space<vmem>>
        %dma_start3A_41 = tpu.memref_squeeze %dma_start3A_40 : memref<1x1x64xi32, #tpu.memory_space<vmem>> -> memref<64xi32, #tpu.memory_space<vmem>>
        %dma_start3A_42 = arith.constant 0 : i32
        %dma_start3A_43 = arith.constant 0 : i32
        %dma_start3A_44 = tpu.memref_slice %arg11[%dma_start3A_42, %dma_start3A_43] : memref<10112x128xf32, #tpu.memory_space<vmem_shared>> -> memref<10112x128xf32, #tpu.memory_space<vmem_shared>>
        tpu.enqueue_indirect_dma source(%arg9 : memref<64x128xf32, #tpu.memory_space<vmem>>) target(%dma_start3A_44 : memref<10112x128xf32, #tpu.memory_space<vmem_shared>>) offsets(%dma_start3A_41 : memref<64xi32, #tpu.memory_space<vmem>>) semaphore(%run_scoped3A_38 : memref<!tpu.dma_semaphore, #tpu.memory_space<semaphore_mem>>) {add = true}
        %dma_wait3A_45 = arith.constant 0 : i32
        %dma_wait3A_46 = tpu.memref_slice %arg8[%scan3A_15, %run_scoped3A, %dma_wait3A_45] : memref<79x2x64xi32, #tpu.memory_space<vmem>> -> memref<1x1x64xi32, #tpu.memory_space<vmem>>
        %dma_wait3A_47 = tpu.memref_squeeze %dma_wait3A_46 : memref<1x1x64xi32, #tpu.memory_space<vmem>> -> memref<64xi32, #tpu.memory_space<vmem>>
        %dma_wait3A_48 = arith.constant 0 : i32
        %dma_wait3A_49 = arith.constant 0 : i32
        %dma_wait3A_50 = tpu.memref_slice %arg11[%dma_wait3A_48, %dma_wait3A_49] : memref<10112x128xf32, #tpu.memory_space<vmem_shared>> -> memref<10112x128xf32, #tpu.memory_space<vmem_shared>>
        tpu.wait_indirect_dma semaphore(%run_scoped3A_38 : memref<!tpu.dma_semaphore, #tpu.memory_space<semaphore_mem>>) src(%arg9 : memref<64x128xf32, #tpu.memory_space<vmem>>) dst(%dma_wait3A_50 : memref<10112x128xf32, #tpu.memory_space<vmem_shared>>)
        tpu.yield
      }) : () -> ()
      %add3A_27 = arith.constant 1 : i32
      %add3A_28 = arith.addi %scan3A_15, %add3A_27 : i32
      %lt3A = arith.constant 79 : i32
      %lt3A_29 = arith.cmpi slt, %add3A_28, %lt3A : i32
      %convert_element_type3A = arith.extui %lt3A_29 : i1 to i32
      %cond3A = arith.constant 0 : i32
      %cond3A_30 = arith.cmpi ne, %convert_element_type3A, %cond3A : i32
      scf.if %cond3A_30 {
        %add3A_38 = arith.constant 1 : i32
        %add3A_39 = arith.addi %scan3A_15, %add3A_38 : i32
        %dma_start3A_40 = arith.constant 0 : i32
        %dma_start3A_41 = tpu.memref_slice %arg7[%add3A_39, %dma_start3A_40] : memref<79x128xi32, #tpu.memory_space<vmem>> -> memref<1x64xi32, #tpu.memory_space<vmem>>
        %dma_start3A_42 = tpu.memref_squeeze %dma_start3A_41 : memref<1x64xi32, #tpu.memory_space<vmem>> -> memref<64xi32, #tpu.memory_space<vmem>>
        %dma_start3A_43 = arith.constant 0 : i32
        %dma_start3A_44 = arith.constant 0 : i32
        %dma_start3A_45 = tpu.memref_slice %arg2[%dma_start3A_43, %dma_start3A_44] : memref<10000x128xf32, #tpu.memory_space<hbm>> -> memref<10000x128xf32, #tpu.memory_space<hbm>>
        tpu.enqueue_indirect_dma source(%dma_start3A_45 : memref<10000x128xf32, #tpu.memory_space<hbm>>) target(%arg9 : memref<64x128xf32, #tpu.memory_space<vmem>>) offsets(%dma_start3A_42 : memref<64xi32, #tpu.memory_space<vmem>>) semaphore(%arg12 : memref<!tpu.dma_semaphore, #tpu.memory_space<semaphore_mem>>)
      } else {
      }
      %dma_wait3A_31 = arith.constant 64 : i32
      %dma_wait3A_32 = tpu.memref_slice %arg7[%scan3A_15, %dma_wait3A_31] : memref<79x128xi32, #tpu.memory_space<vmem>> -> memref<1x64xi32, #tpu.memory_space<vmem>>
      %dma_wait3A_33 = tpu.memref_squeeze %dma_wait3A_32 : memref<1x64xi32, #tpu.memory_space<vmem>> -> memref<64xi32, #tpu.memory_space<vmem>>
      %dma_wait3A_34 = arith.constant 0 : i32
      %dma_wait3A_35 = arith.constant 0 : i32
      %dma_wait3A_36 = tpu.memref_slice %arg2[%dma_wait3A_34, %dma_wait3A_35] : memref<10000x128xf32, #tpu.memory_space<hbm>> -> memref<10000x128xf32, #tpu.memory_space<hbm>>
      tpu.wait_indirect_dma semaphore(%arg13 : memref<!tpu.dma_semaphore, #tpu.memory_space<semaphore_mem>>) src(%dma_wait3A_36 : memref<10000x128xf32, #tpu.memory_space<hbm>>) dst(%arg10 : memref<64x128xf32, #tpu.memory_space<vmem>>)
      %run_scoped3A_37 = arith.constant 1 : i32
      "tpu.region"() ({
        %run_scoped3A_38 = tpu.sem_alloc : memref<!tpu.dma_semaphore, #tpu.memory_space<semaphore_mem>>
        %dma_start3A_39 = arith.constant 0 : i32
        %dma_start3A_40 = tpu.memref_slice %arg8[%scan3A_15, %run_scoped3A_37, %dma_start3A_39] : memref<79x2x64xi32, #tpu.memory_space<vmem>> -> memref<1x1x64xi32, #tpu.memory_space<vmem>>
        %dma_start3A_41 = tpu.memref_squeeze %dma_start3A_40 : memref<1x1x64xi32, #tpu.memory_space<vmem>> -> memref<64xi32, #tpu.memory_space<vmem>>
        %dma_start3A_42 = arith.constant 0 : i32
        %dma_start3A_43 = arith.constant 0 : i32
        %dma_start3A_44 = tpu.memref_slice %arg11[%dma_start3A_42, %dma_start3A_43] : memref<10112x128xf32, #tpu.memory_space<vmem_shared>> -> memref<10112x128xf32, #tpu.memory_space<vmem_shared>>
        tpu.enqueue_indirect_dma source(%arg10 : memref<64x128xf32, #tpu.memory_space<vmem>>) target(%dma_start3A_44 : memref<10112x128xf32, #tpu.memory_space<vmem_shared>>) offsets(%dma_start3A_41 : memref<64xi32, #tpu.memory_space<vmem>>) semaphore(%run_scoped3A_38 : memref<!tpu.dma_semaphore, #tpu.memory_space<semaphore_mem>>) {add = true}
        %dma_wait3A_45 = arith.constant 0 : i32
        %dma_wait3A_46 = tpu.memref_slice %arg8[%scan3A_15, %run_scoped3A_37, %dma_wait3A_45] : memref<79x2x64xi32, #tpu.memory_space<vmem>> -> memref<1x1x64xi32, #tpu.memory_space<vmem>>
        %dma_wait3A_47 = tpu.memref_squeeze %dma_wait3A_46 : memref<1x1x64xi32, #tpu.memory_space<vmem>> -> memref<64xi32, #tpu.memory_space<vmem>>
        %dma_wait3A_48 = arith.constant 0 : i32
        %dma_wait3A_49 = arith.constant 0 : i32
        %dma_wait3A_50 = tpu.memref_slice %arg11[%dma_wait3A_48, %dma_wait3A_49] : memref<10112x128xf32, #tpu.memory_space<vmem_shared>> -> memref<10112x128xf32, #tpu.memory_space<vmem_shared>>
        tpu.wait_indirect_dma semaphore(%run_scoped3A_38 : memref<!tpu.dma_semaphore, #tpu.memory_space<semaphore_mem>>) src(%arg10 : memref<64x128xf32, #tpu.memory_space<vmem>>) dst(%dma_wait3A_50 : memref<10112x128xf32, #tpu.memory_space<vmem_shared>>)
        tpu.yield
      }) : () -> ()
    }
    %scan3A_13 = arith.constant 79 : i32
    %barrier3A_14 = arith.constant 0 : index
    tpu.barrier barrier_id(%barrier3A_14)
    "tpu.region"() ({
      %run_scoped3A = tpu.sem_alloc : memref<!tpu.dma_semaphore, #tpu.memory_space<semaphore_mem>>
      %dma_start3A_15 = arith.constant 0 : i32
      %dma_start3A_16 = tpu.memref_slice %arg6[%arg0, %mul3A_2, %dma_start3A_15] : memref<2x10112x128xf32, #tpu.memory_space<hbm>> -> memref<1x632x128xf32, #tpu.memory_space<hbm>>
      %dma_start3A_17 = tpu.memref_squeeze %dma_start3A_16 : memref<1x632x128xf32, #tpu.memory_space<hbm>> -> memref<632x128xf32, #tpu.memory_space<hbm>>
      %dma_start3A_18 = arith.constant 0 : i32
      %dma_start3A_19 = tpu.memref_slice %arg11[%mul3A_2, %dma_start3A_18] : memref<10112x128xf32, #tpu.memory_space<vmem_shared>> -> memref<632x128xf32, #tpu.memory_space<vmem_shared>>
      tpu.enqueue_dma source(%dma_start3A_19 : memref<632x128xf32, #tpu.memory_space<vmem_shared>>) target(%dma_start3A_17 : memref<632x128xf32, #tpu.memory_space<hbm>>) target_semaphore(%run_scoped3A : memref<!tpu.dma_semaphore, #tpu.memory_space<semaphore_mem>>)
      %dma_wait3A = arith.constant 0 : i32
      %dma_wait3A_20 = tpu.memref_slice %arg6[%arg0, %mul3A_2, %dma_wait3A] : memref<2x10112x128xf32, #tpu.memory_space<hbm>> -> memref<1x632x128xf32, #tpu.memory_space<hbm>>
      %dma_wait3A_21 = tpu.memref_squeeze %dma_wait3A_20 : memref<1x632x128xf32, #tpu.memory_space<hbm>> -> memref<632x128xf32, #tpu.memory_space<hbm>>
      %dma_wait3A_22 = arith.constant 0 : i32
      %dma_wait3A_23 = tpu.memref_slice %arg11[%mul3A_2, %dma_wait3A_22] : memref<10112x128xf32, #tpu.memory_space<vmem_shared>> -> memref<632x128xf32, #tpu.memory_space<vmem_shared>>
      tpu.wait_dma2 semaphore(%run_scoped3A : memref<!tpu.dma_semaphore, #tpu.memory_space<semaphore_mem>>) src(%dma_wait3A_23 : memref<632x128xf32, #tpu.memory_space<vmem_shared>>) dst(%dma_wait3A_21 : memref<632x128xf32, #tpu.memory_space<hbm>>)
      tpu.yield
    }) : () -> ()
    return
  }
}

#map = affine_map<(d0, d1) -> (0, 0, 0, 0, 0)>
#map1 = affine_map<(d0, d1) -> (0, 0, 0, 0)>
#map2 = affine_map<(d0, d1) -> (0, 0)>
#map3 = affine_map<(d0, d1) -> (0, 0, 0)>
module attributes {stable_mosaic.version = 14 : i64} {
  func.func @_sc_pre_body(%arg0: i32, %arg1: i32, %arg2: memref<32x79x2x64x128xf32, #tpu.memory_space<hbm>>, %arg3: memref<32x79x2x64xi32, #tpu.memory_space<hbm>>, %arg4: memref<10112x128xf32, #tpu.memory_space<hbm>>, %arg5: memref<2x10112x128xf32, #tpu.memory_space<hbm>>, %arg6: memref<79x2x64xi32, #tpu.memory_space<vmem>>, %arg7: memref<64x128xf32, #tpu.memory_space<vmem>>, %arg8: memref<64x128xf32, #tpu.memory_space<vmem>>, %arg9: memref<10112x128xf32, #tpu.memory_space<vmem_shared>>, %arg10: memref<!tpu.dma_semaphore, #tpu.memory_space<semaphore_mem>>, %arg11: memref<!tpu.dma_semaphore, #tpu.memory_space<semaphore_mem>>) attributes {dimension_semantics = [#tpu.dimension_semantics<core_parallel>, #tpu.dimension_semantics<subcore_parallel>], iteration_bounds = array<i64: 2, 16>, scalar_prefetch = 0 : i64, scratch_operands = 6 : i64, tpu.core_type = #tpu.core_type<sc_vector_subcore>, window_params = [{transform_indices = #map}, {transform_indices = #map1}, {transform_indices = #map2}, {transform_indices = #map3}]} {
    %mul3A = arith.constant 16 : i32
    %mul3A_0 = arith.muli %arg0, %mul3A : i32
    %add3A = arith.addi %mul3A_0, %arg1 : i32
    "tpu.region"() ({
      %run_scoped3A = tpu.sem_alloc : memref<!tpu.dma_semaphore, #tpu.memory_space<semaphore_mem>>
      %dma_start3A_18 = arith.constant 0 : i32
      %dma_start3A_19 = arith.constant 0 : i32
      %dma_start3A_20 = arith.constant 0 : i32
      %dma_start3A_21 = tpu.memref_slice %arg3[%add3A, %dma_start3A_18, %dma_start3A_19, %dma_start3A_20] : memref<32x79x2x64xi32, #tpu.memory_space<hbm>> -> memref<1x79x2x64xi32, #tpu.memory_space<hbm>>
      %dma_start3A_22 = tpu.memref_squeeze %dma_start3A_21 : memref<1x79x2x64xi32, #tpu.memory_space<hbm>> -> memref<79x2x64xi32, #tpu.memory_space<hbm>>
      %dma_start3A_23 = arith.constant 0 : i32
      %dma_start3A_24 = arith.constant 0 : i32
      %dma_start3A_25 = arith.constant 0 : i32
      %dma_start3A_26 = tpu.memref_slice %arg3[%add3A, %dma_start3A_23, %dma_start3A_24, %dma_start3A_25] : memref<32x79x2x64xi32, #tpu.memory_space<hbm>> -> memref<1x79x2x64xi32, #tpu.memory_space<hbm>>
      %dma_start3A_27 = tpu.memref_squeeze %dma_start3A_26 : memref<1x79x2x64xi32, #tpu.memory_space<hbm>> -> memref<79x2x64xi32, #tpu.memory_space<hbm>>
      tpu.enqueue_dma source(%dma_start3A_27 : memref<79x2x64xi32, #tpu.memory_space<hbm>>) target(%arg6 : memref<79x2x64xi32, #tpu.memory_space<vmem>>) target_semaphore(%run_scoped3A : memref<!tpu.dma_semaphore, #tpu.memory_space<semaphore_mem>>)
      %dma_wait3A = arith.constant 0 : i32
      %dma_wait3A_28 = arith.constant 0 : i32
      %dma_wait3A_29 = arith.constant 0 : i32
      %dma_wait3A_30 = tpu.memref_slice %arg3[%add3A, %dma_wait3A, %dma_wait3A_28, %dma_wait3A_29] : memref<32x79x2x64xi32, #tpu.memory_space<hbm>> -> memref<1x79x2x64xi32, #tpu.memory_space<hbm>>
      %dma_wait3A_31 = tpu.memref_squeeze %dma_wait3A_30 : memref<1x79x2x64xi32, #tpu.memory_space<hbm>> -> memref<79x2x64xi32, #tpu.memory_space<hbm>>
      %dma_wait3A_32 = arith.constant 0 : i32
      %dma_wait3A_33 = arith.constant 0 : i32
      %dma_wait3A_34 = arith.constant 0 : i32
      %dma_wait3A_35 = tpu.memref_slice %arg3[%add3A, %dma_wait3A_32, %dma_wait3A_33, %dma_wait3A_34] : memref<32x79x2x64xi32, #tpu.memory_space<hbm>> -> memref<1x79x2x64xi32, #tpu.memory_space<hbm>>
      %dma_wait3A_36 = tpu.memref_squeeze %dma_wait3A_35 : memref<1x79x2x64xi32, #tpu.memory_space<hbm>> -> memref<79x2x64xi32, #tpu.memory_space<hbm>>
      tpu.wait_dma2 semaphore(%run_scoped3A : memref<!tpu.dma_semaphore, #tpu.memory_space<semaphore_mem>>) src(%dma_wait3A_36 : memref<79x2x64xi32, #tpu.memory_space<hbm>>) dst(%arg6 : memref<79x2x64xi32, #tpu.memory_space<vmem>>)
      tpu.yield
    }) : () -> ()
    %mul3A_1 = arith.constant 632 : i32
    %mul3A_2 = arith.muli %arg1, %mul3A_1 : i32
    "tpu.region"() ({
      %run_scoped3A = tpu.sem_alloc : memref<!tpu.dma_semaphore, #tpu.memory_space<semaphore_mem>>
      %dma_start3A_18 = arith.constant 0 : i32
      %dma_start3A_19 = tpu.memref_slice %arg9[%mul3A_2, %dma_start3A_18] : memref<10112x128xf32, #tpu.memory_space<vmem_shared>> -> memref<632x128xf32, #tpu.memory_space<vmem_shared>>
      %dma_start3A_20 = arith.constant 0 : i32
      %dma_start3A_21 = tpu.memref_slice %arg4[%mul3A_2, %dma_start3A_20] : memref<10112x128xf32, #tpu.memory_space<hbm>> -> memref<632x128xf32, #tpu.memory_space<hbm>>
      tpu.enqueue_dma source(%dma_start3A_21 : memref<632x128xf32, #tpu.memory_space<hbm>>) target(%dma_start3A_19 : memref<632x128xf32, #tpu.memory_space<vmem_shared>>) target_semaphore(%run_scoped3A : memref<!tpu.dma_semaphore, #tpu.memory_space<semaphore_mem>>)
      %dma_wait3A = arith.constant 0 : i32
      %dma_wait3A_22 = tpu.memref_slice %arg9[%mul3A_2, %dma_wait3A] : memref<10112x128xf32, #tpu.memory_space<vmem_shared>> -> memref<632x128xf32, #tpu.memory_space<vmem_shared>>
      %dma_wait3A_23 = arith.constant 0 : i32
      %dma_wait3A_24 = tpu.memref_slice %arg4[%mul3A_2, %dma_wait3A_23] : memref<10112x128xf32, #tpu.memory_space<hbm>> -> memref<632x128xf32, #tpu.memory_space<hbm>>
      tpu.wait_dma2 semaphore(%run_scoped3A : memref<!tpu.dma_semaphore, #tpu.memory_space<semaphore_mem>>) src(%dma_wait3A_24 : memref<632x128xf32, #tpu.memory_space<hbm>>) dst(%dma_wait3A_22 : memref<632x128xf32, #tpu.memory_space<vmem_shared>>)
      tpu.yield
    }) : () -> ()
    %barrier3A = arith.constant 0 : index
    tpu.barrier barrier_id(%barrier3A)
    %dma_start3A = arith.constant 0 : i32
    %dma_start3A_3 = arith.constant 0 : i32
    %dma_start3A_4 = arith.constant 0 : i32
    %dma_start3A_5 = arith.constant 0 : i32
    %dma_start3A_6 = tpu.memref_slice %arg2[%add3A, %dma_start3A, %dma_start3A_3, %dma_start3A_4, %dma_start3A_5] : memref<32x79x2x64x128xf32, #tpu.memory_space<hbm>> -> memref<1x1x1x64x128xf32, #tpu.memory_space<hbm>>
    %dma_start3A_7 = tpu.memref_squeeze %dma_start3A_6 : memref<1x1x1x64x128xf32, #tpu.memory_space<hbm>> -> memref<64x128xf32, #tpu.memory_space<hbm>>
    %dma_start3A_8 = arith.constant 0 : i32
    %dma_start3A_9 = arith.constant 0 : i32
    %dma_start3A_10 = tpu.memref_slice %arg2[%add3A, %dma_start3A, %dma_start3A_3, %dma_start3A_8, %dma_start3A_9] : memref<32x79x2x64x128xf32, #tpu.memory_space<hbm>> -> memref<1x1x1x64x128xf32, #tpu.memory_space<hbm>>
    %dma_start3A_11 = tpu.memref_squeeze %dma_start3A_10 : memref<1x1x1x64x128xf32, #tpu.memory_space<hbm>> -> memref<64x128xf32, #tpu.memory_space<hbm>>
    tpu.enqueue_dma source(%dma_start3A_11 : memref<64x128xf32, #tpu.memory_space<hbm>>) target(%arg7 : memref<64x128xf32, #tpu.memory_space<vmem>>) target_semaphore(%arg10 : memref<!tpu.dma_semaphore, #tpu.memory_space<semaphore_mem>>)
    %scan3A = arith.constant 0 : i32
    %scan3A_12 = arith.constant 0 : i32
    %scan3A_13 = arith.constant 79 : i32
    %scan3A_14 = arith.addi %scan3A_12, %scan3A_13 : i32
    %scan3A_15 = arith.constant 1 : i32
    scf.for %scan3A_18 = %scan3A_12 to %scan3A_14 step %scan3A_15  : i32 {
      %dma_start3A_19 = arith.constant 1 : i32
      %dma_start3A_20 = arith.constant 0 : i32
      %dma_start3A_21 = arith.constant 0 : i32
      %dma_start3A_22 = tpu.memref_slice %arg2[%add3A, %scan3A_18, %dma_start3A_19, %dma_start3A_20, %dma_start3A_21] : memref<32x79x2x64x128xf32, #tpu.memory_space<hbm>> -> memref<1x1x1x64x128xf32, #tpu.memory_space<hbm>>
      %dma_start3A_23 = tpu.memref_squeeze %dma_start3A_22 : memref<1x1x1x64x128xf32, #tpu.memory_space<hbm>> -> memref<64x128xf32, #tpu.memory_space<hbm>>
      %dma_start3A_24 = arith.constant 0 : i32
      %dma_start3A_25 = arith.constant 0 : i32
      %dma_start3A_26 = tpu.memref_slice %arg2[%add3A, %scan3A_18, %dma_start3A_19, %dma_start3A_24, %dma_start3A_25] : memref<32x79x2x64x128xf32, #tpu.memory_space<hbm>> -> memref<1x1x1x64x128xf32, #tpu.memory_space<hbm>>
      %dma_start3A_27 = tpu.memref_squeeze %dma_start3A_26 : memref<1x1x1x64x128xf32, #tpu.memory_space<hbm>> -> memref<64x128xf32, #tpu.memory_space<hbm>>
      tpu.enqueue_dma source(%dma_start3A_27 : memref<64x128xf32, #tpu.memory_space<hbm>>) target(%arg8 : memref<64x128xf32, #tpu.memory_space<vmem>>) target_semaphore(%arg11 : memref<!tpu.dma_semaphore, #tpu.memory_space<semaphore_mem>>)
      %dma_wait3A = arith.constant 0 : i32
      %dma_wait3A_28 = arith.constant 0 : i32
      %dma_wait3A_29 = arith.constant 0 : i32
      %dma_wait3A_30 = tpu.memref_slice %arg2[%add3A, %scan3A_18, %dma_wait3A, %dma_wait3A_28, %dma_wait3A_29] : memref<32x79x2x64x128xf32, #tpu.memory_space<hbm>> -> memref<1x1x1x64x128xf32, #tpu.memory_space<hbm>>
      %dma_wait3A_31 = tpu.memref_squeeze %dma_wait3A_30 : memref<1x1x1x64x128xf32, #tpu.memory_space<hbm>> -> memref<64x128xf32, #tpu.memory_space<hbm>>
      %dma_wait3A_32 = arith.constant 0 : i32
      %dma_wait3A_33 = arith.constant 0 : i32
      %dma_wait3A_34 = tpu.memref_slice %arg2[%add3A, %scan3A_18, %dma_wait3A, %dma_wait3A_32, %dma_wait3A_33] : memref<32x79x2x64x128xf32, #tpu.memory_space<hbm>> -> memref<1x1x1x64x128xf32, #tpu.memory_space<hbm>>
      %dma_wait3A_35 = tpu.memref_squeeze %dma_wait3A_34 : memref<1x1x1x64x128xf32, #tpu.memory_space<hbm>> -> memref<64x128xf32, #tpu.memory_space<hbm>>
      tpu.wait_dma2 semaphore(%arg10 : memref<!tpu.dma_semaphore, #tpu.memory_space<semaphore_mem>>) src(%dma_wait3A_35 : memref<64x128xf32, #tpu.memory_space<hbm>>) dst(%arg7 : memref<64x128xf32, #tpu.memory_space<vmem>>)
      %run_scoped3A = arith.constant 0 : i32
      "tpu.region"() ({
        %run_scoped3A_50 = tpu.sem_alloc : memref<!tpu.dma_semaphore, #tpu.memory_space<semaphore_mem>>
        %dma_start3A_51 = arith.constant 0 : i32
        %dma_start3A_52 = tpu.memref_slice %arg6[%scan3A_18, %run_scoped3A, %dma_start3A_51] : memref<79x2x64xi32, #tpu.memory_space<vmem>> -> memref<1x1x64xi32, #tpu.memory_space<vmem>>
        %dma_start3A_53 = tpu.memref_squeeze %dma_start3A_52 : memref<1x1x64xi32, #tpu.memory_space<vmem>> -> memref<64xi32, #tpu.memory_space<vmem>>
        %dma_start3A_54 = arith.constant 0 : i32
        %dma_start3A_55 = arith.constant 0 : i32
        %dma_start3A_56 = tpu.memref_slice %arg9[%dma_start3A_54, %dma_start3A_55] : memref<10112x128xf32, #tpu.memory_space<vmem_shared>> -> memref<10112x128xf32, #tpu.memory_space<vmem_shared>>
        tpu.enqueue_indirect_dma source(%arg7 : memref<64x128xf32, #tpu.memory_space<vmem>>) target(%dma_start3A_56 : memref<10112x128xf32, #tpu.memory_space<vmem_shared>>) offsets(%dma_start3A_53 : memref<64xi32, #tpu.memory_space<vmem>>) semaphore(%run_scoped3A_50 : memref<!tpu.dma_semaphore, #tpu.memory_space<semaphore_mem>>) {add = true}
        %dma_wait3A_57 = arith.constant 0 : i32
        %dma_wait3A_58 = tpu.memref_slice %arg6[%scan3A_18, %run_scoped3A, %dma_wait3A_57] : memref<79x2x64xi32, #tpu.memory_space<vmem>> -> memref<1x1x64xi32, #tpu.memory_space<vmem>>
        %dma_wait3A_59 = tpu.memref_squeeze %dma_wait3A_58 : memref<1x1x64xi32, #tpu.memory_space<vmem>> -> memref<64xi32, #tpu.memory_space<vmem>>
        %dma_wait3A_60 = arith.constant 0 : i32
        %dma_wait3A_61 = arith.constant 0 : i32
        %dma_wait3A_62 = tpu.memref_slice %arg9[%dma_wait3A_60, %dma_wait3A_61] : memref<10112x128xf32, #tpu.memory_space<vmem_shared>> -> memref<10112x128xf32, #tpu.memory_space<vmem_shared>>
        tpu.wait_indirect_dma semaphore(%run_scoped3A_50 : memref<!tpu.dma_semaphore, #tpu.memory_space<semaphore_mem>>) src(%arg7 : memref<64x128xf32, #tpu.memory_space<vmem>>) dst(%dma_wait3A_62 : memref<10112x128xf32, #tpu.memory_space<vmem_shared>>)
        tpu.yield
      }) : () -> ()
      %add3A_36 = arith.constant 1 : i32
      %add3A_37 = arith.addi %scan3A_18, %add3A_36 : i32
      %lt3A = arith.constant 79 : i32
      %lt3A_38 = arith.cmpi slt, %add3A_37, %lt3A : i32
      %convert_element_type3A = arith.extui %lt3A_38 : i1 to i32
      %cond3A = arith.constant 0 : i32
      %cond3A_39 = arith.cmpi ne, %convert_element_type3A, %cond3A : i32
      scf.if %cond3A_39 {
        %add3A_50 = arith.constant 1 : i32
        %add3A_51 = arith.addi %scan3A_18, %add3A_50 : i32
        %dma_start3A_52 = arith.constant 0 : i32
        %dma_start3A_53 = arith.constant 0 : i32
        %dma_start3A_54 = arith.constant 0 : i32
        %dma_start3A_55 = tpu.memref_slice %arg2[%add3A, %add3A_51, %dma_start3A_52, %dma_start3A_53, %dma_start3A_54] : memref<32x79x2x64x128xf32, #tpu.memory_space<hbm>> -> memref<1x1x1x64x128xf32, #tpu.memory_space<hbm>>
        %dma_start3A_56 = tpu.memref_squeeze %dma_start3A_55 : memref<1x1x1x64x128xf32, #tpu.memory_space<hbm>> -> memref<64x128xf32, #tpu.memory_space<hbm>>
        %dma_start3A_57 = arith.constant 0 : i32
        %dma_start3A_58 = arith.constant 0 : i32
        %dma_start3A_59 = tpu.memref_slice %arg2[%add3A, %add3A_51, %dma_start3A_52, %dma_start3A_57, %dma_start3A_58] : memref<32x79x2x64x128xf32, #tpu.memory_space<hbm>> -> memref<1x1x1x64x128xf32, #tpu.memory_space<hbm>>
        %dma_start3A_60 = tpu.memref_squeeze %dma_start3A_59 : memref<1x1x1x64x128xf32, #tpu.memory_space<hbm>> -> memref<64x128xf32, #tpu.memory_space<hbm>>
        tpu.enqueue_dma source(%dma_start3A_60 : memref<64x128xf32, #tpu.memory_space<hbm>>) target(%arg7 : memref<64x128xf32, #tpu.memory_space<vmem>>) target_semaphore(%arg10 : memref<!tpu.dma_semaphore, #tpu.memory_space<semaphore_mem>>)
      } else {
      }
      %dma_wait3A_40 = arith.constant 1 : i32
      %dma_wait3A_41 = arith.constant 0 : i32
      %dma_wait3A_42 = arith.constant 0 : i32
      %dma_wait3A_43 = tpu.memref_slice %arg2[%add3A, %scan3A_18, %dma_wait3A_40, %dma_wait3A_41, %dma_wait3A_42] : memref<32x79x2x64x128xf32, #tpu.memory_space<hbm>> -> memref<1x1x1x64x128xf32, #tpu.memory_space<hbm>>
      %dma_wait3A_44 = tpu.memref_squeeze %dma_wait3A_43 : memref<1x1x1x64x128xf32, #tpu.memory_space<hbm>> -> memref<64x128xf32, #tpu.memory_space<hbm>>
      %dma_wait3A_45 = arith.constant 0 : i32
      %dma_wait3A_46 = arith.constant 0 : i32
      %dma_wait3A_47 = tpu.memref_slice %arg2[%add3A, %scan3A_18, %dma_wait3A_40, %dma_wait3A_45, %dma_wait3A_46] : memref<32x79x2x64x128xf32, #tpu.memory_space<hbm>> -> memref<1x1x1x64x128xf32, #tpu.memory_space<hbm>>
      %dma_wait3A_48 = tpu.memref_squeeze %dma_wait3A_47 : memref<1x1x1x64x128xf32, #tpu.memory_space<hbm>> -> memref<64x128xf32, #tpu.memory_space<hbm>>
      tpu.wait_dma2 semaphore(%arg11 : memref<!tpu.dma_semaphore, #tpu.memory_space<semaphore_mem>>) src(%dma_wait3A_48 : memref<64x128xf32, #tpu.memory_space<hbm>>) dst(%arg8 : memref<64x128xf32, #tpu.memory_space<vmem>>)
      %run_scoped3A_49 = arith.constant 1 : i32
      "tpu.region"() ({
        %run_scoped3A_50 = tpu.sem_alloc : memref<!tpu.dma_semaphore, #tpu.memory_space<semaphore_mem>>
        %dma_start3A_51 = arith.constant 0 : i32
        %dma_start3A_52 = tpu.memref_slice %arg6[%scan3A_18, %run_scoped3A_49, %dma_start3A_51] : memref<79x2x64xi32, #tpu.memory_space<vmem>> -> memref<1x1x64xi32, #tpu.memory_space<vmem>>
        %dma_start3A_53 = tpu.memref_squeeze %dma_start3A_52 : memref<1x1x64xi32, #tpu.memory_space<vmem>> -> memref<64xi32, #tpu.memory_space<vmem>>
        %dma_start3A_54 = arith.constant 0 : i32
        %dma_start3A_55 = arith.constant 0 : i32
        %dma_start3A_56 = tpu.memref_slice %arg9[%dma_start3A_54, %dma_start3A_55] : memref<10112x128xf32, #tpu.memory_space<vmem_shared>> -> memref<10112x128xf32, #tpu.memory_space<vmem_shared>>
        tpu.enqueue_indirect_dma source(%arg8 : memref<64x128xf32, #tpu.memory_space<vmem>>) target(%dma_start3A_56 : memref<10112x128xf32, #tpu.memory_space<vmem_shared>>) offsets(%dma_start3A_53 : memref<64xi32, #tpu.memory_space<vmem>>) semaphore(%run_scoped3A_50 : memref<!tpu.dma_semaphore, #tpu.memory_space<semaphore_mem>>) {add = true}
        %dma_wait3A_57 = arith.constant 0 : i32
        %dma_wait3A_58 = tpu.memref_slice %arg6[%scan3A_18, %run_scoped3A_49, %dma_wait3A_57] : memref<79x2x64xi32, #tpu.memory_space<vmem>> -> memref<1x1x64xi32, #tpu.memory_space<vmem>>
        %dma_wait3A_59 = tpu.memref_squeeze %dma_wait3A_58 : memref<1x1x64xi32, #tpu.memory_space<vmem>> -> memref<64xi32, #tpu.memory_space<vmem>>
        %dma_wait3A_60 = arith.constant 0 : i32
        %dma_wait3A_61 = arith.constant 0 : i32
        %dma_wait3A_62 = tpu.memref_slice %arg9[%dma_wait3A_60, %dma_wait3A_61] : memref<10112x128xf32, #tpu.memory_space<vmem_shared>> -> memref<10112x128xf32, #tpu.memory_space<vmem_shared>>
        tpu.wait_indirect_dma semaphore(%run_scoped3A_50 : memref<!tpu.dma_semaphore, #tpu.memory_space<semaphore_mem>>) src(%arg8 : memref<64x128xf32, #tpu.memory_space<vmem>>) dst(%dma_wait3A_62 : memref<10112x128xf32, #tpu.memory_space<vmem_shared>>)
        tpu.yield
      }) : () -> ()
    }
    %scan3A_16 = arith.constant 79 : i32
    %barrier3A_17 = arith.constant 0 : index
    tpu.barrier barrier_id(%barrier3A_17)
    "tpu.region"() ({
      %run_scoped3A = tpu.sem_alloc : memref<!tpu.dma_semaphore, #tpu.memory_space<semaphore_mem>>
      %dma_start3A_18 = arith.constant 0 : i32
      %dma_start3A_19 = tpu.memref_slice %arg5[%arg0, %mul3A_2, %dma_start3A_18] : memref<2x10112x128xf32, #tpu.memory_space<hbm>> -> memref<1x632x128xf32, #tpu.memory_space<hbm>>
      %dma_start3A_20 = tpu.memref_squeeze %dma_start3A_19 : memref<1x632x128xf32, #tpu.memory_space<hbm>> -> memref<632x128xf32, #tpu.memory_space<hbm>>
      %dma_start3A_21 = arith.constant 0 : i32
      %dma_start3A_22 = tpu.memref_slice %arg9[%mul3A_2, %dma_start3A_21] : memref<10112x128xf32, #tpu.memory_space<vmem_shared>> -> memref<632x128xf32, #tpu.memory_space<vmem_shared>>
      tpu.enqueue_dma source(%dma_start3A_22 : memref<632x128xf32, #tpu.memory_space<vmem_shared>>) target(%dma_start3A_20 : memref<632x128xf32, #tpu.memory_space<hbm>>) target_semaphore(%run_scoped3A : memref<!tpu.dma_semaphore, #tpu.memory_space<semaphore_mem>>)
      %dma_wait3A = arith.constant 0 : i32
      %dma_wait3A_23 = tpu.memref_slice %arg5[%arg0, %mul3A_2, %dma_wait3A] : memref<2x10112x128xf32, #tpu.memory_space<hbm>> -> memref<1x632x128xf32, #tpu.memory_space<hbm>>
      %dma_wait3A_24 = tpu.memref_squeeze %dma_wait3A_23 : memref<1x632x128xf32, #tpu.memory_space<hbm>> -> memref<632x128xf32, #tpu.memory_space<hbm>>
      %dma_wait3A_25 = arith.constant 0 : i32
      %dma_wait3A_26 = tpu.memref_slice %arg9[%mul3A_2, %dma_wait3A_25] : memref<10112x128xf32, #tpu.memory_space<vmem_shared>> -> memref<632x128xf32, #tpu.memory_space<vmem_shared>>
      tpu.wait_dma2 semaphore(%run_scoped3A : memref<!tpu.dma_semaphore, #tpu.memory_space<semaphore_mem>>) src(%dma_wait3A_26 : memref<632x128xf32, #tpu.memory_space<vmem_shared>>) dst(%dma_wait3A_24 : memref<632x128xf32, #tpu.memory_space<hbm>>)
      tpu.yield
    }) : () -> ()
    return
  }
}

#map = affine_map<(d0, d1) -> (0, 0)>
#map1 = affine_map<(d0, d1) -> (0, 0, 0)>
#map2 = affine_map<(d0, d1) -> (0, 0, 0, 0)>
module attributes {stable_mosaic.version = 14 : i64} {
  func.func @_sc_step_body(%arg0: i32, %arg1: i32, %arg2: memref<10000x128xf32, #tpu.memory_space<hbm>>, %arg3: memref<32x79x128xi32, #tpu.memory_space<hbm>>, %arg4: memref<32x79x2x64xi32, #tpu.memory_space<hbm>>, %arg5: memref<10112x128xf32, #tpu.memory_space<hbm>>, %arg6: memref<2x10112x128xf32, #tpu.memory_space<hbm>>, %arg7: memref<79x128xi32, #tpu.memory_space<vmem>>, %arg8: memref<79x2x64xi32, #tpu.memory_space<vmem>>, %arg9: memref<64x128xf32, #tpu.memory_space<vmem>>, %arg10: memref<64x128xf32, #tpu.memory_space<vmem>>, %arg11: memref<10112x128xf32, #tpu.memory_space<vmem_shared>>, %arg12: memref<!tpu.dma_semaphore, #tpu.memory_space<semaphore_mem>>, %arg13: memref<!tpu.dma_semaphore, #tpu.memory_space<semaphore_mem>>) attributes {dimension_semantics = [#tpu.dimension_semantics<core_parallel>, #tpu.dimension_semantics<subcore_parallel>], iteration_bounds = array<i64: 2, 16>, scalar_prefetch = 0 : i64, scratch_operands = 7 : i64, tpu.core_type = #tpu.core_type<sc_vector_subcore>, window_params = [{transform_indices = #map}, {transform_indices = #map1}, {transform_indices = #map2}, {transform_indices = #map}, {transform_indices = #map1}]} {
    %mul3A = arith.constant 16 : i32
    %mul3A_0 = arith.muli %arg0, %mul3A : i32
    %add3A = arith.addi %mul3A_0, %arg1 : i32
    "tpu.region"() ({
      %run_scoped3A = tpu.sem_alloc : memref<!tpu.dma_semaphore, #tpu.memory_space<semaphore_mem>>
      %dma_start3A_15 = arith.constant 0 : i32
      %dma_start3A_16 = arith.constant 0 : i32
      %dma_start3A_17 = tpu.memref_slice %arg3[%add3A, %dma_start3A_15, %dma_start3A_16] : memref<32x79x128xi32, #tpu.memory_space<hbm>> -> memref<1x79x128xi32, #tpu.memory_space<hbm>>
      %dma_start3A_18 = tpu.memref_squeeze %dma_start3A_17 : memref<1x79x128xi32, #tpu.memory_space<hbm>> -> memref<79x128xi32, #tpu.memory_space<hbm>>
      %dma_start3A_19 = arith.constant 0 : i32
      %dma_start3A_20 = arith.constant 0 : i32
      %dma_start3A_21 = tpu.memref_slice %arg3[%add3A, %dma_start3A_19, %dma_start3A_20] : memref<32x79x128xi32, #tpu.memory_space<hbm>> -> memref<1x79x128xi32, #tpu.memory_space<hbm>>
      %dma_start3A_22 = tpu.memref_squeeze %dma_start3A_21 : memref<1x79x128xi32, #tpu.memory_space<hbm>> -> memref<79x128xi32, #tpu.memory_space<hbm>>
      tpu.enqueue_dma source(%dma_start3A_22 : memref<79x128xi32, #tpu.memory_space<hbm>>) target(%arg7 : memref<79x128xi32, #tpu.memory_space<vmem>>) target_semaphore(%run_scoped3A : memref<!tpu.dma_semaphore, #tpu.memory_space<semaphore_mem>>)
      %dma_wait3A = arith.constant 0 : i32
      %dma_wait3A_23 = arith.constant 0 : i32
      %dma_wait3A_24 = tpu.memref_slice %arg3[%add3A, %dma_wait3A, %dma_wait3A_23] : memref<32x79x128xi32, #tpu.memory_space<hbm>> -> memref<1x79x128xi32, #tpu.memory_space<hbm>>
      %dma_wait3A_25 = tpu.memref_squeeze %dma_wait3A_24 : memref<1x79x128xi32, #tpu.memory_space<hbm>> -> memref<79x128xi32, #tpu.memory_space<hbm>>
      %dma_wait3A_26 = arith.constant 0 : i32
      %dma_wait3A_27 = arith.constant 0 : i32
      %dma_wait3A_28 = tpu.memref_slice %arg3[%add3A, %dma_wait3A_26, %dma_wait3A_27] : memref<32x79x128xi32, #tpu.memory_space<hbm>> -> memref<1x79x128xi32, #tpu.memory_space<hbm>>
      %dma_wait3A_29 = tpu.memref_squeeze %dma_wait3A_28 : memref<1x79x128xi32, #tpu.memory_space<hbm>> -> memref<79x128xi32, #tpu.memory_space<hbm>>
      tpu.wait_dma2 semaphore(%run_scoped3A : memref<!tpu.dma_semaphore, #tpu.memory_space<semaphore_mem>>) src(%dma_wait3A_29 : memref<79x128xi32, #tpu.memory_space<hbm>>) dst(%arg7 : memref<79x128xi32, #tpu.memory_space<vmem>>)
      tpu.yield
    }) : () -> ()
    "tpu.region"() ({
      %run_scoped3A = tpu.sem_alloc : memref<!tpu.dma_semaphore, #tpu.memory_space<semaphore_mem>>
      %dma_start3A_15 = arith.constant 0 : i32
      %dma_start3A_16 = arith.constant 0 : i32
      %dma_start3A_17 = arith.constant 0 : i32
      %dma_start3A_18 = tpu.memref_slice %arg4[%add3A, %dma_start3A_15, %dma_start3A_16, %dma_start3A_17] : memref<32x79x2x64xi32, #tpu.memory_space<hbm>> -> memref<1x79x2x64xi32, #tpu.memory_space<hbm>>
      %dma_start3A_19 = tpu.memref_squeeze %dma_start3A_18 : memref<1x79x2x64xi32, #tpu.memory_space<hbm>> -> memref<79x2x64xi32, #tpu.memory_space<hbm>>
      %dma_start3A_20 = arith.constant 0 : i32
      %dma_start3A_21 = arith.constant 0 : i32
      %dma_start3A_22 = arith.constant 0 : i32
      %dma_start3A_23 = tpu.memref_slice %arg4[%add3A, %dma_start3A_20, %dma_start3A_21, %dma_start3A_22] : memref<32x79x2x64xi32, #tpu.memory_space<hbm>> -> memref<1x79x2x64xi32, #tpu.memory_space<hbm>>
      %dma_start3A_24 = tpu.memref_squeeze %dma_start3A_23 : memref<1x79x2x64xi32, #tpu.memory_space<hbm>> -> memref<79x2x64xi32, #tpu.memory_space<hbm>>
      tpu.enqueue_dma source(%dma_start3A_24 : memref<79x2x64xi32, #tpu.memory_space<hbm>>) target(%arg8 : memref<79x2x64xi32, #tpu.memory_space<vmem>>) target_semaphore(%run_scoped3A : memref<!tpu.dma_semaphore, #tpu.memory_space<semaphore_mem>>)
      %dma_wait3A = arith.constant 0 : i32
      %dma_wait3A_25 = arith.constant 0 : i32
      %dma_wait3A_26 = arith.constant 0 : i32
      %dma_wait3A_27 = tpu.memref_slice %arg4[%add3A, %dma_wait3A, %dma_wait3A_25, %dma_wait3A_26] : memref<32x79x2x64xi32, #tpu.memory_space<hbm>> -> memref<1x79x2x64xi32, #tpu.memory_space<hbm>>
      %dma_wait3A_28 = tpu.memref_squeeze %dma_wait3A_27 : memref<1x79x2x64xi32, #tpu.memory_space<hbm>> -> memref<79x2x64xi32, #tpu.memory_space<hbm>>
      %dma_wait3A_29 = arith.constant 0 : i32
      %dma_wait3A_30 = arith.constant 0 : i32
      %dma_wait3A_31 = arith.constant 0 : i32
      %dma_wait3A_32 = tpu.memref_slice %arg4[%add3A, %dma_wait3A_29, %dma_wait3A_30, %dma_wait3A_31] : memref<32x79x2x64xi32, #tpu.memory_space<hbm>> -> memref<1x79x2x64xi32, #tpu.memory_space<hbm>>
      %dma_wait3A_33 = tpu.memref_squeeze %dma_wait3A_32 : memref<1x79x2x64xi32, #tpu.memory_space<hbm>> -> memref<79x2x64xi32, #tpu.memory_space<hbm>>
      tpu.wait_dma2 semaphore(%run_scoped3A : memref<!tpu.dma_semaphore, #tpu.memory_space<semaphore_mem>>) src(%dma_wait3A_33 : memref<79x2x64xi32, #tpu.memory_space<hbm>>) dst(%arg8 : memref<79x2x64xi32, #tpu.memory_space<vmem>>)
      tpu.yield
    }) : () -> ()
    %mul3A_1 = arith.constant 632 : i32
    %mul3A_2 = arith.muli %arg1, %mul3A_1 : i32
    "tpu.region"() ({
      %run_scoped3A = tpu.sem_alloc : memref<!tpu.dma_semaphore, #tpu.memory_space<semaphore_mem>>
      %dma_start3A_15 = arith.constant 0 : i32
      %dma_start3A_16 = tpu.memref_slice %arg11[%mul3A_2, %dma_start3A_15] : memref<10112x128xf32, #tpu.memory_space<vmem_shared>> -> memref<632x128xf32, #tpu.memory_space<vmem_shared>>
      %dma_start3A_17 = arith.constant 0 : i32
      %dma_start3A_18 = tpu.memref_slice %arg5[%mul3A_2, %dma_start3A_17] : memref<10112x128xf32, #tpu.memory_space<hbm>> -> memref<632x128xf32, #tpu.memory_space<hbm>>
      tpu.enqueue_dma source(%dma_start3A_18 : memref<632x128xf32, #tpu.memory_space<hbm>>) target(%dma_start3A_16 : memref<632x128xf32, #tpu.memory_space<vmem_shared>>) target_semaphore(%run_scoped3A : memref<!tpu.dma_semaphore, #tpu.memory_space<semaphore_mem>>)
      %dma_wait3A = arith.constant 0 : i32
      %dma_wait3A_19 = tpu.memref_slice %arg11[%mul3A_2, %dma_wait3A] : memref<10112x128xf32, #tpu.memory_space<vmem_shared>> -> memref<632x128xf32, #tpu.memory_space<vmem_shared>>
      %dma_wait3A_20 = arith.constant 0 : i32
      %dma_wait3A_21 = tpu.memref_slice %arg5[%mul3A_2, %dma_wait3A_20] : memref<10112x128xf32, #tpu.memory_space<hbm>> -> memref<632x128xf32, #tpu.memory_space<hbm>>
      tpu.wait_dma2 semaphore(%run_scoped3A : memref<!tpu.dma_semaphore, #tpu.memory_space<semaphore_mem>>) src(%dma_wait3A_21 : memref<632x128xf32, #tpu.memory_space<hbm>>) dst(%dma_wait3A_19 : memref<632x128xf32, #tpu.memory_space<vmem_shared>>)
      tpu.yield
    }) : () -> ()
    %barrier3A = arith.constant 0 : index
    tpu.barrier barrier_id(%barrier3A)
    %dma_start3A = arith.constant 0 : i32
    %dma_start3A_3 = arith.constant 0 : i32
    %dma_start3A_4 = tpu.memref_slice %arg7[%dma_start3A, %dma_start3A_3] : memref<79x128xi32, #tpu.memory_space<vmem>> -> memref<1x64xi32, #tpu.memory_space<vmem>>
    %dma_start3A_5 = tpu.memref_squeeze %dma_start3A_4 : memref<1x64xi32, #tpu.memory_space<vmem>> -> memref<64xi32, #tpu.memory_space<vmem>>
    %dma_start3A_6 = arith.constant 0 : i32
    %dma_start3A_7 = arith.constant 0 : i32
    %dma_start3A_8 = tpu.memref_slice %arg2[%dma_start3A_6, %dma_start3A_7] : memref<10000x128xf32, #tpu.memory_space<hbm>> -> memref<10000x128xf32, #tpu.memory_space<hbm>>
    tpu.enqueue_indirect_dma source(%dma_start3A_8 : memref<10000x128xf32, #tpu.memory_space<hbm>>) target(%arg9 : memref<64x128xf32, #tpu.memory_space<vmem>>) offsets(%dma_start3A_5 : memref<64xi32, #tpu.memory_space<vmem>>) semaphore(%arg12 : memref<!tpu.dma_semaphore, #tpu.memory_space<semaphore_mem>>)
    %scan3A = arith.constant 0 : i32
    %scan3A_9 = arith.constant 0 : i32
    %scan3A_10 = arith.constant 79 : i32
    %scan3A_11 = arith.addi %scan3A_9, %scan3A_10 : i32
    %scan3A_12 = arith.constant 1 : i32
    scf.for %scan3A_15 = %scan3A_9 to %scan3A_11 step %scan3A_12  : i32 {
      %dma_start3A_16 = arith.constant 64 : i32
      %dma_start3A_17 = tpu.memref_slice %arg7[%scan3A_15, %dma_start3A_16] : memref<79x128xi32, #tpu.memory_space<vmem>> -> memref<1x64xi32, #tpu.memory_space<vmem>>
      %dma_start3A_18 = tpu.memref_squeeze %dma_start3A_17 : memref<1x64xi32, #tpu.memory_space<vmem>> -> memref<64xi32, #tpu.memory_space<vmem>>
      %dma_start3A_19 = arith.constant 0 : i32
      %dma_start3A_20 = arith.constant 0 : i32
      %dma_start3A_21 = tpu.memref_slice %arg2[%dma_start3A_19, %dma_start3A_20] : memref<10000x128xf32, #tpu.memory_space<hbm>> -> memref<10000x128xf32, #tpu.memory_space<hbm>>
      tpu.enqueue_indirect_dma source(%dma_start3A_21 : memref<10000x128xf32, #tpu.memory_space<hbm>>) target(%arg10 : memref<64x128xf32, #tpu.memory_space<vmem>>) offsets(%dma_start3A_18 : memref<64xi32, #tpu.memory_space<vmem>>) semaphore(%arg13 : memref<!tpu.dma_semaphore, #tpu.memory_space<semaphore_mem>>)
      %dma_wait3A = arith.constant 0 : i32
      %dma_wait3A_22 = tpu.memref_slice %arg7[%scan3A_15, %dma_wait3A] : memref<79x128xi32, #tpu.memory_space<vmem>> -> memref<1x64xi32, #tpu.memory_space<vmem>>
      %dma_wait3A_23 = tpu.memref_squeeze %dma_wait3A_22 : memref<1x64xi32, #tpu.memory_space<vmem>> -> memref<64xi32, #tpu.memory_space<vmem>>
      %dma_wait3A_24 = arith.constant 0 : i32
      %dma_wait3A_25 = arith.constant 0 : i32
      %dma_wait3A_26 = tpu.memref_slice %arg2[%dma_wait3A_24, %dma_wait3A_25] : memref<10000x128xf32, #tpu.memory_space<hbm>> -> memref<10000x128xf32, #tpu.memory_space<hbm>>
      tpu.wait_indirect_dma semaphore(%arg12 : memref<!tpu.dma_semaphore, #tpu.memory_space<semaphore_mem>>) src(%dma_wait3A_26 : memref<10000x128xf32, #tpu.memory_space<hbm>>) dst(%arg9 : memref<64x128xf32, #tpu.memory_space<vmem>>)
      %run_scoped3A = arith.constant 0 : i32
      "tpu.region"() ({
        %run_scoped3A_38 = tpu.sem_alloc : memref<!tpu.dma_semaphore, #tpu.memory_space<semaphore_mem>>
        %dma_start3A_39 = arith.constant 0 : i32
        %dma_start3A_40 = tpu.memref_slice %arg8[%scan3A_15, %run_scoped3A, %dma_start3A_39] : memref<79x2x64xi32, #tpu.memory_space<vmem>> -> memref<1x1x64xi32, #tpu.memory_space<vmem>>
        %dma_start3A_41 = tpu.memref_squeeze %dma_start3A_40 : memref<1x1x64xi32, #tpu.memory_space<vmem>> -> memref<64xi32, #tpu.memory_space<vmem>>
        %dma_start3A_42 = arith.constant 0 : i32
        %dma_start3A_43 = arith.constant 0 : i32
        %dma_start3A_44 = tpu.memref_slice %arg11[%dma_start3A_42, %dma_start3A_43] : memref<10112x128xf32, #tpu.memory_space<vmem_shared>> -> memref<10112x128xf32, #tpu.memory_space<vmem_shared>>
        tpu.enqueue_indirect_dma source(%arg9 : memref<64x128xf32, #tpu.memory_space<vmem>>) target(%dma_start3A_44 : memref<10112x128xf32, #tpu.memory_space<vmem_shared>>) offsets(%dma_start3A_41 : memref<64xi32, #tpu.memory_space<vmem>>) semaphore(%run_scoped3A_38 : memref<!tpu.dma_semaphore, #tpu.memory_space<semaphore_mem>>) {add = true}
        %dma_wait3A_45 = arith.constant 0 : i32
        %dma_wait3A_46 = tpu.memref_slice %arg8[%scan3A_15, %run_scoped3A, %dma_wait3A_45] : memref<79x2x64xi32, #tpu.memory_space<vmem>> -> memref<1x1x64xi32, #tpu.memory_space<vmem>>
        %dma_wait3A_47 = tpu.memref_squeeze %dma_wait3A_46 : memref<1x1x64xi32, #tpu.memory_space<vmem>> -> memref<64xi32, #tpu.memory_space<vmem>>
        %dma_wait3A_48 = arith.constant 0 : i32
        %dma_wait3A_49 = arith.constant 0 : i32
        %dma_wait3A_50 = tpu.memref_slice %arg11[%dma_wait3A_48, %dma_wait3A_49] : memref<10112x128xf32, #tpu.memory_space<vmem_shared>> -> memref<10112x128xf32, #tpu.memory_space<vmem_shared>>
        tpu.wait_indirect_dma semaphore(%run_scoped3A_38 : memref<!tpu.dma_semaphore, #tpu.memory_space<semaphore_mem>>) src(%arg9 : memref<64x128xf32, #tpu.memory_space<vmem>>) dst(%dma_wait3A_50 : memref<10112x128xf32, #tpu.memory_space<vmem_shared>>)
        tpu.yield
      }) : () -> ()
      %add3A_27 = arith.constant 1 : i32
      %add3A_28 = arith.addi %scan3A_15, %add3A_27 : i32
      %lt3A = arith.constant 79 : i32
      %lt3A_29 = arith.cmpi slt, %add3A_28, %lt3A : i32
      %convert_element_type3A = arith.extui %lt3A_29 : i1 to i32
      %cond3A = arith.constant 0 : i32
      %cond3A_30 = arith.cmpi ne, %convert_element_type3A, %cond3A : i32
      scf.if %cond3A_30 {
        %add3A_38 = arith.constant 1 : i32
        %add3A_39 = arith.addi %scan3A_15, %add3A_38 : i32
        %dma_start3A_40 = arith.constant 0 : i32
        %dma_start3A_41 = tpu.memref_slice %arg7[%add3A_39, %dma_start3A_40] : memref<79x128xi32, #tpu.memory_space<vmem>> -> memref<1x64xi32, #tpu.memory_space<vmem>>
        %dma_start3A_42 = tpu.memref_squeeze %dma_start3A_41 : memref<1x64xi32, #tpu.memory_space<vmem>> -> memref<64xi32, #tpu.memory_space<vmem>>
        %dma_start3A_43 = arith.constant 0 : i32
        %dma_start3A_44 = arith.constant 0 : i32
        %dma_start3A_45 = tpu.memref_slice %arg2[%dma_start3A_43, %dma_start3A_44] : memref<10000x128xf32, #tpu.memory_space<hbm>> -> memref<10000x128xf32, #tpu.memory_space<hbm>>
        tpu.enqueue_indirect_dma source(%dma_start3A_45 : memref<10000x128xf32, #tpu.memory_space<hbm>>) target(%arg9 : memref<64x128xf32, #tpu.memory_space<vmem>>) offsets(%dma_start3A_42 : memref<64xi32, #tpu.memory_space<vmem>>) semaphore(%arg12 : memref<!tpu.dma_semaphore, #tpu.memory_space<semaphore_mem>>)
      } else {
      }
      %dma_wait3A_31 = arith.constant 64 : i32
      %dma_wait3A_32 = tpu.memref_slice %arg7[%scan3A_15, %dma_wait3A_31] : memref<79x128xi32, #tpu.memory_space<vmem>> -> memref<1x64xi32, #tpu.memory_space<vmem>>
      %dma_wait3A_33 = tpu.memref_squeeze %dma_wait3A_32 : memref<1x64xi32, #tpu.memory_space<vmem>> -> memref<64xi32, #tpu.memory_space<vmem>>
      %dma_wait3A_34 = arith.constant 0 : i32
      %dma_wait3A_35 = arith.constant 0 : i32
      %dma_wait3A_36 = tpu.memref_slice %arg2[%dma_wait3A_34, %dma_wait3A_35] : memref<10000x128xf32, #tpu.memory_space<hbm>> -> memref<10000x128xf32, #tpu.memory_space<hbm>>
      tpu.wait_indirect_dma semaphore(%arg13 : memref<!tpu.dma_semaphore, #tpu.memory_space<semaphore_mem>>) src(%dma_wait3A_36 : memref<10000x128xf32, #tpu.memory_space<hbm>>) dst(%arg10 : memref<64x128xf32, #tpu.memory_space<vmem>>)
      %run_scoped3A_37 = arith.constant 1 : i32
      "tpu.region"() ({
        %run_scoped3A_38 = tpu.sem_alloc : memref<!tpu.dma_semaphore, #tpu.memory_space<semaphore_mem>>
        %dma_start3A_39 = arith.constant 0 : i32
        %dma_start3A_40 = tpu.memref_slice %arg8[%scan3A_15, %run_scoped3A_37, %dma_start3A_39] : memref<79x2x64xi32, #tpu.memory_space<vmem>> -> memref<1x1x64xi32, #tpu.memory_space<vmem>>
        %dma_start3A_41 = tpu.memref_squeeze %dma_start3A_40 : memref<1x1x64xi32, #tpu.memory_space<vmem>> -> memref<64xi32, #tpu.memory_space<vmem>>
        %dma_start3A_42 = arith.constant 0 : i32
        %dma_start3A_43 = arith.constant 0 : i32
        %dma_start3A_44 = tpu.memref_slice %arg11[%dma_start3A_42, %dma_start3A_43] : memref<10112x128xf32, #tpu.memory_space<vmem_shared>> -> memref<10112x128xf32, #tpu.memory_space<vmem_shared>>
        tpu.enqueue_indirect_dma source(%arg10 : memref<64x128xf32, #tpu.memory_space<vmem>>) target(%dma_start3A_44 : memref<10112x128xf32, #tpu.memory_space<vmem_shared>>) offsets(%dma_start3A_41 : memref<64xi32, #tpu.memory_space<vmem>>) semaphore(%run_scoped3A_38 : memref<!tpu.dma_semaphore, #tpu.memory_space<semaphore_mem>>) {add = true}
        %dma_wait3A_45 = arith.constant 0 : i32
        %dma_wait3A_46 = tpu.memref_slice %arg8[%scan3A_15, %run_scoped3A_37, %dma_wait3A_45] : memref<79x2x64xi32, #tpu.memory_space<vmem>> -> memref<1x1x64xi32, #tpu.memory_space<vmem>>
        %dma_wait3A_47 = tpu.memref_squeeze %dma_wait3A_46 : memref<1x1x64xi32, #tpu.memory_space<vmem>> -> memref<64xi32, #tpu.memory_space<vmem>>
        %dma_wait3A_48 = arith.constant 0 : i32
        %dma_wait3A_49 = arith.constant 0 : i32
        %dma_wait3A_50 = tpu.memref_slice %arg11[%dma_wait3A_48, %dma_wait3A_49] : memref<10112x128xf32, #tpu.memory_space<vmem_shared>> -> memref<10112x128xf32, #tpu.memory_space<vmem_shared>>
        tpu.wait_indirect_dma semaphore(%run_scoped3A_38 : memref<!tpu.dma_semaphore, #tpu.memory_space<semaphore_mem>>) src(%arg10 : memref<64x128xf32, #tpu.memory_space<vmem>>) dst(%dma_wait3A_50 : memref<10112x128xf32, #tpu.memory_space<vmem_shared>>)
        tpu.yield
      }) : () -> ()
    }
    %scan3A_13 = arith.constant 79 : i32
    %barrier3A_14 = arith.constant 0 : index
    tpu.barrier barrier_id(%barrier3A_14)
    "tpu.region"() ({
      %run_scoped3A = tpu.sem_alloc : memref<!tpu.dma_semaphore, #tpu.memory_space<semaphore_mem>>
      %dma_start3A_15 = arith.constant 0 : i32
      %dma_start3A_16 = tpu.memref_slice %arg6[%arg0, %mul3A_2, %dma_start3A_15] : memref<2x10112x128xf32, #tpu.memory_space<hbm>> -> memref<1x632x128xf32, #tpu.memory_space<hbm>>
      %dma_start3A_17 = tpu.memref_squeeze %dma_start3A_16 : memref<1x632x128xf32, #tpu.memory_space<hbm>> -> memref<632x128xf32, #tpu.memory_space<hbm>>
      %dma_start3A_18 = arith.constant 0 : i32
      %dma_start3A_19 = tpu.memref_slice %arg11[%mul3A_2, %dma_start3A_18] : memref<10112x128xf32, #tpu.memory_space<vmem_shared>> -> memref<632x128xf32, #tpu.memory_space<vmem_shared>>
      tpu.enqueue_dma source(%dma_start3A_19 : memref<632x128xf32, #tpu.memory_space<vmem_shared>>) target(%dma_start3A_17 : memref<632x128xf32, #tpu.memory_space<hbm>>) target_semaphore(%run_scoped3A : memref<!tpu.dma_semaphore, #tpu.memory_space<semaphore_mem>>)
      %dma_wait3A = arith.constant 0 : i32
      %dma_wait3A_20 = tpu.memref_slice %arg6[%arg0, %mul3A_2, %dma_wait3A] : memref<2x10112x128xf32, #tpu.memory_space<hbm>> -> memref<1x632x128xf32, #tpu.memory_space<hbm>>
      %dma_wait3A_21 = tpu.memref_squeeze %dma_wait3A_20 : memref<1x632x128xf32, #tpu.memory_space<hbm>> -> memref<632x128xf32, #tpu.memory_space<hbm>>
      %dma_wait3A_22 = arith.constant 0 : i32
      %dma_wait3A_23 = tpu.memref_slice %arg11[%mul3A_2, %dma_wait3A_22] : memref<10112x128xf32, #tpu.memory_space<vmem_shared>> -> memref<632x128xf32, #tpu.memory_space<vmem_shared>>
      tpu.wait_dma2 semaphore(%run_scoped3A : memref<!tpu.dma_semaphore, #tpu.memory_space<semaphore_mem>>) src(%dma_wait3A_23 : memref<632x128xf32, #tpu.memory_space<vmem_shared>>) dst(%dma_wait3A_21 : memref<632x128xf32, #tpu.memory_space<hbm>>)
      tpu.yield
    }) : () -> ()
    return
  }
}

#map = affine_map<(d0, d1) -> (0, 0)>
#map1 = affine_map<(d0, d1) -> (0, 0, 0)>
#map2 = affine_map<(d0, d1) -> (0, 0, 0, 0)>
module attributes {stable_mosaic.version = 14 : i64} {
  func.func @_sc_step_body(%arg0: i32, %arg1: i32, %arg2: memref<10000x128xf32, #tpu.memory_space<hbm>>, %arg3: memref<32x79x128xi32, #tpu.memory_space<hbm>>, %arg4: memref<32x79x2x64xi32, #tpu.memory_space<hbm>>, %arg5: memref<10112x128xf32, #tpu.memory_space<hbm>>, %arg6: memref<2x10112x128xf32, #tpu.memory_space<hbm>>, %arg7: memref<79x128xi32, #tpu.memory_space<vmem>>, %arg8: memref<79x2x64xi32, #tpu.memory_space<vmem>>, %arg9: memref<64x128xf32, #tpu.memory_space<vmem>>, %arg10: memref<64x128xf32, #tpu.memory_space<vmem>>, %arg11: memref<10112x128xf32, #tpu.memory_space<vmem_shared>>, %arg12: memref<!tpu.dma_semaphore, #tpu.memory_space<semaphore_mem>>, %arg13: memref<!tpu.dma_semaphore, #tpu.memory_space<semaphore_mem>>) attributes {dimension_semantics = [#tpu.dimension_semantics<core_parallel>, #tpu.dimension_semantics<subcore_parallel>], iteration_bounds = array<i64: 2, 16>, scalar_prefetch = 0 : i64, scratch_operands = 7 : i64, tpu.core_type = #tpu.core_type<sc_vector_subcore>, window_params = [{transform_indices = #map}, {transform_indices = #map1}, {transform_indices = #map2}, {transform_indices = #map}, {transform_indices = #map1}]} {
    %mul3A = arith.constant 16 : i32
    %mul3A_0 = arith.muli %arg0, %mul3A : i32
    %add3A = arith.addi %mul3A_0, %arg1 : i32
    "tpu.region"() ({
      %run_scoped3A = tpu.sem_alloc : memref<!tpu.dma_semaphore, #tpu.memory_space<semaphore_mem>>
      %dma_start3A_15 = arith.constant 0 : i32
      %dma_start3A_16 = arith.constant 0 : i32
      %dma_start3A_17 = tpu.memref_slice %arg3[%add3A, %dma_start3A_15, %dma_start3A_16] : memref<32x79x128xi32, #tpu.memory_space<hbm>> -> memref<1x79x128xi32, #tpu.memory_space<hbm>>
      %dma_start3A_18 = tpu.memref_squeeze %dma_start3A_17 : memref<1x79x128xi32, #tpu.memory_space<hbm>> -> memref<79x128xi32, #tpu.memory_space<hbm>>
      %dma_start3A_19 = arith.constant 0 : i32
      %dma_start3A_20 = arith.constant 0 : i32
      %dma_start3A_21 = tpu.memref_slice %arg3[%add3A, %dma_start3A_19, %dma_start3A_20] : memref<32x79x128xi32, #tpu.memory_space<hbm>> -> memref<1x79x128xi32, #tpu.memory_space<hbm>>
      %dma_start3A_22 = tpu.memref_squeeze %dma_start3A_21 : memref<1x79x128xi32, #tpu.memory_space<hbm>> -> memref<79x128xi32, #tpu.memory_space<hbm>>
      tpu.enqueue_dma source(%dma_start3A_22 : memref<79x128xi32, #tpu.memory_space<hbm>>) target(%arg7 : memref<79x128xi32, #tpu.memory_space<vmem>>) target_semaphore(%run_scoped3A : memref<!tpu.dma_semaphore, #tpu.memory_space<semaphore_mem>>)
      %dma_wait3A = arith.constant 0 : i32
      %dma_wait3A_23 = arith.constant 0 : i32
      %dma_wait3A_24 = tpu.memref_slice %arg3[%add3A, %dma_wait3A, %dma_wait3A_23] : memref<32x79x128xi32, #tpu.memory_space<hbm>> -> memref<1x79x128xi32, #tpu.memory_space<hbm>>
      %dma_wait3A_25 = tpu.memref_squeeze %dma_wait3A_24 : memref<1x79x128xi32, #tpu.memory_space<hbm>> -> memref<79x128xi32, #tpu.memory_space<hbm>>
      %dma_wait3A_26 = arith.constant 0 : i32
      %dma_wait3A_27 = arith.constant 0 : i32
      %dma_wait3A_28 = tpu.memref_slice %arg3[%add3A, %dma_wait3A_26, %dma_wait3A_27] : memref<32x79x128xi32, #tpu.memory_space<hbm>> -> memref<1x79x128xi32, #tpu.memory_space<hbm>>
      %dma_wait3A_29 = tpu.memref_squeeze %dma_wait3A_28 : memref<1x79x128xi32, #tpu.memory_space<hbm>> -> memref<79x128xi32, #tpu.memory_space<hbm>>
      tpu.wait_dma2 semaphore(%run_scoped3A : memref<!tpu.dma_semaphore, #tpu.memory_space<semaphore_mem>>) src(%dma_wait3A_29 : memref<79x128xi32, #tpu.memory_space<hbm>>) dst(%arg7 : memref<79x128xi32, #tpu.memory_space<vmem>>)
      tpu.yield
    }) : () -> ()
    "tpu.region"() ({
      %run_scoped3A = tpu.sem_alloc : memref<!tpu.dma_semaphore, #tpu.memory_space<semaphore_mem>>
      %dma_start3A_15 = arith.constant 0 : i32
      %dma_start3A_16 = arith.constant 0 : i32
      %dma_start3A_17 = arith.constant 0 : i32
      %dma_start3A_18 = tpu.memref_slice %arg4[%add3A, %dma_start3A_15, %dma_start3A_16, %dma_start3A_17] : memref<32x79x2x64xi32, #tpu.memory_space<hbm>> -> memref<1x79x2x64xi32, #tpu.memory_space<hbm>>
      %dma_start3A_19 = tpu.memref_squeeze %dma_start3A_18 : memref<1x79x2x64xi32, #tpu.memory_space<hbm>> -> memref<79x2x64xi32, #tpu.memory_space<hbm>>
      %dma_start3A_20 = arith.constant 0 : i32
      %dma_start3A_21 = arith.constant 0 : i32
      %dma_start3A_22 = arith.constant 0 : i32
      %dma_start3A_23 = tpu.memref_slice %arg4[%add3A, %dma_start3A_20, %dma_start3A_21, %dma_start3A_22] : memref<32x79x2x64xi32, #tpu.memory_space<hbm>> -> memref<1x79x2x64xi32, #tpu.memory_space<hbm>>
      %dma_start3A_24 = tpu.memref_squeeze %dma_start3A_23 : memref<1x79x2x64xi32, #tpu.memory_space<hbm>> -> memref<79x2x64xi32, #tpu.memory_space<hbm>>
      tpu.enqueue_dma source(%dma_start3A_24 : memref<79x2x64xi32, #tpu.memory_space<hbm>>) target(%arg8 : memref<79x2x64xi32, #tpu.memory_space<vmem>>) target_semaphore(%run_scoped3A : memref<!tpu.dma_semaphore, #tpu.memory_space<semaphore_mem>>)
      %dma_wait3A = arith.constant 0 : i32
      %dma_wait3A_25 = arith.constant 0 : i32
      %dma_wait3A_26 = arith.constant 0 : i32
      %dma_wait3A_27 = tpu.memref_slice %arg4[%add3A, %dma_wait3A, %dma_wait3A_25, %dma_wait3A_26] : memref<32x79x2x64xi32, #tpu.memory_space<hbm>> -> memref<1x79x2x64xi32, #tpu.memory_space<hbm>>
      %dma_wait3A_28 = tpu.memref_squeeze %dma_wait3A_27 : memref<1x79x2x64xi32, #tpu.memory_space<hbm>> -> memref<79x2x64xi32, #tpu.memory_space<hbm>>
      %dma_wait3A_29 = arith.constant 0 : i32
      %dma_wait3A_30 = arith.constant 0 : i32
      %dma_wait3A_31 = arith.constant 0 : i32
      %dma_wait3A_32 = tpu.memref_slice %arg4[%add3A, %dma_wait3A_29, %dma_wait3A_30, %dma_wait3A_31] : memref<32x79x2x64xi32, #tpu.memory_space<hbm>> -> memref<1x79x2x64xi32, #tpu.memory_space<hbm>>
      %dma_wait3A_33 = tpu.memref_squeeze %dma_wait3A_32 : memref<1x79x2x64xi32, #tpu.memory_space<hbm>> -> memref<79x2x64xi32, #tpu.memory_space<hbm>>
      tpu.wait_dma2 semaphore(%run_scoped3A : memref<!tpu.dma_semaphore, #tpu.memory_space<semaphore_mem>>) src(%dma_wait3A_33 : memref<79x2x64xi32, #tpu.memory_space<hbm>>) dst(%arg8 : memref<79x2x64xi32, #tpu.memory_space<vmem>>)
      tpu.yield
    }) : () -> ()
    %mul3A_1 = arith.constant 632 : i32
    %mul3A_2 = arith.muli %arg1, %mul3A_1 : i32
    "tpu.region"() ({
      %run_scoped3A = tpu.sem_alloc : memref<!tpu.dma_semaphore, #tpu.memory_space<semaphore_mem>>
      %dma_start3A_15 = arith.constant 0 : i32
      %dma_start3A_16 = tpu.memref_slice %arg11[%mul3A_2, %dma_start3A_15] : memref<10112x128xf32, #tpu.memory_space<vmem_shared>> -> memref<632x128xf32, #tpu.memory_space<vmem_shared>>
      %dma_start3A_17 = arith.constant 0 : i32
      %dma_start3A_18 = tpu.memref_slice %arg5[%mul3A_2, %dma_start3A_17] : memref<10112x128xf32, #tpu.memory_space<hbm>> -> memref<632x128xf32, #tpu.memory_space<hbm>>
      tpu.enqueue_dma source(%dma_start3A_18 : memref<632x128xf32, #tpu.memory_space<hbm>>) target(%dma_start3A_16 : memref<632x128xf32, #tpu.memory_space<vmem_shared>>) target_semaphore(%run_scoped3A : memref<!tpu.dma_semaphore, #tpu.memory_space<semaphore_mem>>)
      %dma_wait3A = arith.constant 0 : i32
      %dma_wait3A_19 = tpu.memref_slice %arg11[%mul3A_2, %dma_wait3A] : memref<10112x128xf32, #tpu.memory_space<vmem_shared>> -> memref<632x128xf32, #tpu.memory_space<vmem_shared>>
      %dma_wait3A_20 = arith.constant 0 : i32
      %dma_wait3A_21 = tpu.memref_slice %arg5[%mul3A_2, %dma_wait3A_20] : memref<10112x128xf32, #tpu.memory_space<hbm>> -> memref<632x128xf32, #tpu.memory_space<hbm>>
      tpu.wait_dma2 semaphore(%run_scoped3A : memref<!tpu.dma_semaphore, #tpu.memory_space<semaphore_mem>>) src(%dma_wait3A_21 : memref<632x128xf32, #tpu.memory_space<hbm>>) dst(%dma_wait3A_19 : memref<632x128xf32, #tpu.memory_space<vmem_shared>>)
      tpu.yield
    }) : () -> ()
    %barrier3A = arith.constant 0 : index
    tpu.barrier barrier_id(%barrier3A)
    %dma_start3A = arith.constant 0 : i32
    %dma_start3A_3 = arith.constant 0 : i32
    %dma_start3A_4 = tpu.memref_slice %arg7[%dma_start3A, %dma_start3A_3] : memref<79x128xi32, #tpu.memory_space<vmem>> -> memref<1x64xi32, #tpu.memory_space<vmem>>
    %dma_start3A_5 = tpu.memref_squeeze %dma_start3A_4 : memref<1x64xi32, #tpu.memory_space<vmem>> -> memref<64xi32, #tpu.memory_space<vmem>>
    %dma_start3A_6 = arith.constant 0 : i32
    %dma_start3A_7 = arith.constant 0 : i32
    %dma_start3A_8 = tpu.memref_slice %arg2[%dma_start3A_6, %dma_start3A_7] : memref<10000x128xf32, #tpu.memory_space<hbm>> -> memref<10000x128xf32, #tpu.memory_space<hbm>>
    tpu.enqueue_indirect_dma source(%dma_start3A_8 : memref<10000x128xf32, #tpu.memory_space<hbm>>) target(%arg9 : memref<64x128xf32, #tpu.memory_space<vmem>>) offsets(%dma_start3A_5 : memref<64xi32, #tpu.memory_space<vmem>>) semaphore(%arg12 : memref<!tpu.dma_semaphore, #tpu.memory_space<semaphore_mem>>)
    %scan3A = arith.constant 0 : i32
    %scan3A_9 = arith.constant 0 : i32
    %scan3A_10 = arith.constant 79 : i32
    %scan3A_11 = arith.addi %scan3A_9, %scan3A_10 : i32
    %scan3A_12 = arith.constant 1 : i32
    scf.for %scan3A_15 = %scan3A_9 to %scan3A_11 step %scan3A_12  : i32 {
      %dma_start3A_16 = arith.constant 64 : i32
      %dma_start3A_17 = tpu.memref_slice %arg7[%scan3A_15, %dma_start3A_16] : memref<79x128xi32, #tpu.memory_space<vmem>> -> memref<1x64xi32, #tpu.memory_space<vmem>>
      %dma_start3A_18 = tpu.memref_squeeze %dma_start3A_17 : memref<1x64xi32, #tpu.memory_space<vmem>> -> memref<64xi32, #tpu.memory_space<vmem>>
      %dma_start3A_19 = arith.constant 0 : i32
      %dma_start3A_20 = arith.constant 0 : i32
      %dma_start3A_21 = tpu.memref_slice %arg2[%dma_start3A_19, %dma_start3A_20] : memref<10000x128xf32, #tpu.memory_space<hbm>> -> memref<10000x128xf32, #tpu.memory_space<hbm>>
      tpu.enqueue_indirect_dma source(%dma_start3A_21 : memref<10000x128xf32, #tpu.memory_space<hbm>>) target(%arg10 : memref<64x128xf32, #tpu.memory_space<vmem>>) offsets(%dma_start3A_18 : memref<64xi32, #tpu.memory_space<vmem>>) semaphore(%arg13 : memref<!tpu.dma_semaphore, #tpu.memory_space<semaphore_mem>>)
      %dma_wait3A = arith.constant 0 : i32
      %dma_wait3A_22 = tpu.memref_slice %arg7[%scan3A_15, %dma_wait3A] : memref<79x128xi32, #tpu.memory_space<vmem>> -> memref<1x64xi32, #tpu.memory_space<vmem>>
      %dma_wait3A_23 = tpu.memref_squeeze %dma_wait3A_22 : memref<1x64xi32, #tpu.memory_space<vmem>> -> memref<64xi32, #tpu.memory_space<vmem>>
      %dma_wait3A_24 = arith.constant 0 : i32
      %dma_wait3A_25 = arith.constant 0 : i32
      %dma_wait3A_26 = tpu.memref_slice %arg2[%dma_wait3A_24, %dma_wait3A_25] : memref<10000x128xf32, #tpu.memory_space<hbm>> -> memref<10000x128xf32, #tpu.memory_space<hbm>>
      tpu.wait_indirect_dma semaphore(%arg12 : memref<!tpu.dma_semaphore, #tpu.memory_space<semaphore_mem>>) src(%dma_wait3A_26 : memref<10000x128xf32, #tpu.memory_space<hbm>>) dst(%arg9 : memref<64x128xf32, #tpu.memory_space<vmem>>)
      %run_scoped3A = arith.constant 0 : i32
      "tpu.region"() ({
        %run_scoped3A_38 = tpu.sem_alloc : memref<!tpu.dma_semaphore, #tpu.memory_space<semaphore_mem>>
        %dma_start3A_39 = arith.constant 0 : i32
        %dma_start3A_40 = tpu.memref_slice %arg8[%scan3A_15, %run_scoped3A, %dma_start3A_39] : memref<79x2x64xi32, #tpu.memory_space<vmem>> -> memref<1x1x64xi32, #tpu.memory_space<vmem>>
        %dma_start3A_41 = tpu.memref_squeeze %dma_start3A_40 : memref<1x1x64xi32, #tpu.memory_space<vmem>> -> memref<64xi32, #tpu.memory_space<vmem>>
        %dma_start3A_42 = arith.constant 0 : i32
        %dma_start3A_43 = arith.constant 0 : i32
        %dma_start3A_44 = tpu.memref_slice %arg11[%dma_start3A_42, %dma_start3A_43] : memref<10112x128xf32, #tpu.memory_space<vmem_shared>> -> memref<10112x128xf32, #tpu.memory_space<vmem_shared>>
        tpu.enqueue_indirect_dma source(%arg9 : memref<64x128xf32, #tpu.memory_space<vmem>>) target(%dma_start3A_44 : memref<10112x128xf32, #tpu.memory_space<vmem_shared>>) offsets(%dma_start3A_41 : memref<64xi32, #tpu.memory_space<vmem>>) semaphore(%run_scoped3A_38 : memref<!tpu.dma_semaphore, #tpu.memory_space<semaphore_mem>>) {add = true}
        %dma_wait3A_45 = arith.constant 0 : i32
        %dma_wait3A_46 = tpu.memref_slice %arg8[%scan3A_15, %run_scoped3A, %dma_wait3A_45] : memref<79x2x64xi32, #tpu.memory_space<vmem>> -> memref<1x1x64xi32, #tpu.memory_space<vmem>>
        %dma_wait3A_47 = tpu.memref_squeeze %dma_wait3A_46 : memref<1x1x64xi32, #tpu.memory_space<vmem>> -> memref<64xi32, #tpu.memory_space<vmem>>
        %dma_wait3A_48 = arith.constant 0 : i32
        %dma_wait3A_49 = arith.constant 0 : i32
        %dma_wait3A_50 = tpu.memref_slice %arg11[%dma_wait3A_48, %dma_wait3A_49] : memref<10112x128xf32, #tpu.memory_space<vmem_shared>> -> memref<10112x128xf32, #tpu.memory_space<vmem_shared>>
        tpu.wait_indirect_dma semaphore(%run_scoped3A_38 : memref<!tpu.dma_semaphore, #tpu.memory_space<semaphore_mem>>) src(%arg9 : memref<64x128xf32, #tpu.memory_space<vmem>>) dst(%dma_wait3A_50 : memref<10112x128xf32, #tpu.memory_space<vmem_shared>>)
        tpu.yield
      }) : () -> ()
      %add3A_27 = arith.constant 1 : i32
      %add3A_28 = arith.addi %scan3A_15, %add3A_27 : i32
      %lt3A = arith.constant 79 : i32
      %lt3A_29 = arith.cmpi slt, %add3A_28, %lt3A : i32
      %convert_element_type3A = arith.extui %lt3A_29 : i1 to i32
      %cond3A = arith.constant 0 : i32
      %cond3A_30 = arith.cmpi ne, %convert_element_type3A, %cond3A : i32
      scf.if %cond3A_30 {
        %add3A_38 = arith.constant 1 : i32
        %add3A_39 = arith.addi %scan3A_15, %add3A_38 : i32
        %dma_start3A_40 = arith.constant 0 : i32
        %dma_start3A_41 = tpu.memref_slice %arg7[%add3A_39, %dma_start3A_40] : memref<79x128xi32, #tpu.memory_space<vmem>> -> memref<1x64xi32, #tpu.memory_space<vmem>>
        %dma_start3A_42 = tpu.memref_squeeze %dma_start3A_41 : memref<1x64xi32, #tpu.memory_space<vmem>> -> memref<64xi32, #tpu.memory_space<vmem>>
        %dma_start3A_43 = arith.constant 0 : i32
        %dma_start3A_44 = arith.constant 0 : i32
        %dma_start3A_45 = tpu.memref_slice %arg2[%dma_start3A_43, %dma_start3A_44] : memref<10000x128xf32, #tpu.memory_space<hbm>> -> memref<10000x128xf32, #tpu.memory_space<hbm>>
        tpu.enqueue_indirect_dma source(%dma_start3A_45 : memref<10000x128xf32, #tpu.memory_space<hbm>>) target(%arg9 : memref<64x128xf32, #tpu.memory_space<vmem>>) offsets(%dma_start3A_42 : memref<64xi32, #tpu.memory_space<vmem>>) semaphore(%arg12 : memref<!tpu.dma_semaphore, #tpu.memory_space<semaphore_mem>>)
      } else {
      }
      %dma_wait3A_31 = arith.constant 64 : i32
      %dma_wait3A_32 = tpu.memref_slice %arg7[%scan3A_15, %dma_wait3A_31] : memref<79x128xi32, #tpu.memory_space<vmem>> -> memref<1x64xi32, #tpu.memory_space<vmem>>
      %dma_wait3A_33 = tpu.memref_squeeze %dma_wait3A_32 : memref<1x64xi32, #tpu.memory_space<vmem>> -> memref<64xi32, #tpu.memory_space<vmem>>
      %dma_wait3A_34 = arith.constant 0 : i32
      %dma_wait3A_35 = arith.constant 0 : i32
      %dma_wait3A_36 = tpu.memref_slice %arg2[%dma_wait3A_34, %dma_wait3A_35] : memref<10000x128xf32, #tpu.memory_space<hbm>> -> memref<10000x128xf32, #tpu.memory_space<hbm>>
      tpu.wait_indirect_dma semaphore(%arg13 : memref<!tpu.dma_semaphore, #tpu.memory_space<semaphore_mem>>) src(%dma_wait3A_36 : memref<10000x128xf32, #tpu.memory_space<hbm>>) dst(%arg10 : memref<64x128xf32, #tpu.memory_space<vmem>>)
      %run_scoped3A_37 = arith.constant 1 : i32
      "tpu.region"() ({
        %run_scoped3A_38 = tpu.sem_alloc : memref<!tpu.dma_semaphore, #tpu.memory_space<semaphore_mem>>
        %dma_start3A_39 = arith.constant 0 : i32
        %dma_start3A_40 = tpu.memref_slice %arg8[%scan3A_15, %run_scoped3A_37, %dma_start3A_39] : memref<79x2x64xi32, #tpu.memory_space<vmem>> -> memref<1x1x64xi32, #tpu.memory_space<vmem>>
        %dma_start3A_41 = tpu.memref_squeeze %dma_start3A_40 : memref<1x1x64xi32, #tpu.memory_space<vmem>> -> memref<64xi32, #tpu.memory_space<vmem>>
        %dma_start3A_42 = arith.constant 0 : i32
        %dma_start3A_43 = arith.constant 0 : i32
        %dma_start3A_44 = tpu.memref_slice %arg11[%dma_start3A_42, %dma_start3A_43] : memref<10112x128xf32, #tpu.memory_space<vmem_shared>> -> memref<10112x128xf32, #tpu.memory_space<vmem_shared>>
        tpu.enqueue_indirect_dma source(%arg10 : memref<64x128xf32, #tpu.memory_space<vmem>>) target(%dma_start3A_44 : memref<10112x128xf32, #tpu.memory_space<vmem_shared>>) offsets(%dma_start3A_41 : memref<64xi32, #tpu.memory_space<vmem>>) semaphore(%run_scoped3A_38 : memref<!tpu.dma_semaphore, #tpu.memory_space<semaphore_mem>>) {add = true}
        %dma_wait3A_45 = arith.constant 0 : i32
        %dma_wait3A_46 = tpu.memref_slice %arg8[%scan3A_15, %run_scoped3A_37, %dma_wait3A_45] : memref<79x2x64xi32, #tpu.memory_space<vmem>> -> memref<1x1x64xi32, #tpu.memory_space<vmem>>
        %dma_wait3A_47 = tpu.memref_squeeze %dma_wait3A_46 : memref<1x1x64xi32, #tpu.memory_space<vmem>> -> memref<64xi32, #tpu.memory_space<vmem>>
        %dma_wait3A_48 = arith.constant 0 : i32
        %dma_wait3A_49 = arith.constant 0 : i32
        %dma_wait3A_50 = tpu.memref_slice %arg11[%dma_wait3A_48, %dma_wait3A_49] : memref<10112x128xf32, #tpu.memory_space<vmem_shared>> -> memref<10112x128xf32, #tpu.memory_space<vmem_shared>>
        tpu.wait_indirect_dma semaphore(%run_scoped3A_38 : memref<!tpu.dma_semaphore, #tpu.memory_space<semaphore_mem>>) src(%arg10 : memref<64x128xf32, #tpu.memory_space<vmem>>) dst(%dma_wait3A_50 : memref<10112x128xf32, #tpu.memory_space<vmem_shared>>)
        tpu.yield
      }) : () -> ()
    }
    %scan3A_13 = arith.constant 79 : i32
    %barrier3A_14 = arith.constant 0 : index
    tpu.barrier barrier_id(%barrier3A_14)
    "tpu.region"() ({
      %run_scoped3A = tpu.sem_alloc : memref<!tpu.dma_semaphore, #tpu.memory_space<semaphore_mem>>
      %dma_start3A_15 = arith.constant 0 : i32
      %dma_start3A_16 = tpu.memref_slice %arg6[%arg0, %mul3A_2, %dma_start3A_15] : memref<2x10112x128xf32, #tpu.memory_space<hbm>> -> memref<1x632x128xf32, #tpu.memory_space<hbm>>
      %dma_start3A_17 = tpu.memref_squeeze %dma_start3A_16 : memref<1x632x128xf32, #tpu.memory_space<hbm>> -> memref<632x128xf32, #tpu.memory_space<hbm>>
      %dma_start3A_18 = arith.constant 0 : i32
      %dma_start3A_19 = tpu.memref_slice %arg11[%mul3A_2, %dma_start3A_18] : memref<10112x128xf32, #tpu.memory_space<vmem_shared>> -> memref<632x128xf32, #tpu.memory_space<vmem_shared>>
      tpu.enqueue_dma source(%dma_start3A_19 : memref<632x128xf32, #tpu.memory_space<vmem_shared>>) target(%dma_start3A_17 : memref<632x128xf32, #tpu.memory_space<hbm>>) target_semaphore(%run_scoped3A : memref<!tpu.dma_semaphore, #tpu.memory_space<semaphore_mem>>)
      %dma_wait3A = arith.constant 0 : i32
      %dma_wait3A_20 = tpu.memref_slice %arg6[%arg0, %mul3A_2, %dma_wait3A] : memref<2x10112x128xf32, #tpu.memory_space<hbm>> -> memref<1x632x128xf32, #tpu.memory_space<hbm>>
      %dma_wait3A_21 = tpu.memref_squeeze %dma_wait3A_20 : memref<1x632x128xf32, #tpu.memory_space<hbm>> -> memref<632x128xf32, #tpu.memory_space<hbm>>
      %dma_wait3A_22 = arith.constant 0 : i32
      %dma_wait3A_23 = tpu.memref_slice %arg11[%mul3A_2, %dma_wait3A_22] : memref<10112x128xf32, #tpu.memory_space<vmem_shared>> -> memref<632x128xf32, #tpu.memory_space<vmem_shared>>
      tpu.wait_dma2 semaphore(%run_scoped3A : memref<!tpu.dma_semaphore, #tpu.memory_space<semaphore_mem>>) src(%dma_wait3A_23 : memref<632x128xf32, #tpu.memory_space<vmem_shared>>) dst(%dma_wait3A_21 : memref<632x128xf32, #tpu.memory_space<hbm>>)
      tpu.yield
    }) : () -> ()
    return
  }
}

#map = affine_map<(d0, d1) -> (0, 0)>
#map1 = affine_map<(d0, d1) -> (0, 0, 0)>
#map2 = affine_map<(d0, d1) -> (0, 0, 0, 0)>
module attributes {stable_mosaic.version = 14 : i64} {
  func.func @_sc_step_body(%arg0: i32, %arg1: i32, %arg2: memref<10000x128xf32, #tpu.memory_space<hbm>>, %arg3: memref<32x79x128xi32, #tpu.memory_space<hbm>>, %arg4: memref<32x79x2x64xi32, #tpu.memory_space<hbm>>, %arg5: memref<10112x128xf32, #tpu.memory_space<hbm>>, %arg6: memref<2x10112x128xf32, #tpu.memory_space<hbm>>, %arg7: memref<79x128xi32, #tpu.memory_space<vmem>>, %arg8: memref<79x2x64xi32, #tpu.memory_space<vmem>>, %arg9: memref<64x128xf32, #tpu.memory_space<vmem>>, %arg10: memref<64x128xf32, #tpu.memory_space<vmem>>, %arg11: memref<10112x128xf32, #tpu.memory_space<vmem_shared>>, %arg12: memref<!tpu.dma_semaphore, #tpu.memory_space<semaphore_mem>>, %arg13: memref<!tpu.dma_semaphore, #tpu.memory_space<semaphore_mem>>) attributes {dimension_semantics = [#tpu.dimension_semantics<core_parallel>, #tpu.dimension_semantics<subcore_parallel>], iteration_bounds = array<i64: 2, 16>, scalar_prefetch = 0 : i64, scratch_operands = 7 : i64, tpu.core_type = #tpu.core_type<sc_vector_subcore>, window_params = [{transform_indices = #map}, {transform_indices = #map1}, {transform_indices = #map2}, {transform_indices = #map}, {transform_indices = #map1}]} {
    %mul3A = arith.constant 16 : i32
    %mul3A_0 = arith.muli %arg0, %mul3A : i32
    %add3A = arith.addi %mul3A_0, %arg1 : i32
    "tpu.region"() ({
      %run_scoped3A = tpu.sem_alloc : memref<!tpu.dma_semaphore, #tpu.memory_space<semaphore_mem>>
      %dma_start3A_15 = arith.constant 0 : i32
      %dma_start3A_16 = arith.constant 0 : i32
      %dma_start3A_17 = tpu.memref_slice %arg3[%add3A, %dma_start3A_15, %dma_start3A_16] : memref<32x79x128xi32, #tpu.memory_space<hbm>> -> memref<1x79x128xi32, #tpu.memory_space<hbm>>
      %dma_start3A_18 = tpu.memref_squeeze %dma_start3A_17 : memref<1x79x128xi32, #tpu.memory_space<hbm>> -> memref<79x128xi32, #tpu.memory_space<hbm>>
      %dma_start3A_19 = arith.constant 0 : i32
      %dma_start3A_20 = arith.constant 0 : i32
      %dma_start3A_21 = tpu.memref_slice %arg3[%add3A, %dma_start3A_19, %dma_start3A_20] : memref<32x79x128xi32, #tpu.memory_space<hbm>> -> memref<1x79x128xi32, #tpu.memory_space<hbm>>
      %dma_start3A_22 = tpu.memref_squeeze %dma_start3A_21 : memref<1x79x128xi32, #tpu.memory_space<hbm>> -> memref<79x128xi32, #tpu.memory_space<hbm>>
      tpu.enqueue_dma source(%dma_start3A_22 : memref<79x128xi32, #tpu.memory_space<hbm>>) target(%arg7 : memref<79x128xi32, #tpu.memory_space<vmem>>) target_semaphore(%run_scoped3A : memref<!tpu.dma_semaphore, #tpu.memory_space<semaphore_mem>>)
      %dma_wait3A = arith.constant 0 : i32
      %dma_wait3A_23 = arith.constant 0 : i32
      %dma_wait3A_24 = tpu.memref_slice %arg3[%add3A, %dma_wait3A, %dma_wait3A_23] : memref<32x79x128xi32, #tpu.memory_space<hbm>> -> memref<1x79x128xi32, #tpu.memory_space<hbm>>
      %dma_wait3A_25 = tpu.memref_squeeze %dma_wait3A_24 : memref<1x79x128xi32, #tpu.memory_space<hbm>> -> memref<79x128xi32, #tpu.memory_space<hbm>>
      %dma_wait3A_26 = arith.constant 0 : i32
      %dma_wait3A_27 = arith.constant 0 : i32
      %dma_wait3A_28 = tpu.memref_slice %arg3[%add3A, %dma_wait3A_26, %dma_wait3A_27] : memref<32x79x128xi32, #tpu.memory_space<hbm>> -> memref<1x79x128xi32, #tpu.memory_space<hbm>>
      %dma_wait3A_29 = tpu.memref_squeeze %dma_wait3A_28 : memref<1x79x128xi32, #tpu.memory_space<hbm>> -> memref<79x128xi32, #tpu.memory_space<hbm>>
      tpu.wait_dma2 semaphore(%run_scoped3A : memref<!tpu.dma_semaphore, #tpu.memory_space<semaphore_mem>>) src(%dma_wait3A_29 : memref<79x128xi32, #tpu.memory_space<hbm>>) dst(%arg7 : memref<79x128xi32, #tpu.memory_space<vmem>>)
      tpu.yield
    }) : () -> ()
    "tpu.region"() ({
      %run_scoped3A = tpu.sem_alloc : memref<!tpu.dma_semaphore, #tpu.memory_space<semaphore_mem>>
      %dma_start3A_15 = arith.constant 0 : i32
      %dma_start3A_16 = arith.constant 0 : i32
      %dma_start3A_17 = arith.constant 0 : i32
      %dma_start3A_18 = tpu.memref_slice %arg4[%add3A, %dma_start3A_15, %dma_start3A_16, %dma_start3A_17] : memref<32x79x2x64xi32, #tpu.memory_space<hbm>> -> memref<1x79x2x64xi32, #tpu.memory_space<hbm>>
      %dma_start3A_19 = tpu.memref_squeeze %dma_start3A_18 : memref<1x79x2x64xi32, #tpu.memory_space<hbm>> -> memref<79x2x64xi32, #tpu.memory_space<hbm>>
      %dma_start3A_20 = arith.constant 0 : i32
      %dma_start3A_21 = arith.constant 0 : i32
      %dma_start3A_22 = arith.constant 0 : i32
      %dma_start3A_23 = tpu.memref_slice %arg4[%add3A, %dma_start3A_20, %dma_start3A_21, %dma_start3A_22] : memref<32x79x2x64xi32, #tpu.memory_space<hbm>> -> memref<1x79x2x64xi32, #tpu.memory_space<hbm>>
      %dma_start3A_24 = tpu.memref_squeeze %dma_start3A_23 : memref<1x79x2x64xi32, #tpu.memory_space<hbm>> -> memref<79x2x64xi32, #tpu.memory_space<hbm>>
      tpu.enqueue_dma source(%dma_start3A_24 : memref<79x2x64xi32, #tpu.memory_space<hbm>>) target(%arg8 : memref<79x2x64xi32, #tpu.memory_space<vmem>>) target_semaphore(%run_scoped3A : memref<!tpu.dma_semaphore, #tpu.memory_space<semaphore_mem>>)
      %dma_wait3A = arith.constant 0 : i32
      %dma_wait3A_25 = arith.constant 0 : i32
      %dma_wait3A_26 = arith.constant 0 : i32
      %dma_wait3A_27 = tpu.memref_slice %arg4[%add3A, %dma_wait3A, %dma_wait3A_25, %dma_wait3A_26] : memref<32x79x2x64xi32, #tpu.memory_space<hbm>> -> memref<1x79x2x64xi32, #tpu.memory_space<hbm>>
      %dma_wait3A_28 = tpu.memref_squeeze %dma_wait3A_27 : memref<1x79x2x64xi32, #tpu.memory_space<hbm>> -> memref<79x2x64xi32, #tpu.memory_space<hbm>>
      %dma_wait3A_29 = arith.constant 0 : i32
      %dma_wait3A_30 = arith.constant 0 : i32
      %dma_wait3A_31 = arith.constant 0 : i32
      %dma_wait3A_32 = tpu.memref_slice %arg4[%add3A, %dma_wait3A_29, %dma_wait3A_30, %dma_wait3A_31] : memref<32x79x2x64xi32, #tpu.memory_space<hbm>> -> memref<1x79x2x64xi32, #tpu.memory_space<hbm>>
      %dma_wait3A_33 = tpu.memref_squeeze %dma_wait3A_32 : memref<1x79x2x64xi32, #tpu.memory_space<hbm>> -> memref<79x2x64xi32, #tpu.memory_space<hbm>>
      tpu.wait_dma2 semaphore(%run_scoped3A : memref<!tpu.dma_semaphore, #tpu.memory_space<semaphore_mem>>) src(%dma_wait3A_33 : memref<79x2x64xi32, #tpu.memory_space<hbm>>) dst(%arg8 : memref<79x2x64xi32, #tpu.memory_space<vmem>>)
      tpu.yield
    }) : () -> ()
    %mul3A_1 = arith.constant 632 : i32
    %mul3A_2 = arith.muli %arg1, %mul3A_1 : i32
    "tpu.region"() ({
      %run_scoped3A = tpu.sem_alloc : memref<!tpu.dma_semaphore, #tpu.memory_space<semaphore_mem>>
      %dma_start3A_15 = arith.constant 0 : i32
      %dma_start3A_16 = tpu.memref_slice %arg11[%mul3A_2, %dma_start3A_15] : memref<10112x128xf32, #tpu.memory_space<vmem_shared>> -> memref<632x128xf32, #tpu.memory_space<vmem_shared>>
      %dma_start3A_17 = arith.constant 0 : i32
      %dma_start3A_18 = tpu.memref_slice %arg5[%mul3A_2, %dma_start3A_17] : memref<10112x128xf32, #tpu.memory_space<hbm>> -> memref<632x128xf32, #tpu.memory_space<hbm>>
      tpu.enqueue_dma source(%dma_start3A_18 : memref<632x128xf32, #tpu.memory_space<hbm>>) target(%dma_start3A_16 : memref<632x128xf32, #tpu.memory_space<vmem_shared>>) target_semaphore(%run_scoped3A : memref<!tpu.dma_semaphore, #tpu.memory_space<semaphore_mem>>)
      %dma_wait3A = arith.constant 0 : i32
      %dma_wait3A_19 = tpu.memref_slice %arg11[%mul3A_2, %dma_wait3A] : memref<10112x128xf32, #tpu.memory_space<vmem_shared>> -> memref<632x128xf32, #tpu.memory_space<vmem_shared>>
      %dma_wait3A_20 = arith.constant 0 : i32
      %dma_wait3A_21 = tpu.memref_slice %arg5[%mul3A_2, %dma_wait3A_20] : memref<10112x128xf32, #tpu.memory_space<hbm>> -> memref<632x128xf32, #tpu.memory_space<hbm>>
      tpu.wait_dma2 semaphore(%run_scoped3A : memref<!tpu.dma_semaphore, #tpu.memory_space<semaphore_mem>>) src(%dma_wait3A_21 : memref<632x128xf32, #tpu.memory_space<hbm>>) dst(%dma_wait3A_19 : memref<632x128xf32, #tpu.memory_space<vmem_shared>>)
      tpu.yield
    }) : () -> ()
    %barrier3A = arith.constant 0 : index
    tpu.barrier barrier_id(%barrier3A)
    %dma_start3A = arith.constant 0 : i32
    %dma_start3A_3 = arith.constant 0 : i32
    %dma_start3A_4 = tpu.memref_slice %arg7[%dma_start3A, %dma_start3A_3] : memref<79x128xi32, #tpu.memory_space<vmem>> -> memref<1x64xi32, #tpu.memory_space<vmem>>
    %dma_start3A_5 = tpu.memref_squeeze %dma_start3A_4 : memref<1x64xi32, #tpu.memory_space<vmem>> -> memref<64xi32, #tpu.memory_space<vmem>>
    %dma_start3A_6 = arith.constant 0 : i32
    %dma_start3A_7 = arith.constant 0 : i32
    %dma_start3A_8 = tpu.memref_slice %arg2[%dma_start3A_6, %dma_start3A_7] : memref<10000x128xf32, #tpu.memory_space<hbm>> -> memref<10000x128xf32, #tpu.memory_space<hbm>>
    tpu.enqueue_indirect_dma source(%dma_start3A_8 : memref<10000x128xf32, #tpu.memory_space<hbm>>) target(%arg9 : memref<64x128xf32, #tpu.memory_space<vmem>>) offsets(%dma_start3A_5 : memref<64xi32, #tpu.memory_space<vmem>>) semaphore(%arg12 : memref<!tpu.dma_semaphore, #tpu.memory_space<semaphore_mem>>)
    %scan3A = arith.constant 0 : i32
    %scan3A_9 = arith.constant 0 : i32
    %scan3A_10 = arith.constant 79 : i32
    %scan3A_11 = arith.addi %scan3A_9, %scan3A_10 : i32
    %scan3A_12 = arith.constant 1 : i32
    scf.for %scan3A_15 = %scan3A_9 to %scan3A_11 step %scan3A_12  : i32 {
      %dma_start3A_16 = arith.constant 64 : i32
      %dma_start3A_17 = tpu.memref_slice %arg7[%scan3A_15, %dma_start3A_16] : memref<79x128xi32, #tpu.memory_space<vmem>> -> memref<1x64xi32, #tpu.memory_space<vmem>>
      %dma_start3A_18 = tpu.memref_squeeze %dma_start3A_17 : memref<1x64xi32, #tpu.memory_space<vmem>> -> memref<64xi32, #tpu.memory_space<vmem>>
      %dma_start3A_19 = arith.constant 0 : i32
      %dma_start3A_20 = arith.constant 0 : i32
      %dma_start3A_21 = tpu.memref_slice %arg2[%dma_start3A_19, %dma_start3A_20] : memref<10000x128xf32, #tpu.memory_space<hbm>> -> memref<10000x128xf32, #tpu.memory_space<hbm>>
      tpu.enqueue_indirect_dma source(%dma_start3A_21 : memref<10000x128xf32, #tpu.memory_space<hbm>>) target(%arg10 : memref<64x128xf32, #tpu.memory_space<vmem>>) offsets(%dma_start3A_18 : memref<64xi32, #tpu.memory_space<vmem>>) semaphore(%arg13 : memref<!tpu.dma_semaphore, #tpu.memory_space<semaphore_mem>>)
      %dma_wait3A = arith.constant 0 : i32
      %dma_wait3A_22 = tpu.memref_slice %arg7[%scan3A_15, %dma_wait3A] : memref<79x128xi32, #tpu.memory_space<vmem>> -> memref<1x64xi32, #tpu.memory_space<vmem>>
      %dma_wait3A_23 = tpu.memref_squeeze %dma_wait3A_22 : memref<1x64xi32, #tpu.memory_space<vmem>> -> memref<64xi32, #tpu.memory_space<vmem>>
      %dma_wait3A_24 = arith.constant 0 : i32
      %dma_wait3A_25 = arith.constant 0 : i32
      %dma_wait3A_26 = tpu.memref_slice %arg2[%dma_wait3A_24, %dma_wait3A_25] : memref<10000x128xf32, #tpu.memory_space<hbm>> -> memref<10000x128xf32, #tpu.memory_space<hbm>>
      tpu.wait_indirect_dma semaphore(%arg12 : memref<!tpu.dma_semaphore, #tpu.memory_space<semaphore_mem>>) src(%dma_wait3A_26 : memref<10000x128xf32, #tpu.memory_space<hbm>>) dst(%arg9 : memref<64x128xf32, #tpu.memory_space<vmem>>)
      %run_scoped3A = arith.constant 0 : i32
      "tpu.region"() ({
        %run_scoped3A_38 = tpu.sem_alloc : memref<!tpu.dma_semaphore, #tpu.memory_space<semaphore_mem>>
        %dma_start3A_39 = arith.constant 0 : i32
        %dma_start3A_40 = tpu.memref_slice %arg8[%scan3A_15, %run_scoped3A, %dma_start3A_39] : memref<79x2x64xi32, #tpu.memory_space<vmem>> -> memref<1x1x64xi32, #tpu.memory_space<vmem>>
        %dma_start3A_41 = tpu.memref_squeeze %dma_start3A_40 : memref<1x1x64xi32, #tpu.memory_space<vmem>> -> memref<64xi32, #tpu.memory_space<vmem>>
        %dma_start3A_42 = arith.constant 0 : i32
        %dma_start3A_43 = arith.constant 0 : i32
        %dma_start3A_44 = tpu.memref_slice %arg11[%dma_start3A_42, %dma_start3A_43] : memref<10112x128xf32, #tpu.memory_space<vmem_shared>> -> memref<10112x128xf32, #tpu.memory_space<vmem_shared>>
        tpu.enqueue_indirect_dma source(%arg9 : memref<64x128xf32, #tpu.memory_space<vmem>>) target(%dma_start3A_44 : memref<10112x128xf32, #tpu.memory_space<vmem_shared>>) offsets(%dma_start3A_41 : memref<64xi32, #tpu.memory_space<vmem>>) semaphore(%run_scoped3A_38 : memref<!tpu.dma_semaphore, #tpu.memory_space<semaphore_mem>>) {add = true}
        %dma_wait3A_45 = arith.constant 0 : i32
        %dma_wait3A_46 = tpu.memref_slice %arg8[%scan3A_15, %run_scoped3A, %dma_wait3A_45] : memref<79x2x64xi32, #tpu.memory_space<vmem>> -> memref<1x1x64xi32, #tpu.memory_space<vmem>>
        %dma_wait3A_47 = tpu.memref_squeeze %dma_wait3A_46 : memref<1x1x64xi32, #tpu.memory_space<vmem>> -> memref<64xi32, #tpu.memory_space<vmem>>
        %dma_wait3A_48 = arith.constant 0 : i32
        %dma_wait3A_49 = arith.constant 0 : i32
        %dma_wait3A_50 = tpu.memref_slice %arg11[%dma_wait3A_48, %dma_wait3A_49] : memref<10112x128xf32, #tpu.memory_space<vmem_shared>> -> memref<10112x128xf32, #tpu.memory_space<vmem_shared>>
        tpu.wait_indirect_dma semaphore(%run_scoped3A_38 : memref<!tpu.dma_semaphore, #tpu.memory_space<semaphore_mem>>) src(%arg9 : memref<64x128xf32, #tpu.memory_space<vmem>>) dst(%dma_wait3A_50 : memref<10112x128xf32, #tpu.memory_space<vmem_shared>>)
        tpu.yield
      }) : () -> ()
      %add3A_27 = arith.constant 1 : i32
      %add3A_28 = arith.addi %scan3A_15, %add3A_27 : i32
      %lt3A = arith.constant 79 : i32
      %lt3A_29 = arith.cmpi slt, %add3A_28, %lt3A : i32
      %convert_element_type3A = arith.extui %lt3A_29 : i1 to i32
      %cond3A = arith.constant 0 : i32
      %cond3A_30 = arith.cmpi ne, %convert_element_type3A, %cond3A : i32
      scf.if %cond3A_30 {
        %add3A_38 = arith.constant 1 : i32
        %add3A_39 = arith.addi %scan3A_15, %add3A_38 : i32
        %dma_start3A_40 = arith.constant 0 : i32
        %dma_start3A_41 = tpu.memref_slice %arg7[%add3A_39, %dma_start3A_40] : memref<79x128xi32, #tpu.memory_space<vmem>> -> memref<1x64xi32, #tpu.memory_space<vmem>>
        %dma_start3A_42 = tpu.memref_squeeze %dma_start3A_41 : memref<1x64xi32, #tpu.memory_space<vmem>> -> memref<64xi32, #tpu.memory_space<vmem>>
        %dma_start3A_43 = arith.constant 0 : i32
        %dma_start3A_44 = arith.constant 0 : i32
        %dma_start3A_45 = tpu.memref_slice %arg2[%dma_start3A_43, %dma_start3A_44] : memref<10000x128xf32, #tpu.memory_space<hbm>> -> memref<10000x128xf32, #tpu.memory_space<hbm>>
        tpu.enqueue_indirect_dma source(%dma_start3A_45 : memref<10000x128xf32, #tpu.memory_space<hbm>>) target(%arg9 : memref<64x128xf32, #tpu.memory_space<vmem>>) offsets(%dma_start3A_42 : memref<64xi32, #tpu.memory_space<vmem>>) semaphore(%arg12 : memref<!tpu.dma_semaphore, #tpu.memory_space<semaphore_mem>>)
      } else {
      }
      %dma_wait3A_31 = arith.constant 64 : i32
      %dma_wait3A_32 = tpu.memref_slice %arg7[%scan3A_15, %dma_wait3A_31] : memref<79x128xi32, #tpu.memory_space<vmem>> -> memref<1x64xi32, #tpu.memory_space<vmem>>
      %dma_wait3A_33 = tpu.memref_squeeze %dma_wait3A_32 : memref<1x64xi32, #tpu.memory_space<vmem>> -> memref<64xi32, #tpu.memory_space<vmem>>
      %dma_wait3A_34 = arith.constant 0 : i32
      %dma_wait3A_35 = arith.constant 0 : i32
      %dma_wait3A_36 = tpu.memref_slice %arg2[%dma_wait3A_34, %dma_wait3A_35] : memref<10000x128xf32, #tpu.memory_space<hbm>> -> memref<10000x128xf32, #tpu.memory_space<hbm>>
      tpu.wait_indirect_dma semaphore(%arg13 : memref<!tpu.dma_semaphore, #tpu.memory_space<semaphore_mem>>) src(%dma_wait3A_36 : memref<10000x128xf32, #tpu.memory_space<hbm>>) dst(%arg10 : memref<64x128xf32, #tpu.memory_space<vmem>>)
      %run_scoped3A_37 = arith.constant 1 : i32
      "tpu.region"() ({
        %run_scoped3A_38 = tpu.sem_alloc : memref<!tpu.dma_semaphore, #tpu.memory_space<semaphore_mem>>
        %dma_start3A_39 = arith.constant 0 : i32
        %dma_start3A_40 = tpu.memref_slice %arg8[%scan3A_15, %run_scoped3A_37, %dma_start3A_39] : memref<79x2x64xi32, #tpu.memory_space<vmem>> -> memref<1x1x64xi32, #tpu.memory_space<vmem>>
        %dma_start3A_41 = tpu.memref_squeeze %dma_start3A_40 : memref<1x1x64xi32, #tpu.memory_space<vmem>> -> memref<64xi32, #tpu.memory_space<vmem>>
        %dma_start3A_42 = arith.constant 0 : i32
        %dma_start3A_43 = arith.constant 0 : i32
        %dma_start3A_44 = tpu.memref_slice %arg11[%dma_start3A_42, %dma_start3A_43] : memref<10112x128xf32, #tpu.memory_space<vmem_shared>> -> memref<10112x128xf32, #tpu.memory_space<vmem_shared>>
        tpu.enqueue_indirect_dma source(%arg10 : memref<64x128xf32, #tpu.memory_space<vmem>>) target(%dma_start3A_44 : memref<10112x128xf32, #tpu.memory_space<vmem_shared>>) offsets(%dma_start3A_41 : memref<64xi32, #tpu.memory_space<vmem>>) semaphore(%run_scoped3A_38 : memref<!tpu.dma_semaphore, #tpu.memory_space<semaphore_mem>>) {add = true}
        %dma_wait3A_45 = arith.constant 0 : i32
        %dma_wait3A_46 = tpu.memref_slice %arg8[%scan3A_15, %run_scoped3A_37, %dma_wait3A_45] : memref<79x2x64xi32, #tpu.memory_space<vmem>> -> memref<1x1x64xi32, #tpu.memory_space<vmem>>
        %dma_wait3A_47 = tpu.memref_squeeze %dma_wait3A_46 : memref<1x1x64xi32, #tpu.memory_space<vmem>> -> memref<64xi32, #tpu.memory_space<vmem>>
        %dma_wait3A_48 = arith.constant 0 : i32
        %dma_wait3A_49 = arith.constant 0 : i32
        %dma_wait3A_50 = tpu.memref_slice %arg11[%dma_wait3A_48, %dma_wait3A_49] : memref<10112x128xf32, #tpu.memory_space<vmem_shared>> -> memref<10112x128xf32, #tpu.memory_space<vmem_shared>>
        tpu.wait_indirect_dma semaphore(%run_scoped3A_38 : memref<!tpu.dma_semaphore, #tpu.memory_space<semaphore_mem>>) src(%arg10 : memref<64x128xf32, #tpu.memory_space<vmem>>) dst(%dma_wait3A_50 : memref<10112x128xf32, #tpu.memory_space<vmem_shared>>)
        tpu.yield
      }) : () -> ()
    }
    %scan3A_13 = arith.constant 79 : i32
    %barrier3A_14 = arith.constant 0 : index
    tpu.barrier barrier_id(%barrier3A_14)
    "tpu.region"() ({
      %run_scoped3A = tpu.sem_alloc : memref<!tpu.dma_semaphore, #tpu.memory_space<semaphore_mem>>
      %dma_start3A_15 = arith.constant 0 : i32
      %dma_start3A_16 = tpu.memref_slice %arg6[%arg0, %mul3A_2, %dma_start3A_15] : memref<2x10112x128xf32, #tpu.memory_space<hbm>> -> memref<1x632x128xf32, #tpu.memory_space<hbm>>
      %dma_start3A_17 = tpu.memref_squeeze %dma_start3A_16 : memref<1x632x128xf32, #tpu.memory_space<hbm>> -> memref<632x128xf32, #tpu.memory_space<hbm>>
      %dma_start3A_18 = arith.constant 0 : i32
      %dma_start3A_19 = tpu.memref_slice %arg11[%mul3A_2, %dma_start3A_18] : memref<10112x128xf32, #tpu.memory_space<vmem_shared>> -> memref<632x128xf32, #tpu.memory_space<vmem_shared>>
      tpu.enqueue_dma source(%dma_start3A_19 : memref<632x128xf32, #tpu.memory_space<vmem_shared>>) target(%dma_start3A_17 : memref<632x128xf32, #tpu.memory_space<hbm>>) target_semaphore(%run_scoped3A : memref<!tpu.dma_semaphore, #tpu.memory_space<semaphore_mem>>)
      %dma_wait3A = arith.constant 0 : i32
      %dma_wait3A_20 = tpu.memref_slice %arg6[%arg0, %mul3A_2, %dma_wait3A] : memref<2x10112x128xf32, #tpu.memory_space<hbm>> -> memref<1x632x128xf32, #tpu.memory_space<hbm>>
      %dma_wait3A_21 = tpu.memref_squeeze %dma_wait3A_20 : memref<1x632x128xf32, #tpu.memory_space<hbm>> -> memref<632x128xf32, #tpu.memory_space<hbm>>
      %dma_wait3A_22 = arith.constant 0 : i32
      %dma_wait3A_23 = tpu.memref_slice %arg11[%mul3A_2, %dma_wait3A_22] : memref<10112x128xf32, #tpu.memory_space<vmem_shared>> -> memref<632x128xf32, #tpu.memory_space<vmem_shared>>
      tpu.wait_dma2 semaphore(%run_scoped3A : memref<!tpu.dma_semaphore, #tpu.memory_space<semaphore_mem>>) src(%dma_wait3A_23 : memref<632x128xf32, #tpu.memory_space<vmem_shared>>) dst(%dma_wait3A_21 : memref<632x128xf32, #tpu.memory_space<hbm>>)
      tpu.yield
    }) : () -> ()
    return
  }
}

#map = affine_map<(d0, d1) -> (0, 0)>
#map1 = affine_map<(d0, d1) -> (0, 0, 0)>
#map2 = affine_map<(d0, d1) -> (0, 0, 0, 0)>
module attributes {stable_mosaic.version = 14 : i64} {
  func.func @_sc_step_body(%arg0: i32, %arg1: i32, %arg2: memref<10000x128xf32, #tpu.memory_space<hbm>>, %arg3: memref<32x79x128xi32, #tpu.memory_space<hbm>>, %arg4: memref<32x79x2x64xi32, #tpu.memory_space<hbm>>, %arg5: memref<10112x128xf32, #tpu.memory_space<hbm>>, %arg6: memref<2x10112x128xf32, #tpu.memory_space<hbm>>, %arg7: memref<79x128xi32, #tpu.memory_space<vmem>>, %arg8: memref<79x2x64xi32, #tpu.memory_space<vmem>>, %arg9: memref<64x128xf32, #tpu.memory_space<vmem>>, %arg10: memref<64x128xf32, #tpu.memory_space<vmem>>, %arg11: memref<10112x128xf32, #tpu.memory_space<vmem_shared>>, %arg12: memref<!tpu.dma_semaphore, #tpu.memory_space<semaphore_mem>>, %arg13: memref<!tpu.dma_semaphore, #tpu.memory_space<semaphore_mem>>) attributes {dimension_semantics = [#tpu.dimension_semantics<core_parallel>, #tpu.dimension_semantics<subcore_parallel>], iteration_bounds = array<i64: 2, 16>, scalar_prefetch = 0 : i64, scratch_operands = 7 : i64, tpu.core_type = #tpu.core_type<sc_vector_subcore>, window_params = [{transform_indices = #map}, {transform_indices = #map1}, {transform_indices = #map2}, {transform_indices = #map}, {transform_indices = #map1}]} {
    %mul3A = arith.constant 16 : i32
    %mul3A_0 = arith.muli %arg0, %mul3A : i32
    %add3A = arith.addi %mul3A_0, %arg1 : i32
    "tpu.region"() ({
      %run_scoped3A = tpu.sem_alloc : memref<!tpu.dma_semaphore, #tpu.memory_space<semaphore_mem>>
      %dma_start3A_15 = arith.constant 0 : i32
      %dma_start3A_16 = arith.constant 0 : i32
      %dma_start3A_17 = tpu.memref_slice %arg3[%add3A, %dma_start3A_15, %dma_start3A_16] : memref<32x79x128xi32, #tpu.memory_space<hbm>> -> memref<1x79x128xi32, #tpu.memory_space<hbm>>
      %dma_start3A_18 = tpu.memref_squeeze %dma_start3A_17 : memref<1x79x128xi32, #tpu.memory_space<hbm>> -> memref<79x128xi32, #tpu.memory_space<hbm>>
      %dma_start3A_19 = arith.constant 0 : i32
      %dma_start3A_20 = arith.constant 0 : i32
      %dma_start3A_21 = tpu.memref_slice %arg3[%add3A, %dma_start3A_19, %dma_start3A_20] : memref<32x79x128xi32, #tpu.memory_space<hbm>> -> memref<1x79x128xi32, #tpu.memory_space<hbm>>
      %dma_start3A_22 = tpu.memref_squeeze %dma_start3A_21 : memref<1x79x128xi32, #tpu.memory_space<hbm>> -> memref<79x128xi32, #tpu.memory_space<hbm>>
      tpu.enqueue_dma source(%dma_start3A_22 : memref<79x128xi32, #tpu.memory_space<hbm>>) target(%arg7 : memref<79x128xi32, #tpu.memory_space<vmem>>) target_semaphore(%run_scoped3A : memref<!tpu.dma_semaphore, #tpu.memory_space<semaphore_mem>>)
      %dma_wait3A = arith.constant 0 : i32
      %dma_wait3A_23 = arith.constant 0 : i32
      %dma_wait3A_24 = tpu.memref_slice %arg3[%add3A, %dma_wait3A, %dma_wait3A_23] : memref<32x79x128xi32, #tpu.memory_space<hbm>> -> memref<1x79x128xi32, #tpu.memory_space<hbm>>
      %dma_wait3A_25 = tpu.memref_squeeze %dma_wait3A_24 : memref<1x79x128xi32, #tpu.memory_space<hbm>> -> memref<79x128xi32, #tpu.memory_space<hbm>>
      %dma_wait3A_26 = arith.constant 0 : i32
      %dma_wait3A_27 = arith.constant 0 : i32
      %dma_wait3A_28 = tpu.memref_slice %arg3[%add3A, %dma_wait3A_26, %dma_wait3A_27] : memref<32x79x128xi32, #tpu.memory_space<hbm>> -> memref<1x79x128xi32, #tpu.memory_space<hbm>>
      %dma_wait3A_29 = tpu.memref_squeeze %dma_wait3A_28 : memref<1x79x128xi32, #tpu.memory_space<hbm>> -> memref<79x128xi32, #tpu.memory_space<hbm>>
      tpu.wait_dma2 semaphore(%run_scoped3A : memref<!tpu.dma_semaphore, #tpu.memory_space<semaphore_mem>>) src(%dma_wait3A_29 : memref<79x128xi32, #tpu.memory_space<hbm>>) dst(%arg7 : memref<79x128xi32, #tpu.memory_space<vmem>>)
      tpu.yield
    }) : () -> ()
    "tpu.region"() ({
      %run_scoped3A = tpu.sem_alloc : memref<!tpu.dma_semaphore, #tpu.memory_space<semaphore_mem>>
      %dma_start3A_15 = arith.constant 0 : i32
      %dma_start3A_16 = arith.constant 0 : i32
      %dma_start3A_17 = arith.constant 0 : i32
      %dma_start3A_18 = tpu.memref_slice %arg4[%add3A, %dma_start3A_15, %dma_start3A_16, %dma_start3A_17] : memref<32x79x2x64xi32, #tpu.memory_space<hbm>> -> memref<1x79x2x64xi32, #tpu.memory_space<hbm>>
      %dma_start3A_19 = tpu.memref_squeeze %dma_start3A_18 : memref<1x79x2x64xi32, #tpu.memory_space<hbm>> -> memref<79x2x64xi32, #tpu.memory_space<hbm>>
      %dma_start3A_20 = arith.constant 0 : i32
      %dma_start3A_21 = arith.constant 0 : i32
      %dma_start3A_22 = arith.constant 0 : i32
      %dma_start3A_23 = tpu.memref_slice %arg4[%add3A, %dma_start3A_20, %dma_start3A_21, %dma_start3A_22] : memref<32x79x2x64xi32, #tpu.memory_space<hbm>> -> memref<1x79x2x64xi32, #tpu.memory_space<hbm>>
      %dma_start3A_24 = tpu.memref_squeeze %dma_start3A_23 : memref<1x79x2x64xi32, #tpu.memory_space<hbm>> -> memref<79x2x64xi32, #tpu.memory_space<hbm>>
      tpu.enqueue_dma source(%dma_start3A_24 : memref<79x2x64xi32, #tpu.memory_space<hbm>>) target(%arg8 : memref<79x2x64xi32, #tpu.memory_space<vmem>>) target_semaphore(%run_scoped3A : memref<!tpu.dma_semaphore, #tpu.memory_space<semaphore_mem>>)
      %dma_wait3A = arith.constant 0 : i32
      %dma_wait3A_25 = arith.constant 0 : i32
      %dma_wait3A_26 = arith.constant 0 : i32
      %dma_wait3A_27 = tpu.memref_slice %arg4[%add3A, %dma_wait3A, %dma_wait3A_25, %dma_wait3A_26] : memref<32x79x2x64xi32, #tpu.memory_space<hbm>> -> memref<1x79x2x64xi32, #tpu.memory_space<hbm>>
      %dma_wait3A_28 = tpu.memref_squeeze %dma_wait3A_27 : memref<1x79x2x64xi32, #tpu.memory_space<hbm>> -> memref<79x2x64xi32, #tpu.memory_space<hbm>>
      %dma_wait3A_29 = arith.constant 0 : i32
      %dma_wait3A_30 = arith.constant 0 : i32
      %dma_wait3A_31 = arith.constant 0 : i32
      %dma_wait3A_32 = tpu.memref_slice %arg4[%add3A, %dma_wait3A_29, %dma_wait3A_30, %dma_wait3A_31] : memref<32x79x2x64xi32, #tpu.memory_space<hbm>> -> memref<1x79x2x64xi32, #tpu.memory_space<hbm>>
      %dma_wait3A_33 = tpu.memref_squeeze %dma_wait3A_32 : memref<1x79x2x64xi32, #tpu.memory_space<hbm>> -> memref<79x2x64xi32, #tpu.memory_space<hbm>>
      tpu.wait_dma2 semaphore(%run_scoped3A : memref<!tpu.dma_semaphore, #tpu.memory_space<semaphore_mem>>) src(%dma_wait3A_33 : memref<79x2x64xi32, #tpu.memory_space<hbm>>) dst(%arg8 : memref<79x2x64xi32, #tpu.memory_space<vmem>>)
      tpu.yield
    }) : () -> ()
    %mul3A_1 = arith.constant 632 : i32
    %mul3A_2 = arith.muli %arg1, %mul3A_1 : i32
    "tpu.region"() ({
      %run_scoped3A = tpu.sem_alloc : memref<!tpu.dma_semaphore, #tpu.memory_space<semaphore_mem>>
      %dma_start3A_15 = arith.constant 0 : i32
      %dma_start3A_16 = tpu.memref_slice %arg11[%mul3A_2, %dma_start3A_15] : memref<10112x128xf32, #tpu.memory_space<vmem_shared>> -> memref<632x128xf32, #tpu.memory_space<vmem_shared>>
      %dma_start3A_17 = arith.constant 0 : i32
      %dma_start3A_18 = tpu.memref_slice %arg5[%mul3A_2, %dma_start3A_17] : memref<10112x128xf32, #tpu.memory_space<hbm>> -> memref<632x128xf32, #tpu.memory_space<hbm>>
      tpu.enqueue_dma source(%dma_start3A_18 : memref<632x128xf32, #tpu.memory_space<hbm>>) target(%dma_start3A_16 : memref<632x128xf32, #tpu.memory_space<vmem_shared>>) target_semaphore(%run_scoped3A : memref<!tpu.dma_semaphore, #tpu.memory_space<semaphore_mem>>)
      %dma_wait3A = arith.constant 0 : i32
      %dma_wait3A_19 = tpu.memref_slice %arg11[%mul3A_2, %dma_wait3A] : memref<10112x128xf32, #tpu.memory_space<vmem_shared>> -> memref<632x128xf32, #tpu.memory_space<vmem_shared>>
      %dma_wait3A_20 = arith.constant 0 : i32
      %dma_wait3A_21 = tpu.memref_slice %arg5[%mul3A_2, %dma_wait3A_20] : memref<10112x128xf32, #tpu.memory_space<hbm>> -> memref<632x128xf32, #tpu.memory_space<hbm>>
      tpu.wait_dma2 semaphore(%run_scoped3A : memref<!tpu.dma_semaphore, #tpu.memory_space<semaphore_mem>>) src(%dma_wait3A_21 : memref<632x128xf32, #tpu.memory_space<hbm>>) dst(%dma_wait3A_19 : memref<632x128xf32, #tpu.memory_space<vmem_shared>>)
      tpu.yield
    }) : () -> ()
    %barrier3A = arith.constant 0 : index
    tpu.barrier barrier_id(%barrier3A)
    %dma_start3A = arith.constant 0 : i32
    %dma_start3A_3 = arith.constant 0 : i32
    %dma_start3A_4 = tpu.memref_slice %arg7[%dma_start3A, %dma_start3A_3] : memref<79x128xi32, #tpu.memory_space<vmem>> -> memref<1x64xi32, #tpu.memory_space<vmem>>
    %dma_start3A_5 = tpu.memref_squeeze %dma_start3A_4 : memref<1x64xi32, #tpu.memory_space<vmem>> -> memref<64xi32, #tpu.memory_space<vmem>>
    %dma_start3A_6 = arith.constant 0 : i32
    %dma_start3A_7 = arith.constant 0 : i32
    %dma_start3A_8 = tpu.memref_slice %arg2[%dma_start3A_6, %dma_start3A_7] : memref<10000x128xf32, #tpu.memory_space<hbm>> -> memref<10000x128xf32, #tpu.memory_space<hbm>>
    tpu.enqueue_indirect_dma source(%dma_start3A_8 : memref<10000x128xf32, #tpu.memory_space<hbm>>) target(%arg9 : memref<64x128xf32, #tpu.memory_space<vmem>>) offsets(%dma_start3A_5 : memref<64xi32, #tpu.memory_space<vmem>>) semaphore(%arg12 : memref<!tpu.dma_semaphore, #tpu.memory_space<semaphore_mem>>)
    %scan3A = arith.constant 0 : i32
    %scan3A_9 = arith.constant 0 : i32
    %scan3A_10 = arith.constant 79 : i32
    %scan3A_11 = arith.addi %scan3A_9, %scan3A_10 : i32
    %scan3A_12 = arith.constant 1 : i32
    scf.for %scan3A_15 = %scan3A_9 to %scan3A_11 step %scan3A_12  : i32 {
      %dma_start3A_16 = arith.constant 64 : i32
      %dma_start3A_17 = tpu.memref_slice %arg7[%scan3A_15, %dma_start3A_16] : memref<79x128xi32, #tpu.memory_space<vmem>> -> memref<1x64xi32, #tpu.memory_space<vmem>>
      %dma_start3A_18 = tpu.memref_squeeze %dma_start3A_17 : memref<1x64xi32, #tpu.memory_space<vmem>> -> memref<64xi32, #tpu.memory_space<vmem>>
      %dma_start3A_19 = arith.constant 0 : i32
      %dma_start3A_20 = arith.constant 0 : i32
      %dma_start3A_21 = tpu.memref_slice %arg2[%dma_start3A_19, %dma_start3A_20] : memref<10000x128xf32, #tpu.memory_space<hbm>> -> memref<10000x128xf32, #tpu.memory_space<hbm>>
      tpu.enqueue_indirect_dma source(%dma_start3A_21 : memref<10000x128xf32, #tpu.memory_space<hbm>>) target(%arg10 : memref<64x128xf32, #tpu.memory_space<vmem>>) offsets(%dma_start3A_18 : memref<64xi32, #tpu.memory_space<vmem>>) semaphore(%arg13 : memref<!tpu.dma_semaphore, #tpu.memory_space<semaphore_mem>>)
      %dma_wait3A = arith.constant 0 : i32
      %dma_wait3A_22 = tpu.memref_slice %arg7[%scan3A_15, %dma_wait3A] : memref<79x128xi32, #tpu.memory_space<vmem>> -> memref<1x64xi32, #tpu.memory_space<vmem>>
      %dma_wait3A_23 = tpu.memref_squeeze %dma_wait3A_22 : memref<1x64xi32, #tpu.memory_space<vmem>> -> memref<64xi32, #tpu.memory_space<vmem>>
      %dma_wait3A_24 = arith.constant 0 : i32
      %dma_wait3A_25 = arith.constant 0 : i32
      %dma_wait3A_26 = tpu.memref_slice %arg2[%dma_wait3A_24, %dma_wait3A_25] : memref<10000x128xf32, #tpu.memory_space<hbm>> -> memref<10000x128xf32, #tpu.memory_space<hbm>>
      tpu.wait_indirect_dma semaphore(%arg12 : memref<!tpu.dma_semaphore, #tpu.memory_space<semaphore_mem>>) src(%dma_wait3A_26 : memref<10000x128xf32, #tpu.memory_space<hbm>>) dst(%arg9 : memref<64x128xf32, #tpu.memory_space<vmem>>)
      %run_scoped3A = arith.constant 0 : i32
      "tpu.region"() ({
        %run_scoped3A_38 = tpu.sem_alloc : memref<!tpu.dma_semaphore, #tpu.memory_space<semaphore_mem>>
        %dma_start3A_39 = arith.constant 0 : i32
        %dma_start3A_40 = tpu.memref_slice %arg8[%scan3A_15, %run_scoped3A, %dma_start3A_39] : memref<79x2x64xi32, #tpu.memory_space<vmem>> -> memref<1x1x64xi32, #tpu.memory_space<vmem>>
        %dma_start3A_41 = tpu.memref_squeeze %dma_start3A_40 : memref<1x1x64xi32, #tpu.memory_space<vmem>> -> memref<64xi32, #tpu.memory_space<vmem>>
        %dma_start3A_42 = arith.constant 0 : i32
        %dma_start3A_43 = arith.constant 0 : i32
        %dma_start3A_44 = tpu.memref_slice %arg11[%dma_start3A_42, %dma_start3A_43] : memref<10112x128xf32, #tpu.memory_space<vmem_shared>> -> memref<10112x128xf32, #tpu.memory_space<vmem_shared>>
        tpu.enqueue_indirect_dma source(%arg9 : memref<64x128xf32, #tpu.memory_space<vmem>>) target(%dma_start3A_44 : memref<10112x128xf32, #tpu.memory_space<vmem_shared>>) offsets(%dma_start3A_41 : memref<64xi32, #tpu.memory_space<vmem>>) semaphore(%run_scoped3A_38 : memref<!tpu.dma_semaphore, #tpu.memory_space<semaphore_mem>>) {add = true}
        %dma_wait3A_45 = arith.constant 0 : i32
        %dma_wait3A_46 = tpu.memref_slice %arg8[%scan3A_15, %run_scoped3A, %dma_wait3A_45] : memref<79x2x64xi32, #tpu.memory_space<vmem>> -> memref<1x1x64xi32, #tpu.memory_space<vmem>>
        %dma_wait3A_47 = tpu.memref_squeeze %dma_wait3A_46 : memref<1x1x64xi32, #tpu.memory_space<vmem>> -> memref<64xi32, #tpu.memory_space<vmem>>
        %dma_wait3A_48 = arith.constant 0 : i32
        %dma_wait3A_49 = arith.constant 0 : i32
        %dma_wait3A_50 = tpu.memref_slice %arg11[%dma_wait3A_48, %dma_wait3A_49] : memref<10112x128xf32, #tpu.memory_space<vmem_shared>> -> memref<10112x128xf32, #tpu.memory_space<vmem_shared>>
        tpu.wait_indirect_dma semaphore(%run_scoped3A_38 : memref<!tpu.dma_semaphore, #tpu.memory_space<semaphore_mem>>) src(%arg9 : memref<64x128xf32, #tpu.memory_space<vmem>>) dst(%dma_wait3A_50 : memref<10112x128xf32, #tpu.memory_space<vmem_shared>>)
        tpu.yield
      }) : () -> ()
      %add3A_27 = arith.constant 1 : i32
      %add3A_28 = arith.addi %scan3A_15, %add3A_27 : i32
      %lt3A = arith.constant 79 : i32
      %lt3A_29 = arith.cmpi slt, %add3A_28, %lt3A : i32
      %convert_element_type3A = arith.extui %lt3A_29 : i1 to i32
      %cond3A = arith.constant 0 : i32
      %cond3A_30 = arith.cmpi ne, %convert_element_type3A, %cond3A : i32
      scf.if %cond3A_30 {
        %add3A_38 = arith.constant 1 : i32
        %add3A_39 = arith.addi %scan3A_15, %add3A_38 : i32
        %dma_start3A_40 = arith.constant 0 : i32
        %dma_start3A_41 = tpu.memref_slice %arg7[%add3A_39, %dma_start3A_40] : memref<79x128xi32, #tpu.memory_space<vmem>> -> memref<1x64xi32, #tpu.memory_space<vmem>>
        %dma_start3A_42 = tpu.memref_squeeze %dma_start3A_41 : memref<1x64xi32, #tpu.memory_space<vmem>> -> memref<64xi32, #tpu.memory_space<vmem>>
        %dma_start3A_43 = arith.constant 0 : i32
        %dma_start3A_44 = arith.constant 0 : i32
        %dma_start3A_45 = tpu.memref_slice %arg2[%dma_start3A_43, %dma_start3A_44] : memref<10000x128xf32, #tpu.memory_space<hbm>> -> memref<10000x128xf32, #tpu.memory_space<hbm>>
        tpu.enqueue_indirect_dma source(%dma_start3A_45 : memref<10000x128xf32, #tpu.memory_space<hbm>>) target(%arg9 : memref<64x128xf32, #tpu.memory_space<vmem>>) offsets(%dma_start3A_42 : memref<64xi32, #tpu.memory_space<vmem>>) semaphore(%arg12 : memref<!tpu.dma_semaphore, #tpu.memory_space<semaphore_mem>>)
      } else {
      }
      %dma_wait3A_31 = arith.constant 64 : i32
      %dma_wait3A_32 = tpu.memref_slice %arg7[%scan3A_15, %dma_wait3A_31] : memref<79x128xi32, #tpu.memory_space<vmem>> -> memref<1x64xi32, #tpu.memory_space<vmem>>
      %dma_wait3A_33 = tpu.memref_squeeze %dma_wait3A_32 : memref<1x64xi32, #tpu.memory_space<vmem>> -> memref<64xi32, #tpu.memory_space<vmem>>
      %dma_wait3A_34 = arith.constant 0 : i32
      %dma_wait3A_35 = arith.constant 0 : i32
      %dma_wait3A_36 = tpu.memref_slice %arg2[%dma_wait3A_34, %dma_wait3A_35] : memref<10000x128xf32, #tpu.memory_space<hbm>> -> memref<10000x128xf32, #tpu.memory_space<hbm>>
      tpu.wait_indirect_dma semaphore(%arg13 : memref<!tpu.dma_semaphore, #tpu.memory_space<semaphore_mem>>) src(%dma_wait3A_36 : memref<10000x128xf32, #tpu.memory_space<hbm>>) dst(%arg10 : memref<64x128xf32, #tpu.memory_space<vmem>>)
      %run_scoped3A_37 = arith.constant 1 : i32
      "tpu.region"() ({
        %run_scoped3A_38 = tpu.sem_alloc : memref<!tpu.dma_semaphore, #tpu.memory_space<semaphore_mem>>
        %dma_start3A_39 = arith.constant 0 : i32
        %dma_start3A_40 = tpu.memref_slice %arg8[%scan3A_15, %run_scoped3A_37, %dma_start3A_39] : memref<79x2x64xi32, #tpu.memory_space<vmem>> -> memref<1x1x64xi32, #tpu.memory_space<vmem>>
        %dma_start3A_41 = tpu.memref_squeeze %dma_start3A_40 : memref<1x1x64xi32, #tpu.memory_space<vmem>> -> memref<64xi32, #tpu.memory_space<vmem>>
        %dma_start3A_42 = arith.constant 0 : i32
        %dma_start3A_43 = arith.constant 0 : i32
        %dma_start3A_44 = tpu.memref_slice %arg11[%dma_start3A_42, %dma_start3A_43] : memref<10112x128xf32, #tpu.memory_space<vmem_shared>> -> memref<10112x128xf32, #tpu.memory_space<vmem_shared>>
        tpu.enqueue_indirect_dma source(%arg10 : memref<64x128xf32, #tpu.memory_space<vmem>>) target(%dma_start3A_44 : memref<10112x128xf32, #tpu.memory_space<vmem_shared>>) offsets(%dma_start3A_41 : memref<64xi32, #tpu.memory_space<vmem>>) semaphore(%run_scoped3A_38 : memref<!tpu.dma_semaphore, #tpu.memory_space<semaphore_mem>>) {add = true}
        %dma_wait3A_45 = arith.constant 0 : i32
        %dma_wait3A_46 = tpu.memref_slice %arg8[%scan3A_15, %run_scoped3A_37, %dma_wait3A_45] : memref<79x2x64xi32, #tpu.memory_space<vmem>> -> memref<1x1x64xi32, #tpu.memory_space<vmem>>
        %dma_wait3A_47 = tpu.memref_squeeze %dma_wait3A_46 : memref<1x1x64xi32, #tpu.memory_space<vmem>> -> memref<64xi32, #tpu.memory_space<vmem>>
        %dma_wait3A_48 = arith.constant 0 : i32
        %dma_wait3A_49 = arith.constant 0 : i32
        %dma_wait3A_50 = tpu.memref_slice %arg11[%dma_wait3A_48, %dma_wait3A_49] : memref<10112x128xf32, #tpu.memory_space<vmem_shared>> -> memref<10112x128xf32, #tpu.memory_space<vmem_shared>>
        tpu.wait_indirect_dma semaphore(%run_scoped3A_38 : memref<!tpu.dma_semaphore, #tpu.memory_space<semaphore_mem>>) src(%arg10 : memref<64x128xf32, #tpu.memory_space<vmem>>) dst(%dma_wait3A_50 : memref<10112x128xf32, #tpu.memory_space<vmem_shared>>)
        tpu.yield
      }) : () -> ()
    }
    %scan3A_13 = arith.constant 79 : i32
    %barrier3A_14 = arith.constant 0 : index
    tpu.barrier barrier_id(%barrier3A_14)
    "tpu.region"() ({
      %run_scoped3A = tpu.sem_alloc : memref<!tpu.dma_semaphore, #tpu.memory_space<semaphore_mem>>
      %dma_start3A_15 = arith.constant 0 : i32
      %dma_start3A_16 = tpu.memref_slice %arg6[%arg0, %mul3A_2, %dma_start3A_15] : memref<2x10112x128xf32, #tpu.memory_space<hbm>> -> memref<1x632x128xf32, #tpu.memory_space<hbm>>
      %dma_start3A_17 = tpu.memref_squeeze %dma_start3A_16 : memref<1x632x128xf32, #tpu.memory_space<hbm>> -> memref<632x128xf32, #tpu.memory_space<hbm>>
      %dma_start3A_18 = arith.constant 0 : i32
      %dma_start3A_19 = tpu.memref_slice %arg11[%mul3A_2, %dma_start3A_18] : memref<10112x128xf32, #tpu.memory_space<vmem_shared>> -> memref<632x128xf32, #tpu.memory_space<vmem_shared>>
      tpu.enqueue_dma source(%dma_start3A_19 : memref<632x128xf32, #tpu.memory_space<vmem_shared>>) target(%dma_start3A_17 : memref<632x128xf32, #tpu.memory_space<hbm>>) target_semaphore(%run_scoped3A : memref<!tpu.dma_semaphore, #tpu.memory_space<semaphore_mem>>)
      %dma_wait3A = arith.constant 0 : i32
      %dma_wait3A_20 = tpu.memref_slice %arg6[%arg0, %mul3A_2, %dma_wait3A] : memref<2x10112x128xf32, #tpu.memory_space<hbm>> -> memref<1x632x128xf32, #tpu.memory_space<hbm>>
      %dma_wait3A_21 = tpu.memref_squeeze %dma_wait3A_20 : memref<1x632x128xf32, #tpu.memory_space<hbm>> -> memref<632x128xf32, #tpu.memory_space<hbm>>
      %dma_wait3A_22 = arith.constant 0 : i32
      %dma_wait3A_23 = tpu.memref_slice %arg11[%mul3A_2, %dma_wait3A_22] : memref<10112x128xf32, #tpu.memory_space<vmem_shared>> -> memref<632x128xf32, #tpu.memory_space<vmem_shared>>
      tpu.wait_dma2 semaphore(%run_scoped3A : memref<!tpu.dma_semaphore, #tpu.memory_space<semaphore_mem>>) src(%dma_wait3A_23 : memref<632x128xf32, #tpu.memory_space<vmem_shared>>) dst(%dma_wait3A_21 : memref<632x128xf32, #tpu.memory_space<hbm>>)
      tpu.yield
    }) : () -> ()
    return
  }
}

module attributes {stable_mosaic.version = 14 : i64} {
  func.func @_enc_body(%arg0: i32, %arg1: memref<2000x128xf32, #tpu.memory_space<vmem>>, %arg2: memref<128x64xf32, #tpu.memory_space<vmem>>, %arg3: memref<64xf32, #tpu.memory_space<vmem>>, %arg4: memref<64x64xf32, #tpu.memory_space<vmem>>, %arg5: memref<2000x128xf32, #tpu.memory_space<vmem>>, %arg6: memref<2000x128xf32, #tpu.memory_space<vmem>>) attributes {dimension_semantics = [#tpu.dimension_semantics<arbitrary>], iteration_bounds = array<i64: 5>, scalar_prefetch = 0 : i64, scratch_operands = 0 : i64, tpu.core_type = #tpu.core_type<tc>, window_params = [{transform_indices = @transform_0, window_bounds = array<i64: 2000, 128>}, {pipeline_mode = #tpu.pipeline_mode<synchronous>, transform_indices = @transform_1, window_bounds = array<i64: 128, 64>}, {pipeline_mode = #tpu.pipeline_mode<synchronous>, transform_indices = @transform_2, window_bounds = array<i64: 64>}, {pipeline_mode = #tpu.pipeline_mode<synchronous>, transform_indices = @transform_3, window_bounds = array<i64: 64, 64>}, {transform_indices = @transform_4, window_bounds = array<i64: 2000, 128>}, {transform_indices = @transform_5, window_bounds = array<i64: 2000, 128>}]} {
    %get3A = arith.constant 0 : index
    %get3A_0 = arith.constant 0 : index
    %get3A_1 = vector.load %arg1[%get3A, %get3A_0] : memref<2000x128xf32, #tpu.memory_space<vmem>>, vector<2000x128xf32>
    %get3A_2 = arith.constant 0 : index
    %get3A_3 = arith.constant 0 : index
    %get3A_4 = vector.load %arg2[%get3A_2, %get3A_3] : memref<128x64xf32, #tpu.memory_space<vmem>>, vector<128x64xf32>
    %dot_general3A = arith.constant dense<0.000000e+00> : vector<2000x64xf32>
    %dot_general3A_5 = tpu.matmul %get3A_1, %get3A_4, %dot_general3A {dimension_numbers = #tpu.dot_dimension_numbers<[1], [0], [0], [1], [0, 0, 1, 1], [], []>, transpose_lhs_hint = false} : vector<2000x128xf32>, vector<128x64xf32>, vector<2000x64xf32> -> vector<2000x64xf32>
    %get3A_6 = arith.constant 0 : index
    %get3A_7 = vector.load %arg3[%get3A_6] : memref<64xf32, #tpu.memory_space<vmem>>, vector<64xf32>
    %broadcast_in_dim3A = vector.shape_cast %get3A_7 : vector<64xf32> to vector<1x64xf32>
    %add3A = vector.broadcast %broadcast_in_dim3A : vector<1x64xf32> to vector<2000x64xf32>
    %add3A_8 = arith.addf %dot_general3A_5, %add3A : vector<2000x64xf32>
    %broadcast_in_dim3A_9 = arith.constant 0.000000e+00 : f32
    %broadcast_in_dim3A_10 = vector.broadcast %broadcast_in_dim3A_9 : f32 to vector<2000x64xf32>
    %concatenate3A = tpu.concatenate %add3A_8, %broadcast_in_dim3A_10 in 1 : vector<2000x64xf32>, vector<2000x64xf32> -> vector<2000x128xf32>
    %swap3A = arith.constant 0 : index
    %swap3A_11 = arith.constant 0 : index
    %swap3A_12 = vector.load %arg5[%swap3A, %swap3A_11] : memref<2000x128xf32, #tpu.memory_space<vmem>>, vector<2000x128xf32>
    tpu.vector_store %arg5[%swap3A, %swap3A_11], %concatenate3A {strides = array<i32>} : memref<2000x128xf32, #tpu.memory_space<vmem>>, vector<2000x128xf32>,
    %get3A_13 = arith.constant 0 : index
    %get3A_14 = arith.constant 0 : index
    %get3A_15 = vector.load %arg4[%get3A_13, %get3A_14] : memref<64x64xf32, #tpu.memory_space<vmem>>, vector<64x64xf32>
    %dot_general3A_16 = arith.constant dense<0.000000e+00> : vector<2000x64xf32>
    %dot_general3A_17 = tpu.matmul %add3A_8, %get3A_15, %dot_general3A_16 {dimension_numbers = #tpu.dot_dimension_numbers<[1], [0], [0], [1], [0, 0, 1, 1], [], []>, transpose_lhs_hint = false} : vector<2000x64xf32>, vector<64x64xf32>, vector<2000x64xf32> -> vector<2000x64xf32>
    %concatenate3A_18 = tpu.concatenate %dot_general3A_17, %broadcast_in_dim3A_10 in 1 : vector<2000x64xf32>, vector<2000x64xf32> -> vector<2000x128xf32>
    %swap3A_19 = arith.constant 0 : index
    %swap3A_20 = arith.constant 0 : index
    %swap3A_21 = vector.load %arg6[%swap3A_19, %swap3A_20] : memref<2000x128xf32, #tpu.memory_space<vmem>>, vector<2000x128xf32>
    tpu.vector_store %arg6[%swap3A_19, %swap3A_20], %concatenate3A_18 {strides = array<i32>} : memref<2000x128xf32, #tpu.memory_space<vmem>>, vector<2000x128xf32>,
    return
  }
  func.func @transform_0(%arg0: i32) -> (i32, i32) {
    %c0_i32 = arith.constant 0 : i32
    %c0_i32_0 = arith.constant 0 : i32
    return %arg0, %c0_i32 : i32, i32
  }
  func.func @transform_1(%arg0: i32) -> (i32, i32) {
    %c0_i32 = arith.constant 0 : i32
    %c0_i32_0 = arith.constant 0 : i32
    %c0_i32_1 = arith.constant 0 : i32
    return %c0_i32, %c0_i32_0 : i32, i32
  }
  func.func @transform_2(%arg0: i32) -> i32 {
    %c0_i32 = arith.constant 0 : i32
    %c0_i32_0 = arith.constant 0 : i32
    return %c0_i32 : i32
  }
  func.func @transform_3(%arg0: i32) -> (i32, i32) {
    %c0_i32 = arith.constant 0 : i32
    %c0_i32_0 = arith.constant 0 : i32
    %c0_i32_1 = arith.constant 0 : i32
    return %c0_i32, %c0_i32_0 : i32, i32
  }
  func.func @transform_4(%arg0: i32) -> (i32, i32) {
    %c0_i32 = arith.constant 0 : i32
    %c0_i32_0 = arith.constant 0 : i32
    return %arg0, %c0_i32 : i32, i32
  }
  func.func @transform_5(%arg0: i32) -> (i32, i32) {
    %c0_i32 = arith.constant 0 : i32
    %c0_i32_0 = arith.constant 0 : i32
    return %arg0, %c0_i32 : i32, i32
  }
}

module attributes {stable_mosaic.version = 14 : i64} {
  func.func @_edge_body(%arg0: i32, %arg1: memref<8000x16xf32, #tpu.memory_space<vmem>>, %arg2: memref<16x16xf32, #tpu.memory_space<vmem>>, %arg3: memref<16xf32, #tpu.memory_space<vmem>>, %arg4: memref<16x64xf32, #tpu.memory_space<vmem>>, %arg5: memref<64xf32, #tpu.memory_space<vmem>>, %arg6: memref<8000x128xf32, #tpu.memory_space<vmem>>) attributes {dimension_semantics = [#tpu.dimension_semantics<arbitrary>], iteration_bounds = array<i64: 40>, scalar_prefetch = 0 : i64, scratch_operands = 0 : i64, tpu.core_type = #tpu.core_type<tc>, window_params = [{transform_indices = @transform_0, window_bounds = array<i64: 8000, 16>}, {pipeline_mode = #tpu.pipeline_mode<synchronous>, transform_indices = @transform_1, window_bounds = array<i64: 16, 16>}, {pipeline_mode = #tpu.pipeline_mode<synchronous>, transform_indices = @transform_2, window_bounds = array<i64: 16>}, {pipeline_mode = #tpu.pipeline_mode<synchronous>, transform_indices = @transform_3, window_bounds = array<i64: 16, 64>}, {pipeline_mode = #tpu.pipeline_mode<synchronous>, transform_indices = @transform_4, window_bounds = array<i64: 64>}, {transform_indices = @transform_5, window_bounds = array<i64: 8000, 128>}]} {
    %get3A = arith.constant 0 : index
    %get3A_0 = arith.constant 0 : index
    %get3A_1 = vector.load %arg1[%get3A, %get3A_0] : memref<8000x16xf32, #tpu.memory_space<vmem>>, vector<8000x16xf32>
    %get3A_2 = arith.constant 0 : index
    %get3A_3 = arith.constant 0 : index
    %get3A_4 = vector.load %arg2[%get3A_2, %get3A_3] : memref<16x16xf32, #tpu.memory_space<vmem>>, vector<16x16xf32>
    %dot_general3A = arith.constant dense<0.000000e+00> : vector<8000x16xf32>
    %dot_general3A_5 = tpu.matmul %get3A_1, %get3A_4, %dot_general3A {dimension_numbers = #tpu.dot_dimension_numbers<[1], [0], [0], [1], [0, 0, 1, 1], [], []>, transpose_lhs_hint = false} : vector<8000x16xf32>, vector<16x16xf32>, vector<8000x16xf32> -> vector<8000x16xf32>
    %get3A_6 = arith.constant 0 : index
    %get3A_7 = vector.load %arg3[%get3A_6] : memref<16xf32, #tpu.memory_space<vmem>>, vector<16xf32>
    %broadcast_in_dim3A = vector.shape_cast %get3A_7 : vector<16xf32> to vector<1x16xf32>
    %add3A = vector.broadcast %broadcast_in_dim3A : vector<1x16xf32> to vector<8000x16xf32>
    %add3A_8 = arith.addf %dot_general3A_5, %add3A : vector<8000x16xf32>
    %get3A_9 = arith.constant 0 : index
    %get3A_10 = arith.constant 0 : index
    %get3A_11 = vector.load %arg4[%get3A_9, %get3A_10] : memref<16x64xf32, #tpu.memory_space<vmem>>, vector<16x64xf32>
    %dot_general3A_12 = arith.constant dense<0.000000e+00> : vector<8000x64xf32>
    %dot_general3A_13 = tpu.matmul %add3A_8, %get3A_11, %dot_general3A_12 {dimension_numbers = #tpu.dot_dimension_numbers<[1], [0], [0], [1], [0, 0, 1, 1], [], []>, transpose_lhs_hint = false} : vector<8000x16xf32>, vector<16x64xf32>, vector<8000x64xf32> -> vector<8000x64xf32>
    %get3A_14 = arith.constant 0 : index
    %get3A_15 = vector.load %arg5[%get3A_14] : memref<64xf32, #tpu.memory_space<vmem>>, vector<64xf32>
    %broadcast_in_dim3A_16 = vector.shape_cast %get3A_15 : vector<64xf32> to vector<1x64xf32>
    %add3A_17 = vector.broadcast %broadcast_in_dim3A_16 : vector<1x64xf32> to vector<8000x64xf32>
    %add3A_18 = arith.addf %dot_general3A_13, %add3A_17 : vector<8000x64xf32>
    %broadcast_in_dim3A_19 = arith.constant 1.000000e+00 : f32
    %broadcast_in_dim3A_20 = vector.broadcast %broadcast_in_dim3A_19 : f32 to vector<8000x1xf32>
    %broadcast_in_dim3A_21 = arith.constant 0.000000e+00 : f32
    %broadcast_in_dim3A_22 = vector.broadcast %broadcast_in_dim3A_21 : f32 to vector<8000x63xf32>
    %concatenate3A = tpu.concatenate %add3A_18, %broadcast_in_dim3A_20, %broadcast_in_dim3A_22 in 1 : vector<8000x64xf32>, vector<8000x1xf32>, vector<8000x63xf32> -> vector<8000x128xf32>
    %swap3A = arith.constant 0 : index
    %swap3A_23 = arith.constant 0 : index
    %swap3A_24 = vector.load %arg6[%swap3A, %swap3A_23] : memref<8000x128xf32, #tpu.memory_space<vmem>>, vector<8000x128xf32>
    tpu.vector_store %arg6[%swap3A, %swap3A_23], %concatenate3A {strides = array<i32>} : memref<8000x128xf32, #tpu.memory_space<vmem>>, vector<8000x128xf32>,
    return
  }
  func.func @transform_0(%arg0: i32) -> (i32, i32) {
    %c0_i32 = arith.constant 0 : i32
    %c0_i32_0 = arith.constant 0 : i32
    return %arg0, %c0_i32 : i32, i32
  }
  func.func @transform_1(%arg0: i32) -> (i32, i32) {
    %c0_i32 = arith.constant 0 : i32
    %c0_i32_0 = arith.constant 0 : i32
    %c0_i32_1 = arith.constant 0 : i32
    return %c0_i32, %c0_i32_0 : i32, i32
  }
  func.func @transform_2(%arg0: i32) -> i32 {
    %c0_i32 = arith.constant 0 : i32
    %c0_i32_0 = arith.constant 0 : i32
    return %c0_i32 : i32
  }
  func.func @transform_3(%arg0: i32) -> (i32, i32) {
    %c0_i32 = arith.constant 0 : i32
    %c0_i32_0 = arith.constant 0 : i32
    %c0_i32_1 = arith.constant 0 : i32
    return %c0_i32, %c0_i32_0 : i32, i32
  }
  func.func @transform_4(%arg0: i32) -> i32 {
    %c0_i32 = arith.constant 0 : i32
    %c0_i32_0 = arith.constant 0 : i32
    return %c0_i32 : i32
  }
  func.func @transform_5(%arg0: i32) -> (i32, i32) {
    %c0_i32 = arith.constant 0 : i32
    %c0_i32_0 = arith.constant 0 : i32
    return %arg0, %c0_i32 : i32, i32
  }
}

module attributes {stable_mosaic.version = 14 : i64} {
  func.func @_step_body(%arg0: i32, %arg1: memref<1000x128xf32, #tpu.memory_space<vmem>>, %arg2: memref<1x1000x128xf32, #tpu.memory_space<vmem>>, %arg3: memref<1x1000x128xf32, #tpu.memory_space<vmem>>, %arg4: memref<1x1000x128xf32, #tpu.memory_space<vmem>>, %arg5: memref<1x1000x128xf32, #tpu.memory_space<vmem>>, %arg6: memref<64x64xf32, #tpu.memory_space<vmem>>, %arg7: memref<64x64xf32, #tpu.memory_space<vmem>>, %arg8: memref<192x128xf32, #tpu.memory_space<vmem>>, %arg9: memref<192xf32, #tpu.memory_space<vmem>>, %arg10: memref<192x64xf32, #tpu.memory_space<vmem>>, %arg11: memref<192xf32, #tpu.memory_space<vmem>>, %arg12: memref<1000x128xf32, #tpu.memory_space<vmem>>, %arg13: memref<1000x128xf32, #tpu.memory_space<vmem>>) attributes {dimension_semantics = [#tpu.dimension_semantics<arbitrary>], iteration_bounds = array<i64: 10>, scalar_prefetch = 0 : i64, scratch_operands = 0 : i64, tpu.core_type = #tpu.core_type<tc>, window_params = [{transform_indices = @transform_0, window_bounds = array<i64: 1000, 128>}, {transform_indices = @transform_1, window_bounds = array<i64: 1, 1000, 128>}, {transform_indices = @transform_2, window_bounds = array<i64: 1, 1000, 128>}, {transform_indices = @transform_3, window_bounds = array<i64: 1, 1000, 128>}, {transform_indices = @transform_4, window_bounds = array<i64: 1, 1000, 128>}, {pipeline_mode = #tpu.pipeline_mode<synchronous>, transform_indices = @transform_5, window_bounds = array<i64: 64, 64>}, {pipeline_mode = #tpu.pipeline_mode<synchronous>, transform_indices = @transform_6, window_bounds = array<i64: 64, 64>}, {pipeline_mode = #tpu.pipeline_mode<synchronous>, transform_indices = @transform_7, window_bounds = array<i64: 192, 128>}, {pipeline_mode = #tpu.pipeline_mode<synchronous>, transform_indices = @transform_8, window_bounds = array<i64: 192>}, {pipeline_mode = #tpu.pipeline_mode<synchronous>, transform_indices = @transform_9, window_bounds = array<i64: 192, 64>}, {pipeline_mode = #tpu.pipeline_mode<synchronous>, transform_indices = @transform_10, window_bounds = array<i64: 192>}, {transform_indices = @transform_11, window_bounds = array<i64: 1000, 128>}, {transform_indices = @transform_12, window_bounds = array<i64: 1000, 128>}]} {
    %get3A = arith.constant 0 : index
    %get3A_0 = arith.constant 0 : index
    %get3A_1 = vector.load %arg1[%get3A, %get3A_0] : memref<1000x128xf32, #tpu.memory_space<vmem>>, vector<1000x128xf32>
    %slice3A = vector.extract_strided_slice %get3A_1 {offsets = [0, 0], sizes = [1000, 64], strides = [1, 1]} : vector<1000x128xf32> to vector<1000x64xf32>
    %get3A_2 = arith.constant 0 : index
    %get3A_3 = arith.constant 0 : index
    %get3A_4 = arith.constant 0 : index
    %get3A_5 = vector.load %arg4[%get3A_2, %get3A_3, %get3A_4] : memref<1x1000x128xf32, #tpu.memory_space<vmem>>, vector<1x1000x128xf32>
    %get3A_6 = vector.shape_cast %get3A_5 : vector<1x1000x128xf32> to vector<1000x128xf32>
    %get3A_7 = arith.constant 0 : index
    %get3A_8 = arith.constant 0 : index
    %get3A_9 = arith.constant 0 : index
    %get3A_10 = vector.load %arg5[%get3A_7, %get3A_8, %get3A_9] : memref<1x1000x128xf32, #tpu.memory_space<vmem>>, vector<1x1000x128xf32>
    %get3A_11 = vector.shape_cast %get3A_10 : vector<1x1000x128xf32> to vector<1000x128xf32>
    %add3A = arith.addf %get3A_6, %get3A_11 : vector<1000x128xf32>
    %slice3A_12 = vector.extract_strided_slice %add3A {offsets = [0, 64], sizes = [1000, 1], strides = [1, 1]} : vector<1000x128xf32> to vector<1000x1xf32>
    %get3A_13 = arith.constant 0 : index
    %get3A_14 = arith.constant 0 : index
    %get3A_15 = arith.constant 0 : index
    %get3A_16 = vector.load %arg2[%get3A_13, %get3A_14, %get3A_15] : memref<1x1000x128xf32, #tpu.memory_space<vmem>>, vector<1x1000x128xf32>
    %get3A_17 = vector.shape_cast %get3A_16 : vector<1x1000x128xf32> to vector<1000x128xf32>
    %get3A_18 = arith.constant 0 : index
    %get3A_19 = arith.constant 0 : index
    %get3A_20 = arith.constant 0 : index
    %get3A_21 = vector.load %arg3[%get3A_18, %get3A_19, %get3A_20] : memref<1x1000x128xf32, #tpu.memory_space<vmem>>, vector<1x1000x128xf32>
    %get3A_22 = vector.shape_cast %get3A_21 : vector<1x1000x128xf32> to vector<1000x128xf32>
    %add3A_23 = arith.addf %get3A_17, %get3A_22 : vector<1000x128xf32>
    %slice3A_24 = vector.extract_strided_slice %add3A_23 {offsets = [0, 0], sizes = [1000, 64], strides = [1, 1]} : vector<1000x128xf32> to vector<1000x64xf32>
    %get3A_25 = arith.constant 0 : index
    %get3A_26 = arith.constant 0 : index
    %get3A_27 = vector.load %arg6[%get3A_25, %get3A_26] : memref<64x64xf32, #tpu.memory_space<vmem>>, vector<64x64xf32>
    %dot_general3A = arith.constant dense<0.000000e+00> : vector<1000x64xf32>
    %dot_general3A_28 = tpu.matmul %slice3A, %get3A_27, %dot_general3A {dimension_numbers = #tpu.dot_dimension_numbers<[1], [0], [0], [1], [0, 0, 1, 1], [], []>, transpose_lhs_hint = false} : vector<1000x64xf32>, vector<64x64xf32>, vector<1000x64xf32> -> vector<1000x64xf32>
    %mul3A = vector.broadcast %slice3A_12 : vector<1000x1xf32> to vector<1000x64xf32>
    %mul3A_29 = arith.mulf %mul3A, %dot_general3A_28 : vector<1000x64xf32>
    %add3A_30 = arith.addf %slice3A_24, %mul3A_29 : vector<1000x64xf32>
    %slice3A_31 = vector.extract_strided_slice %add3A {offsets = [0, 0], sizes = [1000, 64], strides = [1, 1]} : vector<1000x128xf32> to vector<1000x64xf32>
    %add3A_32 = arith.addf %add3A_30, %slice3A_31 : vector<1000x64xf32>
    %get3A_33 = arith.constant 0 : index
    %get3A_34 = arith.constant 0 : index
    %get3A_35 = vector.load %arg8[%get3A_33, %get3A_34] : memref<192x128xf32, #tpu.memory_space<vmem>>, vector<192x128xf32>
    %get3A_36 = arith.constant 0 : index
    %get3A_37 = arith.constant 0 : index
    %get3A_38 = vector.load %arg10[%get3A_36, %get3A_37] : memref<192x64xf32, #tpu.memory_space<vmem>>, vector<192x64xf32>
    %get3A_39 = arith.constant 0 : index
    %get3A_40 = vector.load %arg9[%get3A_39] : memref<192xf32, #tpu.memory_space<vmem>>, vector<192xf32>
    %get3A_41 = arith.constant 0 : index
    %get3A_42 = vector.load %arg11[%get3A_41] : memref<192xf32, #tpu.memory_space<vmem>>, vector<192xf32>
    %broadcast_in_dim3A = arith.constant 0.000000e+00 : f32
    %broadcast_in_dim3A_43 = vector.broadcast %broadcast_in_dim3A : f32 to vector<100x64xf32>
    %slice3A_44 = vector.extract_strided_slice %slice3A {offsets = [0, 0], sizes = [50, 64], strides = [1, 1]} : vector<1000x64xf32> to vector<50x64xf32>
    %slice3A_45 = vector.extract_strided_slice %slice3A {offsets = [50, 0], sizes = [50, 64], strides = [1, 1]} : vector<1000x64xf32> to vector<50x64xf32>
    %dot_general3A_46 = arith.constant dense<0.000000e+00> : vector<50x50xf32>
    %dot_general3A_47 = tpu.matmul %slice3A_44, %slice3A_45, %dot_general3A_46 {dimension_numbers = #tpu.dot_dimension_numbers<[1], [1], [0], [0], [0, 0, 1, 0], [], []>, transpose_lhs_hint = false} : vector<50x64xf32>, vector<50x64xf32>, vector<50x50xf32> -> vector<50x50xf32>
    %reduce_max3A = arith.constant dense<0xFF800000> : vector<50xf32>
    %reduce_max3A_48 = vector.multi_reduction <maximumf>, %dot_general3A_47, %reduce_max3A [1] : vector<50x50xf32> to vector<50xf32>
    %max3A = arith.constant 0xFF800000 : f32
    %max3A_49 = vector.broadcast %max3A : f32 to vector<50xf32>
    %max3A_50 = arith.maximumf %max3A_49, %reduce_max3A_48 : vector<50xf32>
    %broadcast_in_dim3A_51 = vector.shape_cast %max3A_50 : vector<50xf32> to vector<50x1xf32>
    %sub3A = vector.broadcast %broadcast_in_dim3A_51 : vector<50x1xf32> to vector<50x50xf32>
    %sub3A_52 = arith.subf %dot_general3A_47, %sub3A : vector<50x50xf32>
    %exp3A = math.exp %sub3A_52 : vector<50x50xf32>
    %reduce_sum3A = arith.constant dense<0.000000e+00> : vector<50xf32>
    %reduce_sum3A_53 = vector.multi_reduction <add>, %exp3A, %reduce_sum3A [1] : vector<50x50xf32> to vector<50xf32>
    %broadcast_in_dim3A_54 = vector.shape_cast %reduce_sum3A_53 : vector<50xf32> to vector<50x1xf32>
    %div3A = vector.broadcast %broadcast_in_dim3A_54 : vector<50x1xf32> to vector<50x50xf32>
    %div3A_55 = arith.divf %exp3A, %div3A : vector<50x50xf32>
    %reduce_max3A_56 = arith.constant dense<0xFF800000> : vector<50xf32>
    %reduce_max3A_57 = vector.multi_reduction <maximumf>, %dot_general3A_47, %reduce_max3A_56 [0] : vector<50x50xf32> to vector<50xf32>
    %max3A_58 = arith.constant 0xFF800000 : f32
    %max3A_59 = vector.broadcast %max3A_58 : f32 to vector<50xf32>
    %max3A_60 = arith.maximumf %max3A_59, %reduce_max3A_57 : vector<50xf32>
    %broadcast_in_dim3A_61 = vector.shape_cast %max3A_60 : vector<50xf32> to vector<1x50xf32>
    %sub3A_62 = vector.broadcast %broadcast_in_dim3A_61 : vector<1x50xf32> to vector<50x50xf32>
    %sub3A_63 = arith.subf %dot_general3A_47, %sub3A_62 : vector<50x50xf32>
    %exp3A_64 = math.exp %sub3A_63 : vector<50x50xf32>
    %reduce_sum3A_65 = arith.constant dense<0.000000e+00> : vector<50xf32>
    %reduce_sum3A_66 = vector.multi_reduction <add>, %exp3A_64, %reduce_sum3A_65 [0] : vector<50x50xf32> to vector<50xf32>
    %broadcast_in_dim3A_67 = vector.shape_cast %reduce_sum3A_66 : vector<50xf32> to vector<1x50xf32>
    %div3A_68 = vector.broadcast %broadcast_in_dim3A_67 : vector<1x50xf32> to vector<50x50xf32>
    %div3A_69 = arith.divf %exp3A_64, %div3A_68 : vector<50x50xf32>
    %dot_general3A_70 = arith.constant dense<0.000000e+00> : vector<50x64xf32>
    %dot_general3A_71 = tpu.matmul %div3A_55, %slice3A_45, %dot_general3A_70 {dimension_numbers = #tpu.dot_dimension_numbers<[1], [0], [0], [1], [0, 0, 1, 1], [], []>, transpose_lhs_hint = false} : vector<50x50xf32>, vector<50x64xf32>, vector<50x64xf32> -> vector<50x64xf32>
    %dot_general3A_72 = arith.constant dense<0.000000e+00> : vector<50x64xf32>
    %dot_general3A_73 = tpu.matmul %div3A_69, %slice3A_44, %dot_general3A_72 {dimension_numbers = #tpu.dot_dimension_numbers<[0], [0], [1], [1], [0, 1, 1, 1], [], []>, transpose_lhs_hint = false} : vector<50x50xf32>, vector<50x64xf32>, vector<50x64xf32> -> vector<50x64xf32>
    %slice3A_74 = vector.extract_strided_slice %slice3A {offsets = [0, 0], sizes = [100, 64], strides = [1, 1]} : vector<1000x64xf32> to vector<100x64xf32>
    %concatenate3A = tpu.concatenate %dot_general3A_71, %dot_general3A_73 in 0 : vector<50x64xf32>, vector<50x64xf32> -> vector<100x64xf32>
    %sub3A_75 = arith.subf %slice3A_74, %concatenate3A : vector<100x64xf32>
    %slice3A_76 = vector.extract_strided_slice %add3A_32 {offsets = [0, 0], sizes = [100, 64], strides = [1, 1]} : vector<1000x64xf32> to vector<100x64xf32>
    %concatenate3A_77 = tpu.concatenate %slice3A_76, %sub3A_75 in 1 : vector<100x64xf32>, vector<100x64xf32> -> vector<100x128xf32>
    %dot_general3A_78 = arith.constant dense<0.000000e+00> : vector<100x192xf32>
    %dot_general3A_79 = tpu.matmul %concatenate3A_77, %get3A_35, %dot_general3A_78 {dimension_numbers = #tpu.dot_dimension_numbers<[1], [1], [0], [0], [0, 0, 1, 0], [], []>, transpose_lhs_hint = false} : vector<100x128xf32>, vector<192x128xf32>, vector<100x192xf32> -> vector<100x192xf32>
    %broadcast_in_dim3A_80 = vector.shape_cast %get3A_40 : vector<192xf32> to vector<1x192xf32>
    %add3A_81 = vector.broadcast %broadcast_in_dim3A_80 : vector<1x192xf32> to vector<100x192xf32>
    %add3A_82 = arith.addf %dot_general3A_79, %add3A_81 : vector<100x192xf32>
    %dot_general3A_83 = arith.constant dense<0.000000e+00> : vector<100x192xf32>
    %dot_general3A_84 = tpu.matmul %slice3A_74, %get3A_38, %dot_general3A_83 {dimension_numbers = #tpu.dot_dimension_numbers<[1], [1], [0], [0], [0, 0, 1, 0], [], []>, transpose_lhs_hint = false} : vector<100x64xf32>, vector<192x64xf32>, vector<100x192xf32> -> vector<100x192xf32>
    %broadcast_in_dim3A_85 = vector.shape_cast %get3A_42 : vector<192xf32> to vector<1x192xf32>
    %add3A_86 = vector.broadcast %broadcast_in_dim3A_85 : vector<1x192xf32> to vector<100x192xf32>
    %add3A_87 = arith.addf %dot_general3A_84, %add3A_86 : vector<100x192xf32>
    %slice3A_88 = vector.extract_strided_slice %add3A_82 {offsets = [0, 0], sizes = [100, 64], strides = [1, 1]} : vector<100x192xf32> to vector<100x64xf32>
    %slice3A_89 = vector.extract_strided_slice %add3A_87 {offsets = [0, 0], sizes = [100, 64], strides = [1, 1]} : vector<100x192xf32> to vector<100x64xf32>
    %add3A_90 = arith.addf %slice3A_88, %slice3A_89 : vector<100x64xf32>
    %logistic3A = arith.negf %add3A_90 : vector<100x64xf32>
    %logistic3A_91 = math.exp %logistic3A : vector<100x64xf32>
    %logistic3A_92 = arith.constant 1.000000e+00 : f32
    %logistic3A_93 = vector.broadcast %logistic3A_92 : f32 to vector<100x64xf32>
    %logistic3A_94 = arith.addf %logistic3A_93, %logistic3A_91 : vector<100x64xf32>
    %logistic3A_95 = arith.divf %logistic3A_93, %logistic3A_94 : vector<100x64xf32>
    %slice3A_96 = vector.extract_strided_slice %add3A_82 {offsets = [0, 64], sizes = [100, 64], strides = [1, 1]} : vector<100x192xf32> to vector<100x64xf32>
    %slice3A_97 = vector.extract_strided_slice %add3A_87 {offsets = [0, 64], sizes = [100, 64], strides = [1, 1]} : vector<100x192xf32> to vector<100x64xf32>
    %add3A_98 = arith.addf %slice3A_96, %slice3A_97 : vector<100x64xf32>
    %logistic3A_99 = arith.negf %add3A_98 : vector<100x64xf32>
    %logistic3A_100 = math.exp %logistic3A_99 : vector<100x64xf32>
    %logistic3A_101 = arith.constant 1.000000e+00 : f32
    %logistic3A_102 = vector.broadcast %logistic3A_101 : f32 to vector<100x64xf32>
    %logistic3A_103 = arith.addf %logistic3A_102, %logistic3A_100 : vector<100x64xf32>
    %logistic3A_104 = arith.divf %logistic3A_102, %logistic3A_103 : vector<100x64xf32>
    %slice3A_105 = vector.extract_strided_slice %add3A_82 {offsets = [0, 128], sizes = [100, 64], strides = [1, 1]} : vector<100x192xf32> to vector<100x64xf32>
    %slice3A_106 = vector.extract_strided_slice %add3A_87 {offsets = [0, 128], sizes = [100, 64], strides = [1, 1]} : vector<100x192xf32> to vector<100x64xf32>
    %mul3A_107 = arith.mulf %logistic3A_95, %slice3A_106 : vector<100x64xf32>
    %add3A_108 = arith.addf %slice3A_105, %mul3A_107 : vector<100x64xf32>
    %tanh3A = math.tanh %add3A_108 : vector<100x64xf32>
    %sub3A_109 = arith.constant 1.000000e+00 : f32
    %sub3A_110 = vector.broadcast %sub3A_109 : f32 to vector<100x64xf32>
    %sub3A_111 = arith.subf %sub3A_110, %logistic3A_104 : vector<100x64xf32>
    %mul3A_112 = arith.mulf %sub3A_111, %tanh3A : vector<100x64xf32>
    %mul3A_113 = arith.mulf %logistic3A_104, %slice3A_74 : vector<100x64xf32>
    %add3A_114 = arith.addf %mul3A_112, %mul3A_113 : vector<100x64xf32>
    %concatenate3A_115 = tpu.concatenate %add3A_114, %broadcast_in_dim3A_43 in 1 : vector<100x64xf32>, vector<100x64xf32> -> vector<100x128xf32>
    %swap3A = arith.constant 0 : index
    %swap3A_116 = arith.constant 0 : index
    %swap3A_117 = vector.load %arg12[%swap3A, %swap3A_116] : memref<1000x128xf32, #tpu.memory_space<vmem>>, vector<100x128xf32>
    tpu.vector_store %arg12[%swap3A, %swap3A_116], %concatenate3A_115 {strides = array<i32>} : memref<1000x128xf32, #tpu.memory_space<vmem>>, vector<100x128xf32>,
    %get3A_118 = arith.constant 0 : index
    %get3A_119 = arith.constant 0 : index
    %get3A_120 = vector.load %arg7[%get3A_118, %get3A_119] : memref<64x64xf32, #tpu.memory_space<vmem>>, vector<64x64xf32>
    %dot_general3A_121 = arith.constant dense<0.000000e+00> : vector<100x64xf32>
    %dot_general3A_122 = tpu.matmul %add3A_114, %get3A_120, %dot_general3A_121 {dimension_numbers = #tpu.dot_dimension_numbers<[1], [0], [0], [1], [0, 0, 1, 1], [], []>, transpose_lhs_hint = false} : vector<100x64xf32>, vector<64x64xf32>, vector<100x64xf32> -> vector<100x64xf32>
    %concatenate3A_123 = tpu.concatenate %dot_general3A_122, %broadcast_in_dim3A_43 in 1 : vector<100x64xf32>, vector<100x64xf32> -> vector<100x128xf32>
    %swap3A_124 = arith.constant 0 : index
    %swap3A_125 = arith.constant 0 : index
    %swap3A_126 = vector.load %arg13[%swap3A_124, %swap3A_125] : memref<1000x128xf32, #tpu.memory_space<vmem>>, vector<100x128xf32>
    tpu.vector_store %arg13[%swap3A_124, %swap3A_125], %concatenate3A_123 {strides = array<i32>} : memref<1000x128xf32, #tpu.memory_space<vmem>>, vector<100x128xf32>,
    %slice3A_127 = vector.extract_strided_slice %slice3A {offsets = [100, 0], sizes = [50, 64], strides = [1, 1]} : vector<1000x64xf32> to vector<50x64xf32>
    %slice3A_128 = vector.extract_strided_slice %slice3A {offsets = [150, 0], sizes = [50, 64], strides = [1, 1]} : vector<1000x64xf32> to vector<50x64xf32>
    %dot_general3A_129 = arith.constant dense<0.000000e+00> : vector<50x50xf32>
    %dot_general3A_130 = tpu.matmul %slice3A_127, %slice3A_128, %dot_general3A_129 {dimension_numbers = #tpu.dot_dimension_numbers<[1], [1], [0], [0], [0, 0, 1, 0], [], []>, transpose_lhs_hint = false} : vector<50x64xf32>, vector<50x64xf32>, vector<50x50xf32> -> vector<50x50xf32>
    %reduce_max3A_131 = arith.constant dense<0xFF800000> : vector<50xf32>
    %reduce_max3A_132 = vector.multi_reduction <maximumf>, %dot_general3A_130, %reduce_max3A_131 [1] : vector<50x50xf32> to vector<50xf32>
    %max3A_133 = arith.constant 0xFF800000 : f32
    %max3A_134 = vector.broadcast %max3A_133 : f32 to vector<50xf32>
    %max3A_135 = arith.maximumf %max3A_134, %reduce_max3A_132 : vector<50xf32>
    %broadcast_in_dim3A_136 = vector.shape_cast %max3A_135 : vector<50xf32> to vector<50x1xf32>
    %sub3A_137 = vector.broadcast %broadcast_in_dim3A_136 : vector<50x1xf32> to vector<50x50xf32>
    %sub3A_138 = arith.subf %dot_general3A_130, %sub3A_137 : vector<50x50xf32>
    %exp3A_139 = math.exp %sub3A_138 : vector<50x50xf32>
    %reduce_sum3A_140 = arith.constant dense<0.000000e+00> : vector<50xf32>
    %reduce_sum3A_141 = vector.multi_reduction <add>, %exp3A_139, %reduce_sum3A_140 [1] : vector<50x50xf32> to vector<50xf32>
    %broadcast_in_dim3A_142 = vector.shape_cast %reduce_sum3A_141 : vector<50xf32> to vector<50x1xf32>
    %div3A_143 = vector.broadcast %broadcast_in_dim3A_142 : vector<50x1xf32> to vector<50x50xf32>
    %div3A_144 = arith.divf %exp3A_139, %div3A_143 : vector<50x50xf32>
    %reduce_max3A_145 = arith.constant dense<0xFF800000> : vector<50xf32>
    %reduce_max3A_146 = vector.multi_reduction <maximumf>, %dot_general3A_130, %reduce_max3A_145 [0] : vector<50x50xf32> to vector<50xf32>
    %max3A_147 = arith.constant 0xFF800000 : f32
    %max3A_148 = vector.broadcast %max3A_147 : f32 to vector<50xf32>
    %max3A_149 = arith.maximumf %max3A_148, %reduce_max3A_146 : vector<50xf32>
    %broadcast_in_dim3A_150 = vector.shape_cast %max3A_149 : vector<50xf32> to vector<1x50xf32>
    %sub3A_151 = vector.broadcast %broadcast_in_dim3A_150 : vector<1x50xf32> to vector<50x50xf32>
    %sub3A_152 = arith.subf %dot_general3A_130, %sub3A_151 : vector<50x50xf32>
    %exp3A_153 = math.exp %sub3A_152 : vector<50x50xf32>
    %reduce_sum3A_154 = arith.constant dense<0.000000e+00> : vector<50xf32>
    %reduce_sum3A_155 = vector.multi_reduction <add>, %exp3A_153, %reduce_sum3A_154 [0] : vector<50x50xf32> to vector<50xf32>
    %broadcast_in_dim3A_156 = vector.shape_cast %reduce_sum3A_155 : vector<50xf32> to vector<1x50xf32>
    %div3A_157 = vector.broadcast %broadcast_in_dim3A_156 : vector<1x50xf32> to vector<50x50xf32>
    %div3A_158 = arith.divf %exp3A_153, %div3A_157 : vector<50x50xf32>
    %dot_general3A_159 = arith.constant dense<0.000000e+00> : vector<50x64xf32>
    %dot_general3A_160 = tpu.matmul %div3A_144, %slice3A_128, %dot_general3A_159 {dimension_numbers = #tpu.dot_dimension_numbers<[1], [0], [0], [1], [0, 0, 1, 1], [], []>, transpose_lhs_hint = false} : vector<50x50xf32>, vector<50x64xf32>, vector<50x64xf32> -> vector<50x64xf32>
    %dot_general3A_161 = arith.constant dense<0.000000e+00> : vector<50x64xf32>
    %dot_general3A_162 = tpu.matmul %div3A_158, %slice3A_127, %dot_general3A_161 {dimension_numbers = #tpu.dot_dimension_numbers<[0], [0], [1], [1], [0, 1, 1, 1], [], []>, transpose_lhs_hint = false} : vector<50x50xf32>, vector<50x64xf32>, vector<50x64xf32> -> vector<50x64xf32>
    %slice3A_163 = vector.extract_strided_slice %slice3A {offsets = [100, 0], sizes = [100, 64], strides = [1, 1]} : vector<1000x64xf32> to vector<100x64xf32>
    %concatenate3A_164 = tpu.concatenate %dot_general3A_160, %dot_general3A_162 in 0 : vector<50x64xf32>, vector<50x64xf32> -> vector<100x64xf32>
    %sub3A_165 = arith.subf %slice3A_163, %concatenate3A_164 : vector<100x64xf32>
    %slice3A_166 = vector.extract_strided_slice %add3A_32 {offsets = [100, 0], sizes = [100, 64], strides = [1, 1]} : vector<1000x64xf32> to vector<100x64xf32>
    %concatenate3A_167 = tpu.concatenate %slice3A_166, %sub3A_165 in 1 : vector<100x64xf32>, vector<100x64xf32> -> vector<100x128xf32>
    %dot_general3A_168 = arith.constant dense<0.000000e+00> : vector<100x192xf32>
    %dot_general3A_169 = tpu.matmul %concatenate3A_167, %get3A_35, %dot_general3A_168 {dimension_numbers = #tpu.dot_dimension_numbers<[1], [1], [0], [0], [0, 0, 1, 0], [], []>, transpose_lhs_hint = false} : vector<100x128xf32>, vector<192x128xf32>, vector<100x192xf32> -> vector<100x192xf32>
    %broadcast_in_dim3A_170 = vector.shape_cast %get3A_40 : vector<192xf32> to vector<1x192xf32>
    %add3A_171 = vector.broadcast %broadcast_in_dim3A_170 : vector<1x192xf32> to vector<100x192xf32>
    %add3A_172 = arith.addf %dot_general3A_169, %add3A_171 : vector<100x192xf32>
    %dot_general3A_173 = arith.constant dense<0.000000e+00> : vector<100x192xf32>
    %dot_general3A_174 = tpu.matmul %slice3A_163, %get3A_38, %dot_general3A_173 {dimension_numbers = #tpu.dot_dimension_numbers<[1], [1], [0], [0], [0, 0, 1, 0], [], []>, transpose_lhs_hint = false} : vector<100x64xf32>, vector<192x64xf32>, vector<100x192xf32> -> vector<100x192xf32>
    %broadcast_in_dim3A_175 = vector.shape_cast %get3A_42 : vector<192xf32> to vector<1x192xf32>
    %add3A_176 = vector.broadcast %broadcast_in_dim3A_175 : vector<1x192xf32> to vector<100x192xf32>
    %add3A_177 = arith.addf %dot_general3A_174, %add3A_176 : vector<100x192xf32>
    %slice3A_178 = vector.extract_strided_slice %add3A_172 {offsets = [0, 0], sizes = [100, 64], strides = [1, 1]} : vector<100x192xf32> to vector<100x64xf32>
    %slice3A_179 = vector.extract_strided_slice %add3A_177 {offsets = [0, 0], sizes = [100, 64], strides = [1, 1]} : vector<100x192xf32> to vector<100x64xf32>
    %add3A_180 = arith.addf %slice3A_178, %slice3A_179 : vector<100x64xf32>
    %logistic3A_181 = arith.negf %add3A_180 : vector<100x64xf32>
    %logistic3A_182 = math.exp %logistic3A_181 : vector<100x64xf32>
    %logistic3A_183 = arith.constant 1.000000e+00 : f32
    %logistic3A_184 = vector.broadcast %logistic3A_183 : f32 to vector<100x64xf32>
    %logistic3A_185 = arith.addf %logistic3A_184, %logistic3A_182 : vector<100x64xf32>
    %logistic3A_186 = arith.divf %logistic3A_184, %logistic3A_185 : vector<100x64xf32>
    %slice3A_187 = vector.extract_strided_slice %add3A_172 {offsets = [0, 64], sizes = [100, 64], strides = [1, 1]} : vector<100x192xf32> to vector<100x64xf32>
    %slice3A_188 = vector.extract_strided_slice %add3A_177 {offsets = [0, 64], sizes = [100, 64], strides = [1, 1]} : vector<100x192xf32> to vector<100x64xf32>
    %add3A_189 = arith.addf %slice3A_187, %slice3A_188 : vector<100x64xf32>
    %logistic3A_190 = arith.negf %add3A_189 : vector<100x64xf32>
    %logistic3A_191 = math.exp %logistic3A_190 : vector<100x64xf32>
    %logistic3A_192 = arith.constant 1.000000e+00 : f32
    %logistic3A_193 = vector.broadcast %logistic3A_192 : f32 to vector<100x64xf32>
    %logistic3A_194 = arith.addf %logistic3A_193, %logistic3A_191 : vector<100x64xf32>
    %logistic3A_195 = arith.divf %logistic3A_193, %logistic3A_194 : vector<100x64xf32>
    %slice3A_196 = vector.extract_strided_slice %add3A_172 {offsets = [0, 128], sizes = [100, 64], strides = [1, 1]} : vector<100x192xf32> to vector<100x64xf32>
    %slice3A_197 = vector.extract_strided_slice %add3A_177 {offsets = [0, 128], sizes = [100, 64], strides = [1, 1]} : vector<100x192xf32> to vector<100x64xf32>
    %mul3A_198 = arith.mulf %logistic3A_186, %slice3A_197 : vector<100x64xf32>
    %add3A_199 = arith.addf %slice3A_196, %mul3A_198 : vector<100x64xf32>
    %tanh3A_200 = math.tanh %add3A_199 : vector<100x64xf32>
    %sub3A_201 = arith.constant 1.000000e+00 : f32
    %sub3A_202 = vector.broadcast %sub3A_201 : f32 to vector<100x64xf32>
    %sub3A_203 = arith.subf %sub3A_202, %logistic3A_195 : vector<100x64xf32>
    %mul3A_204 = arith.mulf %sub3A_203, %tanh3A_200 : vector<100x64xf32>
    %mul3A_205 = arith.mulf %logistic3A_195, %slice3A_163 : vector<100x64xf32>
    %add3A_206 = arith.addf %mul3A_204, %mul3A_205 : vector<100x64xf32>
    %concatenate3A_207 = tpu.concatenate %add3A_206, %broadcast_in_dim3A_43 in 1 : vector<100x64xf32>, vector<100x64xf32> -> vector<100x128xf32>
    %swap3A_208 = arith.constant 100 : index
    %swap3A_209 = arith.constant 0 : index
    %swap3A_210 = vector.load %arg12[%swap3A_208, %swap3A_209] : memref<1000x128xf32, #tpu.memory_space<vmem>>, vector<100x128xf32>
    tpu.vector_store %arg12[%swap3A_208, %swap3A_209], %concatenate3A_207 {strides = array<i32>} : memref<1000x128xf32, #tpu.memory_space<vmem>>, vector<100x128xf32>,
    %get3A_211 = arith.constant 0 : index
    %get3A_212 = arith.constant 0 : index
    %get3A_213 = vector.load %arg7[%get3A_211, %get3A_212] : memref<64x64xf32, #tpu.memory_space<vmem>>, vector<64x64xf32>
    %dot_general3A_214 = arith.constant dense<0.000000e+00> : vector<100x64xf32>
    %dot_general3A_215 = tpu.matmul %add3A_206, %get3A_213, %dot_general3A_214 {dimension_numbers = #tpu.dot_dimension_numbers<[1], [0], [0], [1], [0, 0, 1, 1], [], []>, transpose_lhs_hint = false} : vector<100x64xf32>, vector<64x64xf32>, vector<100x64xf32> -> vector<100x64xf32>
    %concatenate3A_216 = tpu.concatenate %dot_general3A_215, %broadcast_in_dim3A_43 in 1 : vector<100x64xf32>, vector<100x64xf32> -> vector<100x128xf32>
    %swap3A_217 = arith.constant 100 : index
    %swap3A_218 = arith.constant 0 : index
    %swap3A_219 = vector.load %arg13[%swap3A_217, %swap3A_218] : memref<1000x128xf32, #tpu.memory_space<vmem>>, vector<100x128xf32>
    tpu.vector_store %arg13[%swap3A_217, %swap3A_218], %concatenate3A_216 {strides = array<i32>} : memref<1000x128xf32, #tpu.memory_space<vmem>>, vector<100x128xf32>,
    %slice3A_220 = vector.extract_strided_slice %slice3A {offsets = [200, 0], sizes = [50, 64], strides = [1, 1]} : vector<1000x64xf32> to vector<50x64xf32>
    %slice3A_221 = vector.extract_strided_slice %slice3A {offsets = [250, 0], sizes = [50, 64], strides = [1, 1]} : vector<1000x64xf32> to vector<50x64xf32>
    %dot_general3A_222 = arith.constant dense<0.000000e+00> : vector<50x50xf32>
    %dot_general3A_223 = tpu.matmul %slice3A_220, %slice3A_221, %dot_general3A_222 {dimension_numbers = #tpu.dot_dimension_numbers<[1], [1], [0], [0], [0, 0, 1, 0], [], []>, transpose_lhs_hint = false} : vector<50x64xf32>, vector<50x64xf32>, vector<50x50xf32> -> vector<50x50xf32>
    %reduce_max3A_224 = arith.constant dense<0xFF800000> : vector<50xf32>
    %reduce_max3A_225 = vector.multi_reduction <maximumf>, %dot_general3A_223, %reduce_max3A_224 [1] : vector<50x50xf32> to vector<50xf32>
    %max3A_226 = arith.constant 0xFF800000 : f32
    %max3A_227 = vector.broadcast %max3A_226 : f32 to vector<50xf32>
    %max3A_228 = arith.maximumf %max3A_227, %reduce_max3A_225 : vector<50xf32>
    %broadcast_in_dim3A_229 = vector.shape_cast %max3A_228 : vector<50xf32> to vector<50x1xf32>
    %sub3A_230 = vector.broadcast %broadcast_in_dim3A_229 : vector<50x1xf32> to vector<50x50xf32>
    %sub3A_231 = arith.subf %dot_general3A_223, %sub3A_230 : vector<50x50xf32>
    %exp3A_232 = math.exp %sub3A_231 : vector<50x50xf32>
    %reduce_sum3A_233 = arith.constant dense<0.000000e+00> : vector<50xf32>
    %reduce_sum3A_234 = vector.multi_reduction <add>, %exp3A_232, %reduce_sum3A_233 [1] : vector<50x50xf32> to vector<50xf32>
    %broadcast_in_dim3A_235 = vector.shape_cast %reduce_sum3A_234 : vector<50xf32> to vector<50x1xf32>
    %div3A_236 = vector.broadcast %broadcast_in_dim3A_235 : vector<50x1xf32> to vector<50x50xf32>
    %div3A_237 = arith.divf %exp3A_232, %div3A_236 : vector<50x50xf32>
    %reduce_max3A_238 = arith.constant dense<0xFF800000> : vector<50xf32>
    %reduce_max3A_239 = vector.multi_reduction <maximumf>, %dot_general3A_223, %reduce_max3A_238 [0] : vector<50x50xf32> to vector<50xf32>
    %max3A_240 = arith.constant 0xFF800000 : f32
    %max3A_241 = vector.broadcast %max3A_240 : f32 to vector<50xf32>
    %max3A_242 = arith.maximumf %max3A_241, %reduce_max3A_239 : vector<50xf32>
    %broadcast_in_dim3A_243 = vector.shape_cast %max3A_242 : vector<50xf32> to vector<1x50xf32>
    %sub3A_244 = vector.broadcast %broadcast_in_dim3A_243 : vector<1x50xf32> to vector<50x50xf32>
    %sub3A_245 = arith.subf %dot_general3A_223, %sub3A_244 : vector<50x50xf32>
    %exp3A_246 = math.exp %sub3A_245 : vector<50x50xf32>
    %reduce_sum3A_247 = arith.constant dense<0.000000e+00> : vector<50xf32>
    %reduce_sum3A_248 = vector.multi_reduction <add>, %exp3A_246, %reduce_sum3A_247 [0] : vector<50x50xf32> to vector<50xf32>
    %broadcast_in_dim3A_249 = vector.shape_cast %reduce_sum3A_248 : vector<50xf32> to vector<1x50xf32>
    %div3A_250 = vector.broadcast %broadcast_in_dim3A_249 : vector<1x50xf32> to vector<50x50xf32>
    %div3A_251 = arith.divf %exp3A_246, %div3A_250 : vector<50x50xf32>
    %dot_general3A_252 = arith.constant dense<0.000000e+00> : vector<50x64xf32>
    %dot_general3A_253 = tpu.matmul %div3A_237, %slice3A_221, %dot_general3A_252 {dimension_numbers = #tpu.dot_dimension_numbers<[1], [0], [0], [1], [0, 0, 1, 1], [], []>, transpose_lhs_hint = false} : vector<50x50xf32>, vector<50x64xf32>, vector<50x64xf32> -> vector<50x64xf32>
    %dot_general3A_254 = arith.constant dense<0.000000e+00> : vector<50x64xf32>
    %dot_general3A_255 = tpu.matmul %div3A_251, %slice3A_220, %dot_general3A_254 {dimension_numbers = #tpu.dot_dimension_numbers<[0], [0], [1], [1], [0, 1, 1, 1], [], []>, transpose_lhs_hint = false} : vector<50x50xf32>, vector<50x64xf32>, vector<50x64xf32> -> vector<50x64xf32>
    %slice3A_256 = vector.extract_strided_slice %slice3A {offsets = [200, 0], sizes = [100, 64], strides = [1, 1]} : vector<1000x64xf32> to vector<100x64xf32>
    %concatenate3A_257 = tpu.concatenate %dot_general3A_253, %dot_general3A_255 in 0 : vector<50x64xf32>, vector<50x64xf32> -> vector<100x64xf32>
    %sub3A_258 = arith.subf %slice3A_256, %concatenate3A_257 : vector<100x64xf32>
    %slice3A_259 = vector.extract_strided_slice %add3A_32 {offsets = [200, 0], sizes = [100, 64], strides = [1, 1]} : vector<1000x64xf32> to vector<100x64xf32>
    %concatenate3A_260 = tpu.concatenate %slice3A_259, %sub3A_258 in 1 : vector<100x64xf32>, vector<100x64xf32> -> vector<100x128xf32>
    %dot_general3A_261 = arith.constant dense<0.000000e+00> : vector<100x192xf32>
    %dot_general3A_262 = tpu.matmul %concatenate3A_260, %get3A_35, %dot_general3A_261 {dimension_numbers = #tpu.dot_dimension_numbers<[1], [1], [0], [0], [0, 0, 1, 0], [], []>, transpose_lhs_hint = false} : vector<100x128xf32>, vector<192x128xf32>, vector<100x192xf32> -> vector<100x192xf32>
    %broadcast_in_dim3A_263 = vector.shape_cast %get3A_40 : vector<192xf32> to vector<1x192xf32>
    %add3A_264 = vector.broadcast %broadcast_in_dim3A_263 : vector<1x192xf32> to vector<100x192xf32>
    %add3A_265 = arith.addf %dot_general3A_262, %add3A_264 : vector<100x192xf32>
    %dot_general3A_266 = arith.constant dense<0.000000e+00> : vector<100x192xf32>
    %dot_general3A_267 = tpu.matmul %slice3A_256, %get3A_38, %dot_general3A_266 {dimension_numbers = #tpu.dot_dimension_numbers<[1], [1], [0], [0], [0, 0, 1, 0], [], []>, transpose_lhs_hint = false} : vector<100x64xf32>, vector<192x64xf32>, vector<100x192xf32> -> vector<100x192xf32>
    %broadcast_in_dim3A_268 = vector.shape_cast %get3A_42 : vector<192xf32> to vector<1x192xf32>
    %add3A_269 = vector.broadcast %broadcast_in_dim3A_268 : vector<1x192xf32> to vector<100x192xf32>
    %add3A_270 = arith.addf %dot_general3A_267, %add3A_269 : vector<100x192xf32>
    %slice3A_271 = vector.extract_strided_slice %add3A_265 {offsets = [0, 0], sizes = [100, 64], strides = [1, 1]} : vector<100x192xf32> to vector<100x64xf32>
    %slice3A_272 = vector.extract_strided_slice %add3A_270 {offsets = [0, 0], sizes = [100, 64], strides = [1, 1]} : vector<100x192xf32> to vector<100x64xf32>
    %add3A_273 = arith.addf %slice3A_271, %slice3A_272 : vector<100x64xf32>
    %logistic3A_274 = arith.negf %add3A_273 : vector<100x64xf32>
    %logistic3A_275 = math.exp %logistic3A_274 : vector<100x64xf32>
    %logistic3A_276 = arith.constant 1.000000e+00 : f32
    %logistic3A_277 = vector.broadcast %logistic3A_276 : f32 to vector<100x64xf32>
    %logistic3A_278 = arith.addf %logistic3A_277, %logistic3A_275 : vector<100x64xf32>
    %logistic3A_279 = arith.divf %logistic3A_277, %logistic3A_278 : vector<100x64xf32>
    %slice3A_280 = vector.extract_strided_slice %add3A_265 {offsets = [0, 64], sizes = [100, 64], strides = [1, 1]} : vector<100x192xf32> to vector<100x64xf32>
    %slice3A_281 = vector.extract_strided_slice %add3A_270 {offsets = [0, 64], sizes = [100, 64], strides = [1, 1]} : vector<100x192xf32> to vector<100x64xf32>
    %add3A_282 = arith.addf %slice3A_280, %slice3A_281 : vector<100x64xf32>
    %logistic3A_283 = arith.negf %add3A_282 : vector<100x64xf32>
    %logistic3A_284 = math.exp %logistic3A_283 : vector<100x64xf32>
    %logistic3A_285 = arith.constant 1.000000e+00 : f32
    %logistic3A_286 = vector.broadcast %logistic3A_285 : f32 to vector<100x64xf32>
    %logistic3A_287 = arith.addf %logistic3A_286, %logistic3A_284 : vector<100x64xf32>
    %logistic3A_288 = arith.divf %logistic3A_286, %logistic3A_287 : vector<100x64xf32>
    %slice3A_289 = vector.extract_strided_slice %add3A_265 {offsets = [0, 128], sizes = [100, 64], strides = [1, 1]} : vector<100x192xf32> to vector<100x64xf32>
    %slice3A_290 = vector.extract_strided_slice %add3A_270 {offsets = [0, 128], sizes = [100, 64], strides = [1, 1]} : vector<100x192xf32> to vector<100x64xf32>
    %mul3A_291 = arith.mulf %logistic3A_279, %slice3A_290 : vector<100x64xf32>
    %add3A_292 = arith.addf %slice3A_289, %mul3A_291 : vector<100x64xf32>
    %tanh3A_293 = math.tanh %add3A_292 : vector<100x64xf32>
    %sub3A_294 = arith.constant 1.000000e+00 : f32
    %sub3A_295 = vector.broadcast %sub3A_294 : f32 to vector<100x64xf32>
    %sub3A_296 = arith.subf %sub3A_295, %logistic3A_288 : vector<100x64xf32>
    %mul3A_297 = arith.mulf %sub3A_296, %tanh3A_293 : vector<100x64xf32>
    %mul3A_298 = arith.mulf %logistic3A_288, %slice3A_256 : vector<100x64xf32>
    %add3A_299 = arith.addf %mul3A_297, %mul3A_298 : vector<100x64xf32>
    %concatenate3A_300 = tpu.concatenate %add3A_299, %broadcast_in_dim3A_43 in 1 : vector<100x64xf32>, vector<100x64xf32> -> vector<100x128xf32>
    %swap3A_301 = arith.constant 200 : index
    %swap3A_302 = arith.constant 0 : index
    %swap3A_303 = vector.load %arg12[%swap3A_301, %swap3A_302] : memref<1000x128xf32, #tpu.memory_space<vmem>>, vector<100x128xf32>
    tpu.vector_store %arg12[%swap3A_301, %swap3A_302], %concatenate3A_300 {strides = array<i32>} : memref<1000x128xf32, #tpu.memory_space<vmem>>, vector<100x128xf32>,
    %get3A_304 = arith.constant 0 : index
    %get3A_305 = arith.constant 0 : index
    %get3A_306 = vector.load %arg7[%get3A_304, %get3A_305] : memref<64x64xf32, #tpu.memory_space<vmem>>, vector<64x64xf32>
    %dot_general3A_307 = arith.constant dense<0.000000e+00> : vector<100x64xf32>
    %dot_general3A_308 = tpu.matmul %add3A_299, %get3A_306, %dot_general3A_307 {dimension_numbers = #tpu.dot_dimension_numbers<[1], [0], [0], [1], [0, 0, 1, 1], [], []>, transpose_lhs_hint = false} : vector<100x64xf32>, vector<64x64xf32>, vector<100x64xf32> -> vector<100x64xf32>
    %concatenate3A_309 = tpu.concatenate %dot_general3A_308, %broadcast_in_dim3A_43 in 1 : vector<100x64xf32>, vector<100x64xf32> -> vector<100x128xf32>
    %swap3A_310 = arith.constant 200 : index
    %swap3A_311 = arith.constant 0 : index
    %swap3A_312 = vector.load %arg13[%swap3A_310, %swap3A_311] : memref<1000x128xf32, #tpu.memory_space<vmem>>, vector<100x128xf32>
    tpu.vector_store %arg13[%swap3A_310, %swap3A_311], %concatenate3A_309 {strides = array<i32>} : memref<1000x128xf32, #tpu.memory_space<vmem>>, vector<100x128xf32>,
    %slice3A_313 = vector.extract_strided_slice %slice3A {offsets = [300, 0], sizes = [50, 64], strides = [1, 1]} : vector<1000x64xf32> to vector<50x64xf32>
    %slice3A_314 = vector.extract_strided_slice %slice3A {offsets = [350, 0], sizes = [50, 64], strides = [1, 1]} : vector<1000x64xf32> to vector<50x64xf32>
    %dot_general3A_315 = arith.constant dense<0.000000e+00> : vector<50x50xf32>
    %dot_general3A_316 = tpu.matmul %slice3A_313, %slice3A_314, %dot_general3A_315 {dimension_numbers = #tpu.dot_dimension_numbers<[1], [1], [0], [0], [0, 0, 1, 0], [], []>, transpose_lhs_hint = false} : vector<50x64xf32>, vector<50x64xf32>, vector<50x50xf32> -> vector<50x50xf32>
    %reduce_max3A_317 = arith.constant dense<0xFF800000> : vector<50xf32>
    %reduce_max3A_318 = vector.multi_reduction <maximumf>, %dot_general3A_316, %reduce_max3A_317 [1] : vector<50x50xf32> to vector<50xf32>
    %max3A_319 = arith.constant 0xFF800000 : f32
    %max3A_320 = vector.broadcast %max3A_319 : f32 to vector<50xf32>
    %max3A_321 = arith.maximumf %max3A_320, %reduce_max3A_318 : vector<50xf32>
    %broadcast_in_dim3A_322 = vector.shape_cast %max3A_321 : vector<50xf32> to vector<50x1xf32>
    %sub3A_323 = vector.broadcast %broadcast_in_dim3A_322 : vector<50x1xf32> to vector<50x50xf32>
    %sub3A_324 = arith.subf %dot_general3A_316, %sub3A_323 : vector<50x50xf32>
    %exp3A_325 = math.exp %sub3A_324 : vector<50x50xf32>
    %reduce_sum3A_326 = arith.constant dense<0.000000e+00> : vector<50xf32>
    %reduce_sum3A_327 = vector.multi_reduction <add>, %exp3A_325, %reduce_sum3A_326 [1] : vector<50x50xf32> to vector<50xf32>
    %broadcast_in_dim3A_328 = vector.shape_cast %reduce_sum3A_327 : vector<50xf32> to vector<50x1xf32>
    %div3A_329 = vector.broadcast %broadcast_in_dim3A_328 : vector<50x1xf32> to vector<50x50xf32>
    %div3A_330 = arith.divf %exp3A_325, %div3A_329 : vector<50x50xf32>
    %reduce_max3A_331 = arith.constant dense<0xFF800000> : vector<50xf32>
    %reduce_max3A_332 = vector.multi_reduction <maximumf>, %dot_general3A_316, %reduce_max3A_331 [0] : vector<50x50xf32> to vector<50xf32>
    %max3A_333 = arith.constant 0xFF800000 : f32
    %max3A_334 = vector.broadcast %max3A_333 : f32 to vector<50xf32>
    %max3A_335 = arith.maximumf %max3A_334, %reduce_max3A_332 : vector<50xf32>
    %broadcast_in_dim3A_336 = vector.shape_cast %max3A_335 : vector<50xf32> to vector<1x50xf32>
    %sub3A_337 = vector.broadcast %broadcast_in_dim3A_336 : vector<1x50xf32> to vector<50x50xf32>
    %sub3A_338 = arith.subf %dot_general3A_316, %sub3A_337 : vector<50x50xf32>
    %exp3A_339 = math.exp %sub3A_338 : vector<50x50xf32>
    %reduce_sum3A_340 = arith.constant dense<0.000000e+00> : vector<50xf32>
    %reduce_sum3A_341 = vector.multi_reduction <add>, %exp3A_339, %reduce_sum3A_340 [0] : vector<50x50xf32> to vector<50xf32>
    %broadcast_in_dim3A_342 = vector.shape_cast %reduce_sum3A_341 : vector<50xf32> to vector<1x50xf32>
    %div3A_343 = vector.broadcast %broadcast_in_dim3A_342 : vector<1x50xf32> to vector<50x50xf32>
    %div3A_344 = arith.divf %exp3A_339, %div3A_343 : vector<50x50xf32>
    %dot_general3A_345 = arith.constant dense<0.000000e+00> : vector<50x64xf32>
    %dot_general3A_346 = tpu.matmul %div3A_330, %slice3A_314, %dot_general3A_345 {dimension_numbers = #tpu.dot_dimension_numbers<[1], [0], [0], [1], [0, 0, 1, 1], [], []>, transpose_lhs_hint = false} : vector<50x50xf32>, vector<50x64xf32>, vector<50x64xf32> -> vector<50x64xf32>
    %dot_general3A_347 = arith.constant dense<0.000000e+00> : vector<50x64xf32>
    %dot_general3A_348 = tpu.matmul %div3A_344, %slice3A_313, %dot_general3A_347 {dimension_numbers = #tpu.dot_dimension_numbers<[0], [0], [1], [1], [0, 1, 1, 1], [], []>, transpose_lhs_hint = false} : vector<50x50xf32>, vector<50x64xf32>, vector<50x64xf32> -> vector<50x64xf32>
    %slice3A_349 = vector.extract_strided_slice %slice3A {offsets = [300, 0], sizes = [100, 64], strides = [1, 1]} : vector<1000x64xf32> to vector<100x64xf32>
    %concatenate3A_350 = tpu.concatenate %dot_general3A_346, %dot_general3A_348 in 0 : vector<50x64xf32>, vector<50x64xf32> -> vector<100x64xf32>
    %sub3A_351 = arith.subf %slice3A_349, %concatenate3A_350 : vector<100x64xf32>
    %slice3A_352 = vector.extract_strided_slice %add3A_32 {offsets = [300, 0], sizes = [100, 64], strides = [1, 1]} : vector<1000x64xf32> to vector<100x64xf32>
    %concatenate3A_353 = tpu.concatenate %slice3A_352, %sub3A_351 in 1 : vector<100x64xf32>, vector<100x64xf32> -> vector<100x128xf32>
    %dot_general3A_354 = arith.constant dense<0.000000e+00> : vector<100x192xf32>
    %dot_general3A_355 = tpu.matmul %concatenate3A_353, %get3A_35, %dot_general3A_354 {dimension_numbers = #tpu.dot_dimension_numbers<[1], [1], [0], [0], [0, 0, 1, 0], [], []>, transpose_lhs_hint = false} : vector<100x128xf32>, vector<192x128xf32>, vector<100x192xf32> -> vector<100x192xf32>
    %broadcast_in_dim3A_356 = vector.shape_cast %get3A_40 : vector<192xf32> to vector<1x192xf32>
    %add3A_357 = vector.broadcast %broadcast_in_dim3A_356 : vector<1x192xf32> to vector<100x192xf32>
    %add3A_358 = arith.addf %dot_general3A_355, %add3A_357 : vector<100x192xf32>
    %dot_general3A_359 = arith.constant dense<0.000000e+00> : vector<100x192xf32>
    %dot_general3A_360 = tpu.matmul %slice3A_349, %get3A_38, %dot_general3A_359 {dimension_numbers = #tpu.dot_dimension_numbers<[1], [1], [0], [0], [0, 0, 1, 0], [], []>, transpose_lhs_hint = false} : vector<100x64xf32>, vector<192x64xf32>, vector<100x192xf32> -> vector<100x192xf32>
    %broadcast_in_dim3A_361 = vector.shape_cast %get3A_42 : vector<192xf32> to vector<1x192xf32>
    %add3A_362 = vector.broadcast %broadcast_in_dim3A_361 : vector<1x192xf32> to vector<100x192xf32>
    %add3A_363 = arith.addf %dot_general3A_360, %add3A_362 : vector<100x192xf32>
    %slice3A_364 = vector.extract_strided_slice %add3A_358 {offsets = [0, 0], sizes = [100, 64], strides = [1, 1]} : vector<100x192xf32> to vector<100x64xf32>
    %slice3A_365 = vector.extract_strided_slice %add3A_363 {offsets = [0, 0], sizes = [100, 64], strides = [1, 1]} : vector<100x192xf32> to vector<100x64xf32>
    %add3A_366 = arith.addf %slice3A_364, %slice3A_365 : vector<100x64xf32>
    %logistic3A_367 = arith.negf %add3A_366 : vector<100x64xf32>
    %logistic3A_368 = math.exp %logistic3A_367 : vector<100x64xf32>
    %logistic3A_369 = arith.constant 1.000000e+00 : f32
    %logistic3A_370 = vector.broadcast %logistic3A_369 : f32 to vector<100x64xf32>
    %logistic3A_371 = arith.addf %logistic3A_370, %logistic3A_368 : vector<100x64xf32>
    %logistic3A_372 = arith.divf %logistic3A_370, %logistic3A_371 : vector<100x64xf32>
    %slice3A_373 = vector.extract_strided_slice %add3A_358 {offsets = [0, 64], sizes = [100, 64], strides = [1, 1]} : vector<100x192xf32> to vector<100x64xf32>
    %slice3A_374 = vector.extract_strided_slice %add3A_363 {offsets = [0, 64], sizes = [100, 64], strides = [1, 1]} : vector<100x192xf32> to vector<100x64xf32>
    %add3A_375 = arith.addf %slice3A_373, %slice3A_374 : vector<100x64xf32>
    %logistic3A_376 = arith.negf %add3A_375 : vector<100x64xf32>
    %logistic3A_377 = math.exp %logistic3A_376 : vector<100x64xf32>
    %logistic3A_378 = arith.constant 1.000000e+00 : f32
    %logistic3A_379 = vector.broadcast %logistic3A_378 : f32 to vector<100x64xf32>
    %logistic3A_380 = arith.addf %logistic3A_379, %logistic3A_377 : vector<100x64xf32>
    %logistic3A_381 = arith.divf %logistic3A_379, %logistic3A_380 : vector<100x64xf32>
    %slice3A_382 = vector.extract_strided_slice %add3A_358 {offsets = [0, 128], sizes = [100, 64], strides = [1, 1]} : vector<100x192xf32> to vector<100x64xf32>
    %slice3A_383 = vector.extract_strided_slice %add3A_363 {offsets = [0, 128], sizes = [100, 64], strides = [1, 1]} : vector<100x192xf32> to vector<100x64xf32>
    %mul3A_384 = arith.mulf %logistic3A_372, %slice3A_383 : vector<100x64xf32>
    %add3A_385 = arith.addf %slice3A_382, %mul3A_384 : vector<100x64xf32>
    %tanh3A_386 = math.tanh %add3A_385 : vector<100x64xf32>
    %sub3A_387 = arith.constant 1.000000e+00 : f32
    %sub3A_388 = vector.broadcast %sub3A_387 : f32 to vector<100x64xf32>
    %sub3A_389 = arith.subf %sub3A_388, %logistic3A_381 : vector<100x64xf32>
    %mul3A_390 = arith.mulf %sub3A_389, %tanh3A_386 : vector<100x64xf32>
    %mul3A_391 = arith.mulf %logistic3A_381, %slice3A_349 : vector<100x64xf32>
    %add3A_392 = arith.addf %mul3A_390, %mul3A_391 : vector<100x64xf32>
    %concatenate3A_393 = tpu.concatenate %add3A_392, %broadcast_in_dim3A_43 in 1 : vector<100x64xf32>, vector<100x64xf32> -> vector<100x128xf32>
    %swap3A_394 = arith.constant 300 : index
    %swap3A_395 = arith.constant 0 : index
    %swap3A_396 = vector.load %arg12[%swap3A_394, %swap3A_395] : memref<1000x128xf32, #tpu.memory_space<vmem>>, vector<100x128xf32>
    tpu.vector_store %arg12[%swap3A_394, %swap3A_395], %concatenate3A_393 {strides = array<i32>} : memref<1000x128xf32, #tpu.memory_space<vmem>>, vector<100x128xf32>,
    %get3A_397 = arith.constant 0 : index
    %get3A_398 = arith.constant 0 : index
    %get3A_399 = vector.load %arg7[%get3A_397, %get3A_398] : memref<64x64xf32, #tpu.memory_space<vmem>>, vector<64x64xf32>
    %dot_general3A_400 = arith.constant dense<0.000000e+00> : vector<100x64xf32>
    %dot_general3A_401 = tpu.matmul %add3A_392, %get3A_399, %dot_general3A_400 {dimension_numbers = #tpu.dot_dimension_numbers<[1], [0], [0], [1], [0, 0, 1, 1], [], []>, transpose_lhs_hint = false} : vector<100x64xf32>, vector<64x64xf32>, vector<100x64xf32> -> vector<100x64xf32>
    %concatenate3A_402 = tpu.concatenate %dot_general3A_401, %broadcast_in_dim3A_43 in 1 : vector<100x64xf32>, vector<100x64xf32> -> vector<100x128xf32>
    %swap3A_403 = arith.constant 300 : index
    %swap3A_404 = arith.constant 0 : index
    %swap3A_405 = vector.load %arg13[%swap3A_403, %swap3A_404] : memref<1000x128xf32, #tpu.memory_space<vmem>>, vector<100x128xf32>
    tpu.vector_store %arg13[%swap3A_403, %swap3A_404], %concatenate3A_402 {strides = array<i32>} : memref<1000x128xf32, #tpu.memory_space<vmem>>, vector<100x128xf32>,
    %slice3A_406 = vector.extract_strided_slice %slice3A {offsets = [400, 0], sizes = [50, 64], strides = [1, 1]} : vector<1000x64xf32> to vector<50x64xf32>
    %slice3A_407 = vector.extract_strided_slice %slice3A {offsets = [450, 0], sizes = [50, 64], strides = [1, 1]} : vector<1000x64xf32> to vector<50x64xf32>
    %dot_general3A_408 = arith.constant dense<0.000000e+00> : vector<50x50xf32>
    %dot_general3A_409 = tpu.matmul %slice3A_406, %slice3A_407, %dot_general3A_408 {dimension_numbers = #tpu.dot_dimension_numbers<[1], [1], [0], [0], [0, 0, 1, 0], [], []>, transpose_lhs_hint = false} : vector<50x64xf32>, vector<50x64xf32>, vector<50x50xf32> -> vector<50x50xf32>
    %reduce_max3A_410 = arith.constant dense<0xFF800000> : vector<50xf32>
    %reduce_max3A_411 = vector.multi_reduction <maximumf>, %dot_general3A_409, %reduce_max3A_410 [1] : vector<50x50xf32> to vector<50xf32>
    %max3A_412 = arith.constant 0xFF800000 : f32
    %max3A_413 = vector.broadcast %max3A_412 : f32 to vector<50xf32>
    %max3A_414 = arith.maximumf %max3A_413, %reduce_max3A_411 : vector<50xf32>
    %broadcast_in_dim3A_415 = vector.shape_cast %max3A_414 : vector<50xf32> to vector<50x1xf32>
    %sub3A_416 = vector.broadcast %broadcast_in_dim3A_415 : vector<50x1xf32> to vector<50x50xf32>
    %sub3A_417 = arith.subf %dot_general3A_409, %sub3A_416 : vector<50x50xf32>
    %exp3A_418 = math.exp %sub3A_417 : vector<50x50xf32>
    %reduce_sum3A_419 = arith.constant dense<0.000000e+00> : vector<50xf32>
    %reduce_sum3A_420 = vector.multi_reduction <add>, %exp3A_418, %reduce_sum3A_419 [1] : vector<50x50xf32> to vector<50xf32>
    %broadcast_in_dim3A_421 = vector.shape_cast %reduce_sum3A_420 : vector<50xf32> to vector<50x1xf32>
    %div3A_422 = vector.broadcast %broadcast_in_dim3A_421 : vector<50x1xf32> to vector<50x50xf32>
    %div3A_423 = arith.divf %exp3A_418, %div3A_422 : vector<50x50xf32>
    %reduce_max3A_424 = arith.constant dense<0xFF800000> : vector<50xf32>
    %reduce_max3A_425 = vector.multi_reduction <maximumf>, %dot_general3A_409, %reduce_max3A_424 [0] : vector<50x50xf32> to vector<50xf32>
    %max3A_426 = arith.constant 0xFF800000 : f32
    %max3A_427 = vector.broadcast %max3A_426 : f32 to vector<50xf32>
    %max3A_428 = arith.maximumf %max3A_427, %reduce_max3A_425 : vector<50xf32>
    %broadcast_in_dim3A_429 = vector.shape_cast %max3A_428 : vector<50xf32> to vector<1x50xf32>
    %sub3A_430 = vector.broadcast %broadcast_in_dim3A_429 : vector<1x50xf32> to vector<50x50xf32>
    %sub3A_431 = arith.subf %dot_general3A_409, %sub3A_430 : vector<50x50xf32>
    %exp3A_432 = math.exp %sub3A_431 : vector<50x50xf32>
    %reduce_sum3A_433 = arith.constant dense<0.000000e+00> : vector<50xf32>
    %reduce_sum3A_434 = vector.multi_reduction <add>, %exp3A_432, %reduce_sum3A_433 [0] : vector<50x50xf32> to vector<50xf32>
    %broadcast_in_dim3A_435 = vector.shape_cast %reduce_sum3A_434 : vector<50xf32> to vector<1x50xf32>
    %div3A_436 = vector.broadcast %broadcast_in_dim3A_435 : vector<1x50xf32> to vector<50x50xf32>
    %div3A_437 = arith.divf %exp3A_432, %div3A_436 : vector<50x50xf32>
    %dot_general3A_438 = arith.constant dense<0.000000e+00> : vector<50x64xf32>
    %dot_general3A_439 = tpu.matmul %div3A_423, %slice3A_407, %dot_general3A_438 {dimension_numbers = #tpu.dot_dimension_numbers<[1], [0], [0], [1], [0, 0, 1, 1], [], []>, transpose_lhs_hint = false} : vector<50x50xf32>, vector<50x64xf32>, vector<50x64xf32> -> vector<50x64xf32>
    %dot_general3A_440 = arith.constant dense<0.000000e+00> : vector<50x64xf32>
    %dot_general3A_441 = tpu.matmul %div3A_437, %slice3A_406, %dot_general3A_440 {dimension_numbers = #tpu.dot_dimension_numbers<[0], [0], [1], [1], [0, 1, 1, 1], [], []>, transpose_lhs_hint = false} : vector<50x50xf32>, vector<50x64xf32>, vector<50x64xf32> -> vector<50x64xf32>
    %slice3A_442 = vector.extract_strided_slice %slice3A {offsets = [400, 0], sizes = [100, 64], strides = [1, 1]} : vector<1000x64xf32> to vector<100x64xf32>
    %concatenate3A_443 = tpu.concatenate %dot_general3A_439, %dot_general3A_441 in 0 : vector<50x64xf32>, vector<50x64xf32> -> vector<100x64xf32>
    %sub3A_444 = arith.subf %slice3A_442, %concatenate3A_443 : vector<100x64xf32>
    %slice3A_445 = vector.extract_strided_slice %add3A_32 {offsets = [400, 0], sizes = [100, 64], strides = [1, 1]} : vector<1000x64xf32> to vector<100x64xf32>
    %concatenate3A_446 = tpu.concatenate %slice3A_445, %sub3A_444 in 1 : vector<100x64xf32>, vector<100x64xf32> -> vector<100x128xf32>
    %dot_general3A_447 = arith.constant dense<0.000000e+00> : vector<100x192xf32>
    %dot_general3A_448 = tpu.matmul %concatenate3A_446, %get3A_35, %dot_general3A_447 {dimension_numbers = #tpu.dot_dimension_numbers<[1], [1], [0], [0], [0, 0, 1, 0], [], []>, transpose_lhs_hint = false} : vector<100x128xf32>, vector<192x128xf32>, vector<100x192xf32> -> vector<100x192xf32>
    %broadcast_in_dim3A_449 = vector.shape_cast %get3A_40 : vector<192xf32> to vector<1x192xf32>
    %add3A_450 = vector.broadcast %broadcast_in_dim3A_449 : vector<1x192xf32> to vector<100x192xf32>
    %add3A_451 = arith.addf %dot_general3A_448, %add3A_450 : vector<100x192xf32>
    %dot_general3A_452 = arith.constant dense<0.000000e+00> : vector<100x192xf32>
    %dot_general3A_453 = tpu.matmul %slice3A_442, %get3A_38, %dot_general3A_452 {dimension_numbers = #tpu.dot_dimension_numbers<[1], [1], [0], [0], [0, 0, 1, 0], [], []>, transpose_lhs_hint = false} : vector<100x64xf32>, vector<192x64xf32>, vector<100x192xf32> -> vector<100x192xf32>
    %broadcast_in_dim3A_454 = vector.shape_cast %get3A_42 : vector<192xf32> to vector<1x192xf32>
    %add3A_455 = vector.broadcast %broadcast_in_dim3A_454 : vector<1x192xf32> to vector<100x192xf32>
    %add3A_456 = arith.addf %dot_general3A_453, %add3A_455 : vector<100x192xf32>
    %slice3A_457 = vector.extract_strided_slice %add3A_451 {offsets = [0, 0], sizes = [100, 64], strides = [1, 1]} : vector<100x192xf32> to vector<100x64xf32>
    %slice3A_458 = vector.extract_strided_slice %add3A_456 {offsets = [0, 0], sizes = [100, 64], strides = [1, 1]} : vector<100x192xf32> to vector<100x64xf32>
    %add3A_459 = arith.addf %slice3A_457, %slice3A_458 : vector<100x64xf32>
    %logistic3A_460 = arith.negf %add3A_459 : vector<100x64xf32>
    %logistic3A_461 = math.exp %logistic3A_460 : vector<100x64xf32>
    %logistic3A_462 = arith.constant 1.000000e+00 : f32
    %logistic3A_463 = vector.broadcast %logistic3A_462 : f32 to vector<100x64xf32>
    %logistic3A_464 = arith.addf %logistic3A_463, %logistic3A_461 : vector<100x64xf32>
    %logistic3A_465 = arith.divf %logistic3A_463, %logistic3A_464 : vector<100x64xf32>
    %slice3A_466 = vector.extract_strided_slice %add3A_451 {offsets = [0, 64], sizes = [100, 64], strides = [1, 1]} : vector<100x192xf32> to vector<100x64xf32>
    %slice3A_467 = vector.extract_strided_slice %add3A_456 {offsets = [0, 64], sizes = [100, 64], strides = [1, 1]} : vector<100x192xf32> to vector<100x64xf32>
    %add3A_468 = arith.addf %slice3A_466, %slice3A_467 : vector<100x64xf32>
    %logistic3A_469 = arith.negf %add3A_468 : vector<100x64xf32>
    %logistic3A_470 = math.exp %logistic3A_469 : vector<100x64xf32>
    %logistic3A_471 = arith.constant 1.000000e+00 : f32
    %logistic3A_472 = vector.broadcast %logistic3A_471 : f32 to vector<100x64xf32>
    %logistic3A_473 = arith.addf %logistic3A_472, %logistic3A_470 : vector<100x64xf32>
    %logistic3A_474 = arith.divf %logistic3A_472, %logistic3A_473 : vector<100x64xf32>
    %slice3A_475 = vector.extract_strided_slice %add3A_451 {offsets = [0, 128], sizes = [100, 64], strides = [1, 1]} : vector<100x192xf32> to vector<100x64xf32>
    %slice3A_476 = vector.extract_strided_slice %add3A_456 {offsets = [0, 128], sizes = [100, 64], strides = [1, 1]} : vector<100x192xf32> to vector<100x64xf32>
    %mul3A_477 = arith.mulf %logistic3A_465, %slice3A_476 : vector<100x64xf32>
    %add3A_478 = arith.addf %slice3A_475, %mul3A_477 : vector<100x64xf32>
    %tanh3A_479 = math.tanh %add3A_478 : vector<100x64xf32>
    %sub3A_480 = arith.constant 1.000000e+00 : f32
    %sub3A_481 = vector.broadcast %sub3A_480 : f32 to vector<100x64xf32>
    %sub3A_482 = arith.subf %sub3A_481, %logistic3A_474 : vector<100x64xf32>
    %mul3A_483 = arith.mulf %sub3A_482, %tanh3A_479 : vector<100x64xf32>
    %mul3A_484 = arith.mulf %logistic3A_474, %slice3A_442 : vector<100x64xf32>
    %add3A_485 = arith.addf %mul3A_483, %mul3A_484 : vector<100x64xf32>
    %concatenate3A_486 = tpu.concatenate %add3A_485, %broadcast_in_dim3A_43 in 1 : vector<100x64xf32>, vector<100x64xf32> -> vector<100x128xf32>
    %swap3A_487 = arith.constant 400 : index
    %swap3A_488 = arith.constant 0 : index
    %swap3A_489 = vector.load %arg12[%swap3A_487, %swap3A_488] : memref<1000x128xf32, #tpu.memory_space<vmem>>, vector<100x128xf32>
    tpu.vector_store %arg12[%swap3A_487, %swap3A_488], %concatenate3A_486 {strides = array<i32>} : memref<1000x128xf32, #tpu.memory_space<vmem>>, vector<100x128xf32>,
    %get3A_490 = arith.constant 0 : index
    %get3A_491 = arith.constant 0 : index
    %get3A_492 = vector.load %arg7[%get3A_490, %get3A_491] : memref<64x64xf32, #tpu.memory_space<vmem>>, vector<64x64xf32>
    %dot_general3A_493 = arith.constant dense<0.000000e+00> : vector<100x64xf32>
    %dot_general3A_494 = tpu.matmul %add3A_485, %get3A_492, %dot_general3A_493 {dimension_numbers = #tpu.dot_dimension_numbers<[1], [0], [0], [1], [0, 0, 1, 1], [], []>, transpose_lhs_hint = false} : vector<100x64xf32>, vector<64x64xf32>, vector<100x64xf32> -> vector<100x64xf32>
    %concatenate3A_495 = tpu.concatenate %dot_general3A_494, %broadcast_in_dim3A_43 in 1 : vector<100x64xf32>, vector<100x64xf32> -> vector<100x128xf32>
    %swap3A_496 = arith.constant 400 : index
    %swap3A_497 = arith.constant 0 : index
    %swap3A_498 = vector.load %arg13[%swap3A_496, %swap3A_497] : memref<1000x128xf32, #tpu.memory_space<vmem>>, vector<100x128xf32>
    tpu.vector_store %arg13[%swap3A_496, %swap3A_497], %concatenate3A_495 {strides = array<i32>} : memref<1000x128xf32, #tpu.memory_space<vmem>>, vector<100x128xf32>,
    %slice3A_499 = vector.extract_strided_slice %slice3A {offsets = [500, 0], sizes = [50, 64], strides = [1, 1]} : vector<1000x64xf32> to vector<50x64xf32>
    %slice3A_500 = vector.extract_strided_slice %slice3A {offsets = [550, 0], sizes = [50, 64], strides = [1, 1]} : vector<1000x64xf32> to vector<50x64xf32>
    %dot_general3A_501 = arith.constant dense<0.000000e+00> : vector<50x50xf32>
    %dot_general3A_502 = tpu.matmul %slice3A_499, %slice3A_500, %dot_general3A_501 {dimension_numbers = #tpu.dot_dimension_numbers<[1], [1], [0], [0], [0, 0, 1, 0], [], []>, transpose_lhs_hint = false} : vector<50x64xf32>, vector<50x64xf32>, vector<50x50xf32> -> vector<50x50xf32>
    %reduce_max3A_503 = arith.constant dense<0xFF800000> : vector<50xf32>
    %reduce_max3A_504 = vector.multi_reduction <maximumf>, %dot_general3A_502, %reduce_max3A_503 [1] : vector<50x50xf32> to vector<50xf32>
    %max3A_505 = arith.constant 0xFF800000 : f32
    %max3A_506 = vector.broadcast %max3A_505 : f32 to vector<50xf32>
    %max3A_507 = arith.maximumf %max3A_506, %reduce_max3A_504 : vector<50xf32>
    %broadcast_in_dim3A_508 = vector.shape_cast %max3A_507 : vector<50xf32> to vector<50x1xf32>
    %sub3A_509 = vector.broadcast %broadcast_in_dim3A_508 : vector<50x1xf32> to vector<50x50xf32>
    %sub3A_510 = arith.subf %dot_general3A_502, %sub3A_509 : vector<50x50xf32>
    %exp3A_511 = math.exp %sub3A_510 : vector<50x50xf32>
    %reduce_sum3A_512 = arith.constant dense<0.000000e+00> : vector<50xf32>
    %reduce_sum3A_513 = vector.multi_reduction <add>, %exp3A_511, %reduce_sum3A_512 [1] : vector<50x50xf32> to vector<50xf32>
    %broadcast_in_dim3A_514 = vector.shape_cast %reduce_sum3A_513 : vector<50xf32> to vector<50x1xf32>
    %div3A_515 = vector.broadcast %broadcast_in_dim3A_514 : vector<50x1xf32> to vector<50x50xf32>
    %div3A_516 = arith.divf %exp3A_511, %div3A_515 : vector<50x50xf32>
    %reduce_max3A_517 = arith.constant dense<0xFF800000> : vector<50xf32>
    %reduce_max3A_518 = vector.multi_reduction <maximumf>, %dot_general3A_502, %reduce_max3A_517 [0] : vector<50x50xf32> to vector<50xf32>
    %max3A_519 = arith.constant 0xFF800000 : f32
    %max3A_520 = vector.broadcast %max3A_519 : f32 to vector<50xf32>
    %max3A_521 = arith.maximumf %max3A_520, %reduce_max3A_518 : vector<50xf32>
    %broadcast_in_dim3A_522 = vector.shape_cast %max3A_521 : vector<50xf32> to vector<1x50xf32>
    %sub3A_523 = vector.broadcast %broadcast_in_dim3A_522 : vector<1x50xf32> to vector<50x50xf32>
    %sub3A_524 = arith.subf %dot_general3A_502, %sub3A_523 : vector<50x50xf32>
    %exp3A_525 = math.exp %sub3A_524 : vector<50x50xf32>
    %reduce_sum3A_526 = arith.constant dense<0.000000e+00> : vector<50xf32>
    %reduce_sum3A_527 = vector.multi_reduction <add>, %exp3A_525, %reduce_sum3A_526 [0] : vector<50x50xf32> to vector<50xf32>
    %broadcast_in_dim3A_528 = vector.shape_cast %reduce_sum3A_527 : vector<50xf32> to vector<1x50xf32>
    %div3A_529 = vector.broadcast %broadcast_in_dim3A_528 : vector<1x50xf32> to vector<50x50xf32>
    %div3A_530 = arith.divf %exp3A_525, %div3A_529 : vector<50x50xf32>
    %dot_general3A_531 = arith.constant dense<0.000000e+00> : vector<50x64xf32>
    %dot_general3A_532 = tpu.matmul %div3A_516, %slice3A_500, %dot_general3A_531 {dimension_numbers = #tpu.dot_dimension_numbers<[1], [0], [0], [1], [0, 0, 1, 1], [], []>, transpose_lhs_hint = false} : vector<50x50xf32>, vector<50x64xf32>, vector<50x64xf32> -> vector<50x64xf32>
    %dot_general3A_533 = arith.constant dense<0.000000e+00> : vector<50x64xf32>
    %dot_general3A_534 = tpu.matmul %div3A_530, %slice3A_499, %dot_general3A_533 {dimension_numbers = #tpu.dot_dimension_numbers<[0], [0], [1], [1], [0, 1, 1, 1], [], []>, transpose_lhs_hint = false} : vector<50x50xf32>, vector<50x64xf32>, vector<50x64xf32> -> vector<50x64xf32>
    %slice3A_535 = vector.extract_strided_slice %slice3A {offsets = [500, 0], sizes = [100, 64], strides = [1, 1]} : vector<1000x64xf32> to vector<100x64xf32>
    %concatenate3A_536 = tpu.concatenate %dot_general3A_532, %dot_general3A_534 in 0 : vector<50x64xf32>, vector<50x64xf32> -> vector<100x64xf32>
    %sub3A_537 = arith.subf %slice3A_535, %concatenate3A_536 : vector<100x64xf32>
    %slice3A_538 = vector.extract_strided_slice %add3A_32 {offsets = [500, 0], sizes = [100, 64], strides = [1, 1]} : vector<1000x64xf32> to vector<100x64xf32>
    %concatenate3A_539 = tpu.concatenate %slice3A_538, %sub3A_537 in 1 : vector<100x64xf32>, vector<100x64xf32> -> vector<100x128xf32>
    %dot_general3A_540 = arith.constant dense<0.000000e+00> : vector<100x192xf32>
    %dot_general3A_541 = tpu.matmul %concatenate3A_539, %get3A_35, %dot_general3A_540 {dimension_numbers = #tpu.dot_dimension_numbers<[1], [1], [0], [0], [0, 0, 1, 0], [], []>, transpose_lhs_hint = false} : vector<100x128xf32>, vector<192x128xf32>, vector<100x192xf32> -> vector<100x192xf32>
    %broadcast_in_dim3A_542 = vector.shape_cast %get3A_40 : vector<192xf32> to vector<1x192xf32>
    %add3A_543 = vector.broadcast %broadcast_in_dim3A_542 : vector<1x192xf32> to vector<100x192xf32>
    %add3A_544 = arith.addf %dot_general3A_541, %add3A_543 : vector<100x192xf32>
    %dot_general3A_545 = arith.constant dense<0.000000e+00> : vector<100x192xf32>
    %dot_general3A_546 = tpu.matmul %slice3A_535, %get3A_38, %dot_general3A_545 {dimension_numbers = #tpu.dot_dimension_numbers<[1], [1], [0], [0], [0, 0, 1, 0], [], []>, transpose_lhs_hint = false} : vector<100x64xf32>, vector<192x64xf32>, vector<100x192xf32> -> vector<100x192xf32>
    %broadcast_in_dim3A_547 = vector.shape_cast %get3A_42 : vector<192xf32> to vector<1x192xf32>
    %add3A_548 = vector.broadcast %broadcast_in_dim3A_547 : vector<1x192xf32> to vector<100x192xf32>
    %add3A_549 = arith.addf %dot_general3A_546, %add3A_548 : vector<100x192xf32>
    %slice3A_550 = vector.extract_strided_slice %add3A_544 {offsets = [0, 0], sizes = [100, 64], strides = [1, 1]} : vector<100x192xf32> to vector<100x64xf32>
    %slice3A_551 = vector.extract_strided_slice %add3A_549 {offsets = [0, 0], sizes = [100, 64], strides = [1, 1]} : vector<100x192xf32> to vector<100x64xf32>
    %add3A_552 = arith.addf %slice3A_550, %slice3A_551 : vector<100x64xf32>
    %logistic3A_553 = arith.negf %add3A_552 : vector<100x64xf32>
    %logistic3A_554 = math.exp %logistic3A_553 : vector<100x64xf32>
    %logistic3A_555 = arith.constant 1.000000e+00 : f32
    %logistic3A_556 = vector.broadcast %logistic3A_555 : f32 to vector<100x64xf32>
    %logistic3A_557 = arith.addf %logistic3A_556, %logistic3A_554 : vector<100x64xf32>
    %logistic3A_558 = arith.divf %logistic3A_556, %logistic3A_557 : vector<100x64xf32>
    %slice3A_559 = vector.extract_strided_slice %add3A_544 {offsets = [0, 64], sizes = [100, 64], strides = [1, 1]} : vector<100x192xf32> to vector<100x64xf32>
    %slice3A_560 = vector.extract_strided_slice %add3A_549 {offsets = [0, 64], sizes = [100, 64], strides = [1, 1]} : vector<100x192xf32> to vector<100x64xf32>
    %add3A_561 = arith.addf %slice3A_559, %slice3A_560 : vector<100x64xf32>
    %logistic3A_562 = arith.negf %add3A_561 : vector<100x64xf32>
    %logistic3A_563 = math.exp %logistic3A_562 : vector<100x64xf32>
    %logistic3A_564 = arith.constant 1.000000e+00 : f32
    %logistic3A_565 = vector.broadcast %logistic3A_564 : f32 to vector<100x64xf32>
    %logistic3A_566 = arith.addf %logistic3A_565, %logistic3A_563 : vector<100x64xf32>
    %logistic3A_567 = arith.divf %logistic3A_565, %logistic3A_566 : vector<100x64xf32>
    %slice3A_568 = vector.extract_strided_slice %add3A_544 {offsets = [0, 128], sizes = [100, 64], strides = [1, 1]} : vector<100x192xf32> to vector<100x64xf32>
    %slice3A_569 = vector.extract_strided_slice %add3A_549 {offsets = [0, 128], sizes = [100, 64], strides = [1, 1]} : vector<100x192xf32> to vector<100x64xf32>
    %mul3A_570 = arith.mulf %logistic3A_558, %slice3A_569 : vector<100x64xf32>
    %add3A_571 = arith.addf %slice3A_568, %mul3A_570 : vector<100x64xf32>
    %tanh3A_572 = math.tanh %add3A_571 : vector<100x64xf32>
    %sub3A_573 = arith.constant 1.000000e+00 : f32
    %sub3A_574 = vector.broadcast %sub3A_573 : f32 to vector<100x64xf32>
    %sub3A_575 = arith.subf %sub3A_574, %logistic3A_567 : vector<100x64xf32>
    %mul3A_576 = arith.mulf %sub3A_575, %tanh3A_572 : vector<100x64xf32>
    %mul3A_577 = arith.mulf %logistic3A_567, %slice3A_535 : vector<100x64xf32>
    %add3A_578 = arith.addf %mul3A_576, %mul3A_577 : vector<100x64xf32>
    %concatenate3A_579 = tpu.concatenate %add3A_578, %broadcast_in_dim3A_43 in 1 : vector<100x64xf32>, vector<100x64xf32> -> vector<100x128xf32>
    %swap3A_580 = arith.constant 500 : index
    %swap3A_581 = arith.constant 0 : index
    %swap3A_582 = vector.load %arg12[%swap3A_580, %swap3A_581] : memref<1000x128xf32, #tpu.memory_space<vmem>>, vector<100x128xf32>
    tpu.vector_store %arg12[%swap3A_580, %swap3A_581], %concatenate3A_579 {strides = array<i32>} : memref<1000x128xf32, #tpu.memory_space<vmem>>, vector<100x128xf32>,
    %get3A_583 = arith.constant 0 : index
    %get3A_584 = arith.constant 0 : index
    %get3A_585 = vector.load %arg7[%get3A_583, %get3A_584] : memref<64x64xf32, #tpu.memory_space<vmem>>, vector<64x64xf32>
    %dot_general3A_586 = arith.constant dense<0.000000e+00> : vector<100x64xf32>
    %dot_general3A_587 = tpu.matmul %add3A_578, %get3A_585, %dot_general3A_586 {dimension_numbers = #tpu.dot_dimension_numbers<[1], [0], [0], [1], [0, 0, 1, 1], [], []>, transpose_lhs_hint = false} : vector<100x64xf32>, vector<64x64xf32>, vector<100x64xf32> -> vector<100x64xf32>
    %concatenate3A_588 = tpu.concatenate %dot_general3A_587, %broadcast_in_dim3A_43 in 1 : vector<100x64xf32>, vector<100x64xf32> -> vector<100x128xf32>
    %swap3A_589 = arith.constant 500 : index
    %swap3A_590 = arith.constant 0 : index
    %swap3A_591 = vector.load %arg13[%swap3A_589, %swap3A_590] : memref<1000x128xf32, #tpu.memory_space<vmem>>, vector<100x128xf32>
    tpu.vector_store %arg13[%swap3A_589, %swap3A_590], %concatenate3A_588 {strides = array<i32>} : memref<1000x128xf32, #tpu.memory_space<vmem>>, vector<100x128xf32>,
    %slice3A_592 = vector.extract_strided_slice %slice3A {offsets = [600, 0], sizes = [50, 64], strides = [1, 1]} : vector<1000x64xf32> to vector<50x64xf32>
    %slice3A_593 = vector.extract_strided_slice %slice3A {offsets = [650, 0], sizes = [50, 64], strides = [1, 1]} : vector<1000x64xf32> to vector<50x64xf32>
    %dot_general3A_594 = arith.constant dense<0.000000e+00> : vector<50x50xf32>
    %dot_general3A_595 = tpu.matmul %slice3A_592, %slice3A_593, %dot_general3A_594 {dimension_numbers = #tpu.dot_dimension_numbers<[1], [1], [0], [0], [0, 0, 1, 0], [], []>, transpose_lhs_hint = false} : vector<50x64xf32>, vector<50x64xf32>, vector<50x50xf32> -> vector<50x50xf32>
    %reduce_max3A_596 = arith.constant dense<0xFF800000> : vector<50xf32>
    %reduce_max3A_597 = vector.multi_reduction <maximumf>, %dot_general3A_595, %reduce_max3A_596 [1] : vector<50x50xf32> to vector<50xf32>
    %max3A_598 = arith.constant 0xFF800000 : f32
    %max3A_599 = vector.broadcast %max3A_598 : f32 to vector<50xf32>
    %max3A_600 = arith.maximumf %max3A_599, %reduce_max3A_597 : vector<50xf32>
    %broadcast_in_dim3A_601 = vector.shape_cast %max3A_600 : vector<50xf32> to vector<50x1xf32>
    %sub3A_602 = vector.broadcast %broadcast_in_dim3A_601 : vector<50x1xf32> to vector<50x50xf32>
    %sub3A_603 = arith.subf %dot_general3A_595, %sub3A_602 : vector<50x50xf32>
    %exp3A_604 = math.exp %sub3A_603 : vector<50x50xf32>
    %reduce_sum3A_605 = arith.constant dense<0.000000e+00> : vector<50xf32>
    %reduce_sum3A_606 = vector.multi_reduction <add>, %exp3A_604, %reduce_sum3A_605 [1] : vector<50x50xf32> to vector<50xf32>
    %broadcast_in_dim3A_607 = vector.shape_cast %reduce_sum3A_606 : vector<50xf32> to vector<50x1xf32>
    %div3A_608 = vector.broadcast %broadcast_in_dim3A_607 : vector<50x1xf32> to vector<50x50xf32>
    %div3A_609 = arith.divf %exp3A_604, %div3A_608 : vector<50x50xf32>
    %reduce_max3A_610 = arith.constant dense<0xFF800000> : vector<50xf32>
    %reduce_max3A_611 = vector.multi_reduction <maximumf>, %dot_general3A_595, %reduce_max3A_610 [0] : vector<50x50xf32> to vector<50xf32>
    %max3A_612 = arith.constant 0xFF800000 : f32
    %max3A_613 = vector.broadcast %max3A_612 : f32 to vector<50xf32>
    %max3A_614 = arith.maximumf %max3A_613, %reduce_max3A_611 : vector<50xf32>
    %broadcast_in_dim3A_615 = vector.shape_cast %max3A_614 : vector<50xf32> to vector<1x50xf32>
    %sub3A_616 = vector.broadcast %broadcast_in_dim3A_615 : vector<1x50xf32> to vector<50x50xf32>
    %sub3A_617 = arith.subf %dot_general3A_595, %sub3A_616 : vector<50x50xf32>
    %exp3A_618 = math.exp %sub3A_617 : vector<50x50xf32>
    %reduce_sum3A_619 = arith.constant dense<0.000000e+00> : vector<50xf32>
    %reduce_sum3A_620 = vector.multi_reduction <add>, %exp3A_618, %reduce_sum3A_619 [0] : vector<50x50xf32> to vector<50xf32>
    %broadcast_in_dim3A_621 = vector.shape_cast %reduce_sum3A_620 : vector<50xf32> to vector<1x50xf32>
    %div3A_622 = vector.broadcast %broadcast_in_dim3A_621 : vector<1x50xf32> to vector<50x50xf32>
    %div3A_623 = arith.divf %exp3A_618, %div3A_622 : vector<50x50xf32>
    %dot_general3A_624 = arith.constant dense<0.000000e+00> : vector<50x64xf32>
    %dot_general3A_625 = tpu.matmul %div3A_609, %slice3A_593, %dot_general3A_624 {dimension_numbers = #tpu.dot_dimension_numbers<[1], [0], [0], [1], [0, 0, 1, 1], [], []>, transpose_lhs_hint = false} : vector<50x50xf32>, vector<50x64xf32>, vector<50x64xf32> -> vector<50x64xf32>
    %dot_general3A_626 = arith.constant dense<0.000000e+00> : vector<50x64xf32>
    %dot_general3A_627 = tpu.matmul %div3A_623, %slice3A_592, %dot_general3A_626 {dimension_numbers = #tpu.dot_dimension_numbers<[0], [0], [1], [1], [0, 1, 1, 1], [], []>, transpose_lhs_hint = false} : vector<50x50xf32>, vector<50x64xf32>, vector<50x64xf32> -> vector<50x64xf32>
    %slice3A_628 = vector.extract_strided_slice %slice3A {offsets = [600, 0], sizes = [100, 64], strides = [1, 1]} : vector<1000x64xf32> to vector<100x64xf32>
    %concatenate3A_629 = tpu.concatenate %dot_general3A_625, %dot_general3A_627 in 0 : vector<50x64xf32>, vector<50x64xf32> -> vector<100x64xf32>
    %sub3A_630 = arith.subf %slice3A_628, %concatenate3A_629 : vector<100x64xf32>
    %slice3A_631 = vector.extract_strided_slice %add3A_32 {offsets = [600, 0], sizes = [100, 64], strides = [1, 1]} : vector<1000x64xf32> to vector<100x64xf32>
    %concatenate3A_632 = tpu.concatenate %slice3A_631, %sub3A_630 in 1 : vector<100x64xf32>, vector<100x64xf32> -> vector<100x128xf32>
    %dot_general3A_633 = arith.constant dense<0.000000e+00> : vector<100x192xf32>
    %dot_general3A_634 = tpu.matmul %concatenate3A_632, %get3A_35, %dot_general3A_633 {dimension_numbers = #tpu.dot_dimension_numbers<[1], [1], [0], [0], [0, 0, 1, 0], [], []>, transpose_lhs_hint = false} : vector<100x128xf32>, vector<192x128xf32>, vector<100x192xf32> -> vector<100x192xf32>
    %broadcast_in_dim3A_635 = vector.shape_cast %get3A_40 : vector<192xf32> to vector<1x192xf32>
    %add3A_636 = vector.broadcast %broadcast_in_dim3A_635 : vector<1x192xf32> to vector<100x192xf32>
    %add3A_637 = arith.addf %dot_general3A_634, %add3A_636 : vector<100x192xf32>
    %dot_general3A_638 = arith.constant dense<0.000000e+00> : vector<100x192xf32>
    %dot_general3A_639 = tpu.matmul %slice3A_628, %get3A_38, %dot_general3A_638 {dimension_numbers = #tpu.dot_dimension_numbers<[1], [1], [0], [0], [0, 0, 1, 0], [], []>, transpose_lhs_hint = false} : vector<100x64xf32>, vector<192x64xf32>, vector<100x192xf32> -> vector<100x192xf32>
    %broadcast_in_dim3A_640 = vector.shape_cast %get3A_42 : vector<192xf32> to vector<1x192xf32>
    %add3A_641 = vector.broadcast %broadcast_in_dim3A_640 : vector<1x192xf32> to vector<100x192xf32>
    %add3A_642 = arith.addf %dot_general3A_639, %add3A_641 : vector<100x192xf32>
    %slice3A_643 = vector.extract_strided_slice %add3A_637 {offsets = [0, 0], sizes = [100, 64], strides = [1, 1]} : vector<100x192xf32> to vector<100x64xf32>
    %slice3A_644 = vector.extract_strided_slice %add3A_642 {offsets = [0, 0], sizes = [100, 64], strides = [1, 1]} : vector<100x192xf32> to vector<100x64xf32>
    %add3A_645 = arith.addf %slice3A_643, %slice3A_644 : vector<100x64xf32>
    %logistic3A_646 = arith.negf %add3A_645 : vector<100x64xf32>
    %logistic3A_647 = math.exp %logistic3A_646 : vector<100x64xf32>
    %logistic3A_648 = arith.constant 1.000000e+00 : f32
    %logistic3A_649 = vector.broadcast %logistic3A_648 : f32 to vector<100x64xf32>
    %logistic3A_650 = arith.addf %logistic3A_649, %logistic3A_647 : vector<100x64xf32>
    %logistic3A_651 = arith.divf %logistic3A_649, %logistic3A_650 : vector<100x64xf32>
    %slice3A_652 = vector.extract_strided_slice %add3A_637 {offsets = [0, 64], sizes = [100, 64], strides = [1, 1]} : vector<100x192xf32> to vector<100x64xf32>
    %slice3A_653 = vector.extract_strided_slice %add3A_642 {offsets = [0, 64], sizes = [100, 64], strides = [1, 1]} : vector<100x192xf32> to vector<100x64xf32>
    %add3A_654 = arith.addf %slice3A_652, %slice3A_653 : vector<100x64xf32>
    %logistic3A_655 = arith.negf %add3A_654 : vector<100x64xf32>
    %logistic3A_656 = math.exp %logistic3A_655 : vector<100x64xf32>
    %logistic3A_657 = arith.constant 1.000000e+00 : f32
    %logistic3A_658 = vector.broadcast %logistic3A_657 : f32 to vector<100x64xf32>
    %logistic3A_659 = arith.addf %logistic3A_658, %logistic3A_656 : vector<100x64xf32>
    %logistic3A_660 = arith.divf %logistic3A_658, %logistic3A_659 : vector<100x64xf32>
    %slice3A_661 = vector.extract_strided_slice %add3A_637 {offsets = [0, 128], sizes = [100, 64], strides = [1, 1]} : vector<100x192xf32> to vector<100x64xf32>
    %slice3A_662 = vector.extract_strided_slice %add3A_642 {offsets = [0, 128], sizes = [100, 64], strides = [1, 1]} : vector<100x192xf32> to vector<100x64xf32>
    %mul3A_663 = arith.mulf %logistic3A_651, %slice3A_662 : vector<100x64xf32>
    %add3A_664 = arith.addf %slice3A_661, %mul3A_663 : vector<100x64xf32>
    %tanh3A_665 = math.tanh %add3A_664 : vector<100x64xf32>
    %sub3A_666 = arith.constant 1.000000e+00 : f32
    %sub3A_667 = vector.broadcast %sub3A_666 : f32 to vector<100x64xf32>
    %sub3A_668 = arith.subf %sub3A_667, %logistic3A_660 : vector<100x64xf32>
    %mul3A_669 = arith.mulf %sub3A_668, %tanh3A_665 : vector<100x64xf32>
    %mul3A_670 = arith.mulf %logistic3A_660, %slice3A_628 : vector<100x64xf32>
    %add3A_671 = arith.addf %mul3A_669, %mul3A_670 : vector<100x64xf32>
    %concatenate3A_672 = tpu.concatenate %add3A_671, %broadcast_in_dim3A_43 in 1 : vector<100x64xf32>, vector<100x64xf32> -> vector<100x128xf32>
    %swap3A_673 = arith.constant 600 : index
    %swap3A_674 = arith.constant 0 : index
    %swap3A_675 = vector.load %arg12[%swap3A_673, %swap3A_674] : memref<1000x128xf32, #tpu.memory_space<vmem>>, vector<100x128xf32>
    tpu.vector_store %arg12[%swap3A_673, %swap3A_674], %concatenate3A_672 {strides = array<i32>} : memref<1000x128xf32, #tpu.memory_space<vmem>>, vector<100x128xf32>,
    %get3A_676 = arith.constant 0 : index
    %get3A_677 = arith.constant 0 : index
    %get3A_678 = vector.load %arg7[%get3A_676, %get3A_677] : memref<64x64xf32, #tpu.memory_space<vmem>>, vector<64x64xf32>
    %dot_general3A_679 = arith.constant dense<0.000000e+00> : vector<100x64xf32>
    %dot_general3A_680 = tpu.matmul %add3A_671, %get3A_678, %dot_general3A_679 {dimension_numbers = #tpu.dot_dimension_numbers<[1], [0], [0], [1], [0, 0, 1, 1], [], []>, transpose_lhs_hint = false} : vector<100x64xf32>, vector<64x64xf32>, vector<100x64xf32> -> vector<100x64xf32>
    %concatenate3A_681 = tpu.concatenate %dot_general3A_680, %broadcast_in_dim3A_43 in 1 : vector<100x64xf32>, vector<100x64xf32> -> vector<100x128xf32>
    %swap3A_682 = arith.constant 600 : index
    %swap3A_683 = arith.constant 0 : index
    %swap3A_684 = vector.load %arg13[%swap3A_682, %swap3A_683] : memref<1000x128xf32, #tpu.memory_space<vmem>>, vector<100x128xf32>
    tpu.vector_store %arg13[%swap3A_682, %swap3A_683], %concatenate3A_681 {strides = array<i32>} : memref<1000x128xf32, #tpu.memory_space<vmem>>, vector<100x128xf32>,
    %slice3A_685 = vector.extract_strided_slice %slice3A {offsets = [700, 0], sizes = [50, 64], strides = [1, 1]} : vector<1000x64xf32> to vector<50x64xf32>
    %slice3A_686 = vector.extract_strided_slice %slice3A {offsets = [750, 0], sizes = [50, 64], strides = [1, 1]} : vector<1000x64xf32> to vector<50x64xf32>
    %dot_general3A_687 = arith.constant dense<0.000000e+00> : vector<50x50xf32>
    %dot_general3A_688 = tpu.matmul %slice3A_685, %slice3A_686, %dot_general3A_687 {dimension_numbers = #tpu.dot_dimension_numbers<[1], [1], [0], [0], [0, 0, 1, 0], [], []>, transpose_lhs_hint = false} : vector<50x64xf32>, vector<50x64xf32>, vector<50x50xf32> -> vector<50x50xf32>
    %reduce_max3A_689 = arith.constant dense<0xFF800000> : vector<50xf32>
    %reduce_max3A_690 = vector.multi_reduction <maximumf>, %dot_general3A_688, %reduce_max3A_689 [1] : vector<50x50xf32> to vector<50xf32>
    %max3A_691 = arith.constant 0xFF800000 : f32
    %max3A_692 = vector.broadcast %max3A_691 : f32 to vector<50xf32>
    %max3A_693 = arith.maximumf %max3A_692, %reduce_max3A_690 : vector<50xf32>
    %broadcast_in_dim3A_694 = vector.shape_cast %max3A_693 : vector<50xf32> to vector<50x1xf32>
    %sub3A_695 = vector.broadcast %broadcast_in_dim3A_694 : vector<50x1xf32> to vector<50x50xf32>
    %sub3A_696 = arith.subf %dot_general3A_688, %sub3A_695 : vector<50x50xf32>
    %exp3A_697 = math.exp %sub3A_696 : vector<50x50xf32>
    %reduce_sum3A_698 = arith.constant dense<0.000000e+00> : vector<50xf32>
    %reduce_sum3A_699 = vector.multi_reduction <add>, %exp3A_697, %reduce_sum3A_698 [1] : vector<50x50xf32> to vector<50xf32>
    %broadcast_in_dim3A_700 = vector.shape_cast %reduce_sum3A_699 : vector<50xf32> to vector<50x1xf32>
    %div3A_701 = vector.broadcast %broadcast_in_dim3A_700 : vector<50x1xf32> to vector<50x50xf32>
    %div3A_702 = arith.divf %exp3A_697, %div3A_701 : vector<50x50xf32>
    %reduce_max3A_703 = arith.constant dense<0xFF800000> : vector<50xf32>
    %reduce_max3A_704 = vector.multi_reduction <maximumf>, %dot_general3A_688, %reduce_max3A_703 [0] : vector<50x50xf32> to vector<50xf32>
    %max3A_705 = arith.constant 0xFF800000 : f32
    %max3A_706 = vector.broadcast %max3A_705 : f32 to vector<50xf32>
    %max3A_707 = arith.maximumf %max3A_706, %reduce_max3A_704 : vector<50xf32>
    %broadcast_in_dim3A_708 = vector.shape_cast %max3A_707 : vector<50xf32> to vector<1x50xf32>
    %sub3A_709 = vector.broadcast %broadcast_in_dim3A_708 : vector<1x50xf32> to vector<50x50xf32>
    %sub3A_710 = arith.subf %dot_general3A_688, %sub3A_709 : vector<50x50xf32>
    %exp3A_711 = math.exp %sub3A_710 : vector<50x50xf32>
    %reduce_sum3A_712 = arith.constant dense<0.000000e+00> : vector<50xf32>
    %reduce_sum3A_713 = vector.multi_reduction <add>, %exp3A_711, %reduce_sum3A_712 [0] : vector<50x50xf32> to vector<50xf32>
    %broadcast_in_dim3A_714 = vector.shape_cast %reduce_sum3A_713 : vector<50xf32> to vector<1x50xf32>
    %div3A_715 = vector.broadcast %broadcast_in_dim3A_714 : vector<1x50xf32> to vector<50x50xf32>
    %div3A_716 = arith.divf %exp3A_711, %div3A_715 : vector<50x50xf32>
    %dot_general3A_717 = arith.constant dense<0.000000e+00> : vector<50x64xf32>
    %dot_general3A_718 = tpu.matmul %div3A_702, %slice3A_686, %dot_general3A_717 {dimension_numbers = #tpu.dot_dimension_numbers<[1], [0], [0], [1], [0, 0, 1, 1], [], []>, transpose_lhs_hint = false} : vector<50x50xf32>, vector<50x64xf32>, vector<50x64xf32> -> vector<50x64xf32>
    %dot_general3A_719 = arith.constant dense<0.000000e+00> : vector<50x64xf32>
    %dot_general3A_720 = tpu.matmul %div3A_716, %slice3A_685, %dot_general3A_719 {dimension_numbers = #tpu.dot_dimension_numbers<[0], [0], [1], [1], [0, 1, 1, 1], [], []>, transpose_lhs_hint = false} : vector<50x50xf32>, vector<50x64xf32>, vector<50x64xf32> -> vector<50x64xf32>
    %slice3A_721 = vector.extract_strided_slice %slice3A {offsets = [700, 0], sizes = [100, 64], strides = [1, 1]} : vector<1000x64xf32> to vector<100x64xf32>
    %concatenate3A_722 = tpu.concatenate %dot_general3A_718, %dot_general3A_720 in 0 : vector<50x64xf32>, vector<50x64xf32> -> vector<100x64xf32>
    %sub3A_723 = arith.subf %slice3A_721, %concatenate3A_722 : vector<100x64xf32>
    %slice3A_724 = vector.extract_strided_slice %add3A_32 {offsets = [700, 0], sizes = [100, 64], strides = [1, 1]} : vector<1000x64xf32> to vector<100x64xf32>
    %concatenate3A_725 = tpu.concatenate %slice3A_724, %sub3A_723 in 1 : vector<100x64xf32>, vector<100x64xf32> -> vector<100x128xf32>
    %dot_general3A_726 = arith.constant dense<0.000000e+00> : vector<100x192xf32>
    %dot_general3A_727 = tpu.matmul %concatenate3A_725, %get3A_35, %dot_general3A_726 {dimension_numbers = #tpu.dot_dimension_numbers<[1], [1], [0], [0], [0, 0, 1, 0], [], []>, transpose_lhs_hint = false} : vector<100x128xf32>, vector<192x128xf32>, vector<100x192xf32> -> vector<100x192xf32>
    %broadcast_in_dim3A_728 = vector.shape_cast %get3A_40 : vector<192xf32> to vector<1x192xf32>
    %add3A_729 = vector.broadcast %broadcast_in_dim3A_728 : vector<1x192xf32> to vector<100x192xf32>
    %add3A_730 = arith.addf %dot_general3A_727, %add3A_729 : vector<100x192xf32>
    %dot_general3A_731 = arith.constant dense<0.000000e+00> : vector<100x192xf32>
    %dot_general3A_732 = tpu.matmul %slice3A_721, %get3A_38, %dot_general3A_731 {dimension_numbers = #tpu.dot_dimension_numbers<[1], [1], [0], [0], [0, 0, 1, 0], [], []>, transpose_lhs_hint = false} : vector<100x64xf32>, vector<192x64xf32>, vector<100x192xf32> -> vector<100x192xf32>
    %broadcast_in_dim3A_733 = vector.shape_cast %get3A_42 : vector<192xf32> to vector<1x192xf32>
    %add3A_734 = vector.broadcast %broadcast_in_dim3A_733 : vector<1x192xf32> to vector<100x192xf32>
    %add3A_735 = arith.addf %dot_general3A_732, %add3A_734 : vector<100x192xf32>
    %slice3A_736 = vector.extract_strided_slice %add3A_730 {offsets = [0, 0], sizes = [100, 64], strides = [1, 1]} : vector<100x192xf32> to vector<100x64xf32>
    %slice3A_737 = vector.extract_strided_slice %add3A_735 {offsets = [0, 0], sizes = [100, 64], strides = [1, 1]} : vector<100x192xf32> to vector<100x64xf32>
    %add3A_738 = arith.addf %slice3A_736, %slice3A_737 : vector<100x64xf32>
    %logistic3A_739 = arith.negf %add3A_738 : vector<100x64xf32>
    %logistic3A_740 = math.exp %logistic3A_739 : vector<100x64xf32>
    %logistic3A_741 = arith.constant 1.000000e+00 : f32
    %logistic3A_742 = vector.broadcast %logistic3A_741 : f32 to vector<100x64xf32>
    %logistic3A_743 = arith.addf %logistic3A_742, %logistic3A_740 : vector<100x64xf32>
    %logistic3A_744 = arith.divf %logistic3A_742, %logistic3A_743 : vector<100x64xf32>
    %slice3A_745 = vector.extract_strided_slice %add3A_730 {offsets = [0, 64], sizes = [100, 64], strides = [1, 1]} : vector<100x192xf32> to vector<100x64xf32>
    %slice3A_746 = vector.extract_strided_slice %add3A_735 {offsets = [0, 64], sizes = [100, 64], strides = [1, 1]} : vector<100x192xf32> to vector<100x64xf32>
    %add3A_747 = arith.addf %slice3A_745, %slice3A_746 : vector<100x64xf32>
    %logistic3A_748 = arith.negf %add3A_747 : vector<100x64xf32>
    %logistic3A_749 = math.exp %logistic3A_748 : vector<100x64xf32>
    %logistic3A_750 = arith.constant 1.000000e+00 : f32
    %logistic3A_751 = vector.broadcast %logistic3A_750 : f32 to vector<100x64xf32>
    %logistic3A_752 = arith.addf %logistic3A_751, %logistic3A_749 : vector<100x64xf32>
    %logistic3A_753 = arith.divf %logistic3A_751, %logistic3A_752 : vector<100x64xf32>
    %slice3A_754 = vector.extract_strided_slice %add3A_730 {offsets = [0, 128], sizes = [100, 64], strides = [1, 1]} : vector<100x192xf32> to vector<100x64xf32>
    %slice3A_755 = vector.extract_strided_slice %add3A_735 {offsets = [0, 128], sizes = [100, 64], strides = [1, 1]} : vector<100x192xf32> to vector<100x64xf32>
    %mul3A_756 = arith.mulf %logistic3A_744, %slice3A_755 : vector<100x64xf32>
    %add3A_757 = arith.addf %slice3A_754, %mul3A_756 : vector<100x64xf32>
    %tanh3A_758 = math.tanh %add3A_757 : vector<100x64xf32>
    %sub3A_759 = arith.constant 1.000000e+00 : f32
    %sub3A_760 = vector.broadcast %sub3A_759 : f32 to vector<100x64xf32>
    %sub3A_761 = arith.subf %sub3A_760, %logistic3A_753 : vector<100x64xf32>
    %mul3A_762 = arith.mulf %sub3A_761, %tanh3A_758 : vector<100x64xf32>
    %mul3A_763 = arith.mulf %logistic3A_753, %slice3A_721 : vector<100x64xf32>
    %add3A_764 = arith.addf %mul3A_762, %mul3A_763 : vector<100x64xf32>
    %concatenate3A_765 = tpu.concatenate %add3A_764, %broadcast_in_dim3A_43 in 1 : vector<100x64xf32>, vector<100x64xf32> -> vector<100x128xf32>
    %swap3A_766 = arith.constant 700 : index
    %swap3A_767 = arith.constant 0 : index
    %swap3A_768 = vector.load %arg12[%swap3A_766, %swap3A_767] : memref<1000x128xf32, #tpu.memory_space<vmem>>, vector<100x128xf32>
    tpu.vector_store %arg12[%swap3A_766, %swap3A_767], %concatenate3A_765 {strides = array<i32>} : memref<1000x128xf32, #tpu.memory_space<vmem>>, vector<100x128xf32>,
    %get3A_769 = arith.constant 0 : index
    %get3A_770 = arith.constant 0 : index
    %get3A_771 = vector.load %arg7[%get3A_769, %get3A_770] : memref<64x64xf32, #tpu.memory_space<vmem>>, vector<64x64xf32>
    %dot_general3A_772 = arith.constant dense<0.000000e+00> : vector<100x64xf32>
    %dot_general3A_773 = tpu.matmul %add3A_764, %get3A_771, %dot_general3A_772 {dimension_numbers = #tpu.dot_dimension_numbers<[1], [0], [0], [1], [0, 0, 1, 1], [], []>, transpose_lhs_hint = false} : vector<100x64xf32>, vector<64x64xf32>, vector<100x64xf32> -> vector<100x64xf32>
    %concatenate3A_774 = tpu.concatenate %dot_general3A_773, %broadcast_in_dim3A_43 in 1 : vector<100x64xf32>, vector<100x64xf32> -> vector<100x128xf32>
    %swap3A_775 = arith.constant 700 : index
    %swap3A_776 = arith.constant 0 : index
    %swap3A_777 = vector.load %arg13[%swap3A_775, %swap3A_776] : memref<1000x128xf32, #tpu.memory_space<vmem>>, vector<100x128xf32>
    tpu.vector_store %arg13[%swap3A_775, %swap3A_776], %concatenate3A_774 {strides = array<i32>} : memref<1000x128xf32, #tpu.memory_space<vmem>>, vector<100x128xf32>,
    %slice3A_778 = vector.extract_strided_slice %slice3A {offsets = [800, 0], sizes = [50, 64], strides = [1, 1]} : vector<1000x64xf32> to vector<50x64xf32>
    %slice3A_779 = vector.extract_strided_slice %slice3A {offsets = [850, 0], sizes = [50, 64], strides = [1, 1]} : vector<1000x64xf32> to vector<50x64xf32>
    %dot_general3A_780 = arith.constant dense<0.000000e+00> : vector<50x50xf32>
    %dot_general3A_781 = tpu.matmul %slice3A_778, %slice3A_779, %dot_general3A_780 {dimension_numbers = #tpu.dot_dimension_numbers<[1], [1], [0], [0], [0, 0, 1, 0], [], []>, transpose_lhs_hint = false} : vector<50x64xf32>, vector<50x64xf32>, vector<50x50xf32> -> vector<50x50xf32>
    %reduce_max3A_782 = arith.constant dense<0xFF800000> : vector<50xf32>
    %reduce_max3A_783 = vector.multi_reduction <maximumf>, %dot_general3A_781, %reduce_max3A_782 [1] : vector<50x50xf32> to vector<50xf32>
    %max3A_784 = arith.constant 0xFF800000 : f32
    %max3A_785 = vector.broadcast %max3A_784 : f32 to vector<50xf32>
    %max3A_786 = arith.maximumf %max3A_785, %reduce_max3A_783 : vector<50xf32>
    %broadcast_in_dim3A_787 = vector.shape_cast %max3A_786 : vector<50xf32> to vector<50x1xf32>
    %sub3A_788 = vector.broadcast %broadcast_in_dim3A_787 : vector<50x1xf32> to vector<50x50xf32>
    %sub3A_789 = arith.subf %dot_general3A_781, %sub3A_788 : vector<50x50xf32>
    %exp3A_790 = math.exp %sub3A_789 : vector<50x50xf32>
    %reduce_sum3A_791 = arith.constant dense<0.000000e+00> : vector<50xf32>
    %reduce_sum3A_792 = vector.multi_reduction <add>, %exp3A_790, %reduce_sum3A_791 [1] : vector<50x50xf32> to vector<50xf32>
    %broadcast_in_dim3A_793 = vector.shape_cast %reduce_sum3A_792 : vector<50xf32> to vector<50x1xf32>
    %div3A_794 = vector.broadcast %broadcast_in_dim3A_793 : vector<50x1xf32> to vector<50x50xf32>
    %div3A_795 = arith.divf %exp3A_790, %div3A_794 : vector<50x50xf32>
    %reduce_max3A_796 = arith.constant dense<0xFF800000> : vector<50xf32>
    %reduce_max3A_797 = vector.multi_reduction <maximumf>, %dot_general3A_781, %reduce_max3A_796 [0] : vector<50x50xf32> to vector<50xf32>
    %max3A_798 = arith.constant 0xFF800000 : f32
    %max3A_799 = vector.broadcast %max3A_798 : f32 to vector<50xf32>
    %max3A_800 = arith.maximumf %max3A_799, %reduce_max3A_797 : vector<50xf32>
    %broadcast_in_dim3A_801 = vector.shape_cast %max3A_800 : vector<50xf32> to vector<1x50xf32>
    %sub3A_802 = vector.broadcast %broadcast_in_dim3A_801 : vector<1x50xf32> to vector<50x50xf32>
    %sub3A_803 = arith.subf %dot_general3A_781, %sub3A_802 : vector<50x50xf32>
    %exp3A_804 = math.exp %sub3A_803 : vector<50x50xf32>
    %reduce_sum3A_805 = arith.constant dense<0.000000e+00> : vector<50xf32>
    %reduce_sum3A_806 = vector.multi_reduction <add>, %exp3A_804, %reduce_sum3A_805 [0] : vector<50x50xf32> to vector<50xf32>
    %broadcast_in_dim3A_807 = vector.shape_cast %reduce_sum3A_806 : vector<50xf32> to vector<1x50xf32>
    %div3A_808 = vector.broadcast %broadcast_in_dim3A_807 : vector<1x50xf32> to vector<50x50xf32>
    %div3A_809 = arith.divf %exp3A_804, %div3A_808 : vector<50x50xf32>
    %dot_general3A_810 = arith.constant dense<0.000000e+00> : vector<50x64xf32>
    %dot_general3A_811 = tpu.matmul %div3A_795, %slice3A_779, %dot_general3A_810 {dimension_numbers = #tpu.dot_dimension_numbers<[1], [0], [0], [1], [0, 0, 1, 1], [], []>, transpose_lhs_hint = false} : vector<50x50xf32>, vector<50x64xf32>, vector<50x64xf32> -> vector<50x64xf32>
    %dot_general3A_812 = arith.constant dense<0.000000e+00> : vector<50x64xf32>
    %dot_general3A_813 = tpu.matmul %div3A_809, %slice3A_778, %dot_general3A_812 {dimension_numbers = #tpu.dot_dimension_numbers<[0], [0], [1], [1], [0, 1, 1, 1], [], []>, transpose_lhs_hint = false} : vector<50x50xf32>, vector<50x64xf32>, vector<50x64xf32> -> vector<50x64xf32>
    %slice3A_814 = vector.extract_strided_slice %slice3A {offsets = [800, 0], sizes = [100, 64], strides = [1, 1]} : vector<1000x64xf32> to vector<100x64xf32>
    %concatenate3A_815 = tpu.concatenate %dot_general3A_811, %dot_general3A_813 in 0 : vector<50x64xf32>, vector<50x64xf32> -> vector<100x64xf32>
    %sub3A_816 = arith.subf %slice3A_814, %concatenate3A_815 : vector<100x64xf32>
    %slice3A_817 = vector.extract_strided_slice %add3A_32 {offsets = [800, 0], sizes = [100, 64], strides = [1, 1]} : vector<1000x64xf32> to vector<100x64xf32>
    %concatenate3A_818 = tpu.concatenate %slice3A_817, %sub3A_816 in 1 : vector<100x64xf32>, vector<100x64xf32> -> vector<100x128xf32>
    %dot_general3A_819 = arith.constant dense<0.000000e+00> : vector<100x192xf32>
    %dot_general3A_820 = tpu.matmul %concatenate3A_818, %get3A_35, %dot_general3A_819 {dimension_numbers = #tpu.dot_dimension_numbers<[1], [1], [0], [0], [0, 0, 1, 0], [], []>, transpose_lhs_hint = false} : vector<100x128xf32>, vector<192x128xf32>, vector<100x192xf32> -> vector<100x192xf32>
    %broadcast_in_dim3A_821 = vector.shape_cast %get3A_40 : vector<192xf32> to vector<1x192xf32>
    %add3A_822 = vector.broadcast %broadcast_in_dim3A_821 : vector<1x192xf32> to vector<100x192xf32>
    %add3A_823 = arith.addf %dot_general3A_820, %add3A_822 : vector<100x192xf32>
    %dot_general3A_824 = arith.constant dense<0.000000e+00> : vector<100x192xf32>
    %dot_general3A_825 = tpu.matmul %slice3A_814, %get3A_38, %dot_general3A_824 {dimension_numbers = #tpu.dot_dimension_numbers<[1], [1], [0], [0], [0, 0, 1, 0], [], []>, transpose_lhs_hint = false} : vector<100x64xf32>, vector<192x64xf32>, vector<100x192xf32> -> vector<100x192xf32>
    %broadcast_in_dim3A_826 = vector.shape_cast %get3A_42 : vector<192xf32> to vector<1x192xf32>
    %add3A_827 = vector.broadcast %broadcast_in_dim3A_826 : vector<1x192xf32> to vector<100x192xf32>
    %add3A_828 = arith.addf %dot_general3A_825, %add3A_827 : vector<100x192xf32>
    %slice3A_829 = vector.extract_strided_slice %add3A_823 {offsets = [0, 0], sizes = [100, 64], strides = [1, 1]} : vector<100x192xf32> to vector<100x64xf32>
    %slice3A_830 = vector.extract_strided_slice %add3A_828 {offsets = [0, 0], sizes = [100, 64], strides = [1, 1]} : vector<100x192xf32> to vector<100x64xf32>
    %add3A_831 = arith.addf %slice3A_829, %slice3A_830 : vector<100x64xf32>
    %logistic3A_832 = arith.negf %add3A_831 : vector<100x64xf32>
    %logistic3A_833 = math.exp %logistic3A_832 : vector<100x64xf32>
    %logistic3A_834 = arith.constant 1.000000e+00 : f32
    %logistic3A_835 = vector.broadcast %logistic3A_834 : f32 to vector<100x64xf32>
    %logistic3A_836 = arith.addf %logistic3A_835, %logistic3A_833 : vector<100x64xf32>
    %logistic3A_837 = arith.divf %logistic3A_835, %logistic3A_836 : vector<100x64xf32>
    %slice3A_838 = vector.extract_strided_slice %add3A_823 {offsets = [0, 64], sizes = [100, 64], strides = [1, 1]} : vector<100x192xf32> to vector<100x64xf32>
    %slice3A_839 = vector.extract_strided_slice %add3A_828 {offsets = [0, 64], sizes = [100, 64], strides = [1, 1]} : vector<100x192xf32> to vector<100x64xf32>
    %add3A_840 = arith.addf %slice3A_838, %slice3A_839 : vector<100x64xf32>
    %logistic3A_841 = arith.negf %add3A_840 : vector<100x64xf32>
    %logistic3A_842 = math.exp %logistic3A_841 : vector<100x64xf32>
    %logistic3A_843 = arith.constant 1.000000e+00 : f32
    %logistic3A_844 = vector.broadcast %logistic3A_843 : f32 to vector<100x64xf32>
    %logistic3A_845 = arith.addf %logistic3A_844, %logistic3A_842 : vector<100x64xf32>
    %logistic3A_846 = arith.divf %logistic3A_844, %logistic3A_845 : vector<100x64xf32>
    %slice3A_847 = vector.extract_strided_slice %add3A_823 {offsets = [0, 128], sizes = [100, 64], strides = [1, 1]} : vector<100x192xf32> to vector<100x64xf32>
    %slice3A_848 = vector.extract_strided_slice %add3A_828 {offsets = [0, 128], sizes = [100, 64], strides = [1, 1]} : vector<100x192xf32> to vector<100x64xf32>
    %mul3A_849 = arith.mulf %logistic3A_837, %slice3A_848 : vector<100x64xf32>
    %add3A_850 = arith.addf %slice3A_847, %mul3A_849 : vector<100x64xf32>
    %tanh3A_851 = math.tanh %add3A_850 : vector<100x64xf32>
    %sub3A_852 = arith.constant 1.000000e+00 : f32
    %sub3A_853 = vector.broadcast %sub3A_852 : f32 to vector<100x64xf32>
    %sub3A_854 = arith.subf %sub3A_853, %logistic3A_846 : vector<100x64xf32>
    %mul3A_855 = arith.mulf %sub3A_854, %tanh3A_851 : vector<100x64xf32>
    %mul3A_856 = arith.mulf %logistic3A_846, %slice3A_814 : vector<100x64xf32>
    %add3A_857 = arith.addf %mul3A_855, %mul3A_856 : vector<100x64xf32>
    %concatenate3A_858 = tpu.concatenate %add3A_857, %broadcast_in_dim3A_43 in 1 : vector<100x64xf32>, vector<100x64xf32> -> vector<100x128xf32>
    %swap3A_859 = arith.constant 800 : index
    %swap3A_860 = arith.constant 0 : index
    %swap3A_861 = vector.load %arg12[%swap3A_859, %swap3A_860] : memref<1000x128xf32, #tpu.memory_space<vmem>>, vector<100x128xf32>
    tpu.vector_store %arg12[%swap3A_859, %swap3A_860], %concatenate3A_858 {strides = array<i32>} : memref<1000x128xf32, #tpu.memory_space<vmem>>, vector<100x128xf32>,
    %get3A_862 = arith.constant 0 : index
    %get3A_863 = arith.constant 0 : index
    %get3A_864 = vector.load %arg7[%get3A_862, %get3A_863] : memref<64x64xf32, #tpu.memory_space<vmem>>, vector<64x64xf32>
    %dot_general3A_865 = arith.constant dense<0.000000e+00> : vector<100x64xf32>
    %dot_general3A_866 = tpu.matmul %add3A_857, %get3A_864, %dot_general3A_865 {dimension_numbers = #tpu.dot_dimension_numbers<[1], [0], [0], [1], [0, 0, 1, 1], [], []>, transpose_lhs_hint = false} : vector<100x64xf32>, vector<64x64xf32>, vector<100x64xf32> -> vector<100x64xf32>
    %concatenate3A_867 = tpu.concatenate %dot_general3A_866, %broadcast_in_dim3A_43 in 1 : vector<100x64xf32>, vector<100x64xf32> -> vector<100x128xf32>
    %swap3A_868 = arith.constant 800 : index
    %swap3A_869 = arith.constant 0 : index
    %swap3A_870 = vector.load %arg13[%swap3A_868, %swap3A_869] : memref<1000x128xf32, #tpu.memory_space<vmem>>, vector<100x128xf32>
    tpu.vector_store %arg13[%swap3A_868, %swap3A_869], %concatenate3A_867 {strides = array<i32>} : memref<1000x128xf32, #tpu.memory_space<vmem>>, vector<100x128xf32>,
    %slice3A_871 = vector.extract_strided_slice %slice3A {offsets = [900, 0], sizes = [50, 64], strides = [1, 1]} : vector<1000x64xf32> to vector<50x64xf32>
    %slice3A_872 = vector.extract_strided_slice %slice3A {offsets = [950, 0], sizes = [50, 64], strides = [1, 1]} : vector<1000x64xf32> to vector<50x64xf32>
    %dot_general3A_873 = arith.constant dense<0.000000e+00> : vector<50x50xf32>
    %dot_general3A_874 = tpu.matmul %slice3A_871, %slice3A_872, %dot_general3A_873 {dimension_numbers = #tpu.dot_dimension_numbers<[1], [1], [0], [0], [0, 0, 1, 0], [], []>, transpose_lhs_hint = false} : vector<50x64xf32>, vector<50x64xf32>, vector<50x50xf32> -> vector<50x50xf32>
    %reduce_max3A_875 = arith.constant dense<0xFF800000> : vector<50xf32>
    %reduce_max3A_876 = vector.multi_reduction <maximumf>, %dot_general3A_874, %reduce_max3A_875 [1] : vector<50x50xf32> to vector<50xf32>
    %max3A_877 = arith.constant 0xFF800000 : f32
    %max3A_878 = vector.broadcast %max3A_877 : f32 to vector<50xf32>
    %max3A_879 = arith.maximumf %max3A_878, %reduce_max3A_876 : vector<50xf32>
    %broadcast_in_dim3A_880 = vector.shape_cast %max3A_879 : vector<50xf32> to vector<50x1xf32>
    %sub3A_881 = vector.broadcast %broadcast_in_dim3A_880 : vector<50x1xf32> to vector<50x50xf32>
    %sub3A_882 = arith.subf %dot_general3A_874, %sub3A_881 : vector<50x50xf32>
    %exp3A_883 = math.exp %sub3A_882 : vector<50x50xf32>
    %reduce_sum3A_884 = arith.constant dense<0.000000e+00> : vector<50xf32>
    %reduce_sum3A_885 = vector.multi_reduction <add>, %exp3A_883, %reduce_sum3A_884 [1] : vector<50x50xf32> to vector<50xf32>
    %broadcast_in_dim3A_886 = vector.shape_cast %reduce_sum3A_885 : vector<50xf32> to vector<50x1xf32>
    %div3A_887 = vector.broadcast %broadcast_in_dim3A_886 : vector<50x1xf32> to vector<50x50xf32>
    %div3A_888 = arith.divf %exp3A_883, %div3A_887 : vector<50x50xf32>
    %reduce_max3A_889 = arith.constant dense<0xFF800000> : vector<50xf32>
    %reduce_max3A_890 = vector.multi_reduction <maximumf>, %dot_general3A_874, %reduce_max3A_889 [0] : vector<50x50xf32> to vector<50xf32>
    %max3A_891 = arith.constant 0xFF800000 : f32
    %max3A_892 = vector.broadcast %max3A_891 : f32 to vector<50xf32>
    %max3A_893 = arith.maximumf %max3A_892, %reduce_max3A_890 : vector<50xf32>
    %broadcast_in_dim3A_894 = vector.shape_cast %max3A_893 : vector<50xf32> to vector<1x50xf32>
    %sub3A_895 = vector.broadcast %broadcast_in_dim3A_894 : vector<1x50xf32> to vector<50x50xf32>
    %sub3A_896 = arith.subf %dot_general3A_874, %sub3A_895 : vector<50x50xf32>
    %exp3A_897 = math.exp %sub3A_896 : vector<50x50xf32>
    %reduce_sum3A_898 = arith.constant dense<0.000000e+00> : vector<50xf32>
    %reduce_sum3A_899 = vector.multi_reduction <add>, %exp3A_897, %reduce_sum3A_898 [0] : vector<50x50xf32> to vector<50xf32>
    %broadcast_in_dim3A_900 = vector.shape_cast %reduce_sum3A_899 : vector<50xf32> to vector<1x50xf32>
    %div3A_901 = vector.broadcast %broadcast_in_dim3A_900 : vector<1x50xf32> to vector<50x50xf32>
    %div3A_902 = arith.divf %exp3A_897, %div3A_901 : vector<50x50xf32>
    %dot_general3A_903 = arith.constant dense<0.000000e+00> : vector<50x64xf32>
    %dot_general3A_904 = tpu.matmul %div3A_888, %slice3A_872, %dot_general3A_903 {dimension_numbers = #tpu.dot_dimension_numbers<[1], [0], [0], [1], [0, 0, 1, 1], [], []>, transpose_lhs_hint = false} : vector<50x50xf32>, vector<50x64xf32>, vector<50x64xf32> -> vector<50x64xf32>
    %dot_general3A_905 = arith.constant dense<0.000000e+00> : vector<50x64xf32>
    %dot_general3A_906 = tpu.matmul %div3A_902, %slice3A_871, %dot_general3A_905 {dimension_numbers = #tpu.dot_dimension_numbers<[0], [0], [1], [1], [0, 1, 1, 1], [], []>, transpose_lhs_hint = false} : vector<50x50xf32>, vector<50x64xf32>, vector<50x64xf32> -> vector<50x64xf32>
    %slice3A_907 = vector.extract_strided_slice %slice3A {offsets = [900, 0], sizes = [100, 64], strides = [1, 1]} : vector<1000x64xf32> to vector<100x64xf32>
    %concatenate3A_908 = tpu.concatenate %dot_general3A_904, %dot_general3A_906 in 0 : vector<50x64xf32>, vector<50x64xf32> -> vector<100x64xf32>
    %sub3A_909 = arith.subf %slice3A_907, %concatenate3A_908 : vector<100x64xf32>
    %slice3A_910 = vector.extract_strided_slice %add3A_32 {offsets = [900, 0], sizes = [100, 64], strides = [1, 1]} : vector<1000x64xf32> to vector<100x64xf32>
    %concatenate3A_911 = tpu.concatenate %slice3A_910, %sub3A_909 in 1 : vector<100x64xf32>, vector<100x64xf32> -> vector<100x128xf32>
    %dot_general3A_912 = arith.constant dense<0.000000e+00> : vector<100x192xf32>
    %dot_general3A_913 = tpu.matmul %concatenate3A_911, %get3A_35, %dot_general3A_912 {dimension_numbers = #tpu.dot_dimension_numbers<[1], [1], [0], [0], [0, 0, 1, 0], [], []>, transpose_lhs_hint = false} : vector<100x128xf32>, vector<192x128xf32>, vector<100x192xf32> -> vector<100x192xf32>
    %broadcast_in_dim3A_914 = vector.shape_cast %get3A_40 : vector<192xf32> to vector<1x192xf32>
    %add3A_915 = vector.broadcast %broadcast_in_dim3A_914 : vector<1x192xf32> to vector<100x192xf32>
    %add3A_916 = arith.addf %dot_general3A_913, %add3A_915 : vector<100x192xf32>
    %dot_general3A_917 = arith.constant dense<0.000000e+00> : vector<100x192xf32>
    %dot_general3A_918 = tpu.matmul %slice3A_907, %get3A_38, %dot_general3A_917 {dimension_numbers = #tpu.dot_dimension_numbers<[1], [1], [0], [0], [0, 0, 1, 0], [], []>, transpose_lhs_hint = false} : vector<100x64xf32>, vector<192x64xf32>, vector<100x192xf32> -> vector<100x192xf32>
    %broadcast_in_dim3A_919 = vector.shape_cast %get3A_42 : vector<192xf32> to vector<1x192xf32>
    %add3A_920 = vector.broadcast %broadcast_in_dim3A_919 : vector<1x192xf32> to vector<100x192xf32>
    %add3A_921 = arith.addf %dot_general3A_918, %add3A_920 : vector<100x192xf32>
    %slice3A_922 = vector.extract_strided_slice %add3A_916 {offsets = [0, 0], sizes = [100, 64], strides = [1, 1]} : vector<100x192xf32> to vector<100x64xf32>
    %slice3A_923 = vector.extract_strided_slice %add3A_921 {offsets = [0, 0], sizes = [100, 64], strides = [1, 1]} : vector<100x192xf32> to vector<100x64xf32>
    %add3A_924 = arith.addf %slice3A_922, %slice3A_923 : vector<100x64xf32>
    %logistic3A_925 = arith.negf %add3A_924 : vector<100x64xf32>
    %logistic3A_926 = math.exp %logistic3A_925 : vector<100x64xf32>
    %logistic3A_927 = arith.constant 1.000000e+00 : f32
    %logistic3A_928 = vector.broadcast %logistic3A_927 : f32 to vector<100x64xf32>
    %logistic3A_929 = arith.addf %logistic3A_928, %logistic3A_926 : vector<100x64xf32>
    %logistic3A_930 = arith.divf %logistic3A_928, %logistic3A_929 : vector<100x64xf32>
    %slice3A_931 = vector.extract_strided_slice %add3A_916 {offsets = [0, 64], sizes = [100, 64], strides = [1, 1]} : vector<100x192xf32> to vector<100x64xf32>
    %slice3A_932 = vector.extract_strided_slice %add3A_921 {offsets = [0, 64], sizes = [100, 64], strides = [1, 1]} : vector<100x192xf32> to vector<100x64xf32>
    %add3A_933 = arith.addf %slice3A_931, %slice3A_932 : vector<100x64xf32>
    %logistic3A_934 = arith.negf %add3A_933 : vector<100x64xf32>
    %logistic3A_935 = math.exp %logistic3A_934 : vector<100x64xf32>
    %logistic3A_936 = arith.constant 1.000000e+00 : f32
    %logistic3A_937 = vector.broadcast %logistic3A_936 : f32 to vector<100x64xf32>
    %logistic3A_938 = arith.addf %logistic3A_937, %logistic3A_935 : vector<100x64xf32>
    %logistic3A_939 = arith.divf %logistic3A_937, %logistic3A_938 : vector<100x64xf32>
    %slice3A_940 = vector.extract_strided_slice %add3A_916 {offsets = [0, 128], sizes = [100, 64], strides = [1, 1]} : vector<100x192xf32> to vector<100x64xf32>
    %slice3A_941 = vector.extract_strided_slice %add3A_921 {offsets = [0, 128], sizes = [100, 64], strides = [1, 1]} : vector<100x192xf32> to vector<100x64xf32>
    %mul3A_942 = arith.mulf %logistic3A_930, %slice3A_941 : vector<100x64xf32>
    %add3A_943 = arith.addf %slice3A_940, %mul3A_942 : vector<100x64xf32>
    %tanh3A_944 = math.tanh %add3A_943 : vector<100x64xf32>
    %sub3A_945 = arith.constant 1.000000e+00 : f32
    %sub3A_946 = vector.broadcast %sub3A_945 : f32 to vector<100x64xf32>
    %sub3A_947 = arith.subf %sub3A_946, %logistic3A_939 : vector<100x64xf32>
    %mul3A_948 = arith.mulf %sub3A_947, %tanh3A_944 : vector<100x64xf32>
    %mul3A_949 = arith.mulf %logistic3A_939, %slice3A_907 : vector<100x64xf32>
    %add3A_950 = arith.addf %mul3A_948, %mul3A_949 : vector<100x64xf32>
    %concatenate3A_951 = tpu.concatenate %add3A_950, %broadcast_in_dim3A_43 in 1 : vector<100x64xf32>, vector<100x64xf32> -> vector<100x128xf32>
    %swap3A_952 = arith.constant 900 : index
    %swap3A_953 = arith.constant 0 : index
    %swap3A_954 = vector.load %arg12[%swap3A_952, %swap3A_953] : memref<1000x128xf32, #tpu.memory_space<vmem>>, vector<100x128xf32>
    tpu.vector_store %arg12[%swap3A_952, %swap3A_953], %concatenate3A_951 {strides = array<i32>} : memref<1000x128xf32, #tpu.memory_space<vmem>>, vector<100x128xf32>,
    %get3A_955 = arith.constant 0 : index
    %get3A_956 = arith.constant 0 : index
    %get3A_957 = vector.load %arg7[%get3A_955, %get3A_956] : memref<64x64xf32, #tpu.memory_space<vmem>>, vector<64x64xf32>
    %dot_general3A_958 = arith.constant dense<0.000000e+00> : vector<100x64xf32>
    %dot_general3A_959 = tpu.matmul %add3A_950, %get3A_957, %dot_general3A_958 {dimension_numbers = #tpu.dot_dimension_numbers<[1], [0], [0], [1], [0, 0, 1, 1], [], []>, transpose_lhs_hint = false} : vector<100x64xf32>, vector<64x64xf32>, vector<100x64xf32> -> vector<100x64xf32>
    %concatenate3A_960 = tpu.concatenate %dot_general3A_959, %broadcast_in_dim3A_43 in 1 : vector<100x64xf32>, vector<100x64xf32> -> vector<100x128xf32>
    %swap3A_961 = arith.constant 900 : index
    %swap3A_962 = arith.constant 0 : index
    %swap3A_963 = vector.load %arg13[%swap3A_961, %swap3A_962] : memref<1000x128xf32, #tpu.memory_space<vmem>>, vector<100x128xf32>
    tpu.vector_store %arg13[%swap3A_961, %swap3A_962], %concatenate3A_960 {strides = array<i32>} : memref<1000x128xf32, #tpu.memory_space<vmem>>, vector<100x128xf32>,
    return
  }
  func.func @transform_0(%arg0: i32) -> (i32, i32) {
    %c0_i32 = arith.constant 0 : i32
    %c0_i32_0 = arith.constant 0 : i32
    return %arg0, %c0_i32 : i32, i32
  }
  func.func @transform_1(%arg0: i32) -> (i32, i32, i32) {
    %c0_i32 = arith.constant 0 : i32
    %c0_i32_0 = arith.constant 0 : i32
    %c0_i32_1 = arith.constant 0 : i32
    return %c0_i32, %arg0, %c0_i32_0 : i32, i32, i32
  }
  func.func @transform_2(%arg0: i32) -> (i32, i32, i32) {
    %c1_i32 = arith.constant 1 : i32
    %c0_i32 = arith.constant 0 : i32
    %c0_i32_0 = arith.constant 0 : i32
    return %c1_i32, %arg0, %c0_i32 : i32, i32, i32
  }
  func.func @transform_3(%arg0: i32) -> (i32, i32, i32) {
    %c0_i32 = arith.constant 0 : i32
    %c0_i32_0 = arith.constant 0 : i32
    %c0_i32_1 = arith.constant 0 : i32
    return %c0_i32, %arg0, %c0_i32_0 : i32, i32, i32
  }
  func.func @transform_4(%arg0: i32) -> (i32, i32, i32) {
    %c1_i32 = arith.constant 1 : i32
    %c0_i32 = arith.constant 0 : i32
    %c0_i32_0 = arith.constant 0 : i32
    return %c1_i32, %arg0, %c0_i32 : i32, i32, i32
  }
  func.func @transform_5(%arg0: i32) -> (i32, i32) {
    %c0_i32 = arith.constant 0 : i32
    %c0_i32_0 = arith.constant 0 : i32
    %c0_i32_1 = arith.constant 0 : i32
    return %c0_i32, %c0_i32_0 : i32, i32
  }
  func.func @transform_6(%arg0: i32) -> (i32, i32) {
    %c0_i32 = arith.constant 0 : i32
    %c0_i32_0 = arith.constant 0 : i32
    %c0_i32_1 = arith.constant 0 : i32
    return %c0_i32, %c0_i32_0 : i32, i32
  }
  func.func @transform_7(%arg0: i32) -> (i32, i32) {
    %c0_i32 = arith.constant 0 : i32
    %c0_i32_0 = arith.constant 0 : i32
    %c0_i32_1 = arith.constant 0 : i32
    return %c0_i32, %c0_i32_0 : i32, i32
  }
  func.func @transform_8(%arg0: i32) -> i32 {
    %c0_i32 = arith.constant 0 : i32
    %c0_i32_0 = arith.constant 0 : i32
    return %c0_i32 : i32
  }
  func.func @transform_9(%arg0: i32) -> (i32, i32) {
    %c0_i32 = arith.constant 0 : i32
    %c0_i32_0 = arith.constant 0 : i32
    %c0_i32_1 = arith.constant 0 : i32
    return %c0_i32, %c0_i32_0 : i32, i32
  }
  func.func @transform_10(%arg0: i32) -> i32 {
    %c0_i32 = arith.constant 0 : i32
    %c0_i32_0 = arith.constant 0 : i32
    return %c0_i32 : i32
  }
  func.func @transform_11(%arg0: i32) -> (i32, i32) {
    %c0_i32 = arith.constant 0 : i32
    %c0_i32_0 = arith.constant 0 : i32
    return %arg0, %c0_i32 : i32, i32
  }
  func.func @transform_12(%arg0: i32) -> (i32, i32) {
    %c0_i32 = arith.constant 0 : i32
    %c0_i32_0 = arith.constant 0 : i32
    return %arg0, %c0_i32 : i32, i32
  }
}

module attributes {stable_mosaic.version = 14 : i64} {
  func.func @_step_body(%arg0: i32, %arg1: memref<1000x128xf32, #tpu.memory_space<vmem>>, %arg2: memref<1x1000x128xf32, #tpu.memory_space<vmem>>, %arg3: memref<1x1000x128xf32, #tpu.memory_space<vmem>>, %arg4: memref<1x1000x128xf32, #tpu.memory_space<vmem>>, %arg5: memref<1x1000x128xf32, #tpu.memory_space<vmem>>, %arg6: memref<64x64xf32, #tpu.memory_space<vmem>>, %arg7: memref<64x64xf32, #tpu.memory_space<vmem>>, %arg8: memref<192x128xf32, #tpu.memory_space<vmem>>, %arg9: memref<192xf32, #tpu.memory_space<vmem>>, %arg10: memref<192x64xf32, #tpu.memory_space<vmem>>, %arg11: memref<192xf32, #tpu.memory_space<vmem>>, %arg12: memref<1000x128xf32, #tpu.memory_space<vmem>>, %arg13: memref<1000x128xf32, #tpu.memory_space<vmem>>) attributes {dimension_semantics = [#tpu.dimension_semantics<arbitrary>], iteration_bounds = array<i64: 10>, scalar_prefetch = 0 : i64, scratch_operands = 0 : i64, tpu.core_type = #tpu.core_type<tc>, window_params = [{transform_indices = @transform_0, window_bounds = array<i64: 1000, 128>}, {transform_indices = @transform_1, window_bounds = array<i64: 1, 1000, 128>}, {transform_indices = @transform_2, window_bounds = array<i64: 1, 1000, 128>}, {transform_indices = @transform_3, window_bounds = array<i64: 1, 1000, 128>}, {transform_indices = @transform_4, window_bounds = array<i64: 1, 1000, 128>}, {pipeline_mode = #tpu.pipeline_mode<synchronous>, transform_indices = @transform_5, window_bounds = array<i64: 64, 64>}, {pipeline_mode = #tpu.pipeline_mode<synchronous>, transform_indices = @transform_6, window_bounds = array<i64: 64, 64>}, {pipeline_mode = #tpu.pipeline_mode<synchronous>, transform_indices = @transform_7, window_bounds = array<i64: 192, 128>}, {pipeline_mode = #tpu.pipeline_mode<synchronous>, transform_indices = @transform_8, window_bounds = array<i64: 192>}, {pipeline_mode = #tpu.pipeline_mode<synchronous>, transform_indices = @transform_9, window_bounds = array<i64: 192, 64>}, {pipeline_mode = #tpu.pipeline_mode<synchronous>, transform_indices = @transform_10, window_bounds = array<i64: 192>}, {transform_indices = @transform_11, window_bounds = array<i64: 1000, 128>}, {transform_indices = @transform_12, window_bounds = array<i64: 1000, 128>}]} {
    %get3A = arith.constant 0 : index
    %get3A_0 = arith.constant 0 : index
    %get3A_1 = vector.load %arg1[%get3A, %get3A_0] : memref<1000x128xf32, #tpu.memory_space<vmem>>, vector<1000x128xf32>
    %slice3A = vector.extract_strided_slice %get3A_1 {offsets = [0, 0], sizes = [1000, 64], strides = [1, 1]} : vector<1000x128xf32> to vector<1000x64xf32>
    %get3A_2 = arith.constant 0 : index
    %get3A_3 = arith.constant 0 : index
    %get3A_4 = arith.constant 0 : index
    %get3A_5 = vector.load %arg4[%get3A_2, %get3A_3, %get3A_4] : memref<1x1000x128xf32, #tpu.memory_space<vmem>>, vector<1x1000x128xf32>
    %get3A_6 = vector.shape_cast %get3A_5 : vector<1x1000x128xf32> to vector<1000x128xf32>
    %get3A_7 = arith.constant 0 : index
    %get3A_8 = arith.constant 0 : index
    %get3A_9 = arith.constant 0 : index
    %get3A_10 = vector.load %arg5[%get3A_7, %get3A_8, %get3A_9] : memref<1x1000x128xf32, #tpu.memory_space<vmem>>, vector<1x1000x128xf32>
    %get3A_11 = vector.shape_cast %get3A_10 : vector<1x1000x128xf32> to vector<1000x128xf32>
    %add3A = arith.addf %get3A_6, %get3A_11 : vector<1000x128xf32>
    %slice3A_12 = vector.extract_strided_slice %add3A {offsets = [0, 64], sizes = [1000, 1], strides = [1, 1]} : vector<1000x128xf32> to vector<1000x1xf32>
    %get3A_13 = arith.constant 0 : index
    %get3A_14 = arith.constant 0 : index
    %get3A_15 = arith.constant 0 : index
    %get3A_16 = vector.load %arg2[%get3A_13, %get3A_14, %get3A_15] : memref<1x1000x128xf32, #tpu.memory_space<vmem>>, vector<1x1000x128xf32>
    %get3A_17 = vector.shape_cast %get3A_16 : vector<1x1000x128xf32> to vector<1000x128xf32>
    %get3A_18 = arith.constant 0 : index
    %get3A_19 = arith.constant 0 : index
    %get3A_20 = arith.constant 0 : index
    %get3A_21 = vector.load %arg3[%get3A_18, %get3A_19, %get3A_20] : memref<1x1000x128xf32, #tpu.memory_space<vmem>>, vector<1x1000x128xf32>
    %get3A_22 = vector.shape_cast %get3A_21 : vector<1x1000x128xf32> to vector<1000x128xf32>
    %add3A_23 = arith.addf %get3A_17, %get3A_22 : vector<1000x128xf32>
    %slice3A_24 = vector.extract_strided_slice %add3A_23 {offsets = [0, 0], sizes = [1000, 64], strides = [1, 1]} : vector<1000x128xf32> to vector<1000x64xf32>
    %get3A_25 = arith.constant 0 : index
    %get3A_26 = arith.constant 0 : index
    %get3A_27 = vector.load %arg6[%get3A_25, %get3A_26] : memref<64x64xf32, #tpu.memory_space<vmem>>, vector<64x64xf32>
    %dot_general3A = arith.constant dense<0.000000e+00> : vector<1000x64xf32>
    %dot_general3A_28 = tpu.matmul %slice3A, %get3A_27, %dot_general3A {dimension_numbers = #tpu.dot_dimension_numbers<[1], [0], [0], [1], [0, 0, 1, 1], [], []>, transpose_lhs_hint = false} : vector<1000x64xf32>, vector<64x64xf32>, vector<1000x64xf32> -> vector<1000x64xf32>
    %mul3A = vector.broadcast %slice3A_12 : vector<1000x1xf32> to vector<1000x64xf32>
    %mul3A_29 = arith.mulf %mul3A, %dot_general3A_28 : vector<1000x64xf32>
    %add3A_30 = arith.addf %slice3A_24, %mul3A_29 : vector<1000x64xf32>
    %slice3A_31 = vector.extract_strided_slice %add3A {offsets = [0, 0], sizes = [1000, 64], strides = [1, 1]} : vector<1000x128xf32> to vector<1000x64xf32>
    %add3A_32 = arith.addf %add3A_30, %slice3A_31 : vector<1000x64xf32>
    %get3A_33 = arith.constant 0 : index
    %get3A_34 = arith.constant 0 : index
    %get3A_35 = vector.load %arg8[%get3A_33, %get3A_34] : memref<192x128xf32, #tpu.memory_space<vmem>>, vector<192x128xf32>
    %get3A_36 = arith.constant 0 : index
    %get3A_37 = arith.constant 0 : index
    %get3A_38 = vector.load %arg10[%get3A_36, %get3A_37] : memref<192x64xf32, #tpu.memory_space<vmem>>, vector<192x64xf32>
    %get3A_39 = arith.constant 0 : index
    %get3A_40 = vector.load %arg9[%get3A_39] : memref<192xf32, #tpu.memory_space<vmem>>, vector<192xf32>
    %get3A_41 = arith.constant 0 : index
    %get3A_42 = vector.load %arg11[%get3A_41] : memref<192xf32, #tpu.memory_space<vmem>>, vector<192xf32>
    %broadcast_in_dim3A = arith.constant 0.000000e+00 : f32
    %broadcast_in_dim3A_43 = vector.broadcast %broadcast_in_dim3A : f32 to vector<100x64xf32>
    %slice3A_44 = vector.extract_strided_slice %slice3A {offsets = [0, 0], sizes = [50, 64], strides = [1, 1]} : vector<1000x64xf32> to vector<50x64xf32>
    %slice3A_45 = vector.extract_strided_slice %slice3A {offsets = [50, 0], sizes = [50, 64], strides = [1, 1]} : vector<1000x64xf32> to vector<50x64xf32>
    %dot_general3A_46 = arith.constant dense<0.000000e+00> : vector<50x50xf32>
    %dot_general3A_47 = tpu.matmul %slice3A_44, %slice3A_45, %dot_general3A_46 {dimension_numbers = #tpu.dot_dimension_numbers<[1], [1], [0], [0], [0, 0, 1, 0], [], []>, transpose_lhs_hint = false} : vector<50x64xf32>, vector<50x64xf32>, vector<50x50xf32> -> vector<50x50xf32>
    %reduce_max3A = arith.constant dense<0xFF800000> : vector<50xf32>
    %reduce_max3A_48 = vector.multi_reduction <maximumf>, %dot_general3A_47, %reduce_max3A [1] : vector<50x50xf32> to vector<50xf32>
    %max3A = arith.constant 0xFF800000 : f32
    %max3A_49 = vector.broadcast %max3A : f32 to vector<50xf32>
    %max3A_50 = arith.maximumf %max3A_49, %reduce_max3A_48 : vector<50xf32>
    %broadcast_in_dim3A_51 = vector.shape_cast %max3A_50 : vector<50xf32> to vector<50x1xf32>
    %sub3A = vector.broadcast %broadcast_in_dim3A_51 : vector<50x1xf32> to vector<50x50xf32>
    %sub3A_52 = arith.subf %dot_general3A_47, %sub3A : vector<50x50xf32>
    %exp3A = math.exp %sub3A_52 : vector<50x50xf32>
    %reduce_sum3A = arith.constant dense<0.000000e+00> : vector<50xf32>
    %reduce_sum3A_53 = vector.multi_reduction <add>, %exp3A, %reduce_sum3A [1] : vector<50x50xf32> to vector<50xf32>
    %broadcast_in_dim3A_54 = vector.shape_cast %reduce_sum3A_53 : vector<50xf32> to vector<50x1xf32>
    %div3A = vector.broadcast %broadcast_in_dim3A_54 : vector<50x1xf32> to vector<50x50xf32>
    %div3A_55 = arith.divf %exp3A, %div3A : vector<50x50xf32>
    %reduce_max3A_56 = arith.constant dense<0xFF800000> : vector<50xf32>
    %reduce_max3A_57 = vector.multi_reduction <maximumf>, %dot_general3A_47, %reduce_max3A_56 [0] : vector<50x50xf32> to vector<50xf32>
    %max3A_58 = arith.constant 0xFF800000 : f32
    %max3A_59 = vector.broadcast %max3A_58 : f32 to vector<50xf32>
    %max3A_60 = arith.maximumf %max3A_59, %reduce_max3A_57 : vector<50xf32>
    %broadcast_in_dim3A_61 = vector.shape_cast %max3A_60 : vector<50xf32> to vector<1x50xf32>
    %sub3A_62 = vector.broadcast %broadcast_in_dim3A_61 : vector<1x50xf32> to vector<50x50xf32>
    %sub3A_63 = arith.subf %dot_general3A_47, %sub3A_62 : vector<50x50xf32>
    %exp3A_64 = math.exp %sub3A_63 : vector<50x50xf32>
    %reduce_sum3A_65 = arith.constant dense<0.000000e+00> : vector<50xf32>
    %reduce_sum3A_66 = vector.multi_reduction <add>, %exp3A_64, %reduce_sum3A_65 [0] : vector<50x50xf32> to vector<50xf32>
    %broadcast_in_dim3A_67 = vector.shape_cast %reduce_sum3A_66 : vector<50xf32> to vector<1x50xf32>
    %div3A_68 = vector.broadcast %broadcast_in_dim3A_67 : vector<1x50xf32> to vector<50x50xf32>
    %div3A_69 = arith.divf %exp3A_64, %div3A_68 : vector<50x50xf32>
    %dot_general3A_70 = arith.constant dense<0.000000e+00> : vector<50x64xf32>
    %dot_general3A_71 = tpu.matmul %div3A_55, %slice3A_45, %dot_general3A_70 {dimension_numbers = #tpu.dot_dimension_numbers<[1], [0], [0], [1], [0, 0, 1, 1], [], []>, transpose_lhs_hint = false} : vector<50x50xf32>, vector<50x64xf32>, vector<50x64xf32> -> vector<50x64xf32>
    %dot_general3A_72 = arith.constant dense<0.000000e+00> : vector<50x64xf32>
    %dot_general3A_73 = tpu.matmul %div3A_69, %slice3A_44, %dot_general3A_72 {dimension_numbers = #tpu.dot_dimension_numbers<[0], [0], [1], [1], [0, 1, 1, 1], [], []>, transpose_lhs_hint = false} : vector<50x50xf32>, vector<50x64xf32>, vector<50x64xf32> -> vector<50x64xf32>
    %slice3A_74 = vector.extract_strided_slice %slice3A {offsets = [0, 0], sizes = [100, 64], strides = [1, 1]} : vector<1000x64xf32> to vector<100x64xf32>
    %concatenate3A = tpu.concatenate %dot_general3A_71, %dot_general3A_73 in 0 : vector<50x64xf32>, vector<50x64xf32> -> vector<100x64xf32>
    %sub3A_75 = arith.subf %slice3A_74, %concatenate3A : vector<100x64xf32>
    %slice3A_76 = vector.extract_strided_slice %add3A_32 {offsets = [0, 0], sizes = [100, 64], strides = [1, 1]} : vector<1000x64xf32> to vector<100x64xf32>
    %concatenate3A_77 = tpu.concatenate %slice3A_76, %sub3A_75 in 1 : vector<100x64xf32>, vector<100x64xf32> -> vector<100x128xf32>
    %dot_general3A_78 = arith.constant dense<0.000000e+00> : vector<100x192xf32>
    %dot_general3A_79 = tpu.matmul %concatenate3A_77, %get3A_35, %dot_general3A_78 {dimension_numbers = #tpu.dot_dimension_numbers<[1], [1], [0], [0], [0, 0, 1, 0], [], []>, transpose_lhs_hint = false} : vector<100x128xf32>, vector<192x128xf32>, vector<100x192xf32> -> vector<100x192xf32>
    %broadcast_in_dim3A_80 = vector.shape_cast %get3A_40 : vector<192xf32> to vector<1x192xf32>
    %add3A_81 = vector.broadcast %broadcast_in_dim3A_80 : vector<1x192xf32> to vector<100x192xf32>
    %add3A_82 = arith.addf %dot_general3A_79, %add3A_81 : vector<100x192xf32>
    %dot_general3A_83 = arith.constant dense<0.000000e+00> : vector<100x192xf32>
    %dot_general3A_84 = tpu.matmul %slice3A_74, %get3A_38, %dot_general3A_83 {dimension_numbers = #tpu.dot_dimension_numbers<[1], [1], [0], [0], [0, 0, 1, 0], [], []>, transpose_lhs_hint = false} : vector<100x64xf32>, vector<192x64xf32>, vector<100x192xf32> -> vector<100x192xf32>
    %broadcast_in_dim3A_85 = vector.shape_cast %get3A_42 : vector<192xf32> to vector<1x192xf32>
    %add3A_86 = vector.broadcast %broadcast_in_dim3A_85 : vector<1x192xf32> to vector<100x192xf32>
    %add3A_87 = arith.addf %dot_general3A_84, %add3A_86 : vector<100x192xf32>
    %slice3A_88 = vector.extract_strided_slice %add3A_82 {offsets = [0, 0], sizes = [100, 64], strides = [1, 1]} : vector<100x192xf32> to vector<100x64xf32>
    %slice3A_89 = vector.extract_strided_slice %add3A_87 {offsets = [0, 0], sizes = [100, 64], strides = [1, 1]} : vector<100x192xf32> to vector<100x64xf32>
    %add3A_90 = arith.addf %slice3A_88, %slice3A_89 : vector<100x64xf32>
    %logistic3A = arith.negf %add3A_90 : vector<100x64xf32>
    %logistic3A_91 = math.exp %logistic3A : vector<100x64xf32>
    %logistic3A_92 = arith.constant 1.000000e+00 : f32
    %logistic3A_93 = vector.broadcast %logistic3A_92 : f32 to vector<100x64xf32>
    %logistic3A_94 = arith.addf %logistic3A_93, %logistic3A_91 : vector<100x64xf32>
    %logistic3A_95 = arith.divf %logistic3A_93, %logistic3A_94 : vector<100x64xf32>
    %slice3A_96 = vector.extract_strided_slice %add3A_82 {offsets = [0, 64], sizes = [100, 64], strides = [1, 1]} : vector<100x192xf32> to vector<100x64xf32>
    %slice3A_97 = vector.extract_strided_slice %add3A_87 {offsets = [0, 64], sizes = [100, 64], strides = [1, 1]} : vector<100x192xf32> to vector<100x64xf32>
    %add3A_98 = arith.addf %slice3A_96, %slice3A_97 : vector<100x64xf32>
    %logistic3A_99 = arith.negf %add3A_98 : vector<100x64xf32>
    %logistic3A_100 = math.exp %logistic3A_99 : vector<100x64xf32>
    %logistic3A_101 = arith.constant 1.000000e+00 : f32
    %logistic3A_102 = vector.broadcast %logistic3A_101 : f32 to vector<100x64xf32>
    %logistic3A_103 = arith.addf %logistic3A_102, %logistic3A_100 : vector<100x64xf32>
    %logistic3A_104 = arith.divf %logistic3A_102, %logistic3A_103 : vector<100x64xf32>
    %slice3A_105 = vector.extract_strided_slice %add3A_82 {offsets = [0, 128], sizes = [100, 64], strides = [1, 1]} : vector<100x192xf32> to vector<100x64xf32>
    %slice3A_106 = vector.extract_strided_slice %add3A_87 {offsets = [0, 128], sizes = [100, 64], strides = [1, 1]} : vector<100x192xf32> to vector<100x64xf32>
    %mul3A_107 = arith.mulf %logistic3A_95, %slice3A_106 : vector<100x64xf32>
    %add3A_108 = arith.addf %slice3A_105, %mul3A_107 : vector<100x64xf32>
    %tanh3A = math.tanh %add3A_108 : vector<100x64xf32>
    %sub3A_109 = arith.constant 1.000000e+00 : f32
    %sub3A_110 = vector.broadcast %sub3A_109 : f32 to vector<100x64xf32>
    %sub3A_111 = arith.subf %sub3A_110, %logistic3A_104 : vector<100x64xf32>
    %mul3A_112 = arith.mulf %sub3A_111, %tanh3A : vector<100x64xf32>
    %mul3A_113 = arith.mulf %logistic3A_104, %slice3A_74 : vector<100x64xf32>
    %add3A_114 = arith.addf %mul3A_112, %mul3A_113 : vector<100x64xf32>
    %concatenate3A_115 = tpu.concatenate %add3A_114, %broadcast_in_dim3A_43 in 1 : vector<100x64xf32>, vector<100x64xf32> -> vector<100x128xf32>
    %swap3A = arith.constant 0 : index
    %swap3A_116 = arith.constant 0 : index
    %swap3A_117 = vector.load %arg12[%swap3A, %swap3A_116] : memref<1000x128xf32, #tpu.memory_space<vmem>>, vector<100x128xf32>
    tpu.vector_store %arg12[%swap3A, %swap3A_116], %concatenate3A_115 {strides = array<i32>} : memref<1000x128xf32, #tpu.memory_space<vmem>>, vector<100x128xf32>,
    %get3A_118 = arith.constant 0 : index
    %get3A_119 = arith.constant 0 : index
    %get3A_120 = vector.load %arg7[%get3A_118, %get3A_119] : memref<64x64xf32, #tpu.memory_space<vmem>>, vector<64x64xf32>
    %dot_general3A_121 = arith.constant dense<0.000000e+00> : vector<100x64xf32>
    %dot_general3A_122 = tpu.matmul %add3A_114, %get3A_120, %dot_general3A_121 {dimension_numbers = #tpu.dot_dimension_numbers<[1], [0], [0], [1], [0, 0, 1, 1], [], []>, transpose_lhs_hint = false} : vector<100x64xf32>, vector<64x64xf32>, vector<100x64xf32> -> vector<100x64xf32>
    %concatenate3A_123 = tpu.concatenate %dot_general3A_122, %broadcast_in_dim3A_43 in 1 : vector<100x64xf32>, vector<100x64xf32> -> vector<100x128xf32>
    %swap3A_124 = arith.constant 0 : index
    %swap3A_125 = arith.constant 0 : index
    %swap3A_126 = vector.load %arg13[%swap3A_124, %swap3A_125] : memref<1000x128xf32, #tpu.memory_space<vmem>>, vector<100x128xf32>
    tpu.vector_store %arg13[%swap3A_124, %swap3A_125], %concatenate3A_123 {strides = array<i32>} : memref<1000x128xf32, #tpu.memory_space<vmem>>, vector<100x128xf32>,
    %slice3A_127 = vector.extract_strided_slice %slice3A {offsets = [100, 0], sizes = [50, 64], strides = [1, 1]} : vector<1000x64xf32> to vector<50x64xf32>
    %slice3A_128 = vector.extract_strided_slice %slice3A {offsets = [150, 0], sizes = [50, 64], strides = [1, 1]} : vector<1000x64xf32> to vector<50x64xf32>
    %dot_general3A_129 = arith.constant dense<0.000000e+00> : vector<50x50xf32>
    %dot_general3A_130 = tpu.matmul %slice3A_127, %slice3A_128, %dot_general3A_129 {dimension_numbers = #tpu.dot_dimension_numbers<[1], [1], [0], [0], [0, 0, 1, 0], [], []>, transpose_lhs_hint = false} : vector<50x64xf32>, vector<50x64xf32>, vector<50x50xf32> -> vector<50x50xf32>
    %reduce_max3A_131 = arith.constant dense<0xFF800000> : vector<50xf32>
    %reduce_max3A_132 = vector.multi_reduction <maximumf>, %dot_general3A_130, %reduce_max3A_131 [1] : vector<50x50xf32> to vector<50xf32>
    %max3A_133 = arith.constant 0xFF800000 : f32
    %max3A_134 = vector.broadcast %max3A_133 : f32 to vector<50xf32>
    %max3A_135 = arith.maximumf %max3A_134, %reduce_max3A_132 : vector<50xf32>
    %broadcast_in_dim3A_136 = vector.shape_cast %max3A_135 : vector<50xf32> to vector<50x1xf32>
    %sub3A_137 = vector.broadcast %broadcast_in_dim3A_136 : vector<50x1xf32> to vector<50x50xf32>
    %sub3A_138 = arith.subf %dot_general3A_130, %sub3A_137 : vector<50x50xf32>
    %exp3A_139 = math.exp %sub3A_138 : vector<50x50xf32>
    %reduce_sum3A_140 = arith.constant dense<0.000000e+00> : vector<50xf32>
    %reduce_sum3A_141 = vector.multi_reduction <add>, %exp3A_139, %reduce_sum3A_140 [1] : vector<50x50xf32> to vector<50xf32>
    %broadcast_in_dim3A_142 = vector.shape_cast %reduce_sum3A_141 : vector<50xf32> to vector<50x1xf32>
    %div3A_143 = vector.broadcast %broadcast_in_dim3A_142 : vector<50x1xf32> to vector<50x50xf32>
    %div3A_144 = arith.divf %exp3A_139, %div3A_143 : vector<50x50xf32>
    %reduce_max3A_145 = arith.constant dense<0xFF800000> : vector<50xf32>
    %reduce_max3A_146 = vector.multi_reduction <maximumf>, %dot_general3A_130, %reduce_max3A_145 [0] : vector<50x50xf32> to vector<50xf32>
    %max3A_147 = arith.constant 0xFF800000 : f32
    %max3A_148 = vector.broadcast %max3A_147 : f32 to vector<50xf32>
    %max3A_149 = arith.maximumf %max3A_148, %reduce_max3A_146 : vector<50xf32>
    %broadcast_in_dim3A_150 = vector.shape_cast %max3A_149 : vector<50xf32> to vector<1x50xf32>
    %sub3A_151 = vector.broadcast %broadcast_in_dim3A_150 : vector<1x50xf32> to vector<50x50xf32>
    %sub3A_152 = arith.subf %dot_general3A_130, %sub3A_151 : vector<50x50xf32>
    %exp3A_153 = math.exp %sub3A_152 : vector<50x50xf32>
    %reduce_sum3A_154 = arith.constant dense<0.000000e+00> : vector<50xf32>
    %reduce_sum3A_155 = vector.multi_reduction <add>, %exp3A_153, %reduce_sum3A_154 [0] : vector<50x50xf32> to vector<50xf32>
    %broadcast_in_dim3A_156 = vector.shape_cast %reduce_sum3A_155 : vector<50xf32> to vector<1x50xf32>
    %div3A_157 = vector.broadcast %broadcast_in_dim3A_156 : vector<1x50xf32> to vector<50x50xf32>
    %div3A_158 = arith.divf %exp3A_153, %div3A_157 : vector<50x50xf32>
    %dot_general3A_159 = arith.constant dense<0.000000e+00> : vector<50x64xf32>
    %dot_general3A_160 = tpu.matmul %div3A_144, %slice3A_128, %dot_general3A_159 {dimension_numbers = #tpu.dot_dimension_numbers<[1], [0], [0], [1], [0, 0, 1, 1], [], []>, transpose_lhs_hint = false} : vector<50x50xf32>, vector<50x64xf32>, vector<50x64xf32> -> vector<50x64xf32>
    %dot_general3A_161 = arith.constant dense<0.000000e+00> : vector<50x64xf32>
    %dot_general3A_162 = tpu.matmul %div3A_158, %slice3A_127, %dot_general3A_161 {dimension_numbers = #tpu.dot_dimension_numbers<[0], [0], [1], [1], [0, 1, 1, 1], [], []>, transpose_lhs_hint = false} : vector<50x50xf32>, vector<50x64xf32>, vector<50x64xf32> -> vector<50x64xf32>
    %slice3A_163 = vector.extract_strided_slice %slice3A {offsets = [100, 0], sizes = [100, 64], strides = [1, 1]} : vector<1000x64xf32> to vector<100x64xf32>
    %concatenate3A_164 = tpu.concatenate %dot_general3A_160, %dot_general3A_162 in 0 : vector<50x64xf32>, vector<50x64xf32> -> vector<100x64xf32>
    %sub3A_165 = arith.subf %slice3A_163, %concatenate3A_164 : vector<100x64xf32>
    %slice3A_166 = vector.extract_strided_slice %add3A_32 {offsets = [100, 0], sizes = [100, 64], strides = [1, 1]} : vector<1000x64xf32> to vector<100x64xf32>
    %concatenate3A_167 = tpu.concatenate %slice3A_166, %sub3A_165 in 1 : vector<100x64xf32>, vector<100x64xf32> -> vector<100x128xf32>
    %dot_general3A_168 = arith.constant dense<0.000000e+00> : vector<100x192xf32>
    %dot_general3A_169 = tpu.matmul %concatenate3A_167, %get3A_35, %dot_general3A_168 {dimension_numbers = #tpu.dot_dimension_numbers<[1], [1], [0], [0], [0, 0, 1, 0], [], []>, transpose_lhs_hint = false} : vector<100x128xf32>, vector<192x128xf32>, vector<100x192xf32> -> vector<100x192xf32>
    %broadcast_in_dim3A_170 = vector.shape_cast %get3A_40 : vector<192xf32> to vector<1x192xf32>
    %add3A_171 = vector.broadcast %broadcast_in_dim3A_170 : vector<1x192xf32> to vector<100x192xf32>
    %add3A_172 = arith.addf %dot_general3A_169, %add3A_171 : vector<100x192xf32>
    %dot_general3A_173 = arith.constant dense<0.000000e+00> : vector<100x192xf32>
    %dot_general3A_174 = tpu.matmul %slice3A_163, %get3A_38, %dot_general3A_173 {dimension_numbers = #tpu.dot_dimension_numbers<[1], [1], [0], [0], [0, 0, 1, 0], [], []>, transpose_lhs_hint = false} : vector<100x64xf32>, vector<192x64xf32>, vector<100x192xf32> -> vector<100x192xf32>
    %broadcast_in_dim3A_175 = vector.shape_cast %get3A_42 : vector<192xf32> to vector<1x192xf32>
    %add3A_176 = vector.broadcast %broadcast_in_dim3A_175 : vector<1x192xf32> to vector<100x192xf32>
    %add3A_177 = arith.addf %dot_general3A_174, %add3A_176 : vector<100x192xf32>
    %slice3A_178 = vector.extract_strided_slice %add3A_172 {offsets = [0, 0], sizes = [100, 64], strides = [1, 1]} : vector<100x192xf32> to vector<100x64xf32>
    %slice3A_179 = vector.extract_strided_slice %add3A_177 {offsets = [0, 0], sizes = [100, 64], strides = [1, 1]} : vector<100x192xf32> to vector<100x64xf32>
    %add3A_180 = arith.addf %slice3A_178, %slice3A_179 : vector<100x64xf32>
    %logistic3A_181 = arith.negf %add3A_180 : vector<100x64xf32>
    %logistic3A_182 = math.exp %logistic3A_181 : vector<100x64xf32>
    %logistic3A_183 = arith.constant 1.000000e+00 : f32
    %logistic3A_184 = vector.broadcast %logistic3A_183 : f32 to vector<100x64xf32>
    %logistic3A_185 = arith.addf %logistic3A_184, %logistic3A_182 : vector<100x64xf32>
    %logistic3A_186 = arith.divf %logistic3A_184, %logistic3A_185 : vector<100x64xf32>
    %slice3A_187 = vector.extract_strided_slice %add3A_172 {offsets = [0, 64], sizes = [100, 64], strides = [1, 1]} : vector<100x192xf32> to vector<100x64xf32>
    %slice3A_188 = vector.extract_strided_slice %add3A_177 {offsets = [0, 64], sizes = [100, 64], strides = [1, 1]} : vector<100x192xf32> to vector<100x64xf32>
    %add3A_189 = arith.addf %slice3A_187, %slice3A_188 : vector<100x64xf32>
    %logistic3A_190 = arith.negf %add3A_189 : vector<100x64xf32>
    %logistic3A_191 = math.exp %logistic3A_190 : vector<100x64xf32>
    %logistic3A_192 = arith.constant 1.000000e+00 : f32
    %logistic3A_193 = vector.broadcast %logistic3A_192 : f32 to vector<100x64xf32>
    %logistic3A_194 = arith.addf %logistic3A_193, %logistic3A_191 : vector<100x64xf32>
    %logistic3A_195 = arith.divf %logistic3A_193, %logistic3A_194 : vector<100x64xf32>
    %slice3A_196 = vector.extract_strided_slice %add3A_172 {offsets = [0, 128], sizes = [100, 64], strides = [1, 1]} : vector<100x192xf32> to vector<100x64xf32>
    %slice3A_197 = vector.extract_strided_slice %add3A_177 {offsets = [0, 128], sizes = [100, 64], strides = [1, 1]} : vector<100x192xf32> to vector<100x64xf32>
    %mul3A_198 = arith.mulf %logistic3A_186, %slice3A_197 : vector<100x64xf32>
    %add3A_199 = arith.addf %slice3A_196, %mul3A_198 : vector<100x64xf32>
    %tanh3A_200 = math.tanh %add3A_199 : vector<100x64xf32>
    %sub3A_201 = arith.constant 1.000000e+00 : f32
    %sub3A_202 = vector.broadcast %sub3A_201 : f32 to vector<100x64xf32>
    %sub3A_203 = arith.subf %sub3A_202, %logistic3A_195 : vector<100x64xf32>
    %mul3A_204 = arith.mulf %sub3A_203, %tanh3A_200 : vector<100x64xf32>
    %mul3A_205 = arith.mulf %logistic3A_195, %slice3A_163 : vector<100x64xf32>
    %add3A_206 = arith.addf %mul3A_204, %mul3A_205 : vector<100x64xf32>
    %concatenate3A_207 = tpu.concatenate %add3A_206, %broadcast_in_dim3A_43 in 1 : vector<100x64xf32>, vector<100x64xf32> -> vector<100x128xf32>
    %swap3A_208 = arith.constant 100 : index
    %swap3A_209 = arith.constant 0 : index
    %swap3A_210 = vector.load %arg12[%swap3A_208, %swap3A_209] : memref<1000x128xf32, #tpu.memory_space<vmem>>, vector<100x128xf32>
    tpu.vector_store %arg12[%swap3A_208, %swap3A_209], %concatenate3A_207 {strides = array<i32>} : memref<1000x128xf32, #tpu.memory_space<vmem>>, vector<100x128xf32>,
    %get3A_211 = arith.constant 0 : index
    %get3A_212 = arith.constant 0 : index
    %get3A_213 = vector.load %arg7[%get3A_211, %get3A_212] : memref<64x64xf32, #tpu.memory_space<vmem>>, vector<64x64xf32>
    %dot_general3A_214 = arith.constant dense<0.000000e+00> : vector<100x64xf32>
    %dot_general3A_215 = tpu.matmul %add3A_206, %get3A_213, %dot_general3A_214 {dimension_numbers = #tpu.dot_dimension_numbers<[1], [0], [0], [1], [0, 0, 1, 1], [], []>, transpose_lhs_hint = false} : vector<100x64xf32>, vector<64x64xf32>, vector<100x64xf32> -> vector<100x64xf32>
    %concatenate3A_216 = tpu.concatenate %dot_general3A_215, %broadcast_in_dim3A_43 in 1 : vector<100x64xf32>, vector<100x64xf32> -> vector<100x128xf32>
    %swap3A_217 = arith.constant 100 : index
    %swap3A_218 = arith.constant 0 : index
    %swap3A_219 = vector.load %arg13[%swap3A_217, %swap3A_218] : memref<1000x128xf32, #tpu.memory_space<vmem>>, vector<100x128xf32>
    tpu.vector_store %arg13[%swap3A_217, %swap3A_218], %concatenate3A_216 {strides = array<i32>} : memref<1000x128xf32, #tpu.memory_space<vmem>>, vector<100x128xf32>,
    %slice3A_220 = vector.extract_strided_slice %slice3A {offsets = [200, 0], sizes = [50, 64], strides = [1, 1]} : vector<1000x64xf32> to vector<50x64xf32>
    %slice3A_221 = vector.extract_strided_slice %slice3A {offsets = [250, 0], sizes = [50, 64], strides = [1, 1]} : vector<1000x64xf32> to vector<50x64xf32>
    %dot_general3A_222 = arith.constant dense<0.000000e+00> : vector<50x50xf32>
    %dot_general3A_223 = tpu.matmul %slice3A_220, %slice3A_221, %dot_general3A_222 {dimension_numbers = #tpu.dot_dimension_numbers<[1], [1], [0], [0], [0, 0, 1, 0], [], []>, transpose_lhs_hint = false} : vector<50x64xf32>, vector<50x64xf32>, vector<50x50xf32> -> vector<50x50xf32>
    %reduce_max3A_224 = arith.constant dense<0xFF800000> : vector<50xf32>
    %reduce_max3A_225 = vector.multi_reduction <maximumf>, %dot_general3A_223, %reduce_max3A_224 [1] : vector<50x50xf32> to vector<50xf32>
    %max3A_226 = arith.constant 0xFF800000 : f32
    %max3A_227 = vector.broadcast %max3A_226 : f32 to vector<50xf32>
    %max3A_228 = arith.maximumf %max3A_227, %reduce_max3A_225 : vector<50xf32>
    %broadcast_in_dim3A_229 = vector.shape_cast %max3A_228 : vector<50xf32> to vector<50x1xf32>
    %sub3A_230 = vector.broadcast %broadcast_in_dim3A_229 : vector<50x1xf32> to vector<50x50xf32>
    %sub3A_231 = arith.subf %dot_general3A_223, %sub3A_230 : vector<50x50xf32>
    %exp3A_232 = math.exp %sub3A_231 : vector<50x50xf32>
    %reduce_sum3A_233 = arith.constant dense<0.000000e+00> : vector<50xf32>
    %reduce_sum3A_234 = vector.multi_reduction <add>, %exp3A_232, %reduce_sum3A_233 [1] : vector<50x50xf32> to vector<50xf32>
    %broadcast_in_dim3A_235 = vector.shape_cast %reduce_sum3A_234 : vector<50xf32> to vector<50x1xf32>
    %div3A_236 = vector.broadcast %broadcast_in_dim3A_235 : vector<50x1xf32> to vector<50x50xf32>
    %div3A_237 = arith.divf %exp3A_232, %div3A_236 : vector<50x50xf32>
    %reduce_max3A_238 = arith.constant dense<0xFF800000> : vector<50xf32>
    %reduce_max3A_239 = vector.multi_reduction <maximumf>, %dot_general3A_223, %reduce_max3A_238 [0] : vector<50x50xf32> to vector<50xf32>
    %max3A_240 = arith.constant 0xFF800000 : f32
    %max3A_241 = vector.broadcast %max3A_240 : f32 to vector<50xf32>
    %max3A_242 = arith.maximumf %max3A_241, %reduce_max3A_239 : vector<50xf32>
    %broadcast_in_dim3A_243 = vector.shape_cast %max3A_242 : vector<50xf32> to vector<1x50xf32>
    %sub3A_244 = vector.broadcast %broadcast_in_dim3A_243 : vector<1x50xf32> to vector<50x50xf32>
    %sub3A_245 = arith.subf %dot_general3A_223, %sub3A_244 : vector<50x50xf32>
    %exp3A_246 = math.exp %sub3A_245 : vector<50x50xf32>
    %reduce_sum3A_247 = arith.constant dense<0.000000e+00> : vector<50xf32>
    %reduce_sum3A_248 = vector.multi_reduction <add>, %exp3A_246, %reduce_sum3A_247 [0] : vector<50x50xf32> to vector<50xf32>
    %broadcast_in_dim3A_249 = vector.shape_cast %reduce_sum3A_248 : vector<50xf32> to vector<1x50xf32>
    %div3A_250 = vector.broadcast %broadcast_in_dim3A_249 : vector<1x50xf32> to vector<50x50xf32>
    %div3A_251 = arith.divf %exp3A_246, %div3A_250 : vector<50x50xf32>
    %dot_general3A_252 = arith.constant dense<0.000000e+00> : vector<50x64xf32>
    %dot_general3A_253 = tpu.matmul %div3A_237, %slice3A_221, %dot_general3A_252 {dimension_numbers = #tpu.dot_dimension_numbers<[1], [0], [0], [1], [0, 0, 1, 1], [], []>, transpose_lhs_hint = false} : vector<50x50xf32>, vector<50x64xf32>, vector<50x64xf32> -> vector<50x64xf32>
    %dot_general3A_254 = arith.constant dense<0.000000e+00> : vector<50x64xf32>
    %dot_general3A_255 = tpu.matmul %div3A_251, %slice3A_220, %dot_general3A_254 {dimension_numbers = #tpu.dot_dimension_numbers<[0], [0], [1], [1], [0, 1, 1, 1], [], []>, transpose_lhs_hint = false} : vector<50x50xf32>, vector<50x64xf32>, vector<50x64xf32> -> vector<50x64xf32>
    %slice3A_256 = vector.extract_strided_slice %slice3A {offsets = [200, 0], sizes = [100, 64], strides = [1, 1]} : vector<1000x64xf32> to vector<100x64xf32>
    %concatenate3A_257 = tpu.concatenate %dot_general3A_253, %dot_general3A_255 in 0 : vector<50x64xf32>, vector<50x64xf32> -> vector<100x64xf32>
    %sub3A_258 = arith.subf %slice3A_256, %concatenate3A_257 : vector<100x64xf32>
    %slice3A_259 = vector.extract_strided_slice %add3A_32 {offsets = [200, 0], sizes = [100, 64], strides = [1, 1]} : vector<1000x64xf32> to vector<100x64xf32>
    %concatenate3A_260 = tpu.concatenate %slice3A_259, %sub3A_258 in 1 : vector<100x64xf32>, vector<100x64xf32> -> vector<100x128xf32>
    %dot_general3A_261 = arith.constant dense<0.000000e+00> : vector<100x192xf32>
    %dot_general3A_262 = tpu.matmul %concatenate3A_260, %get3A_35, %dot_general3A_261 {dimension_numbers = #tpu.dot_dimension_numbers<[1], [1], [0], [0], [0, 0, 1, 0], [], []>, transpose_lhs_hint = false} : vector<100x128xf32>, vector<192x128xf32>, vector<100x192xf32> -> vector<100x192xf32>
    %broadcast_in_dim3A_263 = vector.shape_cast %get3A_40 : vector<192xf32> to vector<1x192xf32>
    %add3A_264 = vector.broadcast %broadcast_in_dim3A_263 : vector<1x192xf32> to vector<100x192xf32>
    %add3A_265 = arith.addf %dot_general3A_262, %add3A_264 : vector<100x192xf32>
    %dot_general3A_266 = arith.constant dense<0.000000e+00> : vector<100x192xf32>
    %dot_general3A_267 = tpu.matmul %slice3A_256, %get3A_38, %dot_general3A_266 {dimension_numbers = #tpu.dot_dimension_numbers<[1], [1], [0], [0], [0, 0, 1, 0], [], []>, transpose_lhs_hint = false} : vector<100x64xf32>, vector<192x64xf32>, vector<100x192xf32> -> vector<100x192xf32>
    %broadcast_in_dim3A_268 = vector.shape_cast %get3A_42 : vector<192xf32> to vector<1x192xf32>
    %add3A_269 = vector.broadcast %broadcast_in_dim3A_268 : vector<1x192xf32> to vector<100x192xf32>
    %add3A_270 = arith.addf %dot_general3A_267, %add3A_269 : vector<100x192xf32>
    %slice3A_271 = vector.extract_strided_slice %add3A_265 {offsets = [0, 0], sizes = [100, 64], strides = [1, 1]} : vector<100x192xf32> to vector<100x64xf32>
    %slice3A_272 = vector.extract_strided_slice %add3A_270 {offsets = [0, 0], sizes = [100, 64], strides = [1, 1]} : vector<100x192xf32> to vector<100x64xf32>
    %add3A_273 = arith.addf %slice3A_271, %slice3A_272 : vector<100x64xf32>
    %logistic3A_274 = arith.negf %add3A_273 : vector<100x64xf32>
    %logistic3A_275 = math.exp %logistic3A_274 : vector<100x64xf32>
    %logistic3A_276 = arith.constant 1.000000e+00 : f32
    %logistic3A_277 = vector.broadcast %logistic3A_276 : f32 to vector<100x64xf32>
    %logistic3A_278 = arith.addf %logistic3A_277, %logistic3A_275 : vector<100x64xf32>
    %logistic3A_279 = arith.divf %logistic3A_277, %logistic3A_278 : vector<100x64xf32>
    %slice3A_280 = vector.extract_strided_slice %add3A_265 {offsets = [0, 64], sizes = [100, 64], strides = [1, 1]} : vector<100x192xf32> to vector<100x64xf32>
    %slice3A_281 = vector.extract_strided_slice %add3A_270 {offsets = [0, 64], sizes = [100, 64], strides = [1, 1]} : vector<100x192xf32> to vector<100x64xf32>
    %add3A_282 = arith.addf %slice3A_280, %slice3A_281 : vector<100x64xf32>
    %logistic3A_283 = arith.negf %add3A_282 : vector<100x64xf32>
    %logistic3A_284 = math.exp %logistic3A_283 : vector<100x64xf32>
    %logistic3A_285 = arith.constant 1.000000e+00 : f32
    %logistic3A_286 = vector.broadcast %logistic3A_285 : f32 to vector<100x64xf32>
    %logistic3A_287 = arith.addf %logistic3A_286, %logistic3A_284 : vector<100x64xf32>
    %logistic3A_288 = arith.divf %logistic3A_286, %logistic3A_287 : vector<100x64xf32>
    %slice3A_289 = vector.extract_strided_slice %add3A_265 {offsets = [0, 128], sizes = [100, 64], strides = [1, 1]} : vector<100x192xf32> to vector<100x64xf32>
    %slice3A_290 = vector.extract_strided_slice %add3A_270 {offsets = [0, 128], sizes = [100, 64], strides = [1, 1]} : vector<100x192xf32> to vector<100x64xf32>
    %mul3A_291 = arith.mulf %logistic3A_279, %slice3A_290 : vector<100x64xf32>
    %add3A_292 = arith.addf %slice3A_289, %mul3A_291 : vector<100x64xf32>
    %tanh3A_293 = math.tanh %add3A_292 : vector<100x64xf32>
    %sub3A_294 = arith.constant 1.000000e+00 : f32
    %sub3A_295 = vector.broadcast %sub3A_294 : f32 to vector<100x64xf32>
    %sub3A_296 = arith.subf %sub3A_295, %logistic3A_288 : vector<100x64xf32>
    %mul3A_297 = arith.mulf %sub3A_296, %tanh3A_293 : vector<100x64xf32>
    %mul3A_298 = arith.mulf %logistic3A_288, %slice3A_256 : vector<100x64xf32>
    %add3A_299 = arith.addf %mul3A_297, %mul3A_298 : vector<100x64xf32>
    %concatenate3A_300 = tpu.concatenate %add3A_299, %broadcast_in_dim3A_43 in 1 : vector<100x64xf32>, vector<100x64xf32> -> vector<100x128xf32>
    %swap3A_301 = arith.constant 200 : index
    %swap3A_302 = arith.constant 0 : index
    %swap3A_303 = vector.load %arg12[%swap3A_301, %swap3A_302] : memref<1000x128xf32, #tpu.memory_space<vmem>>, vector<100x128xf32>
    tpu.vector_store %arg12[%swap3A_301, %swap3A_302], %concatenate3A_300 {strides = array<i32>} : memref<1000x128xf32, #tpu.memory_space<vmem>>, vector<100x128xf32>,
    %get3A_304 = arith.constant 0 : index
    %get3A_305 = arith.constant 0 : index
    %get3A_306 = vector.load %arg7[%get3A_304, %get3A_305] : memref<64x64xf32, #tpu.memory_space<vmem>>, vector<64x64xf32>
    %dot_general3A_307 = arith.constant dense<0.000000e+00> : vector<100x64xf32>
    %dot_general3A_308 = tpu.matmul %add3A_299, %get3A_306, %dot_general3A_307 {dimension_numbers = #tpu.dot_dimension_numbers<[1], [0], [0], [1], [0, 0, 1, 1], [], []>, transpose_lhs_hint = false} : vector<100x64xf32>, vector<64x64xf32>, vector<100x64xf32> -> vector<100x64xf32>
    %concatenate3A_309 = tpu.concatenate %dot_general3A_308, %broadcast_in_dim3A_43 in 1 : vector<100x64xf32>, vector<100x64xf32> -> vector<100x128xf32>
    %swap3A_310 = arith.constant 200 : index
    %swap3A_311 = arith.constant 0 : index
    %swap3A_312 = vector.load %arg13[%swap3A_310, %swap3A_311] : memref<1000x128xf32, #tpu.memory_space<vmem>>, vector<100x128xf32>
    tpu.vector_store %arg13[%swap3A_310, %swap3A_311], %concatenate3A_309 {strides = array<i32>} : memref<1000x128xf32, #tpu.memory_space<vmem>>, vector<100x128xf32>,
    %slice3A_313 = vector.extract_strided_slice %slice3A {offsets = [300, 0], sizes = [50, 64], strides = [1, 1]} : vector<1000x64xf32> to vector<50x64xf32>
    %slice3A_314 = vector.extract_strided_slice %slice3A {offsets = [350, 0], sizes = [50, 64], strides = [1, 1]} : vector<1000x64xf32> to vector<50x64xf32>
    %dot_general3A_315 = arith.constant dense<0.000000e+00> : vector<50x50xf32>
    %dot_general3A_316 = tpu.matmul %slice3A_313, %slice3A_314, %dot_general3A_315 {dimension_numbers = #tpu.dot_dimension_numbers<[1], [1], [0], [0], [0, 0, 1, 0], [], []>, transpose_lhs_hint = false} : vector<50x64xf32>, vector<50x64xf32>, vector<50x50xf32> -> vector<50x50xf32>
    %reduce_max3A_317 = arith.constant dense<0xFF800000> : vector<50xf32>
    %reduce_max3A_318 = vector.multi_reduction <maximumf>, %dot_general3A_316, %reduce_max3A_317 [1] : vector<50x50xf32> to vector<50xf32>
    %max3A_319 = arith.constant 0xFF800000 : f32
    %max3A_320 = vector.broadcast %max3A_319 : f32 to vector<50xf32>
    %max3A_321 = arith.maximumf %max3A_320, %reduce_max3A_318 : vector<50xf32>
    %broadcast_in_dim3A_322 = vector.shape_cast %max3A_321 : vector<50xf32> to vector<50x1xf32>
    %sub3A_323 = vector.broadcast %broadcast_in_dim3A_322 : vector<50x1xf32> to vector<50x50xf32>
    %sub3A_324 = arith.subf %dot_general3A_316, %sub3A_323 : vector<50x50xf32>
    %exp3A_325 = math.exp %sub3A_324 : vector<50x50xf32>
    %reduce_sum3A_326 = arith.constant dense<0.000000e+00> : vector<50xf32>
    %reduce_sum3A_327 = vector.multi_reduction <add>, %exp3A_325, %reduce_sum3A_326 [1] : vector<50x50xf32> to vector<50xf32>
    %broadcast_in_dim3A_328 = vector.shape_cast %reduce_sum3A_327 : vector<50xf32> to vector<50x1xf32>
    %div3A_329 = vector.broadcast %broadcast_in_dim3A_328 : vector<50x1xf32> to vector<50x50xf32>
    %div3A_330 = arith.divf %exp3A_325, %div3A_329 : vector<50x50xf32>
    %reduce_max3A_331 = arith.constant dense<0xFF800000> : vector<50xf32>
    %reduce_max3A_332 = vector.multi_reduction <maximumf>, %dot_general3A_316, %reduce_max3A_331 [0] : vector<50x50xf32> to vector<50xf32>
    %max3A_333 = arith.constant 0xFF800000 : f32
    %max3A_334 = vector.broadcast %max3A_333 : f32 to vector<50xf32>
    %max3A_335 = arith.maximumf %max3A_334, %reduce_max3A_332 : vector<50xf32>
    %broadcast_in_dim3A_336 = vector.shape_cast %max3A_335 : vector<50xf32> to vector<1x50xf32>
    %sub3A_337 = vector.broadcast %broadcast_in_dim3A_336 : vector<1x50xf32> to vector<50x50xf32>
    %sub3A_338 = arith.subf %dot_general3A_316, %sub3A_337 : vector<50x50xf32>
    %exp3A_339 = math.exp %sub3A_338 : vector<50x50xf32>
    %reduce_sum3A_340 = arith.constant dense<0.000000e+00> : vector<50xf32>
    %reduce_sum3A_341 = vector.multi_reduction <add>, %exp3A_339, %reduce_sum3A_340 [0] : vector<50x50xf32> to vector<50xf32>
    %broadcast_in_dim3A_342 = vector.shape_cast %reduce_sum3A_341 : vector<50xf32> to vector<1x50xf32>
    %div3A_343 = vector.broadcast %broadcast_in_dim3A_342 : vector<1x50xf32> to vector<50x50xf32>
    %div3A_344 = arith.divf %exp3A_339, %div3A_343 : vector<50x50xf32>
    %dot_general3A_345 = arith.constant dense<0.000000e+00> : vector<50x64xf32>
    %dot_general3A_346 = tpu.matmul %div3A_330, %slice3A_314, %dot_general3A_345 {dimension_numbers = #tpu.dot_dimension_numbers<[1], [0], [0], [1], [0, 0, 1, 1], [], []>, transpose_lhs_hint = false} : vector<50x50xf32>, vector<50x64xf32>, vector<50x64xf32> -> vector<50x64xf32>
    %dot_general3A_347 = arith.constant dense<0.000000e+00> : vector<50x64xf32>
    %dot_general3A_348 = tpu.matmul %div3A_344, %slice3A_313, %dot_general3A_347 {dimension_numbers = #tpu.dot_dimension_numbers<[0], [0], [1], [1], [0, 1, 1, 1], [], []>, transpose_lhs_hint = false} : vector<50x50xf32>, vector<50x64xf32>, vector<50x64xf32> -> vector<50x64xf32>
    %slice3A_349 = vector.extract_strided_slice %slice3A {offsets = [300, 0], sizes = [100, 64], strides = [1, 1]} : vector<1000x64xf32> to vector<100x64xf32>
    %concatenate3A_350 = tpu.concatenate %dot_general3A_346, %dot_general3A_348 in 0 : vector<50x64xf32>, vector<50x64xf32> -> vector<100x64xf32>
    %sub3A_351 = arith.subf %slice3A_349, %concatenate3A_350 : vector<100x64xf32>
    %slice3A_352 = vector.extract_strided_slice %add3A_32 {offsets = [300, 0], sizes = [100, 64], strides = [1, 1]} : vector<1000x64xf32> to vector<100x64xf32>
    %concatenate3A_353 = tpu.concatenate %slice3A_352, %sub3A_351 in 1 : vector<100x64xf32>, vector<100x64xf32> -> vector<100x128xf32>
    %dot_general3A_354 = arith.constant dense<0.000000e+00> : vector<100x192xf32>
    %dot_general3A_355 = tpu.matmul %concatenate3A_353, %get3A_35, %dot_general3A_354 {dimension_numbers = #tpu.dot_dimension_numbers<[1], [1], [0], [0], [0, 0, 1, 0], [], []>, transpose_lhs_hint = false} : vector<100x128xf32>, vector<192x128xf32>, vector<100x192xf32> -> vector<100x192xf32>
    %broadcast_in_dim3A_356 = vector.shape_cast %get3A_40 : vector<192xf32> to vector<1x192xf32>
    %add3A_357 = vector.broadcast %broadcast_in_dim3A_356 : vector<1x192xf32> to vector<100x192xf32>
    %add3A_358 = arith.addf %dot_general3A_355, %add3A_357 : vector<100x192xf32>
    %dot_general3A_359 = arith.constant dense<0.000000e+00> : vector<100x192xf32>
    %dot_general3A_360 = tpu.matmul %slice3A_349, %get3A_38, %dot_general3A_359 {dimension_numbers = #tpu.dot_dimension_numbers<[1], [1], [0], [0], [0, 0, 1, 0], [], []>, transpose_lhs_hint = false} : vector<100x64xf32>, vector<192x64xf32>, vector<100x192xf32> -> vector<100x192xf32>
    %broadcast_in_dim3A_361 = vector.shape_cast %get3A_42 : vector<192xf32> to vector<1x192xf32>
    %add3A_362 = vector.broadcast %broadcast_in_dim3A_361 : vector<1x192xf32> to vector<100x192xf32>
    %add3A_363 = arith.addf %dot_general3A_360, %add3A_362 : vector<100x192xf32>
    %slice3A_364 = vector.extract_strided_slice %add3A_358 {offsets = [0, 0], sizes = [100, 64], strides = [1, 1]} : vector<100x192xf32> to vector<100x64xf32>
    %slice3A_365 = vector.extract_strided_slice %add3A_363 {offsets = [0, 0], sizes = [100, 64], strides = [1, 1]} : vector<100x192xf32> to vector<100x64xf32>
    %add3A_366 = arith.addf %slice3A_364, %slice3A_365 : vector<100x64xf32>
    %logistic3A_367 = arith.negf %add3A_366 : vector<100x64xf32>
    %logistic3A_368 = math.exp %logistic3A_367 : vector<100x64xf32>
    %logistic3A_369 = arith.constant 1.000000e+00 : f32
    %logistic3A_370 = vector.broadcast %logistic3A_369 : f32 to vector<100x64xf32>
    %logistic3A_371 = arith.addf %logistic3A_370, %logistic3A_368 : vector<100x64xf32>
    %logistic3A_372 = arith.divf %logistic3A_370, %logistic3A_371 : vector<100x64xf32>
    %slice3A_373 = vector.extract_strided_slice %add3A_358 {offsets = [0, 64], sizes = [100, 64], strides = [1, 1]} : vector<100x192xf32> to vector<100x64xf32>
    %slice3A_374 = vector.extract_strided_slice %add3A_363 {offsets = [0, 64], sizes = [100, 64], strides = [1, 1]} : vector<100x192xf32> to vector<100x64xf32>
    %add3A_375 = arith.addf %slice3A_373, %slice3A_374 : vector<100x64xf32>
    %logistic3A_376 = arith.negf %add3A_375 : vector<100x64xf32>
    %logistic3A_377 = math.exp %logistic3A_376 : vector<100x64xf32>
    %logistic3A_378 = arith.constant 1.000000e+00 : f32
    %logistic3A_379 = vector.broadcast %logistic3A_378 : f32 to vector<100x64xf32>
    %logistic3A_380 = arith.addf %logistic3A_379, %logistic3A_377 : vector<100x64xf32>
    %logistic3A_381 = arith.divf %logistic3A_379, %logistic3A_380 : vector<100x64xf32>
    %slice3A_382 = vector.extract_strided_slice %add3A_358 {offsets = [0, 128], sizes = [100, 64], strides = [1, 1]} : vector<100x192xf32> to vector<100x64xf32>
    %slice3A_383 = vector.extract_strided_slice %add3A_363 {offsets = [0, 128], sizes = [100, 64], strides = [1, 1]} : vector<100x192xf32> to vector<100x64xf32>
    %mul3A_384 = arith.mulf %logistic3A_372, %slice3A_383 : vector<100x64xf32>
    %add3A_385 = arith.addf %slice3A_382, %mul3A_384 : vector<100x64xf32>
    %tanh3A_386 = math.tanh %add3A_385 : vector<100x64xf32>
    %sub3A_387 = arith.constant 1.000000e+00 : f32
    %sub3A_388 = vector.broadcast %sub3A_387 : f32 to vector<100x64xf32>
    %sub3A_389 = arith.subf %sub3A_388, %logistic3A_381 : vector<100x64xf32>
    %mul3A_390 = arith.mulf %sub3A_389, %tanh3A_386 : vector<100x64xf32>
    %mul3A_391 = arith.mulf %logistic3A_381, %slice3A_349 : vector<100x64xf32>
    %add3A_392 = arith.addf %mul3A_390, %mul3A_391 : vector<100x64xf32>
    %concatenate3A_393 = tpu.concatenate %add3A_392, %broadcast_in_dim3A_43 in 1 : vector<100x64xf32>, vector<100x64xf32> -> vector<100x128xf32>
    %swap3A_394 = arith.constant 300 : index
    %swap3A_395 = arith.constant 0 : index
    %swap3A_396 = vector.load %arg12[%swap3A_394, %swap3A_395] : memref<1000x128xf32, #tpu.memory_space<vmem>>, vector<100x128xf32>
    tpu.vector_store %arg12[%swap3A_394, %swap3A_395], %concatenate3A_393 {strides = array<i32>} : memref<1000x128xf32, #tpu.memory_space<vmem>>, vector<100x128xf32>,
    %get3A_397 = arith.constant 0 : index
    %get3A_398 = arith.constant 0 : index
    %get3A_399 = vector.load %arg7[%get3A_397, %get3A_398] : memref<64x64xf32, #tpu.memory_space<vmem>>, vector<64x64xf32>
    %dot_general3A_400 = arith.constant dense<0.000000e+00> : vector<100x64xf32>
    %dot_general3A_401 = tpu.matmul %add3A_392, %get3A_399, %dot_general3A_400 {dimension_numbers = #tpu.dot_dimension_numbers<[1], [0], [0], [1], [0, 0, 1, 1], [], []>, transpose_lhs_hint = false} : vector<100x64xf32>, vector<64x64xf32>, vector<100x64xf32> -> vector<100x64xf32>
    %concatenate3A_402 = tpu.concatenate %dot_general3A_401, %broadcast_in_dim3A_43 in 1 : vector<100x64xf32>, vector<100x64xf32> -> vector<100x128xf32>
    %swap3A_403 = arith.constant 300 : index
    %swap3A_404 = arith.constant 0 : index
    %swap3A_405 = vector.load %arg13[%swap3A_403, %swap3A_404] : memref<1000x128xf32, #tpu.memory_space<vmem>>, vector<100x128xf32>
    tpu.vector_store %arg13[%swap3A_403, %swap3A_404], %concatenate3A_402 {strides = array<i32>} : memref<1000x128xf32, #tpu.memory_space<vmem>>, vector<100x128xf32>,
    %slice3A_406 = vector.extract_strided_slice %slice3A {offsets = [400, 0], sizes = [50, 64], strides = [1, 1]} : vector<1000x64xf32> to vector<50x64xf32>
    %slice3A_407 = vector.extract_strided_slice %slice3A {offsets = [450, 0], sizes = [50, 64], strides = [1, 1]} : vector<1000x64xf32> to vector<50x64xf32>
    %dot_general3A_408 = arith.constant dense<0.000000e+00> : vector<50x50xf32>
    %dot_general3A_409 = tpu.matmul %slice3A_406, %slice3A_407, %dot_general3A_408 {dimension_numbers = #tpu.dot_dimension_numbers<[1], [1], [0], [0], [0, 0, 1, 0], [], []>, transpose_lhs_hint = false} : vector<50x64xf32>, vector<50x64xf32>, vector<50x50xf32> -> vector<50x50xf32>
    %reduce_max3A_410 = arith.constant dense<0xFF800000> : vector<50xf32>
    %reduce_max3A_411 = vector.multi_reduction <maximumf>, %dot_general3A_409, %reduce_max3A_410 [1] : vector<50x50xf32> to vector<50xf32>
    %max3A_412 = arith.constant 0xFF800000 : f32
    %max3A_413 = vector.broadcast %max3A_412 : f32 to vector<50xf32>
    %max3A_414 = arith.maximumf %max3A_413, %reduce_max3A_411 : vector<50xf32>
    %broadcast_in_dim3A_415 = vector.shape_cast %max3A_414 : vector<50xf32> to vector<50x1xf32>
    %sub3A_416 = vector.broadcast %broadcast_in_dim3A_415 : vector<50x1xf32> to vector<50x50xf32>
    %sub3A_417 = arith.subf %dot_general3A_409, %sub3A_416 : vector<50x50xf32>
    %exp3A_418 = math.exp %sub3A_417 : vector<50x50xf32>
    %reduce_sum3A_419 = arith.constant dense<0.000000e+00> : vector<50xf32>
    %reduce_sum3A_420 = vector.multi_reduction <add>, %exp3A_418, %reduce_sum3A_419 [1] : vector<50x50xf32> to vector<50xf32>
    %broadcast_in_dim3A_421 = vector.shape_cast %reduce_sum3A_420 : vector<50xf32> to vector<50x1xf32>
    %div3A_422 = vector.broadcast %broadcast_in_dim3A_421 : vector<50x1xf32> to vector<50x50xf32>
    %div3A_423 = arith.divf %exp3A_418, %div3A_422 : vector<50x50xf32>
    %reduce_max3A_424 = arith.constant dense<0xFF800000> : vector<50xf32>
    %reduce_max3A_425 = vector.multi_reduction <maximumf>, %dot_general3A_409, %reduce_max3A_424 [0] : vector<50x50xf32> to vector<50xf32>
    %max3A_426 = arith.constant 0xFF800000 : f32
    %max3A_427 = vector.broadcast %max3A_426 : f32 to vector<50xf32>
    %max3A_428 = arith.maximumf %max3A_427, %reduce_max3A_425 : vector<50xf32>
    %broadcast_in_dim3A_429 = vector.shape_cast %max3A_428 : vector<50xf32> to vector<1x50xf32>
    %sub3A_430 = vector.broadcast %broadcast_in_dim3A_429 : vector<1x50xf32> to vector<50x50xf32>
    %sub3A_431 = arith.subf %dot_general3A_409, %sub3A_430 : vector<50x50xf32>
    %exp3A_432 = math.exp %sub3A_431 : vector<50x50xf32>
    %reduce_sum3A_433 = arith.constant dense<0.000000e+00> : vector<50xf32>
    %reduce_sum3A_434 = vector.multi_reduction <add>, %exp3A_432, %reduce_sum3A_433 [0] : vector<50x50xf32> to vector<50xf32>
    %broadcast_in_dim3A_435 = vector.shape_cast %reduce_sum3A_434 : vector<50xf32> to vector<1x50xf32>
    %div3A_436 = vector.broadcast %broadcast_in_dim3A_435 : vector<1x50xf32> to vector<50x50xf32>
    %div3A_437 = arith.divf %exp3A_432, %div3A_436 : vector<50x50xf32>
    %dot_general3A_438 = arith.constant dense<0.000000e+00> : vector<50x64xf32>
    %dot_general3A_439 = tpu.matmul %div3A_423, %slice3A_407, %dot_general3A_438 {dimension_numbers = #tpu.dot_dimension_numbers<[1], [0], [0], [1], [0, 0, 1, 1], [], []>, transpose_lhs_hint = false} : vector<50x50xf32>, vector<50x64xf32>, vector<50x64xf32> -> vector<50x64xf32>
    %dot_general3A_440 = arith.constant dense<0.000000e+00> : vector<50x64xf32>
    %dot_general3A_441 = tpu.matmul %div3A_437, %slice3A_406, %dot_general3A_440 {dimension_numbers = #tpu.dot_dimension_numbers<[0], [0], [1], [1], [0, 1, 1, 1], [], []>, transpose_lhs_hint = false} : vector<50x50xf32>, vector<50x64xf32>, vector<50x64xf32> -> vector<50x64xf32>
    %slice3A_442 = vector.extract_strided_slice %slice3A {offsets = [400, 0], sizes = [100, 64], strides = [1, 1]} : vector<1000x64xf32> to vector<100x64xf32>
    %concatenate3A_443 = tpu.concatenate %dot_general3A_439, %dot_general3A_441 in 0 : vector<50x64xf32>, vector<50x64xf32> -> vector<100x64xf32>
    %sub3A_444 = arith.subf %slice3A_442, %concatenate3A_443 : vector<100x64xf32>
    %slice3A_445 = vector.extract_strided_slice %add3A_32 {offsets = [400, 0], sizes = [100, 64], strides = [1, 1]} : vector<1000x64xf32> to vector<100x64xf32>
    %concatenate3A_446 = tpu.concatenate %slice3A_445, %sub3A_444 in 1 : vector<100x64xf32>, vector<100x64xf32> -> vector<100x128xf32>
    %dot_general3A_447 = arith.constant dense<0.000000e+00> : vector<100x192xf32>
    %dot_general3A_448 = tpu.matmul %concatenate3A_446, %get3A_35, %dot_general3A_447 {dimension_numbers = #tpu.dot_dimension_numbers<[1], [1], [0], [0], [0, 0, 1, 0], [], []>, transpose_lhs_hint = false} : vector<100x128xf32>, vector<192x128xf32>, vector<100x192xf32> -> vector<100x192xf32>
    %broadcast_in_dim3A_449 = vector.shape_cast %get3A_40 : vector<192xf32> to vector<1x192xf32>
    %add3A_450 = vector.broadcast %broadcast_in_dim3A_449 : vector<1x192xf32> to vector<100x192xf32>
    %add3A_451 = arith.addf %dot_general3A_448, %add3A_450 : vector<100x192xf32>
    %dot_general3A_452 = arith.constant dense<0.000000e+00> : vector<100x192xf32>
    %dot_general3A_453 = tpu.matmul %slice3A_442, %get3A_38, %dot_general3A_452 {dimension_numbers = #tpu.dot_dimension_numbers<[1], [1], [0], [0], [0, 0, 1, 0], [], []>, transpose_lhs_hint = false} : vector<100x64xf32>, vector<192x64xf32>, vector<100x192xf32> -> vector<100x192xf32>
    %broadcast_in_dim3A_454 = vector.shape_cast %get3A_42 : vector<192xf32> to vector<1x192xf32>
    %add3A_455 = vector.broadcast %broadcast_in_dim3A_454 : vector<1x192xf32> to vector<100x192xf32>
    %add3A_456 = arith.addf %dot_general3A_453, %add3A_455 : vector<100x192xf32>
    %slice3A_457 = vector.extract_strided_slice %add3A_451 {offsets = [0, 0], sizes = [100, 64], strides = [1, 1]} : vector<100x192xf32> to vector<100x64xf32>
    %slice3A_458 = vector.extract_strided_slice %add3A_456 {offsets = [0, 0], sizes = [100, 64], strides = [1, 1]} : vector<100x192xf32> to vector<100x64xf32>
    %add3A_459 = arith.addf %slice3A_457, %slice3A_458 : vector<100x64xf32>
    %logistic3A_460 = arith.negf %add3A_459 : vector<100x64xf32>
    %logistic3A_461 = math.exp %logistic3A_460 : vector<100x64xf32>
    %logistic3A_462 = arith.constant 1.000000e+00 : f32
    %logistic3A_463 = vector.broadcast %logistic3A_462 : f32 to vector<100x64xf32>
    %logistic3A_464 = arith.addf %logistic3A_463, %logistic3A_461 : vector<100x64xf32>
    %logistic3A_465 = arith.divf %logistic3A_463, %logistic3A_464 : vector<100x64xf32>
    %slice3A_466 = vector.extract_strided_slice %add3A_451 {offsets = [0, 64], sizes = [100, 64], strides = [1, 1]} : vector<100x192xf32> to vector<100x64xf32>
    %slice3A_467 = vector.extract_strided_slice %add3A_456 {offsets = [0, 64], sizes = [100, 64], strides = [1, 1]} : vector<100x192xf32> to vector<100x64xf32>
    %add3A_468 = arith.addf %slice3A_466, %slice3A_467 : vector<100x64xf32>
    %logistic3A_469 = arith.negf %add3A_468 : vector<100x64xf32>
    %logistic3A_470 = math.exp %logistic3A_469 : vector<100x64xf32>
    %logistic3A_471 = arith.constant 1.000000e+00 : f32
    %logistic3A_472 = vector.broadcast %logistic3A_471 : f32 to vector<100x64xf32>
    %logistic3A_473 = arith.addf %logistic3A_472, %logistic3A_470 : vector<100x64xf32>
    %logistic3A_474 = arith.divf %logistic3A_472, %logistic3A_473 : vector<100x64xf32>
    %slice3A_475 = vector.extract_strided_slice %add3A_451 {offsets = [0, 128], sizes = [100, 64], strides = [1, 1]} : vector<100x192xf32> to vector<100x64xf32>
    %slice3A_476 = vector.extract_strided_slice %add3A_456 {offsets = [0, 128], sizes = [100, 64], strides = [1, 1]} : vector<100x192xf32> to vector<100x64xf32>
    %mul3A_477 = arith.mulf %logistic3A_465, %slice3A_476 : vector<100x64xf32>
    %add3A_478 = arith.addf %slice3A_475, %mul3A_477 : vector<100x64xf32>
    %tanh3A_479 = math.tanh %add3A_478 : vector<100x64xf32>
    %sub3A_480 = arith.constant 1.000000e+00 : f32
    %sub3A_481 = vector.broadcast %sub3A_480 : f32 to vector<100x64xf32>
    %sub3A_482 = arith.subf %sub3A_481, %logistic3A_474 : vector<100x64xf32>
    %mul3A_483 = arith.mulf %sub3A_482, %tanh3A_479 : vector<100x64xf32>
    %mul3A_484 = arith.mulf %logistic3A_474, %slice3A_442 : vector<100x64xf32>
    %add3A_485 = arith.addf %mul3A_483, %mul3A_484 : vector<100x64xf32>
    %concatenate3A_486 = tpu.concatenate %add3A_485, %broadcast_in_dim3A_43 in 1 : vector<100x64xf32>, vector<100x64xf32> -> vector<100x128xf32>
    %swap3A_487 = arith.constant 400 : index
    %swap3A_488 = arith.constant 0 : index
    %swap3A_489 = vector.load %arg12[%swap3A_487, %swap3A_488] : memref<1000x128xf32, #tpu.memory_space<vmem>>, vector<100x128xf32>
    tpu.vector_store %arg12[%swap3A_487, %swap3A_488], %concatenate3A_486 {strides = array<i32>} : memref<1000x128xf32, #tpu.memory_space<vmem>>, vector<100x128xf32>,
    %get3A_490 = arith.constant 0 : index
    %get3A_491 = arith.constant 0 : index
    %get3A_492 = vector.load %arg7[%get3A_490, %get3A_491] : memref<64x64xf32, #tpu.memory_space<vmem>>, vector<64x64xf32>
    %dot_general3A_493 = arith.constant dense<0.000000e+00> : vector<100x64xf32>
    %dot_general3A_494 = tpu.matmul %add3A_485, %get3A_492, %dot_general3A_493 {dimension_numbers = #tpu.dot_dimension_numbers<[1], [0], [0], [1], [0, 0, 1, 1], [], []>, transpose_lhs_hint = false} : vector<100x64xf32>, vector<64x64xf32>, vector<100x64xf32> -> vector<100x64xf32>
    %concatenate3A_495 = tpu.concatenate %dot_general3A_494, %broadcast_in_dim3A_43 in 1 : vector<100x64xf32>, vector<100x64xf32> -> vector<100x128xf32>
    %swap3A_496 = arith.constant 400 : index
    %swap3A_497 = arith.constant 0 : index
    %swap3A_498 = vector.load %arg13[%swap3A_496, %swap3A_497] : memref<1000x128xf32, #tpu.memory_space<vmem>>, vector<100x128xf32>
    tpu.vector_store %arg13[%swap3A_496, %swap3A_497], %concatenate3A_495 {strides = array<i32>} : memref<1000x128xf32, #tpu.memory_space<vmem>>, vector<100x128xf32>,
    %slice3A_499 = vector.extract_strided_slice %slice3A {offsets = [500, 0], sizes = [50, 64], strides = [1, 1]} : vector<1000x64xf32> to vector<50x64xf32>
    %slice3A_500 = vector.extract_strided_slice %slice3A {offsets = [550, 0], sizes = [50, 64], strides = [1, 1]} : vector<1000x64xf32> to vector<50x64xf32>
    %dot_general3A_501 = arith.constant dense<0.000000e+00> : vector<50x50xf32>
    %dot_general3A_502 = tpu.matmul %slice3A_499, %slice3A_500, %dot_general3A_501 {dimension_numbers = #tpu.dot_dimension_numbers<[1], [1], [0], [0], [0, 0, 1, 0], [], []>, transpose_lhs_hint = false} : vector<50x64xf32>, vector<50x64xf32>, vector<50x50xf32> -> vector<50x50xf32>
    %reduce_max3A_503 = arith.constant dense<0xFF800000> : vector<50xf32>
    %reduce_max3A_504 = vector.multi_reduction <maximumf>, %dot_general3A_502, %reduce_max3A_503 [1] : vector<50x50xf32> to vector<50xf32>
    %max3A_505 = arith.constant 0xFF800000 : f32
    %max3A_506 = vector.broadcast %max3A_505 : f32 to vector<50xf32>
    %max3A_507 = arith.maximumf %max3A_506, %reduce_max3A_504 : vector<50xf32>
    %broadcast_in_dim3A_508 = vector.shape_cast %max3A_507 : vector<50xf32> to vector<50x1xf32>
    %sub3A_509 = vector.broadcast %broadcast_in_dim3A_508 : vector<50x1xf32> to vector<50x50xf32>
    %sub3A_510 = arith.subf %dot_general3A_502, %sub3A_509 : vector<50x50xf32>
    %exp3A_511 = math.exp %sub3A_510 : vector<50x50xf32>
    %reduce_sum3A_512 = arith.constant dense<0.000000e+00> : vector<50xf32>
    %reduce_sum3A_513 = vector.multi_reduction <add>, %exp3A_511, %reduce_sum3A_512 [1] : vector<50x50xf32> to vector<50xf32>
    %broadcast_in_dim3A_514 = vector.shape_cast %reduce_sum3A_513 : vector<50xf32> to vector<50x1xf32>
    %div3A_515 = vector.broadcast %broadcast_in_dim3A_514 : vector<50x1xf32> to vector<50x50xf32>
    %div3A_516 = arith.divf %exp3A_511, %div3A_515 : vector<50x50xf32>
    %reduce_max3A_517 = arith.constant dense<0xFF800000> : vector<50xf32>
    %reduce_max3A_518 = vector.multi_reduction <maximumf>, %dot_general3A_502, %reduce_max3A_517 [0] : vector<50x50xf32> to vector<50xf32>
    %max3A_519 = arith.constant 0xFF800000 : f32
    %max3A_520 = vector.broadcast %max3A_519 : f32 to vector<50xf32>
    %max3A_521 = arith.maximumf %max3A_520, %reduce_max3A_518 : vector<50xf32>
    %broadcast_in_dim3A_522 = vector.shape_cast %max3A_521 : vector<50xf32> to vector<1x50xf32>
    %sub3A_523 = vector.broadcast %broadcast_in_dim3A_522 : vector<1x50xf32> to vector<50x50xf32>
    %sub3A_524 = arith.subf %dot_general3A_502, %sub3A_523 : vector<50x50xf32>
    %exp3A_525 = math.exp %sub3A_524 : vector<50x50xf32>
    %reduce_sum3A_526 = arith.constant dense<0.000000e+00> : vector<50xf32>
    %reduce_sum3A_527 = vector.multi_reduction <add>, %exp3A_525, %reduce_sum3A_526 [0] : vector<50x50xf32> to vector<50xf32>
    %broadcast_in_dim3A_528 = vector.shape_cast %reduce_sum3A_527 : vector<50xf32> to vector<1x50xf32>
    %div3A_529 = vector.broadcast %broadcast_in_dim3A_528 : vector<1x50xf32> to vector<50x50xf32>
    %div3A_530 = arith.divf %exp3A_525, %div3A_529 : vector<50x50xf32>
    %dot_general3A_531 = arith.constant dense<0.000000e+00> : vector<50x64xf32>
    %dot_general3A_532 = tpu.matmul %div3A_516, %slice3A_500, %dot_general3A_531 {dimension_numbers = #tpu.dot_dimension_numbers<[1], [0], [0], [1], [0, 0, 1, 1], [], []>, transpose_lhs_hint = false} : vector<50x50xf32>, vector<50x64xf32>, vector<50x64xf32> -> vector<50x64xf32>
    %dot_general3A_533 = arith.constant dense<0.000000e+00> : vector<50x64xf32>
    %dot_general3A_534 = tpu.matmul %div3A_530, %slice3A_499, %dot_general3A_533 {dimension_numbers = #tpu.dot_dimension_numbers<[0], [0], [1], [1], [0, 1, 1, 1], [], []>, transpose_lhs_hint = false} : vector<50x50xf32>, vector<50x64xf32>, vector<50x64xf32> -> vector<50x64xf32>
    %slice3A_535 = vector.extract_strided_slice %slice3A {offsets = [500, 0], sizes = [100, 64], strides = [1, 1]} : vector<1000x64xf32> to vector<100x64xf32>
    %concatenate3A_536 = tpu.concatenate %dot_general3A_532, %dot_general3A_534 in 0 : vector<50x64xf32>, vector<50x64xf32> -> vector<100x64xf32>
    %sub3A_537 = arith.subf %slice3A_535, %concatenate3A_536 : vector<100x64xf32>
    %slice3A_538 = vector.extract_strided_slice %add3A_32 {offsets = [500, 0], sizes = [100, 64], strides = [1, 1]} : vector<1000x64xf32> to vector<100x64xf32>
    %concatenate3A_539 = tpu.concatenate %slice3A_538, %sub3A_537 in 1 : vector<100x64xf32>, vector<100x64xf32> -> vector<100x128xf32>
    %dot_general3A_540 = arith.constant dense<0.000000e+00> : vector<100x192xf32>
    %dot_general3A_541 = tpu.matmul %concatenate3A_539, %get3A_35, %dot_general3A_540 {dimension_numbers = #tpu.dot_dimension_numbers<[1], [1], [0], [0], [0, 0, 1, 0], [], []>, transpose_lhs_hint = false} : vector<100x128xf32>, vector<192x128xf32>, vector<100x192xf32> -> vector<100x192xf32>
    %broadcast_in_dim3A_542 = vector.shape_cast %get3A_40 : vector<192xf32> to vector<1x192xf32>
    %add3A_543 = vector.broadcast %broadcast_in_dim3A_542 : vector<1x192xf32> to vector<100x192xf32>
    %add3A_544 = arith.addf %dot_general3A_541, %add3A_543 : vector<100x192xf32>
    %dot_general3A_545 = arith.constant dense<0.000000e+00> : vector<100x192xf32>
    %dot_general3A_546 = tpu.matmul %slice3A_535, %get3A_38, %dot_general3A_545 {dimension_numbers = #tpu.dot_dimension_numbers<[1], [1], [0], [0], [0, 0, 1, 0], [], []>, transpose_lhs_hint = false} : vector<100x64xf32>, vector<192x64xf32>, vector<100x192xf32> -> vector<100x192xf32>
    %broadcast_in_dim3A_547 = vector.shape_cast %get3A_42 : vector<192xf32> to vector<1x192xf32>
    %add3A_548 = vector.broadcast %broadcast_in_dim3A_547 : vector<1x192xf32> to vector<100x192xf32>
    %add3A_549 = arith.addf %dot_general3A_546, %add3A_548 : vector<100x192xf32>
    %slice3A_550 = vector.extract_strided_slice %add3A_544 {offsets = [0, 0], sizes = [100, 64], strides = [1, 1]} : vector<100x192xf32> to vector<100x64xf32>
    %slice3A_551 = vector.extract_strided_slice %add3A_549 {offsets = [0, 0], sizes = [100, 64], strides = [1, 1]} : vector<100x192xf32> to vector<100x64xf32>
    %add3A_552 = arith.addf %slice3A_550, %slice3A_551 : vector<100x64xf32>
    %logistic3A_553 = arith.negf %add3A_552 : vector<100x64xf32>
    %logistic3A_554 = math.exp %logistic3A_553 : vector<100x64xf32>
    %logistic3A_555 = arith.constant 1.000000e+00 : f32
    %logistic3A_556 = vector.broadcast %logistic3A_555 : f32 to vector<100x64xf32>
    %logistic3A_557 = arith.addf %logistic3A_556, %logistic3A_554 : vector<100x64xf32>
    %logistic3A_558 = arith.divf %logistic3A_556, %logistic3A_557 : vector<100x64xf32>
    %slice3A_559 = vector.extract_strided_slice %add3A_544 {offsets = [0, 64], sizes = [100, 64], strides = [1, 1]} : vector<100x192xf32> to vector<100x64xf32>
    %slice3A_560 = vector.extract_strided_slice %add3A_549 {offsets = [0, 64], sizes = [100, 64], strides = [1, 1]} : vector<100x192xf32> to vector<100x64xf32>
    %add3A_561 = arith.addf %slice3A_559, %slice3A_560 : vector<100x64xf32>
    %logistic3A_562 = arith.negf %add3A_561 : vector<100x64xf32>
    %logistic3A_563 = math.exp %logistic3A_562 : vector<100x64xf32>
    %logistic3A_564 = arith.constant 1.000000e+00 : f32
    %logistic3A_565 = vector.broadcast %logistic3A_564 : f32 to vector<100x64xf32>
    %logistic3A_566 = arith.addf %logistic3A_565, %logistic3A_563 : vector<100x64xf32>
    %logistic3A_567 = arith.divf %logistic3A_565, %logistic3A_566 : vector<100x64xf32>
    %slice3A_568 = vector.extract_strided_slice %add3A_544 {offsets = [0, 128], sizes = [100, 64], strides = [1, 1]} : vector<100x192xf32> to vector<100x64xf32>
    %slice3A_569 = vector.extract_strided_slice %add3A_549 {offsets = [0, 128], sizes = [100, 64], strides = [1, 1]} : vector<100x192xf32> to vector<100x64xf32>
    %mul3A_570 = arith.mulf %logistic3A_558, %slice3A_569 : vector<100x64xf32>
    %add3A_571 = arith.addf %slice3A_568, %mul3A_570 : vector<100x64xf32>
    %tanh3A_572 = math.tanh %add3A_571 : vector<100x64xf32>
    %sub3A_573 = arith.constant 1.000000e+00 : f32
    %sub3A_574 = vector.broadcast %sub3A_573 : f32 to vector<100x64xf32>
    %sub3A_575 = arith.subf %sub3A_574, %logistic3A_567 : vector<100x64xf32>
    %mul3A_576 = arith.mulf %sub3A_575, %tanh3A_572 : vector<100x64xf32>
    %mul3A_577 = arith.mulf %logistic3A_567, %slice3A_535 : vector<100x64xf32>
    %add3A_578 = arith.addf %mul3A_576, %mul3A_577 : vector<100x64xf32>
    %concatenate3A_579 = tpu.concatenate %add3A_578, %broadcast_in_dim3A_43 in 1 : vector<100x64xf32>, vector<100x64xf32> -> vector<100x128xf32>
    %swap3A_580 = arith.constant 500 : index
    %swap3A_581 = arith.constant 0 : index
    %swap3A_582 = vector.load %arg12[%swap3A_580, %swap3A_581] : memref<1000x128xf32, #tpu.memory_space<vmem>>, vector<100x128xf32>
    tpu.vector_store %arg12[%swap3A_580, %swap3A_581], %concatenate3A_579 {strides = array<i32>} : memref<1000x128xf32, #tpu.memory_space<vmem>>, vector<100x128xf32>,
    %get3A_583 = arith.constant 0 : index
    %get3A_584 = arith.constant 0 : index
    %get3A_585 = vector.load %arg7[%get3A_583, %get3A_584] : memref<64x64xf32, #tpu.memory_space<vmem>>, vector<64x64xf32>
    %dot_general3A_586 = arith.constant dense<0.000000e+00> : vector<100x64xf32>
    %dot_general3A_587 = tpu.matmul %add3A_578, %get3A_585, %dot_general3A_586 {dimension_numbers = #tpu.dot_dimension_numbers<[1], [0], [0], [1], [0, 0, 1, 1], [], []>, transpose_lhs_hint = false} : vector<100x64xf32>, vector<64x64xf32>, vector<100x64xf32> -> vector<100x64xf32>
    %concatenate3A_588 = tpu.concatenate %dot_general3A_587, %broadcast_in_dim3A_43 in 1 : vector<100x64xf32>, vector<100x64xf32> -> vector<100x128xf32>
    %swap3A_589 = arith.constant 500 : index
    %swap3A_590 = arith.constant 0 : index
    %swap3A_591 = vector.load %arg13[%swap3A_589, %swap3A_590] : memref<1000x128xf32, #tpu.memory_space<vmem>>, vector<100x128xf32>
    tpu.vector_store %arg13[%swap3A_589, %swap3A_590], %concatenate3A_588 {strides = array<i32>} : memref<1000x128xf32, #tpu.memory_space<vmem>>, vector<100x128xf32>,
    %slice3A_592 = vector.extract_strided_slice %slice3A {offsets = [600, 0], sizes = [50, 64], strides = [1, 1]} : vector<1000x64xf32> to vector<50x64xf32>
    %slice3A_593 = vector.extract_strided_slice %slice3A {offsets = [650, 0], sizes = [50, 64], strides = [1, 1]} : vector<1000x64xf32> to vector<50x64xf32>
    %dot_general3A_594 = arith.constant dense<0.000000e+00> : vector<50x50xf32>
    %dot_general3A_595 = tpu.matmul %slice3A_592, %slice3A_593, %dot_general3A_594 {dimension_numbers = #tpu.dot_dimension_numbers<[1], [1], [0], [0], [0, 0, 1, 0], [], []>, transpose_lhs_hint = false} : vector<50x64xf32>, vector<50x64xf32>, vector<50x50xf32> -> vector<50x50xf32>
    %reduce_max3A_596 = arith.constant dense<0xFF800000> : vector<50xf32>
    %reduce_max3A_597 = vector.multi_reduction <maximumf>, %dot_general3A_595, %reduce_max3A_596 [1] : vector<50x50xf32> to vector<50xf32>
    %max3A_598 = arith.constant 0xFF800000 : f32
    %max3A_599 = vector.broadcast %max3A_598 : f32 to vector<50xf32>
    %max3A_600 = arith.maximumf %max3A_599, %reduce_max3A_597 : vector<50xf32>
    %broadcast_in_dim3A_601 = vector.shape_cast %max3A_600 : vector<50xf32> to vector<50x1xf32>
    %sub3A_602 = vector.broadcast %broadcast_in_dim3A_601 : vector<50x1xf32> to vector<50x50xf32>
    %sub3A_603 = arith.subf %dot_general3A_595, %sub3A_602 : vector<50x50xf32>
    %exp3A_604 = math.exp %sub3A_603 : vector<50x50xf32>
    %reduce_sum3A_605 = arith.constant dense<0.000000e+00> : vector<50xf32>
    %reduce_sum3A_606 = vector.multi_reduction <add>, %exp3A_604, %reduce_sum3A_605 [1] : vector<50x50xf32> to vector<50xf32>
    %broadcast_in_dim3A_607 = vector.shape_cast %reduce_sum3A_606 : vector<50xf32> to vector<50x1xf32>
    %div3A_608 = vector.broadcast %broadcast_in_dim3A_607 : vector<50x1xf32> to vector<50x50xf32>
    %div3A_609 = arith.divf %exp3A_604, %div3A_608 : vector<50x50xf32>
    %reduce_max3A_610 = arith.constant dense<0xFF800000> : vector<50xf32>
    %reduce_max3A_611 = vector.multi_reduction <maximumf>, %dot_general3A_595, %reduce_max3A_610 [0] : vector<50x50xf32> to vector<50xf32>
    %max3A_612 = arith.constant 0xFF800000 : f32
    %max3A_613 = vector.broadcast %max3A_612 : f32 to vector<50xf32>
    %max3A_614 = arith.maximumf %max3A_613, %reduce_max3A_611 : vector<50xf32>
    %broadcast_in_dim3A_615 = vector.shape_cast %max3A_614 : vector<50xf32> to vector<1x50xf32>
    %sub3A_616 = vector.broadcast %broadcast_in_dim3A_615 : vector<1x50xf32> to vector<50x50xf32>
    %sub3A_617 = arith.subf %dot_general3A_595, %sub3A_616 : vector<50x50xf32>
    %exp3A_618 = math.exp %sub3A_617 : vector<50x50xf32>
    %reduce_sum3A_619 = arith.constant dense<0.000000e+00> : vector<50xf32>
    %reduce_sum3A_620 = vector.multi_reduction <add>, %exp3A_618, %reduce_sum3A_619 [0] : vector<50x50xf32> to vector<50xf32>
    %broadcast_in_dim3A_621 = vector.shape_cast %reduce_sum3A_620 : vector<50xf32> to vector<1x50xf32>
    %div3A_622 = vector.broadcast %broadcast_in_dim3A_621 : vector<1x50xf32> to vector<50x50xf32>
    %div3A_623 = arith.divf %exp3A_618, %div3A_622 : vector<50x50xf32>
    %dot_general3A_624 = arith.constant dense<0.000000e+00> : vector<50x64xf32>
    %dot_general3A_625 = tpu.matmul %div3A_609, %slice3A_593, %dot_general3A_624 {dimension_numbers = #tpu.dot_dimension_numbers<[1], [0], [0], [1], [0, 0, 1, 1], [], []>, transpose_lhs_hint = false} : vector<50x50xf32>, vector<50x64xf32>, vector<50x64xf32> -> vector<50x64xf32>
    %dot_general3A_626 = arith.constant dense<0.000000e+00> : vector<50x64xf32>
    %dot_general3A_627 = tpu.matmul %div3A_623, %slice3A_592, %dot_general3A_626 {dimension_numbers = #tpu.dot_dimension_numbers<[0], [0], [1], [1], [0, 1, 1, 1], [], []>, transpose_lhs_hint = false} : vector<50x50xf32>, vector<50x64xf32>, vector<50x64xf32> -> vector<50x64xf32>
    %slice3A_628 = vector.extract_strided_slice %slice3A {offsets = [600, 0], sizes = [100, 64], strides = [1, 1]} : vector<1000x64xf32> to vector<100x64xf32>
    %concatenate3A_629 = tpu.concatenate %dot_general3A_625, %dot_general3A_627 in 0 : vector<50x64xf32>, vector<50x64xf32> -> vector<100x64xf32>
    %sub3A_630 = arith.subf %slice3A_628, %concatenate3A_629 : vector<100x64xf32>
    %slice3A_631 = vector.extract_strided_slice %add3A_32 {offsets = [600, 0], sizes = [100, 64], strides = [1, 1]} : vector<1000x64xf32> to vector<100x64xf32>
    %concatenate3A_632 = tpu.concatenate %slice3A_631, %sub3A_630 in 1 : vector<100x64xf32>, vector<100x64xf32> -> vector<100x128xf32>
    %dot_general3A_633 = arith.constant dense<0.000000e+00> : vector<100x192xf32>
    %dot_general3A_634 = tpu.matmul %concatenate3A_632, %get3A_35, %dot_general3A_633 {dimension_numbers = #tpu.dot_dimension_numbers<[1], [1], [0], [0], [0, 0, 1, 0], [], []>, transpose_lhs_hint = false} : vector<100x128xf32>, vector<192x128xf32>, vector<100x192xf32> -> vector<100x192xf32>
    %broadcast_in_dim3A_635 = vector.shape_cast %get3A_40 : vector<192xf32> to vector<1x192xf32>
    %add3A_636 = vector.broadcast %broadcast_in_dim3A_635 : vector<1x192xf32> to vector<100x192xf32>
    %add3A_637 = arith.addf %dot_general3A_634, %add3A_636 : vector<100x192xf32>
    %dot_general3A_638 = arith.constant dense<0.000000e+00> : vector<100x192xf32>
    %dot_general3A_639 = tpu.matmul %slice3A_628, %get3A_38, %dot_general3A_638 {dimension_numbers = #tpu.dot_dimension_numbers<[1], [1], [0], [0], [0, 0, 1, 0], [], []>, transpose_lhs_hint = false} : vector<100x64xf32>, vector<192x64xf32>, vector<100x192xf32> -> vector<100x192xf32>
    %broadcast_in_dim3A_640 = vector.shape_cast %get3A_42 : vector<192xf32> to vector<1x192xf32>
    %add3A_641 = vector.broadcast %broadcast_in_dim3A_640 : vector<1x192xf32> to vector<100x192xf32>
    %add3A_642 = arith.addf %dot_general3A_639, %add3A_641 : vector<100x192xf32>
    %slice3A_643 = vector.extract_strided_slice %add3A_637 {offsets = [0, 0], sizes = [100, 64], strides = [1, 1]} : vector<100x192xf32> to vector<100x64xf32>
    %slice3A_644 = vector.extract_strided_slice %add3A_642 {offsets = [0, 0], sizes = [100, 64], strides = [1, 1]} : vector<100x192xf32> to vector<100x64xf32>
    %add3A_645 = arith.addf %slice3A_643, %slice3A_644 : vector<100x64xf32>
    %logistic3A_646 = arith.negf %add3A_645 : vector<100x64xf32>
    %logistic3A_647 = math.exp %logistic3A_646 : vector<100x64xf32>
    %logistic3A_648 = arith.constant 1.000000e+00 : f32
    %logistic3A_649 = vector.broadcast %logistic3A_648 : f32 to vector<100x64xf32>
    %logistic3A_650 = arith.addf %logistic3A_649, %logistic3A_647 : vector<100x64xf32>
    %logistic3A_651 = arith.divf %logistic3A_649, %logistic3A_650 : vector<100x64xf32>
    %slice3A_652 = vector.extract_strided_slice %add3A_637 {offsets = [0, 64], sizes = [100, 64], strides = [1, 1]} : vector<100x192xf32> to vector<100x64xf32>
    %slice3A_653 = vector.extract_strided_slice %add3A_642 {offsets = [0, 64], sizes = [100, 64], strides = [1, 1]} : vector<100x192xf32> to vector<100x64xf32>
    %add3A_654 = arith.addf %slice3A_652, %slice3A_653 : vector<100x64xf32>
    %logistic3A_655 = arith.negf %add3A_654 : vector<100x64xf32>
    %logistic3A_656 = math.exp %logistic3A_655 : vector<100x64xf32>
    %logistic3A_657 = arith.constant 1.000000e+00 : f32
    %logistic3A_658 = vector.broadcast %logistic3A_657 : f32 to vector<100x64xf32>
    %logistic3A_659 = arith.addf %logistic3A_658, %logistic3A_656 : vector<100x64xf32>
    %logistic3A_660 = arith.divf %logistic3A_658, %logistic3A_659 : vector<100x64xf32>
    %slice3A_661 = vector.extract_strided_slice %add3A_637 {offsets = [0, 128], sizes = [100, 64], strides = [1, 1]} : vector<100x192xf32> to vector<100x64xf32>
    %slice3A_662 = vector.extract_strided_slice %add3A_642 {offsets = [0, 128], sizes = [100, 64], strides = [1, 1]} : vector<100x192xf32> to vector<100x64xf32>
    %mul3A_663 = arith.mulf %logistic3A_651, %slice3A_662 : vector<100x64xf32>
    %add3A_664 = arith.addf %slice3A_661, %mul3A_663 : vector<100x64xf32>
    %tanh3A_665 = math.tanh %add3A_664 : vector<100x64xf32>
    %sub3A_666 = arith.constant 1.000000e+00 : f32
    %sub3A_667 = vector.broadcast %sub3A_666 : f32 to vector<100x64xf32>
    %sub3A_668 = arith.subf %sub3A_667, %logistic3A_660 : vector<100x64xf32>
    %mul3A_669 = arith.mulf %sub3A_668, %tanh3A_665 : vector<100x64xf32>
    %mul3A_670 = arith.mulf %logistic3A_660, %slice3A_628 : vector<100x64xf32>
    %add3A_671 = arith.addf %mul3A_669, %mul3A_670 : vector<100x64xf32>
    %concatenate3A_672 = tpu.concatenate %add3A_671, %broadcast_in_dim3A_43 in 1 : vector<100x64xf32>, vector<100x64xf32> -> vector<100x128xf32>
    %swap3A_673 = arith.constant 600 : index
    %swap3A_674 = arith.constant 0 : index
    %swap3A_675 = vector.load %arg12[%swap3A_673, %swap3A_674] : memref<1000x128xf32, #tpu.memory_space<vmem>>, vector<100x128xf32>
    tpu.vector_store %arg12[%swap3A_673, %swap3A_674], %concatenate3A_672 {strides = array<i32>} : memref<1000x128xf32, #tpu.memory_space<vmem>>, vector<100x128xf32>,
    %get3A_676 = arith.constant 0 : index
    %get3A_677 = arith.constant 0 : index
    %get3A_678 = vector.load %arg7[%get3A_676, %get3A_677] : memref<64x64xf32, #tpu.memory_space<vmem>>, vector<64x64xf32>
    %dot_general3A_679 = arith.constant dense<0.000000e+00> : vector<100x64xf32>
    %dot_general3A_680 = tpu.matmul %add3A_671, %get3A_678, %dot_general3A_679 {dimension_numbers = #tpu.dot_dimension_numbers<[1], [0], [0], [1], [0, 0, 1, 1], [], []>, transpose_lhs_hint = false} : vector<100x64xf32>, vector<64x64xf32>, vector<100x64xf32> -> vector<100x64xf32>
    %concatenate3A_681 = tpu.concatenate %dot_general3A_680, %broadcast_in_dim3A_43 in 1 : vector<100x64xf32>, vector<100x64xf32> -> vector<100x128xf32>
    %swap3A_682 = arith.constant 600 : index
    %swap3A_683 = arith.constant 0 : index
    %swap3A_684 = vector.load %arg13[%swap3A_682, %swap3A_683] : memref<1000x128xf32, #tpu.memory_space<vmem>>, vector<100x128xf32>
    tpu.vector_store %arg13[%swap3A_682, %swap3A_683], %concatenate3A_681 {strides = array<i32>} : memref<1000x128xf32, #tpu.memory_space<vmem>>, vector<100x128xf32>,
    %slice3A_685 = vector.extract_strided_slice %slice3A {offsets = [700, 0], sizes = [50, 64], strides = [1, 1]} : vector<1000x64xf32> to vector<50x64xf32>
    %slice3A_686 = vector.extract_strided_slice %slice3A {offsets = [750, 0], sizes = [50, 64], strides = [1, 1]} : vector<1000x64xf32> to vector<50x64xf32>
    %dot_general3A_687 = arith.constant dense<0.000000e+00> : vector<50x50xf32>
    %dot_general3A_688 = tpu.matmul %slice3A_685, %slice3A_686, %dot_general3A_687 {dimension_numbers = #tpu.dot_dimension_numbers<[1], [1], [0], [0], [0, 0, 1, 0], [], []>, transpose_lhs_hint = false} : vector<50x64xf32>, vector<50x64xf32>, vector<50x50xf32> -> vector<50x50xf32>
    %reduce_max3A_689 = arith.constant dense<0xFF800000> : vector<50xf32>
    %reduce_max3A_690 = vector.multi_reduction <maximumf>, %dot_general3A_688, %reduce_max3A_689 [1] : vector<50x50xf32> to vector<50xf32>
    %max3A_691 = arith.constant 0xFF800000 : f32
    %max3A_692 = vector.broadcast %max3A_691 : f32 to vector<50xf32>
    %max3A_693 = arith.maximumf %max3A_692, %reduce_max3A_690 : vector<50xf32>
    %broadcast_in_dim3A_694 = vector.shape_cast %max3A_693 : vector<50xf32> to vector<50x1xf32>
    %sub3A_695 = vector.broadcast %broadcast_in_dim3A_694 : vector<50x1xf32> to vector<50x50xf32>
    %sub3A_696 = arith.subf %dot_general3A_688, %sub3A_695 : vector<50x50xf32>
    %exp3A_697 = math.exp %sub3A_696 : vector<50x50xf32>
    %reduce_sum3A_698 = arith.constant dense<0.000000e+00> : vector<50xf32>
    %reduce_sum3A_699 = vector.multi_reduction <add>, %exp3A_697, %reduce_sum3A_698 [1] : vector<50x50xf32> to vector<50xf32>
    %broadcast_in_dim3A_700 = vector.shape_cast %reduce_sum3A_699 : vector<50xf32> to vector<50x1xf32>
    %div3A_701 = vector.broadcast %broadcast_in_dim3A_700 : vector<50x1xf32> to vector<50x50xf32>
    %div3A_702 = arith.divf %exp3A_697, %div3A_701 : vector<50x50xf32>
    %reduce_max3A_703 = arith.constant dense<0xFF800000> : vector<50xf32>
    %reduce_max3A_704 = vector.multi_reduction <maximumf>, %dot_general3A_688, %reduce_max3A_703 [0] : vector<50x50xf32> to vector<50xf32>
    %max3A_705 = arith.constant 0xFF800000 : f32
    %max3A_706 = vector.broadcast %max3A_705 : f32 to vector<50xf32>
    %max3A_707 = arith.maximumf %max3A_706, %reduce_max3A_704 : vector<50xf32>
    %broadcast_in_dim3A_708 = vector.shape_cast %max3A_707 : vector<50xf32> to vector<1x50xf32>
    %sub3A_709 = vector.broadcast %broadcast_in_dim3A_708 : vector<1x50xf32> to vector<50x50xf32>
    %sub3A_710 = arith.subf %dot_general3A_688, %sub3A_709 : vector<50x50xf32>
    %exp3A_711 = math.exp %sub3A_710 : vector<50x50xf32>
    %reduce_sum3A_712 = arith.constant dense<0.000000e+00> : vector<50xf32>
    %reduce_sum3A_713 = vector.multi_reduction <add>, %exp3A_711, %reduce_sum3A_712 [0] : vector<50x50xf32> to vector<50xf32>
    %broadcast_in_dim3A_714 = vector.shape_cast %reduce_sum3A_713 : vector<50xf32> to vector<1x50xf32>
    %div3A_715 = vector.broadcast %broadcast_in_dim3A_714 : vector<1x50xf32> to vector<50x50xf32>
    %div3A_716 = arith.divf %exp3A_711, %div3A_715 : vector<50x50xf32>
    %dot_general3A_717 = arith.constant dense<0.000000e+00> : vector<50x64xf32>
    %dot_general3A_718 = tpu.matmul %div3A_702, %slice3A_686, %dot_general3A_717 {dimension_numbers = #tpu.dot_dimension_numbers<[1], [0], [0], [1], [0, 0, 1, 1], [], []>, transpose_lhs_hint = false} : vector<50x50xf32>, vector<50x64xf32>, vector<50x64xf32> -> vector<50x64xf32>
    %dot_general3A_719 = arith.constant dense<0.000000e+00> : vector<50x64xf32>
    %dot_general3A_720 = tpu.matmul %div3A_716, %slice3A_685, %dot_general3A_719 {dimension_numbers = #tpu.dot_dimension_numbers<[0], [0], [1], [1], [0, 1, 1, 1], [], []>, transpose_lhs_hint = false} : vector<50x50xf32>, vector<50x64xf32>, vector<50x64xf32> -> vector<50x64xf32>
    %slice3A_721 = vector.extract_strided_slice %slice3A {offsets = [700, 0], sizes = [100, 64], strides = [1, 1]} : vector<1000x64xf32> to vector<100x64xf32>
    %concatenate3A_722 = tpu.concatenate %dot_general3A_718, %dot_general3A_720 in 0 : vector<50x64xf32>, vector<50x64xf32> -> vector<100x64xf32>
    %sub3A_723 = arith.subf %slice3A_721, %concatenate3A_722 : vector<100x64xf32>
    %slice3A_724 = vector.extract_strided_slice %add3A_32 {offsets = [700, 0], sizes = [100, 64], strides = [1, 1]} : vector<1000x64xf32> to vector<100x64xf32>
    %concatenate3A_725 = tpu.concatenate %slice3A_724, %sub3A_723 in 1 : vector<100x64xf32>, vector<100x64xf32> -> vector<100x128xf32>
    %dot_general3A_726 = arith.constant dense<0.000000e+00> : vector<100x192xf32>
    %dot_general3A_727 = tpu.matmul %concatenate3A_725, %get3A_35, %dot_general3A_726 {dimension_numbers = #tpu.dot_dimension_numbers<[1], [1], [0], [0], [0, 0, 1, 0], [], []>, transpose_lhs_hint = false} : vector<100x128xf32>, vector<192x128xf32>, vector<100x192xf32> -> vector<100x192xf32>
    %broadcast_in_dim3A_728 = vector.shape_cast %get3A_40 : vector<192xf32> to vector<1x192xf32>
    %add3A_729 = vector.broadcast %broadcast_in_dim3A_728 : vector<1x192xf32> to vector<100x192xf32>
    %add3A_730 = arith.addf %dot_general3A_727, %add3A_729 : vector<100x192xf32>
    %dot_general3A_731 = arith.constant dense<0.000000e+00> : vector<100x192xf32>
    %dot_general3A_732 = tpu.matmul %slice3A_721, %get3A_38, %dot_general3A_731 {dimension_numbers = #tpu.dot_dimension_numbers<[1], [1], [0], [0], [0, 0, 1, 0], [], []>, transpose_lhs_hint = false} : vector<100x64xf32>, vector<192x64xf32>, vector<100x192xf32> -> vector<100x192xf32>
    %broadcast_in_dim3A_733 = vector.shape_cast %get3A_42 : vector<192xf32> to vector<1x192xf32>
    %add3A_734 = vector.broadcast %broadcast_in_dim3A_733 : vector<1x192xf32> to vector<100x192xf32>
    %add3A_735 = arith.addf %dot_general3A_732, %add3A_734 : vector<100x192xf32>
    %slice3A_736 = vector.extract_strided_slice %add3A_730 {offsets = [0, 0], sizes = [100, 64], strides = [1, 1]} : vector<100x192xf32> to vector<100x64xf32>
    %slice3A_737 = vector.extract_strided_slice %add3A_735 {offsets = [0, 0], sizes = [100, 64], strides = [1, 1]} : vector<100x192xf32> to vector<100x64xf32>
    %add3A_738 = arith.addf %slice3A_736, %slice3A_737 : vector<100x64xf32>
    %logistic3A_739 = arith.negf %add3A_738 : vector<100x64xf32>
    %logistic3A_740 = math.exp %logistic3A_739 : vector<100x64xf32>
    %logistic3A_741 = arith.constant 1.000000e+00 : f32
    %logistic3A_742 = vector.broadcast %logistic3A_741 : f32 to vector<100x64xf32>
    %logistic3A_743 = arith.addf %logistic3A_742, %logistic3A_740 : vector<100x64xf32>
    %logistic3A_744 = arith.divf %logistic3A_742, %logistic3A_743 : vector<100x64xf32>
    %slice3A_745 = vector.extract_strided_slice %add3A_730 {offsets = [0, 64], sizes = [100, 64], strides = [1, 1]} : vector<100x192xf32> to vector<100x64xf32>
    %slice3A_746 = vector.extract_strided_slice %add3A_735 {offsets = [0, 64], sizes = [100, 64], strides = [1, 1]} : vector<100x192xf32> to vector<100x64xf32>
    %add3A_747 = arith.addf %slice3A_745, %slice3A_746 : vector<100x64xf32>
    %logistic3A_748 = arith.negf %add3A_747 : vector<100x64xf32>
    %logistic3A_749 = math.exp %logistic3A_748 : vector<100x64xf32>
    %logistic3A_750 = arith.constant 1.000000e+00 : f32
    %logistic3A_751 = vector.broadcast %logistic3A_750 : f32 to vector<100x64xf32>
    %logistic3A_752 = arith.addf %logistic3A_751, %logistic3A_749 : vector<100x64xf32>
    %logistic3A_753 = arith.divf %logistic3A_751, %logistic3A_752 : vector<100x64xf32>
    %slice3A_754 = vector.extract_strided_slice %add3A_730 {offsets = [0, 128], sizes = [100, 64], strides = [1, 1]} : vector<100x192xf32> to vector<100x64xf32>
    %slice3A_755 = vector.extract_strided_slice %add3A_735 {offsets = [0, 128], sizes = [100, 64], strides = [1, 1]} : vector<100x192xf32> to vector<100x64xf32>
    %mul3A_756 = arith.mulf %logistic3A_744, %slice3A_755 : vector<100x64xf32>
    %add3A_757 = arith.addf %slice3A_754, %mul3A_756 : vector<100x64xf32>
    %tanh3A_758 = math.tanh %add3A_757 : vector<100x64xf32>
    %sub3A_759 = arith.constant 1.000000e+00 : f32
    %sub3A_760 = vector.broadcast %sub3A_759 : f32 to vector<100x64xf32>
    %sub3A_761 = arith.subf %sub3A_760, %logistic3A_753 : vector<100x64xf32>
    %mul3A_762 = arith.mulf %sub3A_761, %tanh3A_758 : vector<100x64xf32>
    %mul3A_763 = arith.mulf %logistic3A_753, %slice3A_721 : vector<100x64xf32>
    %add3A_764 = arith.addf %mul3A_762, %mul3A_763 : vector<100x64xf32>
    %concatenate3A_765 = tpu.concatenate %add3A_764, %broadcast_in_dim3A_43 in 1 : vector<100x64xf32>, vector<100x64xf32> -> vector<100x128xf32>
    %swap3A_766 = arith.constant 700 : index
    %swap3A_767 = arith.constant 0 : index
    %swap3A_768 = vector.load %arg12[%swap3A_766, %swap3A_767] : memref<1000x128xf32, #tpu.memory_space<vmem>>, vector<100x128xf32>
    tpu.vector_store %arg12[%swap3A_766, %swap3A_767], %concatenate3A_765 {strides = array<i32>} : memref<1000x128xf32, #tpu.memory_space<vmem>>, vector<100x128xf32>,
    %get3A_769 = arith.constant 0 : index
    %get3A_770 = arith.constant 0 : index
    %get3A_771 = vector.load %arg7[%get3A_769, %get3A_770] : memref<64x64xf32, #tpu.memory_space<vmem>>, vector<64x64xf32>
    %dot_general3A_772 = arith.constant dense<0.000000e+00> : vector<100x64xf32>
    %dot_general3A_773 = tpu.matmul %add3A_764, %get3A_771, %dot_general3A_772 {dimension_numbers = #tpu.dot_dimension_numbers<[1], [0], [0], [1], [0, 0, 1, 1], [], []>, transpose_lhs_hint = false} : vector<100x64xf32>, vector<64x64xf32>, vector<100x64xf32> -> vector<100x64xf32>
    %concatenate3A_774 = tpu.concatenate %dot_general3A_773, %broadcast_in_dim3A_43 in 1 : vector<100x64xf32>, vector<100x64xf32> -> vector<100x128xf32>
    %swap3A_775 = arith.constant 700 : index
    %swap3A_776 = arith.constant 0 : index
    %swap3A_777 = vector.load %arg13[%swap3A_775, %swap3A_776] : memref<1000x128xf32, #tpu.memory_space<vmem>>, vector<100x128xf32>
    tpu.vector_store %arg13[%swap3A_775, %swap3A_776], %concatenate3A_774 {strides = array<i32>} : memref<1000x128xf32, #tpu.memory_space<vmem>>, vector<100x128xf32>,
    %slice3A_778 = vector.extract_strided_slice %slice3A {offsets = [800, 0], sizes = [50, 64], strides = [1, 1]} : vector<1000x64xf32> to vector<50x64xf32>
    %slice3A_779 = vector.extract_strided_slice %slice3A {offsets = [850, 0], sizes = [50, 64], strides = [1, 1]} : vector<1000x64xf32> to vector<50x64xf32>
    %dot_general3A_780 = arith.constant dense<0.000000e+00> : vector<50x50xf32>
    %dot_general3A_781 = tpu.matmul %slice3A_778, %slice3A_779, %dot_general3A_780 {dimension_numbers = #tpu.dot_dimension_numbers<[1], [1], [0], [0], [0, 0, 1, 0], [], []>, transpose_lhs_hint = false} : vector<50x64xf32>, vector<50x64xf32>, vector<50x50xf32> -> vector<50x50xf32>
    %reduce_max3A_782 = arith.constant dense<0xFF800000> : vector<50xf32>
    %reduce_max3A_783 = vector.multi_reduction <maximumf>, %dot_general3A_781, %reduce_max3A_782 [1] : vector<50x50xf32> to vector<50xf32>
    %max3A_784 = arith.constant 0xFF800000 : f32
    %max3A_785 = vector.broadcast %max3A_784 : f32 to vector<50xf32>
    %max3A_786 = arith.maximumf %max3A_785, %reduce_max3A_783 : vector<50xf32>
    %broadcast_in_dim3A_787 = vector.shape_cast %max3A_786 : vector<50xf32> to vector<50x1xf32>
    %sub3A_788 = vector.broadcast %broadcast_in_dim3A_787 : vector<50x1xf32> to vector<50x50xf32>
    %sub3A_789 = arith.subf %dot_general3A_781, %sub3A_788 : vector<50x50xf32>
    %exp3A_790 = math.exp %sub3A_789 : vector<50x50xf32>
    %reduce_sum3A_791 = arith.constant dense<0.000000e+00> : vector<50xf32>
    %reduce_sum3A_792 = vector.multi_reduction <add>, %exp3A_790, %reduce_sum3A_791 [1] : vector<50x50xf32> to vector<50xf32>
    %broadcast_in_dim3A_793 = vector.shape_cast %reduce_sum3A_792 : vector<50xf32> to vector<50x1xf32>
    %div3A_794 = vector.broadcast %broadcast_in_dim3A_793 : vector<50x1xf32> to vector<50x50xf32>
    %div3A_795 = arith.divf %exp3A_790, %div3A_794 : vector<50x50xf32>
    %reduce_max3A_796 = arith.constant dense<0xFF800000> : vector<50xf32>
    %reduce_max3A_797 = vector.multi_reduction <maximumf>, %dot_general3A_781, %reduce_max3A_796 [0] : vector<50x50xf32> to vector<50xf32>
    %max3A_798 = arith.constant 0xFF800000 : f32
    %max3A_799 = vector.broadcast %max3A_798 : f32 to vector<50xf32>
    %max3A_800 = arith.maximumf %max3A_799, %reduce_max3A_797 : vector<50xf32>
    %broadcast_in_dim3A_801 = vector.shape_cast %max3A_800 : vector<50xf32> to vector<1x50xf32>
    %sub3A_802 = vector.broadcast %broadcast_in_dim3A_801 : vector<1x50xf32> to vector<50x50xf32>
    %sub3A_803 = arith.subf %dot_general3A_781, %sub3A_802 : vector<50x50xf32>
    %exp3A_804 = math.exp %sub3A_803 : vector<50x50xf32>
    %reduce_sum3A_805 = arith.constant dense<0.000000e+00> : vector<50xf32>
    %reduce_sum3A_806 = vector.multi_reduction <add>, %exp3A_804, %reduce_sum3A_805 [0] : vector<50x50xf32> to vector<50xf32>
    %broadcast_in_dim3A_807 = vector.shape_cast %reduce_sum3A_806 : vector<50xf32> to vector<1x50xf32>
    %div3A_808 = vector.broadcast %broadcast_in_dim3A_807 : vector<1x50xf32> to vector<50x50xf32>
    %div3A_809 = arith.divf %exp3A_804, %div3A_808 : vector<50x50xf32>
    %dot_general3A_810 = arith.constant dense<0.000000e+00> : vector<50x64xf32>
    %dot_general3A_811 = tpu.matmul %div3A_795, %slice3A_779, %dot_general3A_810 {dimension_numbers = #tpu.dot_dimension_numbers<[1], [0], [0], [1], [0, 0, 1, 1], [], []>, transpose_lhs_hint = false} : vector<50x50xf32>, vector<50x64xf32>, vector<50x64xf32> -> vector<50x64xf32>
    %dot_general3A_812 = arith.constant dense<0.000000e+00> : vector<50x64xf32>
    %dot_general3A_813 = tpu.matmul %div3A_809, %slice3A_778, %dot_general3A_812 {dimension_numbers = #tpu.dot_dimension_numbers<[0], [0], [1], [1], [0, 1, 1, 1], [], []>, transpose_lhs_hint = false} : vector<50x50xf32>, vector<50x64xf32>, vector<50x64xf32> -> vector<50x64xf32>
    %slice3A_814 = vector.extract_strided_slice %slice3A {offsets = [800, 0], sizes = [100, 64], strides = [1, 1]} : vector<1000x64xf32> to vector<100x64xf32>
    %concatenate3A_815 = tpu.concatenate %dot_general3A_811, %dot_general3A_813 in 0 : vector<50x64xf32>, vector<50x64xf32> -> vector<100x64xf32>
    %sub3A_816 = arith.subf %slice3A_814, %concatenate3A_815 : vector<100x64xf32>
    %slice3A_817 = vector.extract_strided_slice %add3A_32 {offsets = [800, 0], sizes = [100, 64], strides = [1, 1]} : vector<1000x64xf32> to vector<100x64xf32>
    %concatenate3A_818 = tpu.concatenate %slice3A_817, %sub3A_816 in 1 : vector<100x64xf32>, vector<100x64xf32> -> vector<100x128xf32>
    %dot_general3A_819 = arith.constant dense<0.000000e+00> : vector<100x192xf32>
    %dot_general3A_820 = tpu.matmul %concatenate3A_818, %get3A_35, %dot_general3A_819 {dimension_numbers = #tpu.dot_dimension_numbers<[1], [1], [0], [0], [0, 0, 1, 0], [], []>, transpose_lhs_hint = false} : vector<100x128xf32>, vector<192x128xf32>, vector<100x192xf32> -> vector<100x192xf32>
    %broadcast_in_dim3A_821 = vector.shape_cast %get3A_40 : vector<192xf32> to vector<1x192xf32>
    %add3A_822 = vector.broadcast %broadcast_in_dim3A_821 : vector<1x192xf32> to vector<100x192xf32>
    %add3A_823 = arith.addf %dot_general3A_820, %add3A_822 : vector<100x192xf32>
    %dot_general3A_824 = arith.constant dense<0.000000e+00> : vector<100x192xf32>
    %dot_general3A_825 = tpu.matmul %slice3A_814, %get3A_38, %dot_general3A_824 {dimension_numbers = #tpu.dot_dimension_numbers<[1], [1], [0], [0], [0, 0, 1, 0], [], []>, transpose_lhs_hint = false} : vector<100x64xf32>, vector<192x64xf32>, vector<100x192xf32> -> vector<100x192xf32>
    %broadcast_in_dim3A_826 = vector.shape_cast %get3A_42 : vector<192xf32> to vector<1x192xf32>
    %add3A_827 = vector.broadcast %broadcast_in_dim3A_826 : vector<1x192xf32> to vector<100x192xf32>
    %add3A_828 = arith.addf %dot_general3A_825, %add3A_827 : vector<100x192xf32>
    %slice3A_829 = vector.extract_strided_slice %add3A_823 {offsets = [0, 0], sizes = [100, 64], strides = [1, 1]} : vector<100x192xf32> to vector<100x64xf32>
    %slice3A_830 = vector.extract_strided_slice %add3A_828 {offsets = [0, 0], sizes = [100, 64], strides = [1, 1]} : vector<100x192xf32> to vector<100x64xf32>
    %add3A_831 = arith.addf %slice3A_829, %slice3A_830 : vector<100x64xf32>
    %logistic3A_832 = arith.negf %add3A_831 : vector<100x64xf32>
    %logistic3A_833 = math.exp %logistic3A_832 : vector<100x64xf32>
    %logistic3A_834 = arith.constant 1.000000e+00 : f32
    %logistic3A_835 = vector.broadcast %logistic3A_834 : f32 to vector<100x64xf32>
    %logistic3A_836 = arith.addf %logistic3A_835, %logistic3A_833 : vector<100x64xf32>
    %logistic3A_837 = arith.divf %logistic3A_835, %logistic3A_836 : vector<100x64xf32>
    %slice3A_838 = vector.extract_strided_slice %add3A_823 {offsets = [0, 64], sizes = [100, 64], strides = [1, 1]} : vector<100x192xf32> to vector<100x64xf32>
    %slice3A_839 = vector.extract_strided_slice %add3A_828 {offsets = [0, 64], sizes = [100, 64], strides = [1, 1]} : vector<100x192xf32> to vector<100x64xf32>
    %add3A_840 = arith.addf %slice3A_838, %slice3A_839 : vector<100x64xf32>
    %logistic3A_841 = arith.negf %add3A_840 : vector<100x64xf32>
    %logistic3A_842 = math.exp %logistic3A_841 : vector<100x64xf32>
    %logistic3A_843 = arith.constant 1.000000e+00 : f32
    %logistic3A_844 = vector.broadcast %logistic3A_843 : f32 to vector<100x64xf32>
    %logistic3A_845 = arith.addf %logistic3A_844, %logistic3A_842 : vector<100x64xf32>
    %logistic3A_846 = arith.divf %logistic3A_844, %logistic3A_845 : vector<100x64xf32>
    %slice3A_847 = vector.extract_strided_slice %add3A_823 {offsets = [0, 128], sizes = [100, 64], strides = [1, 1]} : vector<100x192xf32> to vector<100x64xf32>
    %slice3A_848 = vector.extract_strided_slice %add3A_828 {offsets = [0, 128], sizes = [100, 64], strides = [1, 1]} : vector<100x192xf32> to vector<100x64xf32>
    %mul3A_849 = arith.mulf %logistic3A_837, %slice3A_848 : vector<100x64xf32>
    %add3A_850 = arith.addf %slice3A_847, %mul3A_849 : vector<100x64xf32>
    %tanh3A_851 = math.tanh %add3A_850 : vector<100x64xf32>
    %sub3A_852 = arith.constant 1.000000e+00 : f32
    %sub3A_853 = vector.broadcast %sub3A_852 : f32 to vector<100x64xf32>
    %sub3A_854 = arith.subf %sub3A_853, %logistic3A_846 : vector<100x64xf32>
    %mul3A_855 = arith.mulf %sub3A_854, %tanh3A_851 : vector<100x64xf32>
    %mul3A_856 = arith.mulf %logistic3A_846, %slice3A_814 : vector<100x64xf32>
    %add3A_857 = arith.addf %mul3A_855, %mul3A_856 : vector<100x64xf32>
    %concatenate3A_858 = tpu.concatenate %add3A_857, %broadcast_in_dim3A_43 in 1 : vector<100x64xf32>, vector<100x64xf32> -> vector<100x128xf32>
    %swap3A_859 = arith.constant 800 : index
    %swap3A_860 = arith.constant 0 : index
    %swap3A_861 = vector.load %arg12[%swap3A_859, %swap3A_860] : memref<1000x128xf32, #tpu.memory_space<vmem>>, vector<100x128xf32>
    tpu.vector_store %arg12[%swap3A_859, %swap3A_860], %concatenate3A_858 {strides = array<i32>} : memref<1000x128xf32, #tpu.memory_space<vmem>>, vector<100x128xf32>,
    %get3A_862 = arith.constant 0 : index
    %get3A_863 = arith.constant 0 : index
    %get3A_864 = vector.load %arg7[%get3A_862, %get3A_863] : memref<64x64xf32, #tpu.memory_space<vmem>>, vector<64x64xf32>
    %dot_general3A_865 = arith.constant dense<0.000000e+00> : vector<100x64xf32>
    %dot_general3A_866 = tpu.matmul %add3A_857, %get3A_864, %dot_general3A_865 {dimension_numbers = #tpu.dot_dimension_numbers<[1], [0], [0], [1], [0, 0, 1, 1], [], []>, transpose_lhs_hint = false} : vector<100x64xf32>, vector<64x64xf32>, vector<100x64xf32> -> vector<100x64xf32>
    %concatenate3A_867 = tpu.concatenate %dot_general3A_866, %broadcast_in_dim3A_43 in 1 : vector<100x64xf32>, vector<100x64xf32> -> vector<100x128xf32>
    %swap3A_868 = arith.constant 800 : index
    %swap3A_869 = arith.constant 0 : index
    %swap3A_870 = vector.load %arg13[%swap3A_868, %swap3A_869] : memref<1000x128xf32, #tpu.memory_space<vmem>>, vector<100x128xf32>
    tpu.vector_store %arg13[%swap3A_868, %swap3A_869], %concatenate3A_867 {strides = array<i32>} : memref<1000x128xf32, #tpu.memory_space<vmem>>, vector<100x128xf32>,
    %slice3A_871 = vector.extract_strided_slice %slice3A {offsets = [900, 0], sizes = [50, 64], strides = [1, 1]} : vector<1000x64xf32> to vector<50x64xf32>
    %slice3A_872 = vector.extract_strided_slice %slice3A {offsets = [950, 0], sizes = [50, 64], strides = [1, 1]} : vector<1000x64xf32> to vector<50x64xf32>
    %dot_general3A_873 = arith.constant dense<0.000000e+00> : vector<50x50xf32>
    %dot_general3A_874 = tpu.matmul %slice3A_871, %slice3A_872, %dot_general3A_873 {dimension_numbers = #tpu.dot_dimension_numbers<[1], [1], [0], [0], [0, 0, 1, 0], [], []>, transpose_lhs_hint = false} : vector<50x64xf32>, vector<50x64xf32>, vector<50x50xf32> -> vector<50x50xf32>
    %reduce_max3A_875 = arith.constant dense<0xFF800000> : vector<50xf32>
    %reduce_max3A_876 = vector.multi_reduction <maximumf>, %dot_general3A_874, %reduce_max3A_875 [1] : vector<50x50xf32> to vector<50xf32>
    %max3A_877 = arith.constant 0xFF800000 : f32
    %max3A_878 = vector.broadcast %max3A_877 : f32 to vector<50xf32>
    %max3A_879 = arith.maximumf %max3A_878, %reduce_max3A_876 : vector<50xf32>
    %broadcast_in_dim3A_880 = vector.shape_cast %max3A_879 : vector<50xf32> to vector<50x1xf32>
    %sub3A_881 = vector.broadcast %broadcast_in_dim3A_880 : vector<50x1xf32> to vector<50x50xf32>
    %sub3A_882 = arith.subf %dot_general3A_874, %sub3A_881 : vector<50x50xf32>
    %exp3A_883 = math.exp %sub3A_882 : vector<50x50xf32>
    %reduce_sum3A_884 = arith.constant dense<0.000000e+00> : vector<50xf32>
    %reduce_sum3A_885 = vector.multi_reduction <add>, %exp3A_883, %reduce_sum3A_884 [1] : vector<50x50xf32> to vector<50xf32>
    %broadcast_in_dim3A_886 = vector.shape_cast %reduce_sum3A_885 : vector<50xf32> to vector<50x1xf32>
    %div3A_887 = vector.broadcast %broadcast_in_dim3A_886 : vector<50x1xf32> to vector<50x50xf32>
    %div3A_888 = arith.divf %exp3A_883, %div3A_887 : vector<50x50xf32>
    %reduce_max3A_889 = arith.constant dense<0xFF800000> : vector<50xf32>
    %reduce_max3A_890 = vector.multi_reduction <maximumf>, %dot_general3A_874, %reduce_max3A_889 [0] : vector<50x50xf32> to vector<50xf32>
    %max3A_891 = arith.constant 0xFF800000 : f32
    %max3A_892 = vector.broadcast %max3A_891 : f32 to vector<50xf32>
    %max3A_893 = arith.maximumf %max3A_892, %reduce_max3A_890 : vector<50xf32>
    %broadcast_in_dim3A_894 = vector.shape_cast %max3A_893 : vector<50xf32> to vector<1x50xf32>
    %sub3A_895 = vector.broadcast %broadcast_in_dim3A_894 : vector<1x50xf32> to vector<50x50xf32>
    %sub3A_896 = arith.subf %dot_general3A_874, %sub3A_895 : vector<50x50xf32>
    %exp3A_897 = math.exp %sub3A_896 : vector<50x50xf32>
    %reduce_sum3A_898 = arith.constant dense<0.000000e+00> : vector<50xf32>
    %reduce_sum3A_899 = vector.multi_reduction <add>, %exp3A_897, %reduce_sum3A_898 [0] : vector<50x50xf32> to vector<50xf32>
    %broadcast_in_dim3A_900 = vector.shape_cast %reduce_sum3A_899 : vector<50xf32> to vector<1x50xf32>
    %div3A_901 = vector.broadcast %broadcast_in_dim3A_900 : vector<1x50xf32> to vector<50x50xf32>
    %div3A_902 = arith.divf %exp3A_897, %div3A_901 : vector<50x50xf32>
    %dot_general3A_903 = arith.constant dense<0.000000e+00> : vector<50x64xf32>
    %dot_general3A_904 = tpu.matmul %div3A_888, %slice3A_872, %dot_general3A_903 {dimension_numbers = #tpu.dot_dimension_numbers<[1], [0], [0], [1], [0, 0, 1, 1], [], []>, transpose_lhs_hint = false} : vector<50x50xf32>, vector<50x64xf32>, vector<50x64xf32> -> vector<50x64xf32>
    %dot_general3A_905 = arith.constant dense<0.000000e+00> : vector<50x64xf32>
    %dot_general3A_906 = tpu.matmul %div3A_902, %slice3A_871, %dot_general3A_905 {dimension_numbers = #tpu.dot_dimension_numbers<[0], [0], [1], [1], [0, 1, 1, 1], [], []>, transpose_lhs_hint = false} : vector<50x50xf32>, vector<50x64xf32>, vector<50x64xf32> -> vector<50x64xf32>
    %slice3A_907 = vector.extract_strided_slice %slice3A {offsets = [900, 0], sizes = [100, 64], strides = [1, 1]} : vector<1000x64xf32> to vector<100x64xf32>
    %concatenate3A_908 = tpu.concatenate %dot_general3A_904, %dot_general3A_906 in 0 : vector<50x64xf32>, vector<50x64xf32> -> vector<100x64xf32>
    %sub3A_909 = arith.subf %slice3A_907, %concatenate3A_908 : vector<100x64xf32>
    %slice3A_910 = vector.extract_strided_slice %add3A_32 {offsets = [900, 0], sizes = [100, 64], strides = [1, 1]} : vector<1000x64xf32> to vector<100x64xf32>
    %concatenate3A_911 = tpu.concatenate %slice3A_910, %sub3A_909 in 1 : vector<100x64xf32>, vector<100x64xf32> -> vector<100x128xf32>
    %dot_general3A_912 = arith.constant dense<0.000000e+00> : vector<100x192xf32>
    %dot_general3A_913 = tpu.matmul %concatenate3A_911, %get3A_35, %dot_general3A_912 {dimension_numbers = #tpu.dot_dimension_numbers<[1], [1], [0], [0], [0, 0, 1, 0], [], []>, transpose_lhs_hint = false} : vector<100x128xf32>, vector<192x128xf32>, vector<100x192xf32> -> vector<100x192xf32>
    %broadcast_in_dim3A_914 = vector.shape_cast %get3A_40 : vector<192xf32> to vector<1x192xf32>
    %add3A_915 = vector.broadcast %broadcast_in_dim3A_914 : vector<1x192xf32> to vector<100x192xf32>
    %add3A_916 = arith.addf %dot_general3A_913, %add3A_915 : vector<100x192xf32>
    %dot_general3A_917 = arith.constant dense<0.000000e+00> : vector<100x192xf32>
    %dot_general3A_918 = tpu.matmul %slice3A_907, %get3A_38, %dot_general3A_917 {dimension_numbers = #tpu.dot_dimension_numbers<[1], [1], [0], [0], [0, 0, 1, 0], [], []>, transpose_lhs_hint = false} : vector<100x64xf32>, vector<192x64xf32>, vector<100x192xf32> -> vector<100x192xf32>
    %broadcast_in_dim3A_919 = vector.shape_cast %get3A_42 : vector<192xf32> to vector<1x192xf32>
    %add3A_920 = vector.broadcast %broadcast_in_dim3A_919 : vector<1x192xf32> to vector<100x192xf32>
    %add3A_921 = arith.addf %dot_general3A_918, %add3A_920 : vector<100x192xf32>
    %slice3A_922 = vector.extract_strided_slice %add3A_916 {offsets = [0, 0], sizes = [100, 64], strides = [1, 1]} : vector<100x192xf32> to vector<100x64xf32>
    %slice3A_923 = vector.extract_strided_slice %add3A_921 {offsets = [0, 0], sizes = [100, 64], strides = [1, 1]} : vector<100x192xf32> to vector<100x64xf32>
    %add3A_924 = arith.addf %slice3A_922, %slice3A_923 : vector<100x64xf32>
    %logistic3A_925 = arith.negf %add3A_924 : vector<100x64xf32>
    %logistic3A_926 = math.exp %logistic3A_925 : vector<100x64xf32>
    %logistic3A_927 = arith.constant 1.000000e+00 : f32
    %logistic3A_928 = vector.broadcast %logistic3A_927 : f32 to vector<100x64xf32>
    %logistic3A_929 = arith.addf %logistic3A_928, %logistic3A_926 : vector<100x64xf32>
    %logistic3A_930 = arith.divf %logistic3A_928, %logistic3A_929 : vector<100x64xf32>
    %slice3A_931 = vector.extract_strided_slice %add3A_916 {offsets = [0, 64], sizes = [100, 64], strides = [1, 1]} : vector<100x192xf32> to vector<100x64xf32>
    %slice3A_932 = vector.extract_strided_slice %add3A_921 {offsets = [0, 64], sizes = [100, 64], strides = [1, 1]} : vector<100x192xf32> to vector<100x64xf32>
    %add3A_933 = arith.addf %slice3A_931, %slice3A_932 : vector<100x64xf32>
    %logistic3A_934 = arith.negf %add3A_933 : vector<100x64xf32>
    %logistic3A_935 = math.exp %logistic3A_934 : vector<100x64xf32>
    %logistic3A_936 = arith.constant 1.000000e+00 : f32
    %logistic3A_937 = vector.broadcast %logistic3A_936 : f32 to vector<100x64xf32>
    %logistic3A_938 = arith.addf %logistic3A_937, %logistic3A_935 : vector<100x64xf32>
    %logistic3A_939 = arith.divf %logistic3A_937, %logistic3A_938 : vector<100x64xf32>
    %slice3A_940 = vector.extract_strided_slice %add3A_916 {offsets = [0, 128], sizes = [100, 64], strides = [1, 1]} : vector<100x192xf32> to vector<100x64xf32>
    %slice3A_941 = vector.extract_strided_slice %add3A_921 {offsets = [0, 128], sizes = [100, 64], strides = [1, 1]} : vector<100x192xf32> to vector<100x64xf32>
    %mul3A_942 = arith.mulf %logistic3A_930, %slice3A_941 : vector<100x64xf32>
    %add3A_943 = arith.addf %slice3A_940, %mul3A_942 : vector<100x64xf32>
    %tanh3A_944 = math.tanh %add3A_943 : vector<100x64xf32>
    %sub3A_945 = arith.constant 1.000000e+00 : f32
    %sub3A_946 = vector.broadcast %sub3A_945 : f32 to vector<100x64xf32>
    %sub3A_947 = arith.subf %sub3A_946, %logistic3A_939 : vector<100x64xf32>
    %mul3A_948 = arith.mulf %sub3A_947, %tanh3A_944 : vector<100x64xf32>
    %mul3A_949 = arith.mulf %logistic3A_939, %slice3A_907 : vector<100x64xf32>
    %add3A_950 = arith.addf %mul3A_948, %mul3A_949 : vector<100x64xf32>
    %concatenate3A_951 = tpu.concatenate %add3A_950, %broadcast_in_dim3A_43 in 1 : vector<100x64xf32>, vector<100x64xf32> -> vector<100x128xf32>
    %swap3A_952 = arith.constant 900 : index
    %swap3A_953 = arith.constant 0 : index
    %swap3A_954 = vector.load %arg12[%swap3A_952, %swap3A_953] : memref<1000x128xf32, #tpu.memory_space<vmem>>, vector<100x128xf32>
    tpu.vector_store %arg12[%swap3A_952, %swap3A_953], %concatenate3A_951 {strides = array<i32>} : memref<1000x128xf32, #tpu.memory_space<vmem>>, vector<100x128xf32>,
    %get3A_955 = arith.constant 0 : index
    %get3A_956 = arith.constant 0 : index
    %get3A_957 = vector.load %arg7[%get3A_955, %get3A_956] : memref<64x64xf32, #tpu.memory_space<vmem>>, vector<64x64xf32>
    %dot_general3A_958 = arith.constant dense<0.000000e+00> : vector<100x64xf32>
    %dot_general3A_959 = tpu.matmul %add3A_950, %get3A_957, %dot_general3A_958 {dimension_numbers = #tpu.dot_dimension_numbers<[1], [0], [0], [1], [0, 0, 1, 1], [], []>, transpose_lhs_hint = false} : vector<100x64xf32>, vector<64x64xf32>, vector<100x64xf32> -> vector<100x64xf32>
    %concatenate3A_960 = tpu.concatenate %dot_general3A_959, %broadcast_in_dim3A_43 in 1 : vector<100x64xf32>, vector<100x64xf32> -> vector<100x128xf32>
    %swap3A_961 = arith.constant 900 : index
    %swap3A_962 = arith.constant 0 : index
    %swap3A_963 = vector.load %arg13[%swap3A_961, %swap3A_962] : memref<1000x128xf32, #tpu.memory_space<vmem>>, vector<100x128xf32>
    tpu.vector_store %arg13[%swap3A_961, %swap3A_962], %concatenate3A_960 {strides = array<i32>} : memref<1000x128xf32, #tpu.memory_space<vmem>>, vector<100x128xf32>,
    return
  }
  func.func @transform_0(%arg0: i32) -> (i32, i32) {
    %c0_i32 = arith.constant 0 : i32
    %c0_i32_0 = arith.constant 0 : i32
    return %arg0, %c0_i32 : i32, i32
  }
  func.func @transform_1(%arg0: i32) -> (i32, i32, i32) {
    %c0_i32 = arith.constant 0 : i32
    %c0_i32_0 = arith.constant 0 : i32
    %c0_i32_1 = arith.constant 0 : i32
    return %c0_i32, %arg0, %c0_i32_0 : i32, i32, i32
  }
  func.func @transform_2(%arg0: i32) -> (i32, i32, i32) {
    %c1_i32 = arith.constant 1 : i32
    %c0_i32 = arith.constant 0 : i32
    %c0_i32_0 = arith.constant 0 : i32
    return %c1_i32, %arg0, %c0_i32 : i32, i32, i32
  }
  func.func @transform_3(%arg0: i32) -> (i32, i32, i32) {
    %c0_i32 = arith.constant 0 : i32
    %c0_i32_0 = arith.constant 0 : i32
    %c0_i32_1 = arith.constant 0 : i32
    return %c0_i32, %arg0, %c0_i32_0 : i32, i32, i32
  }
  func.func @transform_4(%arg0: i32) -> (i32, i32, i32) {
    %c1_i32 = arith.constant 1 : i32
    %c0_i32 = arith.constant 0 : i32
    %c0_i32_0 = arith.constant 0 : i32
    return %c1_i32, %arg0, %c0_i32 : i32, i32, i32
  }
  func.func @transform_5(%arg0: i32) -> (i32, i32) {
    %c0_i32 = arith.constant 0 : i32
    %c0_i32_0 = arith.constant 0 : i32
    %c0_i32_1 = arith.constant 0 : i32
    return %c0_i32, %c0_i32_0 : i32, i32
  }
  func.func @transform_6(%arg0: i32) -> (i32, i32) {
    %c0_i32 = arith.constant 0 : i32
    %c0_i32_0 = arith.constant 0 : i32
    %c0_i32_1 = arith.constant 0 : i32
    return %c0_i32, %c0_i32_0 : i32, i32
  }
  func.func @transform_7(%arg0: i32) -> (i32, i32) {
    %c0_i32 = arith.constant 0 : i32
    %c0_i32_0 = arith.constant 0 : i32
    %c0_i32_1 = arith.constant 0 : i32
    return %c0_i32, %c0_i32_0 : i32, i32
  }
  func.func @transform_8(%arg0: i32) -> i32 {
    %c0_i32 = arith.constant 0 : i32
    %c0_i32_0 = arith.constant 0 : i32
    return %c0_i32 : i32
  }
  func.func @transform_9(%arg0: i32) -> (i32, i32) {
    %c0_i32 = arith.constant 0 : i32
    %c0_i32_0 = arith.constant 0 : i32
    %c0_i32_1 = arith.constant 0 : i32
    return %c0_i32, %c0_i32_0 : i32, i32
  }
  func.func @transform_10(%arg0: i32) -> i32 {
    %c0_i32 = arith.constant 0 : i32
    %c0_i32_0 = arith.constant 0 : i32
    return %c0_i32 : i32
  }
  func.func @transform_11(%arg0: i32) -> (i32, i32) {
    %c0_i32 = arith.constant 0 : i32
    %c0_i32_0 = arith.constant 0 : i32
    return %arg0, %c0_i32 : i32, i32
  }
  func.func @transform_12(%arg0: i32) -> (i32, i32) {
    %c0_i32 = arith.constant 0 : i32
    %c0_i32_0 = arith.constant 0 : i32
    return %arg0, %c0_i32 : i32, i32
  }
}

module attributes {stable_mosaic.version = 14 : i64} {
  func.func @_final_body(%arg0: i32, %arg1: memref<10000x128xf32, #tpu.memory_space<vmem>>, %arg2: memref<64x256xf32, #tpu.memory_space<vmem>>, %arg3: memref<256xf32, #tpu.memory_space<vmem>>, %arg4: memref<128x128xf32, #tpu.memory_space<vmem>>, %arg5: memref<128xf32, #tpu.memory_space<vmem>>, %arg6: memref<100xf32, #tpu.memory_space<vmem>>) attributes {dimension_semantics = [#tpu.dimension_semantics<arbitrary>], iteration_bounds = array<i64: 1>, scalar_prefetch = 0 : i64, scratch_operands = 0 : i64, tpu.core_type = #tpu.core_type<tc>, window_params = [{pipeline_mode = #tpu.pipeline_mode<synchronous>, transform_indices = @transform_0, window_bounds = array<i64: 10000, 128>}, {pipeline_mode = #tpu.pipeline_mode<synchronous>, transform_indices = @transform_1, window_bounds = array<i64: 64, 256>}, {pipeline_mode = #tpu.pipeline_mode<synchronous>, transform_indices = @transform_2, window_bounds = array<i64: 256>}, {pipeline_mode = #tpu.pipeline_mode<synchronous>, transform_indices = @transform_3, window_bounds = array<i64: 128, 128>}, {pipeline_mode = #tpu.pipeline_mode<synchronous>, transform_indices = @transform_4, window_bounds = array<i64: 128>}, {pipeline_mode = #tpu.pipeline_mode<synchronous>, transform_indices = @transform_5, window_bounds = array<i64: 100>}]} {
    %get3A = arith.constant 0 : index
    %get3A_0 = arith.constant 0 : index
    %get3A_1 = vector.load %arg1[%get3A, %get3A_0] : memref<10000x128xf32, #tpu.memory_space<vmem>>, vector<10000x128xf32>
    %slice3A = vector.extract_strided_slice %get3A_1 {offsets = [0, 0], sizes = [10000, 64], strides = [1, 1]} : vector<10000x128xf32> to vector<10000x64xf32>
    %get3A_2 = arith.constant 0 : index
    %get3A_3 = arith.constant 0 : index
    %get3A_4 = vector.load %arg2[%get3A_2, %get3A_3] : memref<64x256xf32, #tpu.memory_space<vmem>>, vector<64x256xf32>
    %get3A_5 = arith.constant 0 : index
    %get3A_6 = vector.load %arg3[%get3A_5] : memref<256xf32, #tpu.memory_space<vmem>>, vector<256xf32>
    %iota3A = tpu.iota {dimensions = array<i32: 1>} : vector<20x1000xi32>
    %iota3A_7 = tpu.iota {dimensions = array<i32: 0>} : vector<20x1000xi32>
    %jit3A = arith.constant 50 : i32
    %div3A = vector.broadcast %jit3A : i32 to vector<20x1000xi32>
    %div3A_8 = arith.divsi %iota3A, %div3A : vector<20x1000xi32>
    %sign3A = arith.constant 0 : i32
    %sign3A_9 = vector.broadcast %sign3A : i32 to vector<20x1000xi32>
    %sign3A_10 = arith.cmpi sgt, %iota3A, %sign3A_9 : vector<20x1000xi32>
    %sign3A_11 = arith.extui %sign3A_10 : vector<20x1000xi1> to vector<20x1000xi32>
    %sign3A_12 = arith.constant 0 : i32
    %sign3A_13 = vector.broadcast %sign3A_12 : i32 to vector<20x1000xi32>
    %sign3A_14 = arith.cmpi slt, %iota3A, %sign3A_13 : vector<20x1000xi32>
    %sign3A_15 = arith.extui %sign3A_14 : vector<20x1000xi1> to vector<20x1000xi32>
    %sign3A_16 = arith.subi %sign3A_11, %sign3A_15 : vector<20x1000xi32>
    %sign3A_17 = arith.constant 0 : i32
    %sign3A_18 = arith.cmpi sgt, %jit3A, %sign3A_17 : i32
    %sign3A_19 = arith.extui %sign3A_18 : i1 to i32
    %sign3A_20 = arith.constant 0 : i32
    %sign3A_21 = arith.cmpi slt, %jit3A, %sign3A_20 : i32
    %sign3A_22 = arith.extui %sign3A_21 : i1 to i32
    %sign3A_23 = arith.subi %sign3A_19, %sign3A_22 : i32
    %ne3A = vector.broadcast %sign3A_23 : i32 to vector<20x1000xi32>
    %ne3A_24 = arith.cmpi ne, %sign3A_16, %ne3A : vector<20x1000xi32>
    %rem3A = vector.broadcast %jit3A : i32 to vector<20x1000xi32>
    %rem3A_25 = arith.remsi %iota3A, %rem3A : vector<20x1000xi32>
    %ne3A_26 = arith.constant 0 : i32
    %ne3A_27 = vector.broadcast %ne3A_26 : i32 to vector<20x1000xi32>
    %ne3A_28 = arith.cmpi ne, %rem3A_25, %ne3A_27 : vector<20x1000xi32>
    %and3A = arith.andi %ne3A_24, %ne3A_28 : vector<20x1000xi1>
    %sub3A = arith.constant 1 : i32
    %sub3A_29 = vector.broadcast %sub3A : i32 to vector<20x1000xi32>
    %sub3A_30 = arith.subi %div3A_8, %sub3A_29 : vector<20x1000xi32>
    %select_n3A = arith.select %and3A, %sub3A_30, %div3A_8 : vector<20x1000xi1>, vector<20x1000xi32>
    %eq3A = arith.cmpi eq, %select_n3A, %iota3A_7 : vector<20x1000xi32>
    %convert_element_type3A = arith.extui %eq3A : vector<20x1000xi1> to vector<20x1000xi32>
    %convert_element_type3A_31 = arith.sitofp %convert_element_type3A : vector<20x1000xi32> to vector<20x1000xf32>
    %slice3A_32 = vector.extract_strided_slice %slice3A {offsets = [0, 0], sizes = [1000, 64], strides = [1, 1]} : vector<10000x64xf32> to vector<1000x64xf32>
    %dot_general3A = arith.constant dense<0.000000e+00> : vector<1000x256xf32>
    %dot_general3A_33 = tpu.matmul %slice3A_32, %get3A_4, %dot_general3A {dimension_numbers = #tpu.dot_dimension_numbers<[1], [0], [0], [1], [0, 0, 1, 1], [], []>, transpose_lhs_hint = false} : vector<1000x64xf32>, vector<64x256xf32>, vector<1000x256xf32> -> vector<1000x256xf32>
    %broadcast_in_dim3A = vector.shape_cast %get3A_6 : vector<256xf32> to vector<1x256xf32>
    %add3A = vector.broadcast %broadcast_in_dim3A : vector<1x256xf32> to vector<1000x256xf32>
    %add3A_34 = arith.addf %dot_general3A_33, %add3A : vector<1000x256xf32>
    %slice3A_35 = vector.extract_strided_slice %add3A_34 {offsets = [0, 128], sizes = [1000, 128], strides = [1, 1]} : vector<1000x256xf32> to vector<1000x128xf32>
    %slice3A_36 = vector.extract_strided_slice %add3A_34 {offsets = [0, 0], sizes = [1000, 128], strides = [1, 1]} : vector<1000x256xf32> to vector<1000x128xf32>
    %logistic3A = arith.negf %slice3A_36 : vector<1000x128xf32>
    %logistic3A_37 = math.exp %logistic3A : vector<1000x128xf32>
    %logistic3A_38 = arith.constant 1.000000e+00 : f32
    %logistic3A_39 = vector.broadcast %logistic3A_38 : f32 to vector<1000x128xf32>
    %logistic3A_40 = arith.addf %logistic3A_39, %logistic3A_37 : vector<1000x128xf32>
    %logistic3A_41 = arith.divf %logistic3A_39, %logistic3A_40 : vector<1000x128xf32>
    %mul3A = arith.mulf %slice3A_35, %logistic3A_41 : vector<1000x128xf32>
    %dot_general3A_42 = arith.constant dense<0.000000e+00> : vector<20x128xf32>
    %dot_general3A_43 = tpu.matmul %convert_element_type3A_31, %mul3A, %dot_general3A_42 {dimension_numbers = #tpu.dot_dimension_numbers<[1], [0], [0], [1], [0, 0, 1, 1], [], []>, transpose_lhs_hint = false} : vector<20x1000xf32>, vector<1000x128xf32>, vector<20x128xf32> -> vector<20x128xf32>
    %slice3A_44 = vector.extract_strided_slice %slice3A {offsets = [1000, 0], sizes = [1000, 64], strides = [1, 1]} : vector<10000x64xf32> to vector<1000x64xf32>
    %dot_general3A_45 = arith.constant dense<0.000000e+00> : vector<1000x256xf32>
    %dot_general3A_46 = tpu.matmul %slice3A_44, %get3A_4, %dot_general3A_45 {dimension_numbers = #tpu.dot_dimension_numbers<[1], [0], [0], [1], [0, 0, 1, 1], [], []>, transpose_lhs_hint = false} : vector<1000x64xf32>, vector<64x256xf32>, vector<1000x256xf32> -> vector<1000x256xf32>
    %broadcast_in_dim3A_47 = vector.shape_cast %get3A_6 : vector<256xf32> to vector<1x256xf32>
    %add3A_48 = vector.broadcast %broadcast_in_dim3A_47 : vector<1x256xf32> to vector<1000x256xf32>
    %add3A_49 = arith.addf %dot_general3A_46, %add3A_48 : vector<1000x256xf32>
    %slice3A_50 = vector.extract_strided_slice %add3A_49 {offsets = [0, 128], sizes = [1000, 128], strides = [1, 1]} : vector<1000x256xf32> to vector<1000x128xf32>
    %slice3A_51 = vector.extract_strided_slice %add3A_49 {offsets = [0, 0], sizes = [1000, 128], strides = [1, 1]} : vector<1000x256xf32> to vector<1000x128xf32>
    %logistic3A_52 = arith.negf %slice3A_51 : vector<1000x128xf32>
    %logistic3A_53 = math.exp %logistic3A_52 : vector<1000x128xf32>
    %logistic3A_54 = arith.constant 1.000000e+00 : f32
    %logistic3A_55 = vector.broadcast %logistic3A_54 : f32 to vector<1000x128xf32>
    %logistic3A_56 = arith.addf %logistic3A_55, %logistic3A_53 : vector<1000x128xf32>
    %logistic3A_57 = arith.divf %logistic3A_55, %logistic3A_56 : vector<1000x128xf32>
    %mul3A_58 = arith.mulf %slice3A_50, %logistic3A_57 : vector<1000x128xf32>
    %dot_general3A_59 = arith.constant dense<0.000000e+00> : vector<20x128xf32>
    %dot_general3A_60 = tpu.matmul %convert_element_type3A_31, %mul3A_58, %dot_general3A_59 {dimension_numbers = #tpu.dot_dimension_numbers<[1], [0], [0], [1], [0, 0, 1, 1], [], []>, transpose_lhs_hint = false} : vector<20x1000xf32>, vector<1000x128xf32>, vector<20x128xf32> -> vector<20x128xf32>
    %slice3A_61 = vector.extract_strided_slice %slice3A {offsets = [2000, 0], sizes = [1000, 64], strides = [1, 1]} : vector<10000x64xf32> to vector<1000x64xf32>
    %dot_general3A_62 = arith.constant dense<0.000000e+00> : vector<1000x256xf32>
    %dot_general3A_63 = tpu.matmul %slice3A_61, %get3A_4, %dot_general3A_62 {dimension_numbers = #tpu.dot_dimension_numbers<[1], [0], [0], [1], [0, 0, 1, 1], [], []>, transpose_lhs_hint = false} : vector<1000x64xf32>, vector<64x256xf32>, vector<1000x256xf32> -> vector<1000x256xf32>
    %broadcast_in_dim3A_64 = vector.shape_cast %get3A_6 : vector<256xf32> to vector<1x256xf32>
    %add3A_65 = vector.broadcast %broadcast_in_dim3A_64 : vector<1x256xf32> to vector<1000x256xf32>
    %add3A_66 = arith.addf %dot_general3A_63, %add3A_65 : vector<1000x256xf32>
    %slice3A_67 = vector.extract_strided_slice %add3A_66 {offsets = [0, 128], sizes = [1000, 128], strides = [1, 1]} : vector<1000x256xf32> to vector<1000x128xf32>
    %slice3A_68 = vector.extract_strided_slice %add3A_66 {offsets = [0, 0], sizes = [1000, 128], strides = [1, 1]} : vector<1000x256xf32> to vector<1000x128xf32>
    %logistic3A_69 = arith.negf %slice3A_68 : vector<1000x128xf32>
    %logistic3A_70 = math.exp %logistic3A_69 : vector<1000x128xf32>
    %logistic3A_71 = arith.constant 1.000000e+00 : f32
    %logistic3A_72 = vector.broadcast %logistic3A_71 : f32 to vector<1000x128xf32>
    %logistic3A_73 = arith.addf %logistic3A_72, %logistic3A_70 : vector<1000x128xf32>
    %logistic3A_74 = arith.divf %logistic3A_72, %logistic3A_73 : vector<1000x128xf32>
    %mul3A_75 = arith.mulf %slice3A_67, %logistic3A_74 : vector<1000x128xf32>
    %dot_general3A_76 = arith.constant dense<0.000000e+00> : vector<20x128xf32>
    %dot_general3A_77 = tpu.matmul %convert_element_type3A_31, %mul3A_75, %dot_general3A_76 {dimension_numbers = #tpu.dot_dimension_numbers<[1], [0], [0], [1], [0, 0, 1, 1], [], []>, transpose_lhs_hint = false} : vector<20x1000xf32>, vector<1000x128xf32>, vector<20x128xf32> -> vector<20x128xf32>
    %slice3A_78 = vector.extract_strided_slice %slice3A {offsets = [3000, 0], sizes = [1000, 64], strides = [1, 1]} : vector<10000x64xf32> to vector<1000x64xf32>
    %dot_general3A_79 = arith.constant dense<0.000000e+00> : vector<1000x256xf32>
    %dot_general3A_80 = tpu.matmul %slice3A_78, %get3A_4, %dot_general3A_79 {dimension_numbers = #tpu.dot_dimension_numbers<[1], [0], [0], [1], [0, 0, 1, 1], [], []>, transpose_lhs_hint = false} : vector<1000x64xf32>, vector<64x256xf32>, vector<1000x256xf32> -> vector<1000x256xf32>
    %broadcast_in_dim3A_81 = vector.shape_cast %get3A_6 : vector<256xf32> to vector<1x256xf32>
    %add3A_82 = vector.broadcast %broadcast_in_dim3A_81 : vector<1x256xf32> to vector<1000x256xf32>
    %add3A_83 = arith.addf %dot_general3A_80, %add3A_82 : vector<1000x256xf32>
    %slice3A_84 = vector.extract_strided_slice %add3A_83 {offsets = [0, 128], sizes = [1000, 128], strides = [1, 1]} : vector<1000x256xf32> to vector<1000x128xf32>
    %slice3A_85 = vector.extract_strided_slice %add3A_83 {offsets = [0, 0], sizes = [1000, 128], strides = [1, 1]} : vector<1000x256xf32> to vector<1000x128xf32>
    %logistic3A_86 = arith.negf %slice3A_85 : vector<1000x128xf32>
    %logistic3A_87 = math.exp %logistic3A_86 : vector<1000x128xf32>
    %logistic3A_88 = arith.constant 1.000000e+00 : f32
    %logistic3A_89 = vector.broadcast %logistic3A_88 : f32 to vector<1000x128xf32>
    %logistic3A_90 = arith.addf %logistic3A_89, %logistic3A_87 : vector<1000x128xf32>
    %logistic3A_91 = arith.divf %logistic3A_89, %logistic3A_90 : vector<1000x128xf32>
    %mul3A_92 = arith.mulf %slice3A_84, %logistic3A_91 : vector<1000x128xf32>
    %dot_general3A_93 = arith.constant dense<0.000000e+00> : vector<20x128xf32>
    %dot_general3A_94 = tpu.matmul %convert_element_type3A_31, %mul3A_92, %dot_general3A_93 {dimension_numbers = #tpu.dot_dimension_numbers<[1], [0], [0], [1], [0, 0, 1, 1], [], []>, transpose_lhs_hint = false} : vector<20x1000xf32>, vector<1000x128xf32>, vector<20x128xf32> -> vector<20x128xf32>
    %slice3A_95 = vector.extract_strided_slice %slice3A {offsets = [4000, 0], sizes = [1000, 64], strides = [1, 1]} : vector<10000x64xf32> to vector<1000x64xf32>
    %dot_general3A_96 = arith.constant dense<0.000000e+00> : vector<1000x256xf32>
    %dot_general3A_97 = tpu.matmul %slice3A_95, %get3A_4, %dot_general3A_96 {dimension_numbers = #tpu.dot_dimension_numbers<[1], [0], [0], [1], [0, 0, 1, 1], [], []>, transpose_lhs_hint = false} : vector<1000x64xf32>, vector<64x256xf32>, vector<1000x256xf32> -> vector<1000x256xf32>
    %broadcast_in_dim3A_98 = vector.shape_cast %get3A_6 : vector<256xf32> to vector<1x256xf32>
    %add3A_99 = vector.broadcast %broadcast_in_dim3A_98 : vector<1x256xf32> to vector<1000x256xf32>
    %add3A_100 = arith.addf %dot_general3A_97, %add3A_99 : vector<1000x256xf32>
    %slice3A_101 = vector.extract_strided_slice %add3A_100 {offsets = [0, 128], sizes = [1000, 128], strides = [1, 1]} : vector<1000x256xf32> to vector<1000x128xf32>
    %slice3A_102 = vector.extract_strided_slice %add3A_100 {offsets = [0, 0], sizes = [1000, 128], strides = [1, 1]} : vector<1000x256xf32> to vector<1000x128xf32>
    %logistic3A_103 = arith.negf %slice3A_102 : vector<1000x128xf32>
    %logistic3A_104 = math.exp %logistic3A_103 : vector<1000x128xf32>
    %logistic3A_105 = arith.constant 1.000000e+00 : f32
    %logistic3A_106 = vector.broadcast %logistic3A_105 : f32 to vector<1000x128xf32>
    %logistic3A_107 = arith.addf %logistic3A_106, %logistic3A_104 : vector<1000x128xf32>
    %logistic3A_108 = arith.divf %logistic3A_106, %logistic3A_107 : vector<1000x128xf32>
    %mul3A_109 = arith.mulf %slice3A_101, %logistic3A_108 : vector<1000x128xf32>
    %dot_general3A_110 = arith.constant dense<0.000000e+00> : vector<20x128xf32>
    %dot_general3A_111 = tpu.matmul %convert_element_type3A_31, %mul3A_109, %dot_general3A_110 {dimension_numbers = #tpu.dot_dimension_numbers<[1], [0], [0], [1], [0, 0, 1, 1], [], []>, transpose_lhs_hint = false} : vector<20x1000xf32>, vector<1000x128xf32>, vector<20x128xf32> -> vector<20x128xf32>
    %slice3A_112 = vector.extract_strided_slice %slice3A {offsets = [5000, 0], sizes = [1000, 64], strides = [1, 1]} : vector<10000x64xf32> to vector<1000x64xf32>
    %dot_general3A_113 = arith.constant dense<0.000000e+00> : vector<1000x256xf32>
    %dot_general3A_114 = tpu.matmul %slice3A_112, %get3A_4, %dot_general3A_113 {dimension_numbers = #tpu.dot_dimension_numbers<[1], [0], [0], [1], [0, 0, 1, 1], [], []>, transpose_lhs_hint = false} : vector<1000x64xf32>, vector<64x256xf32>, vector<1000x256xf32> -> vector<1000x256xf32>
    %broadcast_in_dim3A_115 = vector.shape_cast %get3A_6 : vector<256xf32> to vector<1x256xf32>
    %add3A_116 = vector.broadcast %broadcast_in_dim3A_115 : vector<1x256xf32> to vector<1000x256xf32>
    %add3A_117 = arith.addf %dot_general3A_114, %add3A_116 : vector<1000x256xf32>
    %slice3A_118 = vector.extract_strided_slice %add3A_117 {offsets = [0, 128], sizes = [1000, 128], strides = [1, 1]} : vector<1000x256xf32> to vector<1000x128xf32>
    %slice3A_119 = vector.extract_strided_slice %add3A_117 {offsets = [0, 0], sizes = [1000, 128], strides = [1, 1]} : vector<1000x256xf32> to vector<1000x128xf32>
    %logistic3A_120 = arith.negf %slice3A_119 : vector<1000x128xf32>
    %logistic3A_121 = math.exp %logistic3A_120 : vector<1000x128xf32>
    %logistic3A_122 = arith.constant 1.000000e+00 : f32
    %logistic3A_123 = vector.broadcast %logistic3A_122 : f32 to vector<1000x128xf32>
    %logistic3A_124 = arith.addf %logistic3A_123, %logistic3A_121 : vector<1000x128xf32>
    %logistic3A_125 = arith.divf %logistic3A_123, %logistic3A_124 : vector<1000x128xf32>
    %mul3A_126 = arith.mulf %slice3A_118, %logistic3A_125 : vector<1000x128xf32>
    %dot_general3A_127 = arith.constant dense<0.000000e+00> : vector<20x128xf32>
    %dot_general3A_128 = tpu.matmul %convert_element_type3A_31, %mul3A_126, %dot_general3A_127 {dimension_numbers = #tpu.dot_dimension_numbers<[1], [0], [0], [1], [0, 0, 1, 1], [], []>, transpose_lhs_hint = false} : vector<20x1000xf32>, vector<1000x128xf32>, vector<20x128xf32> -> vector<20x128xf32>
    %slice3A_129 = vector.extract_strided_slice %slice3A {offsets = [6000, 0], sizes = [1000, 64], strides = [1, 1]} : vector<10000x64xf32> to vector<1000x64xf32>
    %dot_general3A_130 = arith.constant dense<0.000000e+00> : vector<1000x256xf32>
    %dot_general3A_131 = tpu.matmul %slice3A_129, %get3A_4, %dot_general3A_130 {dimension_numbers = #tpu.dot_dimension_numbers<[1], [0], [0], [1], [0, 0, 1, 1], [], []>, transpose_lhs_hint = false} : vector<1000x64xf32>, vector<64x256xf32>, vector<1000x256xf32> -> vector<1000x256xf32>
    %broadcast_in_dim3A_132 = vector.shape_cast %get3A_6 : vector<256xf32> to vector<1x256xf32>
    %add3A_133 = vector.broadcast %broadcast_in_dim3A_132 : vector<1x256xf32> to vector<1000x256xf32>
    %add3A_134 = arith.addf %dot_general3A_131, %add3A_133 : vector<1000x256xf32>
    %slice3A_135 = vector.extract_strided_slice %add3A_134 {offsets = [0, 128], sizes = [1000, 128], strides = [1, 1]} : vector<1000x256xf32> to vector<1000x128xf32>
    %slice3A_136 = vector.extract_strided_slice %add3A_134 {offsets = [0, 0], sizes = [1000, 128], strides = [1, 1]} : vector<1000x256xf32> to vector<1000x128xf32>
    %logistic3A_137 = arith.negf %slice3A_136 : vector<1000x128xf32>
    %logistic3A_138 = math.exp %logistic3A_137 : vector<1000x128xf32>
    %logistic3A_139 = arith.constant 1.000000e+00 : f32
    %logistic3A_140 = vector.broadcast %logistic3A_139 : f32 to vector<1000x128xf32>
    %logistic3A_141 = arith.addf %logistic3A_140, %logistic3A_138 : vector<1000x128xf32>
    %logistic3A_142 = arith.divf %logistic3A_140, %logistic3A_141 : vector<1000x128xf32>
    %mul3A_143 = arith.mulf %slice3A_135, %logistic3A_142 : vector<1000x128xf32>
    %dot_general3A_144 = arith.constant dense<0.000000e+00> : vector<20x128xf32>
    %dot_general3A_145 = tpu.matmul %convert_element_type3A_31, %mul3A_143, %dot_general3A_144 {dimension_numbers = #tpu.dot_dimension_numbers<[1], [0], [0], [1], [0, 0, 1, 1], [], []>, transpose_lhs_hint = false} : vector<20x1000xf32>, vector<1000x128xf32>, vector<20x128xf32> -> vector<20x128xf32>
    %slice3A_146 = vector.extract_strided_slice %slice3A {offsets = [7000, 0], sizes = [1000, 64], strides = [1, 1]} : vector<10000x64xf32> to vector<1000x64xf32>
    %dot_general3A_147 = arith.constant dense<0.000000e+00> : vector<1000x256xf32>
    %dot_general3A_148 = tpu.matmul %slice3A_146, %get3A_4, %dot_general3A_147 {dimension_numbers = #tpu.dot_dimension_numbers<[1], [0], [0], [1], [0, 0, 1, 1], [], []>, transpose_lhs_hint = false} : vector<1000x64xf32>, vector<64x256xf32>, vector<1000x256xf32> -> vector<1000x256xf32>
    %broadcast_in_dim3A_149 = vector.shape_cast %get3A_6 : vector<256xf32> to vector<1x256xf32>
    %add3A_150 = vector.broadcast %broadcast_in_dim3A_149 : vector<1x256xf32> to vector<1000x256xf32>
    %add3A_151 = arith.addf %dot_general3A_148, %add3A_150 : vector<1000x256xf32>
    %slice3A_152 = vector.extract_strided_slice %add3A_151 {offsets = [0, 128], sizes = [1000, 128], strides = [1, 1]} : vector<1000x256xf32> to vector<1000x128xf32>
    %slice3A_153 = vector.extract_strided_slice %add3A_151 {offsets = [0, 0], sizes = [1000, 128], strides = [1, 1]} : vector<1000x256xf32> to vector<1000x128xf32>
    %logistic3A_154 = arith.negf %slice3A_153 : vector<1000x128xf32>
    %logistic3A_155 = math.exp %logistic3A_154 : vector<1000x128xf32>
    %logistic3A_156 = arith.constant 1.000000e+00 : f32
    %logistic3A_157 = vector.broadcast %logistic3A_156 : f32 to vector<1000x128xf32>
    %logistic3A_158 = arith.addf %logistic3A_157, %logistic3A_155 : vector<1000x128xf32>
    %logistic3A_159 = arith.divf %logistic3A_157, %logistic3A_158 : vector<1000x128xf32>
    %mul3A_160 = arith.mulf %slice3A_152, %logistic3A_159 : vector<1000x128xf32>
    %dot_general3A_161 = arith.constant dense<0.000000e+00> : vector<20x128xf32>
    %dot_general3A_162 = tpu.matmul %convert_element_type3A_31, %mul3A_160, %dot_general3A_161 {dimension_numbers = #tpu.dot_dimension_numbers<[1], [0], [0], [1], [0, 0, 1, 1], [], []>, transpose_lhs_hint = false} : vector<20x1000xf32>, vector<1000x128xf32>, vector<20x128xf32> -> vector<20x128xf32>
    %slice3A_163 = vector.extract_strided_slice %slice3A {offsets = [8000, 0], sizes = [1000, 64], strides = [1, 1]} : vector<10000x64xf32> to vector<1000x64xf32>
    %dot_general3A_164 = arith.constant dense<0.000000e+00> : vector<1000x256xf32>
    %dot_general3A_165 = tpu.matmul %slice3A_163, %get3A_4, %dot_general3A_164 {dimension_numbers = #tpu.dot_dimension_numbers<[1], [0], [0], [1], [0, 0, 1, 1], [], []>, transpose_lhs_hint = false} : vector<1000x64xf32>, vector<64x256xf32>, vector<1000x256xf32> -> vector<1000x256xf32>
    %broadcast_in_dim3A_166 = vector.shape_cast %get3A_6 : vector<256xf32> to vector<1x256xf32>
    %add3A_167 = vector.broadcast %broadcast_in_dim3A_166 : vector<1x256xf32> to vector<1000x256xf32>
    %add3A_168 = arith.addf %dot_general3A_165, %add3A_167 : vector<1000x256xf32>
    %slice3A_169 = vector.extract_strided_slice %add3A_168 {offsets = [0, 128], sizes = [1000, 128], strides = [1, 1]} : vector<1000x256xf32> to vector<1000x128xf32>
    %slice3A_170 = vector.extract_strided_slice %add3A_168 {offsets = [0, 0], sizes = [1000, 128], strides = [1, 1]} : vector<1000x256xf32> to vector<1000x128xf32>
    %logistic3A_171 = arith.negf %slice3A_170 : vector<1000x128xf32>
    %logistic3A_172 = math.exp %logistic3A_171 : vector<1000x128xf32>
    %logistic3A_173 = arith.constant 1.000000e+00 : f32
    %logistic3A_174 = vector.broadcast %logistic3A_173 : f32 to vector<1000x128xf32>
    %logistic3A_175 = arith.addf %logistic3A_174, %logistic3A_172 : vector<1000x128xf32>
    %logistic3A_176 = arith.divf %logistic3A_174, %logistic3A_175 : vector<1000x128xf32>
    %mul3A_177 = arith.mulf %slice3A_169, %logistic3A_176 : vector<1000x128xf32>
    %dot_general3A_178 = arith.constant dense<0.000000e+00> : vector<20x128xf32>
    %dot_general3A_179 = tpu.matmul %convert_element_type3A_31, %mul3A_177, %dot_general3A_178 {dimension_numbers = #tpu.dot_dimension_numbers<[1], [0], [0], [1], [0, 0, 1, 1], [], []>, transpose_lhs_hint = false} : vector<20x1000xf32>, vector<1000x128xf32>, vector<20x128xf32> -> vector<20x128xf32>
    %slice3A_180 = vector.extract_strided_slice %slice3A {offsets = [9000, 0], sizes = [1000, 64], strides = [1, 1]} : vector<10000x64xf32> to vector<1000x64xf32>
    %dot_general3A_181 = arith.constant dense<0.000000e+00> : vector<1000x256xf32>
    %dot_general3A_182 = tpu.matmul %slice3A_180, %get3A_4, %dot_general3A_181 {dimension_numbers = #tpu.dot_dimension_numbers<[1], [0], [0], [1], [0, 0, 1, 1], [], []>, transpose_lhs_hint = false} : vector<1000x64xf32>, vector<64x256xf32>, vector<1000x256xf32> -> vector<1000x256xf32>
    %broadcast_in_dim3A_183 = vector.shape_cast %get3A_6 : vector<256xf32> to vector<1x256xf32>
    %add3A_184 = vector.broadcast %broadcast_in_dim3A_183 : vector<1x256xf32> to vector<1000x256xf32>
    %add3A_185 = arith.addf %dot_general3A_182, %add3A_184 : vector<1000x256xf32>
    %slice3A_186 = vector.extract_strided_slice %add3A_185 {offsets = [0, 128], sizes = [1000, 128], strides = [1, 1]} : vector<1000x256xf32> to vector<1000x128xf32>
    %slice3A_187 = vector.extract_strided_slice %add3A_185 {offsets = [0, 0], sizes = [1000, 128], strides = [1, 1]} : vector<1000x256xf32> to vector<1000x128xf32>
    %logistic3A_188 = arith.negf %slice3A_187 : vector<1000x128xf32>
    %logistic3A_189 = math.exp %logistic3A_188 : vector<1000x128xf32>
    %logistic3A_190 = arith.constant 1.000000e+00 : f32
    %logistic3A_191 = vector.broadcast %logistic3A_190 : f32 to vector<1000x128xf32>
    %logistic3A_192 = arith.addf %logistic3A_191, %logistic3A_189 : vector<1000x128xf32>
    %logistic3A_193 = arith.divf %logistic3A_191, %logistic3A_192 : vector<1000x128xf32>
    %mul3A_194 = arith.mulf %slice3A_186, %logistic3A_193 : vector<1000x128xf32>
    %dot_general3A_195 = arith.constant dense<0.000000e+00> : vector<20x128xf32>
    %dot_general3A_196 = tpu.matmul %convert_element_type3A_31, %mul3A_194, %dot_general3A_195 {dimension_numbers = #tpu.dot_dimension_numbers<[1], [0], [0], [1], [0, 0, 1, 1], [], []>, transpose_lhs_hint = false} : vector<20x1000xf32>, vector<1000x128xf32>, vector<20x128xf32> -> vector<20x128xf32>
    %concatenate3A = tpu.concatenate %dot_general3A_43, %dot_general3A_60, %dot_general3A_77, %dot_general3A_94, %dot_general3A_111, %dot_general3A_128, %dot_general3A_145, %dot_general3A_162, %dot_general3A_179, %dot_general3A_196 in 0 : vector<20x128xf32>, vector<20x128xf32>, vector<20x128xf32>, vector<20x128xf32>, vector<20x128xf32>, vector<20x128xf32>, vector<20x128xf32>, vector<20x128xf32>, vector<20x128xf32>, vector<20x128xf32> -> vector<200x128xf32>
    %get3A_197 = arith.constant 0 : index
    %get3A_198 = arith.constant 0 : index
    %get3A_199 = vector.load %arg4[%get3A_197, %get3A_198] : memref<128x128xf32, #tpu.memory_space<vmem>>, vector<128x128xf32>
    %dot_general3A_200 = arith.constant dense<0.000000e+00> : vector<200x128xf32>
    %dot_general3A_201 = tpu.matmul %concatenate3A, %get3A_199, %dot_general3A_200 {dimension_numbers = #tpu.dot_dimension_numbers<[1], [0], [0], [1], [0, 0, 1, 1], [], []>, transpose_lhs_hint = false} : vector<200x128xf32>, vector<128x128xf32>, vector<200x128xf32> -> vector<200x128xf32>
    %get3A_202 = arith.constant 0 : index
    %get3A_203 = vector.load %arg5[%get3A_202] : memref<128xf32, #tpu.memory_space<vmem>>, vector<128xf32>
    %broadcast_in_dim3A_204 = vector.shape_cast %get3A_203 : vector<128xf32> to vector<1x128xf32>
    %add3A_205 = vector.broadcast %broadcast_in_dim3A_204 : vector<1x128xf32> to vector<200x128xf32>
    %add3A_206 = arith.addf %dot_general3A_201, %add3A_205 : vector<200x128xf32>
    %iota3A_207 = tpu.iota {dimensions = array<i32: 0>} : vector<100x200xi32>
    %iota3A_208 = tpu.iota {dimensions = array<i32: 1>} : vector<100x200xi32>
    %mul3A_209 = arith.constant 2 : i32
    %mul3A_210 = vector.broadcast %mul3A_209 : i32 to vector<100x200xi32>
    %mul3A_211 = arith.muli %mul3A_210, %iota3A_207 : vector<100x200xi32>
    %eq3A_212 = arith.cmpi eq, %iota3A_208, %mul3A_211 : vector<100x200xi32>
    %convert_element_type3A_213 = arith.extui %eq3A_212 : vector<100x200xi1> to vector<100x200xi32>
    %convert_element_type3A_214 = arith.sitofp %convert_element_type3A_213 : vector<100x200xi32> to vector<100x200xf32>
    %mul3A_215 = arith.constant 2 : i32
    %mul3A_216 = vector.broadcast %mul3A_215 : i32 to vector<100x200xi32>
    %mul3A_217 = arith.muli %mul3A_216, %iota3A_207 : vector<100x200xi32>
    %add3A_218 = arith.constant 1 : i32
    %add3A_219 = vector.broadcast %add3A_218 : i32 to vector<100x200xi32>
    %add3A_220 = arith.addi %mul3A_217, %add3A_219 : vector<100x200xi32>
    %eq3A_221 = arith.cmpi eq, %iota3A_208, %add3A_220 : vector<100x200xi32>
    %convert_element_type3A_222 = arith.extui %eq3A_221 : vector<100x200xi1> to vector<100x200xi32>
    %convert_element_type3A_223 = arith.sitofp %convert_element_type3A_222 : vector<100x200xi32> to vector<100x200xf32>
    %sub3A_224 = arith.subf %convert_element_type3A_214, %convert_element_type3A_223 : vector<100x200xf32>
    %dot_general3A_225 = arith.constant dense<0.000000e+00> : vector<100x128xf32>
    %dot_general3A_226 = tpu.matmul %sub3A_224, %add3A_206, %dot_general3A_225 {dimension_numbers = #tpu.dot_dimension_numbers<[1], [0], [0], [1], [0, 0, 1, 1], [], []>, transpose_lhs_hint = false} : vector<100x200xf32>, vector<200x128xf32>, vector<100x128xf32> -> vector<100x128xf32>
    %mul3A_227 = arith.mulf %dot_general3A_226, %dot_general3A_226 : vector<100x128xf32>
    %reduce_sum3A = arith.constant dense<0.000000e+00> : vector<100xf32>
    %reduce_sum3A_228 = vector.multi_reduction <add>, %mul3A_227, %reduce_sum3A [1] : vector<100x128xf32> to vector<100xf32>
    %neg3A = arith.constant 0.000000e+00 : f32
    %neg3A_229 = vector.broadcast %neg3A : f32 to vector<100xf32>
    %neg3A_230 = arith.subf %neg3A_229, %reduce_sum3A_228 : vector<100xf32>
    %swap3A = arith.constant 0 : index
    %swap3A_231 = vector.load %arg6[%swap3A] : memref<100xf32, #tpu.memory_space<vmem>>, vector<100xf32>
    tpu.vector_store %arg6[%swap3A], %neg3A_230 {strides = array<i32>} : memref<100xf32, #tpu.memory_space<vmem>>, vector<100xf32>,
    return
  }
  func.func @transform_0(%arg0: i32) -> (i32, i32) {
    %c0_i32 = arith.constant 0 : i32
    %c0_i32_0 = arith.constant 0 : i32
    %c0_i32_1 = arith.constant 0 : i32
    return %c0_i32, %c0_i32_0 : i32, i32
  }
  func.func @transform_1(%arg0: i32) -> (i32, i32) {
    %c0_i32 = arith.constant 0 : i32
    %c0_i32_0 = arith.constant 0 : i32
    %c0_i32_1 = arith.constant 0 : i32
    return %c0_i32, %c0_i32_0 : i32, i32
  }
  func.func @transform_2(%arg0: i32) -> i32 {
    %c0_i32 = arith.constant 0 : i32
    %c0_i32_0 = arith.constant 0 : i32
    return %c0_i32 : i32
  }
  func.func @transform_3(%arg0: i32) -> (i32, i32) {
    %c0_i32 = arith.constant 0 : i32
    %c0_i32_0 = arith.constant 0 : i32
    %c0_i32_1 = arith.constant 0 : i32
    return %c0_i32, %c0_i32_0 : i32, i32
  }
  func.func @transform_4(%arg0: i32) -> i32 {
    %c0_i32 = arith.constant 0 : i32
    %c0_i32_0 = arith.constant 0 : i32
    return %c0_i32 : i32
  }
  func.func @transform_5(%arg0: i32) -> i32 {
    %c0_i32 = arith.constant 0 : i32
    %c0_i32_0 = arith.constant 0 : i32
    return %c0_i32 : i32
  }
}

</mosaic_0001>

<sc_bundles>
// kernel: kernel.16.cloned.1.call-start
scs
__scs_entry_jumppad:
0x0: {  	(pc) =	sbr.rel $0x88, $3  }
0x1: {  	(tag) =	ssettag $0x0;
	lr =	simm.s32 $0x1  }
0x2: {  	[smem:$0x3F8F] =	sst lr;
	_ =	strace $0xD0000000  }
0x3: {  	_ = 	snop  }
0x4: {  	_ = 	snop  }
0x5: {  	_ = 	snop  }
0x6: {  	_ = 	snop  }
0x7: {  	_ = 	snop  }
__scs_overlays_trampoline_lowered:
0x8: {  	[smem:$0x3F9E] =	sst s0  }
0x9: {  	[smem:$0x3F9F] =	sst s1  }
0xa: {  	[smem:$0x3FA0] =	sst s2  }
0xb: {  	[smem:$0x3FA1] =	sst s3  }
0xc: {  	[smem:$0x3FA2] =	sst s4  }
0xd: {  	[smem:$0x3FA3] =	sst s5  }
0xe: {  	[smem:$0x3FA4] =	sst s6  }
0xf: {  	[smem:$0x3FA5] =	sst s7  }
0x10: {  	[smem:$0x3FA6] =	sst s8  }
0x11: {  	[smem:$0x3FA7] =	sst s9;
	s0 =	simm.s32 @!p0 $0x0  }
0x12: {  	s1 =	sld [smem:$0x3F8D];
	s0 =	simm.s32 @p0 $0x1  }
0x13: {  	[smem:$0x3FA8] =	sst s0;
	s0 =	simm.s32 @!p1 $0x0  }
0x14: {  	s2 =	sld [smem:$0x3F8C];
	s0 =	simm.s32 @p1 $0x1  }
0x15: {  	[smem:$0x3FA9] =	sst s0;
	s0 =	simm.s32 @!p2 $0x0  }
0x16: {  	s3 =	sld [smem:$0x3FDB];
	s0 =	simm.s32 @p2 $0x1  }
0x17: {  	s4 =	simm.s32 $0x1BF5;
	[smem:$0x3FAB] =	sst s0  }
0x18: {  	s0 =	sld [smem:$0x3F8E];
	_ =	swait.ge [sflag:s4], $0x0  }
0x19: {  	s7 =	sld [smem:$0x3F8F]  }
0x1a: {  	s8 =	sadd.s32 $0xFFFFE003, lr  }
0x1b: {  	s9 =	sadd.s32 $0xFFFFFEF7, lr;
	s5 =	simm.s32 $0xFFFFFFFF;
	p2 =	slt.u32 s8, $0xFFFFF086  }
0x1c: {  	p1 =	slt.u32 s9, $0xF7A;
	s5 =	simm.s32 @!p2 $0x0  }
0x1d: {  	s5 =	simm.s32 @p1 $0x1;
	p0 =	seq.s32 s7, s2  }
0x1e: {  	s7 =	smul.u32 @!p0 $0xF7A, s2;
	p2 =	seq.s32 @!p0 s5, $0x0  }
0x1f: {  	s9 =	smul.u32 $0xF7A, s1;
	s8 =	simm.s32 @!p0 $0x1BF5;
	p2 =	por !p2, p0  }
0x20: {  	[sflag:s8] =	ssyncset.s32 @!p0 $0xFFFFF086;
	s6 =	sadd.s32 @!p0 s3, s7;
	s7 =	simm.s32 @!p0 $0x108  }
0x21: {  	s3 =	sadd.s32 s3, s9;
	s6 =	sadd.s32 @!p0 $0x88, s6;
	s7 =	simm.s32 @p2 $0x1082  }
0x22: {  	[simem:s7], [sflag:s8] =	dma.local @!p0 [hbm:s6], $0xF7A  }
0x23: {  	s9 =	sor.u32 $0xD0000000, s2;
	s6 =	simm.s32 $0x108;
	_ =	swait.ge @!p0 [sflag:s8], $0x0  }
0x24: {  	s3 =	sadd.s32 $0x88, s3;
	s6 =	simm.s32 @!p1 $0x1082;
	[sflag:s4] =	ssyncset.s32 $0xFFFFF086  }
0x25: {  	[simem:s6], [sflag:s4] =	dma.local [hbm:s3], $0xF7A  }
0x26: {  	[smem:$0x3F8F] =	sst s1;
	(tag) =	ssettag s2;
	_ =	strace s9  }
0x27: {  	s1 =	sld [smem:$0x3F9F]  }
0x28: {  	s2 =	sld [smem:$0x3FA0]  }
0x29: {  	s4 =	sld [smem:$0x3FA2]  }
0x2a: {  	p0 =	seq.s32 s5, $0x0;
	s5 =	sld [smem:$0x3FA3]  }
0x2b: {  	s6 =	sld [smem:$0x3FA4]  }
0x2c: {  	s7 =	sld [smem:$0x3FA5]  }
0x2d: {  	s3 =	simm.s32 $0x108;
	s8 =	sld [smem:$0x3FA6]  }
0x2e: {  	s3 =	simm.s32 @!p0 $0x1082;
	s9 =	sld [smem:$0x3FA7]  }
0x2f: {  	lr =	sadd.s32 s0, s3;
	s0 =	sld [smem:$0x3F9E]  }
0x30: {  	s3 =	sld [smem:$0x3FA1]  }
0x31: {  	[smem:$0x3FAA] =	sst s10  }
0x32: {  	s10 =	sld [smem:$0x3FA8];
	_ =	sdelay $0x3  }
0x33: {  	p0 =	seq.s32 s10, $0x1;
	s10 =	sld [smem:$0x3FAA];
	_ =	sdelay $0x3  }
0x34: {  	[smem:$0x3FAA] =	sst s10  }
0x35: {  	s10 =	sld [smem:$0x3FA9];
	_ =	sdelay $0x3  }
0x36: {  	p1 =	seq.s32 s10, $0x1;
	s10 =	sld [smem:$0x3FAA];
	_ =	sdelay $0x3  }
0x37: {  	[smem:$0x3FAA] =	sst s10  }
0x38: {  	s10 =	sld [smem:$0x3FAB]  }
0x39: {  	_ = 	snop;
	(pc) =	sbr.ind lr, $3  }
0x3a: {  	_ = 	snop  }
0x3b: {  	_ = 	snop  }
0x3c: {  	p2 =	seq.s32 s10, $0x1;
	s10 =	sld [smem:$0x3FAA]  }
0x3d: {  	_ =	shalt  }
0x3e: {  	_ =	shalt  }
0x3f: {  	_ =	shalt  }
0x40: {  	_ =	shalt  }
0x41: {  	_ =	shalt  }
0x42: {  	_ =	shalt  }
0x43: {  	_ =	shalt  }
0x44: {  	_ =	shalt  }
0x45: {  	_ =	shalt  }
0x46: {  	_ =	shalt  }
0x47: {  	_ =	shalt  }
0x48: {  	_ =	shalt  }
0x49: {  	_ =	shalt  }
0x4a: {  	_ =	shalt  }
0x4b: {  	_ =	shalt  }
0x4c: {  	_ =	shalt  }
0x4d: {  	_ =	shalt  }
0x4e: {  	_ =	shalt  }
0x4f: {  	_ =	shalt  }
0x50: {  	_ =	shalt  }
0x51: {  	_ =	shalt  }
0x52: {  	_ =	shalt  }
0x53: {  	_ =	shalt  }
0x54: {  	_ =	shalt  }
0x55: {  	_ =	shalt  }
0x56: {  	_ =	shalt  }
0x57: {  	_ =	shalt  }
0x58: {  	_ =	shalt  }
0x59: {  	_ =	shalt  }
0x5a: {  	_ =	shalt  }
0x5b: {  	_ =	shalt  }
0x5c: {  	_ =	shalt  }
0x5d: {  	_ =	shalt  }
0x5e: {  	_ =	shalt  }
0x5f: {  	_ =	shalt  }
0x60: {  	_ =	shalt  }
0x61: {  	_ =	shalt  }
0x62: {  	_ =	shalt  }
0x63: {  	_ =	shalt  }
0x64: {  	_ =	shalt  }
0x65: {  	_ =	shalt  }
0x66: {  	_ =	shalt  }
0x67: {  	_ =	shalt  }
0x68: {  	_ =	shalt  }
0x69: {  	_ =	shalt  }
0x6a: {  	_ =	shalt  }
0x6b: {  	_ =	shalt  }
0x6c: {  	_ =	shalt  }
0x6d: {  	_ =	shalt  }
0x6e: {  	_ =	shalt  }
0x6f: {  	_ =	shalt  }
0x70: {  	_ =	shalt  }
0x71: {  	_ =	shalt  }
0x72: {  	_ =	shalt  }
0x73: {  	_ =	shalt  }
0x74: {  	_ =	shalt  }
0x75: {  	_ =	shalt  }
0x76: {  	_ =	shalt  }
0x77: {  	_ =	shalt  }
0x78: {  	_ =	shalt  }
0x79: {  	_ =	shalt  }
0x7a: {  	_ =	shalt  }
0x7b: {  	_ =	shalt  }
0x7c: {  	_ =	shalt  }
0x7d: {  	_ =	shalt  }
0x7e: {  	_ =	shalt  }
0x7f: {  	_ =	shalt  }
0x80: {  	_ =	shalt  }
0x81: {  	_ =	shalt  }
0x82: {  	_ =	shalt  }
0x83: {  	_ =	shalt  }
0x84: {  	_ =	shalt  }
0x85: {  	_ =	shalt  }
0x86: {  	_ =	shalt  }
0x87: {  	_ =	shalt  }
.Lfunc_end0:
.L_simem_size_0:
called_computation_lowered:
.L_overlay_start_0:
0x88: {  	s2 =	sld [smem:$0x3FD9]  }
0x89: {  	s3 =	sld [smem:$0x3FFE];
	_ =	sdelay $0x1  }
0x8a: {  	s1 =	srdreg.scid  }
0x8b: {  	s0 =	sand.u32 $0x1, s1  }
0x8c: {  	s17 =	sshll.u32 s0, $0xA;
	s2 =	sadd.s32 s3, s2  }
0x8d: {  	s2 =	sadd.s32 s2, s17  }
0x8e: {  	[smem:$0x3FB6] =	sst s2  }
0x8f: {  	_ = 	snop  }
0x90: {  	(tm) =	ssettm $0x1  }
0x91: {  	s18 =	sld [smem:$0x3FFB];
	_ =	sdelay $0x3  }
0x92: {  	_ =	strace s18  }
0x93: {  	s2 =	sld [smem:$0x3FFC];
	_ =	sdelay $0x3  }
0x94: {  	_ =	strace s2  }
0x95: {  	s2 =	sld [smem:$0x3FFD];
	_ =	sdelay $0x3  }
0x96: {  	_ =	strace s2  }
0x97: {  	_ =	strace $0x8FFFFFFF  }
0x98: {  	s19 =	sld [smem:$0x3FDB];
	_ =	sdelay $0x1  }
0x99: {  	s20 =	simm.s32 $_scs_section_size  }
0x9a: {  	s4 =	simm.s32 $_size__tile_overlayer_lowered;
	s5 =	simm.s32 $_tile_overlayer_lowered  }
0x9b: {  	s6 =	simm.s32 $0x1BFF;
	s21 =	sshll.u32 s5, $0x1;
	s3 =	sadd.s32 s20, s19  }
0x9c: {  	s22 =	simm.s32 $0x0;
	s4 =	sshll.u32 s4, $0x1;
	s5 =	sadd.s32 s21, s3  }
0x9d: {  	[timem:s22], [sflag:s6] =	dma.local [hbm:s5], s4  }
0x9e: {  	_ =	swait.ge [sflag:s6], s4  }
0x9f: {  	s4 =	ssub.s32 $0x0, s4;
	[sflag:s6] =	ssyncset.done $0x0  }
0xa0: {  	[sflag:s6] =	ssyncadd.s32 s4;
	_ =	sdelay $0x1  }
0xa1: {  	s23 =	simm.s32 $0x1B8B  }
0xa2: {  	_ =	swait.ge [sflag:s23], $0x1  }
0xa3: {  	[sflag:s23] =	ssyncset.done $0x0  }
0xa4: {  	[sflag:s23] =	ssyncadd.s32 $0xFFFFFFFF  }
0xa5: {  	s4 =	sld [smem:$0x0]  }
0xa6: {  	s5 =	sand.u32 $0xFFFFFFFE, s1  }
0xa7: {  	p0 =	sne.s32 s1, s5  }
0xa8: {  	s5 =	sshll.u32 @p0 s5, $0xE  }
0xa9: {  	s5 =	sadd.s32 @p0 $0x11B8D, s5;
	s6 =	sshll.u32 @p0 s4, $0x11  }
0xaa: {  	s5 =	sor.u32 @p0 s6, s5  }
0xab: {  	[sflag:s5] =	ssyncadd.remote.s32 @p0 $0x1;
	_ =	sdelay $0x1  }
0xac: {  	s5 =	simm.s32 @p0 $0x1B8D  }
0xad: {  	_ =	swait.eq @p0 [sflag:s5], $0x1  }
0xae: {  	[sflag:s5] =	ssyncadd.s32 @p0 $0xFFFFFFFF  }
0xaf: {  	s6 =	sshll.u32 @!p0 s1, $0xE  }
0xb0: {  	s6 =	sor.u32 @!p0 $0x4000, s6;
	s5 =	simm.s32 @!p0 $0x1B8D  }
0xb1: {  	s4 =	sshll.u32 @!p0 s4, $0x11;
	s6 =	sadd.s32 @!p0 $0x11B8D, s6;
	_ =	swait.eq @!p0 [sflag:s5], $0x1  }
0xb2: {  	s4 =	sor.u32 @!p0 s4, s6;
	[sflag:s5] =	ssyncadd.s32 @!p0 $0xFFFFFFFF  }
0xb3: {  	s25 =	simm.s32 $0x1B8E;
	s24 =	sld [smem:$0x3FFE];
	[sflag:s4] =	ssyncadd.remote.s32 @!p0 $0x1  }
0xb4: {  	s26 =	simm.s32 $execute0_lowered;
	[smem:$0x3FD2] =	sst s25  }
0xb5: {  	s5 =	sshll.u32 s26, $0x1;
	_ =	strace $0x80000049;
	[dreg:$0x1] =	wrdreg $0xFFFFFFFF  }
0xb6: {  	s28 =	simm.s32 $_size_execute0_lowered;
	s3 =	sadd.s32 s3, s5;
	[dreg:$0x0] =	wrdreg $0x0  }
0xb7: {  	s5 =	sshll.u32 s28, $0x1;
	[dreg:$0x2] =	wrdreg s3  }
0xb8: {  	[dreg:$0x3] =	wrdreg s5  }
0xb9: {  	[dreg:$0x4] =	wrdreg $0xC0  }
0xba: {  	_ =	task [dreg:s22], $0x5FFFF  }
0xbb: {  	[dreg:$0x1] =	wrdreg $0xFFFFFFFF  }
0xbc: {  	[dreg:$0x0] =	wrdreg $0x60  }
0xbd: {  	[dreg:$0x2] =	wrdreg s24  }
0xbe: {  	[dreg:$0x3] =	wrdreg $0x8F000  }
0xbf: {  	[dreg:$0x4] =	wrdreg $0x9  }
0xc0: {  	_ =	task.clear_ibuf [dreg:s22], $0x5FFFF;
	_ =	strace $0x90000049  }
0xc1: {  	s29 =	simm.s32 $0x9;
	_ =	strace $0x8000004B  }
0xc2: {  	_ =	swait.ge [sflag:s29], $0x1  }
0xc3: {  	[sflag:s29] =	ssyncadd.s32 $0xFFFFFFFF  }
0xc4: {  	_ =	strace $0x9000004B  }
0xc5: {  	_ =	sfence  }
0xc6: {  	s30 =	sld [smem:$0x0];
	_ =	sdelay $0x2  }
0xc7: {  	s31 =	sshll.u32 s1, $0xD;
	s1 =	sshrl.u32 s1, $0x2  }
0xc8: {  	s4 =	sand.u32 $0x4000, s31;
	s1 =	sadd.s32 s1, s30  }
0xc9: {  	s0 =	sor.u32 s4, s0;
	s1 =	sshll.u32 s1, $0x11  }
0xca: {  	s0 =	sor.u32 s1, s0  }
0xcb: {  	s0 =	sadd.s32 $0x8F2B, s0  }
0xcc: {  	[sflag:s0] =	ssyncadd.remote.s32 $0x1  }
0xcd: {  	_ =	sfence.sel $0xFFFF  }
0xce: {  	[dreg:$0x0] =	wrdreg $0xFFFFFFFF;
	(pc) =	sbr.abs _section_cstart, $3  }
0xcf: {  	[dreg:$0x1] =	wrdreg $0xFFFFFFFF  }
0xd0: {  	_ =	task.clear_ibuf [dreg:s22], $0x2FFFF;
	_ =	strace $0x9FFFFFFF  }
0xd1: {  	(tm) =	ssettm $0x7FFFFFFF  }
tec
execute0_lowered:
.L_overlay_start_1:
0x0: {  	(tag) =	ssettag $0x1  }
0x1: {  	s0 =	srdreg.scid;
	s6 =	rddreg [dreg:$0x0]  }
0x2: {  	s2 =	rddreg [dreg:$0x1];
	s3 =	simm.s32 $0x0;
	s16 =	simm.s32 $0x4F00  }
0x3: {  	s17 =	simm.s32 $0x6F00;
	s5 =	sand.u32 $0x1, s0;
	s0 =	stileid.u32  }
0x4: {  	s18 =	simm.s32 $0x1;
	s19 =	simm.s32 $0x40;
	s9 =	smul.u32 $0x13C00, s0  }
0x5: {  	s20 =	simm.s32 $0x2;
	s21 =	simm.s32 $0x4E00;
	s10 =	smul.u32 $0x13C000, s5  }
0x6: {  	s22 =	simm.s32 $0x4E80;
	s23 =	simm.s32 $0x0;
	s26 =	smul.u32 $0x4F000, s0  }
0x7: {  	[smem:$0x7FF] =	sst s3;
	s4 =	sadd.s32 $0xAADE00, s6;
	s13 =	smul.u32 $0x13C0000, s5  }
0x8: {  	s1 =	sshll.u32 s5, $0x4;
	s12 =	ssub.s32 $0x2, s5;
	s30 =	smul.u32 $0x13C000, s0  }
0x9: {  	s14 =	sshll.u32 s0, $0x6;
	s7 =	sor.u32 s0, s1;
	s1 =	rddreg [dreg:$0x2]  }
0xa: {  	_ =	strace $0x8000004A;
	s28 =	sshrl.u32 s12, $0x1;
	s14 =	sor.u32 $0x1C03, s14  }
0xb: {  	s8 =	smul.u32 $0x9E0, s7;
	s11 =	sshrl.u32 s9, $0x3;
	s9 =	sadd.s32 s9, s10  }
0xc: {  	s7 =	smul.u32 $0x13C000, s7;
	s12 =	ssub.s32 s12, s28;
	s29 =	sshrl.u32 s26, $0x2  }
0xd: {  	s13 =	sadd.s32 s30, s13;
	s11 =	sadd.s32 s11, s6;
	s9 =	sshrl.u32 s9, $0x3  }
0xe: {  	s15 =	sadd.s32 s29, s2;
	s31 =	sshrl.u32 s13, $0x3;
	s8 =	sadd.s32 s8, s6  }
0xf: {  	s9 =	sadd.s32 s9, s6;
	s7 =	sshrl.u32 s7, $0x3;
	s6 =	sadd.s32 $0x73600, s11  }
0x10: {  	s11 =	sadd.s32 s31, s4;
	s15 =	sshrl.u32 s15, $0x3;
	s5 =	sadd.s32 $0x11600, s8  }
0x11: {  	s7 =	sadd.s32 s4, s7;
	s8 =	sadd.s32 $0xE9E00, s9;
	s9 =	smax.u32 s12, $0x1  }
0x12: {  	s12 =	sadd.s32 $0x4000, s13;
	s13 =	simm.s32 $0x3;
	s10 =	sadd.s32 $0x27400, s7  }
.LBB2_1:
0x13: {  	[tilespmem:s3], [sflag:$0x3] =	stream.linear.gather [hbm4b:s5+s3], $0x4F00, $0x38;
	[tilespmem:$0x1CB00] =	vst v63  }
0x14: {  	_ =	swait.ge [sflag:s13], $0x4F00  }
0x15: {  	[sflag:s13] =	ssyncset.done $0x0  }
0x16: {  	[sflag:s13] =	ssyncadd.s32 $0xFFFFB100  }
0x17: {  	[spmem:s15], [sflag:s14] =	dma.local [hbm:s6], $0x2780  }
0x18: {  	_ =	swait.ge [sflag:s13], $0x2780  }
0x19: {  	[sflag:s13] =	ssyncset.done $0x0  }
0x1a: {  	[sflag:s13] =	ssyncadd.s32 $0xFFFFD880  }
0x1b: {  	[bflag:$0x0] =	sbarrier.arrive $0xFFFF  }
0x1c: {  	[tilespmem:s16], [sflag:$0x1] =	stream.linear.gather [hbm4b:s7+s3], $0x2000, $0x38;
	[tilespmem:$0x1CB00] =	vst v63  }
0x1d: {  	s24 =	sadd.s32 $0x400, s11  }
0x1e: {  	[tilespmem:s17], [sflag:$0x2] =	stream.linear.gather [hbm4b:s24+s3], $0x2000, $0x38;
	[tilespmem:$0x1CB00] =	vst v63  }
0x1f: {  	_ =	swait.ge [sflag:s18], $0x2000  }
0x20: {  	[sflag:s18] =	ssyncset.done $0x0  }
0x21: {  	[sflag:s18] =	ssyncadd.s32 $0xFFFFE000  }
0x22: {  	[spmem:s2] =	stream.indirect.scatter.add.f32 [tilespmem:s16], [sflag:$0x3], $0x80, s3, s19, $0xb8;
	[tilespmem:$0x1CB00] =	vst v63  }
0x23: {  	_ =	swait.ge [sflag:s13], $0x2000  }
0x24: {  	s30 =	sshrl.u32 s12, $0x3;
	[sflag:s13] =	ssyncset.done $0x0  }
0x25: {  	s24 =	sadd.s32 s4, s30;
	[sflag:s13] =	ssyncadd.s32 $0xFFFFE000  }
0x26: {  	[tilespmem:s16], [sflag:$0x1] =	stream.linear.gather [hbm4b:s24+s3], $0x2000, $0x38;
	[tilespmem:$0x1CB00] =	vst v63  }
0x27: {  	_ =	swait.ge [sflag:s20], $0x2000  }
0x28: {  	[sflag:s20] =	ssyncset.done $0x0  }
0x29: {  	s31 =	simm.s32 $0x80;
	[sflag:s20] =	ssyncadd.s32 $0xFFFFE000  }
0x2a: {  	[spmem:s2] =	stream.indirect.scatter.add.f32 [tilespmem:s17], [sflag:$0x3], $0x80, s31, s19, $0xb8;
	[tilespmem:$0x1CB00] =	vst v63  }
0x2b: {  	s26 =	simm.s32 $0xC00;
	s28 =	simm.s32 $0x1400;
	_ =	swait.ge [sflag:s13], $0x2000  }
0x2c: {  	s25 =	sadd.s32 $0x4000, s12;
	s24 =	simm.s32 $0x100;
	[sflag:s13] =	ssyncset.done $0x0  }
.LBB2_2:
0x2d: {  	s29 =	sadd.s32 s26, s11  }
0x2e: {  	[sflag:s13] =	ssyncadd.s32 $0xFFFFE000;
	s26 =	smov.u32 s28;
	s30 =	sadd.s32 $0x800, s28  }
0x2f: {  	[tilespmem:s17], [sflag:$0x2] =	stream.linear.gather [hbm4b:s29+s3], $0x2000, $0x38;
	[tilespmem:$0x1CB00] =	vst v63  }
0x30: {  	p0 =	sne.s32 s28, $0x26C00;
	_ =	swait.ge [sflag:s18], $0x2000  }
0x31: {  	[sflag:s18] =	ssyncset.done $0x0  }
0x32: {  	[sflag:s18] =	ssyncadd.s32 $0xFFFFE000  }
0x33: {  	[spmem:s2] =	stream.indirect.scatter.add.f32 [tilespmem:s16], [sflag:$0x3], $0x80, s24, s19, $0xb8;
	[tilespmem:$0x1CB00] =	vst v63  }
0x34: {  	_ =	swait.ge [sflag:s13], $0x2000  }
0x35: {  	s28 =	sshrl.u32 s25, $0x3;
	[sflag:s13] =	ssyncset.done $0x0  }
0x36: {  	s28 =	sadd.s32 s4, s28;
	[sflag:s13] =	ssyncadd.s32 $0xFFFFE000  }
0x37: {  	[tilespmem:s16], [sflag:$0x1] =	stream.linear.gather [hbm4b:s28+s3], $0x2000, $0x38;
	[tilespmem:$0x1CB00] =	vst v63  }
0x38: {  	_ =	swait.ge [sflag:s20], $0x2000  }
.Ltmp0:
0x39: {  	[sflag:s20] =	ssyncset.done $0x0;
	(pc) =	sbr.rel @p0 .LBB2_2-.Ltmp0, $4  }
0x3a: {  	s28 =	sadd.s32 $0x80, s24;
	[sflag:s20] =	ssyncadd.s32 $0xFFFFE000  }
0x3b: {  	[spmem:s2] =	stream.indirect.scatter.add.f32 [tilespmem:s17], [sflag:$0x3], $0x80, s28, s19, $0xb8;
	[tilespmem:$0x1CB00] =	vst v63  }
0x3c: {  	s25 =	sadd.s32 $0x4000, s25;
	_ =	swait.ge [sflag:s13], $0x2000  }
0x3d: {  	s24 =	sadd.s32 $0x100, s24;
	s28 =	smov.u32 s30;
	[sflag:s13] =	ssyncset.done $0x0  }
0x3e: {  	s26 =	sadd.s32 s26, s11;
	[sflag:s13] =	ssyncadd.s32 $0xFFFFE000  }
0x3f: {  	[tilespmem:s17], [sflag:$0x2] =	stream.linear.gather [hbm4b:s26+s3], $0x2000, $0x38;
	[tilespmem:$0x1CB00] =	vst v63  }
0x40: {  	_ =	swait.ge [sflag:s18], $0x2000  }
0x41: {  	[sflag:s18] =	ssyncset.done $0x0  }
0x42: {  	[sflag:s18] =	ssyncadd.s32 $0xFFFFE000  }
0x43: {  	[spmem:s2] =	stream.indirect.scatter.add.f32 [tilespmem:s16], [sflag:$0x3], $0x80, s24, s19, $0xb8;
	[tilespmem:$0x1CB00] =	vst v63  }
0x44: {  	_ =	swait.ge [sflag:s13], $0x2000  }
0x45: {  	s25 =	sshrl.u32 s25, $0x3;
	[sflag:s13] =	ssyncset.done $0x0  }
0x46: {  	s25 =	sadd.s32 s4, s25;
	[sflag:s13] =	ssyncadd.s32 $0xFFFFE000  }
0x47: {  	[tilespmem:s16], [sflag:$0x1] =	stream.linear.gather [hbm4b:s25+s3], $0x2000, $0x38;
	[tilespmem:$0x1CB00] =	vst v63  }
0x48: {  	_ =	swait.ge [sflag:s20], $0x2000  }
0x49: {  	[sflag:s20] =	ssyncset.done $0x0  }
0x4a: {  	s31 =	sadd.s32 $0x80, s24;
	[sflag:s20] =	ssyncadd.s32 $0xFFFFE000  }
0x4b: {  	[spmem:s2] =	stream.indirect.scatter.add.f32 [tilespmem:s17], [sflag:$0x3], $0x80, s31, s19, $0xb8;
	[tilespmem:$0x1CB00] =	vst v63  }
0x4c: {  	_ =	swait.ge [sflag:s13], $0x2000  }
0x4d: {  	[sflag:s13] =	ssyncset.done $0x0  }
0x4e: {  	[sflag:s13] =	ssyncadd.s32 $0xFFFFE000  }
0x4f: {  	[tilespmem:s17], [sflag:$0x2] =	stream.linear.gather [hbm4b:s10+s3], $0x2000, $0x38;
	[tilespmem:$0x1CB00] =	vst v63  }
0x50: {  	_ =	swait.ge [sflag:s18], $0x2000  }
0x51: {  	[sflag:s18] =	ssyncset.done $0x0  }
0x52: {  	[sflag:s18] =	ssyncadd.s32 $0xFFFFE000  }
0x53: {  	[spmem:s2] =	stream.indirect.scatter.add.f32 [tilespmem:s16], [sflag:$0x3], $0x80, s21, s19, $0xb8;
	[tilespmem:$0x1CB00] =	vst v63  }
0x54: {  	_ =	swait.ge [sflag:s13], $0x2000  }
0x55: {  	[sflag:s13] =	ssyncset.done $0x0  }
0x56: {  	[sflag:s13] =	ssyncadd.s32 $0xFFFFE000  }
0x57: {  	_ =	swait.ge [sflag:s20], $0x2000  }
0x58: {  	[sflag:s20] =	ssyncset.done $0x0  }
0x59: {  	[sflag:s20] =	ssyncadd.s32 $0xFFFFE000  }
0x5a: {  	[spmem:s2] =	stream.indirect.scatter.add.f32 [tilespmem:s17], [sflag:$0x3], $0x80, s22, s19, $0xb8;
	[tilespmem:$0x1CB00] =	vst v63  }
0x5b: {  	_ =	swait.ge [sflag:s13], $0x2000  }
0x5c: {  	s23 =	sadd.s32 $0x1, s23;
	[sflag:s13] =	ssyncset.done $0x0  }
0x5d: {  	p0 =	sne.s32 s23, s9;
	[sflag:s13] =	ssyncadd.s32 $0xFFFFE000  }
.Ltmp1:
0x5e: {  	[bflag:$0x0] =	sbarrier.arrive $0xFFFF;
	(pc) =	sbr.rel @p0 .LBB2_1-.Ltmp1, $4  }
0x5f: {  	[hbm:s8], [sflag:s14] =	dma.local [spmem:s15], $0x2780  }
0x60: {  	_ =	swait.ge [sflag:s13], $0x2780  }
0x61: {  	[sflag:s13] =	ssyncset.done $0x0  }
0x62: {  	[sflag:s13] =	ssyncadd.s32 $0xFFFFD880  }
0x63: {  	_ =	sfence.sel $0x180000  }
0x64: {  	[bflag:$0x0] =	sbarrier.arrive $0xFFFF  }
0x65: {  	p0 =	sne.s32 s0, $0x0;
	_ =	strace $0x9000004A  }
0x66: {  	s0 =	sadd.s32 @!p0 $0x100000, s1;
	[bflag:$0x2] =	sbarrier.arrive $0xFFFF  }
0x67: {  	[sflag:s0] =	ssyncadd.tile.s32 @!p0 $0x1;
	_ =	shalt  }
.Lfunc_end2:
_tile_overlayer_lowered:
.L_overlay_start_2:
0x68: {  	(tag) =	ssettag $0x2  }
0x69: {  	s0 =	rddreg [dreg:$0x0];
	s2 =	stileid.u32  }
0x6a: {  	s1 =	rddreg [dreg:$0x1];
	p0 =	sne.s32 s2, $0x0  }
0x6b: {  	s3 =	rddreg [dreg:$0x2];
	[bflag:$0x3] =	sbarrier.arrive $0xFFFF;
	s2 =	simm.s32 @!p0 $0x1C03  }
0x6c: {  	[timem:s3], [sflag:s2] =	dma.local @!p0 [hbm:s0], s1  }
0x6d: {  	s0 =	simm.s32 @!p0 $0x3  }
0x6e: {  	_ =	swait.ge @!p0 [sflag:s0], s1  }
0x6f: {  	s1 =	ssub.s32 @!p0 $0x0, s1;
	[sflag:s0] =	ssyncset.done @!p0 $0x0  }
0x70: {  	[sflag:s0] =	ssyncadd.s32 @!p0 s1  }
0x71: {  	[bflag:$0x3] =	sbarrier.arrive $0xFFFF  }
0x72: {  	_ =	shalt  }

// kernel: kernel.19.cloned.1.call-start
scs
__scs_entry_jumppad:
0x0: {  	(pc) =	sbr.rel $0x88, $3  }
0x1: {  	(tag) =	ssettag $0x0;
	lr =	simm.s32 $0x1  }
0x2: {  	[smem:$0x3F8F] =	sst lr;
	_ =	strace $0xD0000000  }
0x3: {  	_ = 	snop  }
0x4: {  	_ = 	snop  }
0x5: {  	_ = 	snop  }
0x6: {  	_ = 	snop  }
0x7: {  	_ = 	snop  }
__scs_overlays_trampoline_lowered:
0x8: {  	[smem:$0x3F9E] =	sst s0  }
0x9: {  	[smem:$0x3F9F] =	sst s1  }
0xa: {  	[smem:$0x3FA0] =	sst s2  }
0xb: {  	[smem:$0x3FA1] =	sst s3  }
0xc: {  	[smem:$0x3FA2] =	sst s4  }
0xd: {  	[smem:$0x3FA3] =	sst s5  }
0xe: {  	[smem:$0x3FA4] =	sst s6  }
0xf: {  	[smem:$0x3FA5] =	sst s7  }
0x10: {  	[smem:$0x3FA6] =	sst s8  }
0x11: {  	[smem:$0x3FA7] =	sst s9;
	s0 =	simm.s32 @!p0 $0x0  }
0x12: {  	s1 =	sld [smem:$0x3F8D];
	s0 =	simm.s32 @p0 $0x1  }
0x13: {  	[smem:$0x3FA8] =	sst s0;
	s0 =	simm.s32 @!p1 $0x0  }
0x14: {  	s2 =	sld [smem:$0x3F8C];
	s0 =	simm.s32 @p1 $0x1  }
0x15: {  	[smem:$0x3FA9] =	sst s0;
	s0 =	simm.s32 @!p2 $0x0  }
0x16: {  	s3 =	sld [smem:$0x3FDB];
	s0 =	simm.s32 @p2 $0x1  }
0x17: {  	s4 =	simm.s32 $0x1BF5;
	[smem:$0x3FAB] =	sst s0  }
0x18: {  	s0 =	sld [smem:$0x3F8E];
	_ =	swait.ge [sflag:s4], $0x0  }
0x19: {  	s7 =	sld [smem:$0x3F8F]  }
0x1a: {  	s8 =	sadd.s32 $0xFFFFE003, lr  }
0x1b: {  	s9 =	sadd.s32 $0xFFFFFEF7, lr;
	s5 =	simm.s32 $0xFFFFFFFF;
	p2 =	slt.u32 s8, $0xFFFFF086  }
0x1c: {  	p1 =	slt.u32 s9, $0xF7A;
	s5 =	simm.s32 @!p2 $0x0  }
0x1d: {  	s5 =	simm.s32 @p1 $0x1;
	p0 =	seq.s32 s7, s2  }
0x1e: {  	s7 =	smul.u32 @!p0 $0xF7A, s2;
	p2 =	seq.s32 @!p0 s5, $0x0  }
0x1f: {  	s9 =	smul.u32 $0xF7A, s1;
	s8 =	simm.s32 @!p0 $0x1BF5;
	p2 =	por !p2, p0  }
0x20: {  	[sflag:s8] =	ssyncset.s32 @!p0 $0xFFFFF086;
	s6 =	sadd.s32 @!p0 s3, s7;
	s7 =	simm.s32 @!p0 $0x108  }
0x21: {  	s3 =	sadd.s32 s3, s9;
	s6 =	sadd.s32 @!p0 $0x88, s6;
	s7 =	simm.s32 @p2 $0x1082  }
0x22: {  	[simem:s7], [sflag:s8] =	dma.local @!p0 [hbm:s6], $0xF7A  }
0x23: {  	s9 =	sor.u32 $0xD0000000, s2;
	s6 =	simm.s32 $0x108;
	_ =	swait.ge @!p0 [sflag:s8], $0x0  }
0x24: {  	s3 =	sadd.s32 $0x88, s3;
	s6 =	simm.s32 @!p1 $0x1082;
	[sflag:s4] =	ssyncset.s32 $0xFFFFF086  }
0x25: {  	[simem:s6], [sflag:s4] =	dma.local [hbm:s3], $0xF7A  }
0x26: {  	[smem:$0x3F8F] =	sst s1;
	(tag) =	ssettag s2;
	_ =	strace s9  }
0x27: {  	s1 =	sld [smem:$0x3F9F]  }
0x28: {  	s2 =	sld [smem:$0x3FA0]  }
0x29: {  	s4 =	sld [smem:$0x3FA2]  }
0x2a: {  	p0 =	seq.s32 s5, $0x0;
	s5 =	sld [smem:$0x3FA3]  }
0x2b: {  	s6 =	sld [smem:$0x3FA4]  }
0x2c: {  	s7 =	sld [smem:$0x3FA5]  }
0x2d: {  	s3 =	simm.s32 $0x108;
	s8 =	sld [smem:$0x3FA6]  }
0x2e: {  	s3 =	simm.s32 @!p0 $0x1082;
	s9 =	sld [smem:$0x3FA7]  }
0x2f: {  	lr =	sadd.s32 s0, s3;
	s0 =	sld [smem:$0x3F9E]  }
0x30: {  	s3 =	sld [smem:$0x3FA1]  }
0x31: {  	[smem:$0x3FAA] =	sst s10  }
0x32: {  	s10 =	sld [smem:$0x3FA8];
	_ =	sdelay $0x3  }
0x33: {  	p0 =	seq.s32 s10, $0x1;
	s10 =	sld [smem:$0x3FAA];
	_ =	sdelay $0x3  }
0x34: {  	[smem:$0x3FAA] =	sst s10  }
0x35: {  	s10 =	sld [smem:$0x3FA9];
	_ =	sdelay $0x3  }
0x36: {  	p1 =	seq.s32 s10, $0x1;
	s10 =	sld [smem:$0x3FAA];
	_ =	sdelay $0x3  }
0x37: {  	[smem:$0x3FAA] =	sst s10  }
0x38: {  	s10 =	sld [smem:$0x3FAB]  }
0x39: {  	_ = 	snop;
	(pc) =	sbr.ind lr, $3  }
0x3a: {  	_ = 	snop  }
0x3b: {  	_ = 	snop  }
0x3c: {  	p2 =	seq.s32 s10, $0x1;
	s10 =	sld [smem:$0x3FAA]  }
0x3d: {  	_ =	shalt  }
0x3e: {  	_ =	shalt  }
0x3f: {  	_ =	shalt  }
0x40: {  	_ =	shalt  }
0x41: {  	_ =	shalt  }
0x42: {  	_ =	shalt  }
0x43: {  	_ =	shalt  }
0x44: {  	_ =	shalt  }
0x45: {  	_ =	shalt  }
0x46: {  	_ =	shalt  }
0x47: {  	_ =	shalt  }
0x48: {  	_ =	shalt  }
0x49: {  	_ =	shalt  }
0x4a: {  	_ =	shalt  }
0x4b: {  	_ =	shalt  }
0x4c: {  	_ =	shalt  }
0x4d: {  	_ =	shalt  }
0x4e: {  	_ =	shalt  }
0x4f: {  	_ =	shalt  }
0x50: {  	_ =	shalt  }
0x51: {  	_ =	shalt  }
0x52: {  	_ =	shalt  }
0x53: {  	_ =	shalt  }
0x54: {  	_ =	shalt  }
0x55: {  	_ =	shalt  }
0x56: {  	_ =	shalt  }
0x57: {  	_ =	shalt  }
0x58: {  	_ =	shalt  }
0x59: {  	_ =	shalt  }
0x5a: {  	_ =	shalt  }
0x5b: {  	_ =	shalt  }
0x5c: {  	_ =	shalt  }
0x5d: {  	_ =	shalt  }
0x5e: {  	_ =	shalt  }
0x5f: {  	_ =	shalt  }
0x60: {  	_ =	shalt  }
0x61: {  	_ =	shalt  }
0x62: {  	_ =	shalt  }
0x63: {  	_ =	shalt  }
0x64: {  	_ =	shalt  }
0x65: {  	_ =	shalt  }
0x66: {  	_ =	shalt  }
0x67: {  	_ =	shalt  }
0x68: {  	_ =	shalt  }
0x69: {  	_ =	shalt  }
0x6a: {  	_ =	shalt  }
0x6b: {  	_ =	shalt  }
0x6c: {  	_ =	shalt  }
0x6d: {  	_ =	shalt  }
0x6e: {  	_ =	shalt  }
0x6f: {  	_ =	shalt  }
0x70: {  	_ =	shalt  }
0x71: {  	_ =	shalt  }
0x72: {  	_ =	shalt  }
0x73: {  	_ =	shalt  }
0x74: {  	_ =	shalt  }
0x75: {  	_ =	shalt  }
0x76: {  	_ =	shalt  }
0x77: {  	_ =	shalt  }
0x78: {  	_ =	shalt  }
0x79: {  	_ =	shalt  }
0x7a: {  	_ =	shalt  }
0x7b: {  	_ =	shalt  }
0x7c: {  	_ =	shalt  }
0x7d: {  	_ =	shalt  }
0x7e: {  	_ =	shalt  }
0x7f: {  	_ =	shalt  }
0x80: {  	_ =	shalt  }
0x81: {  	_ =	shalt  }
0x82: {  	_ =	shalt  }
0x83: {  	_ =	shalt  }
0x84: {  	_ =	shalt  }
0x85: {  	_ =	shalt  }
0x86: {  	_ =	shalt  }
0x87: {  	_ =	shalt  }
.Lfunc_end0:
.L_simem_size_0:
called_computation.1_lowered:
.L_overlay_start_0:
0x88: {  	s2 =	sld [smem:$0x3FD9]  }
0x89: {  	s3 =	sld [smem:$0x3FFE];
	_ =	sdelay $0x1  }
0x8a: {  	s1 =	srdreg.scid  }
0x8b: {  	s0 =	sand.u32 $0x1, s1  }
0x8c: {  	s16 =	sshll.u32 s0, $0xA;
	s2 =	sadd.s32 s3, s2  }
0x8d: {  	s2 =	sadd.s32 s2, s16  }
0x8e: {  	[smem:$0x3FB6] =	sst s2  }
0x8f: {  	_ = 	snop  }
0x90: {  	(tm) =	ssettm $0x1  }
0x91: {  	s17 =	sld [smem:$0x3FFB];
	_ =	sdelay $0x3  }
0x92: {  	_ =	strace s17  }
0x93: {  	s2 =	sld [smem:$0x3FFC];
	_ =	sdelay $0x3  }
0x94: {  	_ =	strace s2  }
0x95: {  	s2 =	sld [smem:$0x3FFD];
	_ =	sdelay $0x3  }
0x96: {  	_ =	strace s2  }
0x97: {  	_ =	strace $0x8FFFFFFF  }
0x98: {  	s18 =	sld [smem:$0x3FDB];
	_ =	sdelay $0x1  }
0x99: {  	s19 =	simm.s32 $_scs_section_size  }
0x9a: {  	s4 =	simm.s32 $_size__tile_overlayer_lowered;
	s5 =	simm.s32 $_tile_overlayer_lowered  }
0x9b: {  	s22 =	simm.s32 $0x1BFF;
	s21 =	sshll.u32 s5, $0x1;
	s2 =	sadd.s32 s19, s18  }
0x9c: {  	s6 =	simm.s32 $0x0;
	s20 =	sshll.u32 s4, $0x1;
	s4 =	sadd.s32 s21, s2  }
0x9d: {  	[timem:s6], [sflag:s22] =	dma.local [hbm:s4], s20  }
0x9e: {  	_ =	swait.ge [sflag:s22], s20  }
0x9f: {  	s3 =	ssub.s32 $0x0, s20;
	[sflag:s22] =	ssyncset.done $0x0  }
0xa0: {  	[sflag:s22] =	ssyncadd.s32 s3;
	_ =	sdelay $0x1  }
0xa1: {  	s23 =	simm.s32 $0x1B8B  }
0xa2: {  	_ =	swait.ge [sflag:s23], $0x1  }
0xa3: {  	[sflag:s23] =	ssyncset.done $0x0  }
0xa4: {  	s25 =	simm.s32 $0x1B8E;
	s24 =	sld [smem:$0x3FFE];
	[sflag:s23] =	ssyncadd.s32 $0xFFFFFFFF  }
0xa5: {  	s26 =	simm.s32 $execute0_lowered;
	[smem:$0x3FD2] =	sst s25  }
0xa6: {  	s4 =	sshll.u32 s26, $0x1;
	_ =	strace $0x80000046;
	[dreg:$0x1] =	wrdreg $0xFFFFFFFF  }
0xa7: {  	s28 =	simm.s32 $_size_execute0_lowered;
	s2 =	sadd.s32 s2, s4;
	[dreg:$0x0] =	wrdreg $0x0  }
0xa8: {  	s4 =	sshll.u32 s28, $0x1;
	[dreg:$0x2] =	wrdreg s2  }
0xa9: {  	[dreg:$0x3] =	wrdreg s4  }
0xaa: {  	[dreg:$0x4] =	wrdreg $0xC0  }
0xab: {  	_ =	task [dreg:s6], $0x5FFFF  }
0xac: {  	[dreg:$0x1] =	wrdreg $0xFFFFFFFF  }
0xad: {  	[dreg:$0x0] =	wrdreg $0x60  }
0xae: {  	[dreg:$0x2] =	wrdreg s24  }
0xaf: {  	[dreg:$0x3] =	wrdreg $0xB7000  }
0xb0: {  	[dreg:$0x4] =	wrdreg $0xA  }
0xb1: {  	_ =	task.clear_ibuf [dreg:s6], $0x5FFFF;
	_ =	strace $0x90000046  }
0xb2: {  	s29 =	simm.s32 $0xA;
	_ =	strace $0x80000048  }
0xb3: {  	_ =	swait.ge [sflag:s29], $0x1  }
0xb4: {  	[sflag:s29] =	ssyncadd.s32 $0xFFFFFFFF  }
0xb5: {  	_ =	strace $0x90000048  }
0xb6: {  	_ =	sfence  }
0xb7: {  	s30 =	sld [smem:$0x0];
	_ =	sdelay $0x2  }
0xb8: {  	s31 =	sshll.u32 s1, $0xD;
	s1 =	sshrl.u32 s1, $0x2  }
0xb9: {  	s3 =	sand.u32 $0x4000, s31;
	s1 =	sadd.s32 s1, s30  }
0xba: {  	s0 =	sor.u32 s3, s0;
	s1 =	sshll.u32 s1, $0x11  }
0xbb: {  	s0 =	sor.u32 s1, s0  }
0xbc: {  	s0 =	sadd.s32 $0x8F2B, s0  }
0xbd: {  	[sflag:s0] =	ssyncadd.remote.s32 $0x1  }
0xbe: {  	_ =	sfence.sel $0xFFFF  }
0xbf: {  	[dreg:$0x0] =	wrdreg $0xFFFFFFFF;
	(pc) =	sbr.abs _section_cstart, $3  }
0xc0: {  	[dreg:$0x1] =	wrdreg $0xFFFFFFFF  }
0xc1: {  	_ =	task.clear_ibuf [dreg:s6], $0x2FFFF;
	_ =	strace $0x9FFFFFFF  }
0xc2: {  	(tm) =	ssettm $0x7FFFFFFF  }
0xc3: {  	_ =	shalt  }
tec
execute0_lowered:
.L_overlay_start_1:
0x0: {  	(tag) =	ssettag $0x1  }
0x1: {  	s6 =	rddreg [dreg:$0x0]  }
0x2: {  	s0 =	srdreg.scid;
	s2 =	rddreg [dreg:$0x1]  }
0x3: {  	s3 =	simm.s32 $0x0;
	s14 =	simm.s32 $0x40;
	s15 =	simm.s32 $0x7700  }
0x4: {  	s16 =	simm.s32 $0x9700;
	s17 =	simm.s32 $0x1;
	s18 =	simm.s32 $0x2  }
0x5: {  	s19 =	simm.s32 $0x2740;
	s5 =	sand.u32 $0x1, s0;
	s0 =	stileid.u32  }
0x6: {  	s20 =	simm.s32 $0x7600;
	s21 =	simm.s32 $0x7680;
	s9 =	smul.u32 $0x13C00, s0  }
0x7: {  	s22 =	simm.s32 $0x0;
	[smem:$0x7FF] =	sst s3;
	s10 =	smul.u32 $0x13C000, s5  }
0x8: {  	s1 =	sshll.u32 s5, $0x4;
	s5 =	ssub.s32 $0x2, s5;
	s12 =	smul.u32 $0x4F000, s0  }
0x9: {  	s31 =	sshll.u32 s0, $0x6;
	s4 =	sor.u32 s0, s1;
	s1 =	rddreg [dreg:$0x2]  }
0xa: {  	_ =	strace $0x80000047;
	s29 =	sshrl.u32 s5, $0x1;
	s7 =	smul.u32 $0x500, s4  }
0xb: {  	s8 =	smul.u32 $0x9E0, s4;
	s4 =	sadd.s32 $0x25200, s6;
	s11 =	sshrl.u32 s9, $0x3  }
0xc: {  	s9 =	sadd.s32 s9, s10;
	s10 =	ssub.s32 s5, s29;
	s30 =	sshrl.u32 s12, $0x2  }
0xd: {  	s12 =	sor.u32 $0x1C03, s31;
	s9 =	sshrl.u32 s9, $0x3;
	s11 =	sadd.s32 s11, s6  }
0xe: {  	s13 =	sadd.s32 s30, s2;
	s7 =	sadd.s32 s7, s6;
	s8 =	sadd.s32 s8, s6  }
0xf: {  	s9 =	sadd.s32 s9, s6;
	s13 =	sshrl.u32 s13, $0x3;
	s5 =	sadd.s32 $0x7600, s7  }
0x10: {  	s6 =	sadd.s32 $0x11600, s8;
	s7 =	sadd.s32 $0x73600, s11;
	s8 =	sadd.s32 $0x9AE00, s9  }
0x11: {  	s9 =	smax.u32 s10, $0x1;
	s10 =	simm.s32 $0x3;
	s11 =	simm.s32 $0x2800  }
.LBB2_1:
0x12: {  	[tilespmem:s3], [sflag:$0x3] =	stream.linear.gather [hbm4b:s5+s3], $0x2780, $0x38;
	[tilespmem:$0x1F300] =	vst v63  }
0x13: {  	_ =	swait.ge [sflag:s10], $0x2780  }
0x14: {  	[sflag:s10] =	ssyncset.done $0x0  }
0x15: {  	[sflag:s10] =	ssyncadd.s32 $0xFFFFD880  }
0x16: {  	[tilespmem:s11], [sflag:$0x3] =	stream.linear.gather [hbm4b:s6+s3], $0x4F00, $0x38;
	[tilespmem:$0x1F300] =	vst v63  }
0x17: {  	_ =	swait.ge [sflag:s10], $0x4F00  }
0x18: {  	[sflag:s10] =	ssyncset.done $0x0  }
0x19: {  	[sflag:s10] =	ssyncadd.s32 $0xFFFFB100  }
0x1a: {  	[spmem:s13], [sflag:s12] =	dma.local [hbm:s7], $0x2780  }
0x1b: {  	_ =	swait.ge [sflag:s10], $0x2780  }
0x1c: {  	[sflag:s10] =	ssyncset.done $0x0  }
0x1d: {  	[sflag:s10] =	ssyncadd.s32 $0xFFFFD880  }
0x1e: {  	[bflag:$0x0] =	sbarrier.arrive $0xFFFF  }
0x1f: {  	[tilespmem:s15], [sflag:$0x1] =	stream.indirect.gather [hbm4b:s4+s14], $0x80, s3, s14, $0xb8;
	[tilespmem:$0x1F300] =	vst v63  }
0x20: {  	s23 =	simm.s32 $0x40  }
0x21: {  	[tilespmem:s16], [sflag:$0x2] =	stream.indirect.gather [hbm4b:s4+s14], $0x80, s23, s14, $0xb8;
	[tilespmem:$0x1F300] =	vst v63  }
0x22: {  	_ =	swait.ge [sflag:s17], $0x2000  }
0x23: {  	[sflag:s17] =	ssyncset.done $0x0  }
0x24: {  	s29 =	simm.s32 $0x2800;
	[sflag:s17] =	ssyncadd.s32 $0xFFFFE000  }
0x25: {  	[spmem:s2] =	stream.indirect.scatter.add.f32 [tilespmem:s15], [sflag:$0x3], $0x80, s29, s14, $0xb8;
	[tilespmem:$0x1F300] =	vst v63  }
0x26: {  	_ =	swait.ge [sflag:s10], $0x2000  }
0x27: {  	[sflag:s10] =	ssyncset.done $0x0  }
0x28: {  	s30 =	simm.s32 $0x80;
	[sflag:s10] =	ssyncadd.s32 $0xFFFFE000  }
0x29: {  	[tilespmem:s15], [sflag:$0x1] =	stream.indirect.gather [hbm4b:s4+s14], $0x80, s30, s14, $0xb8;
	[tilespmem:$0x1F300] =	vst v63  }
0x2a: {  	_ =	swait.ge [sflag:s18], $0x2000  }
0x2b: {  	[sflag:s18] =	ssyncset.done $0x0  }
0x2c: {  	s31 =	simm.s32 $0x2880;
	[sflag:s18] =	ssyncadd.s32 $0xFFFFE000  }
0x2d: {  	[spmem:s2] =	stream.indirect.scatter.add.f32 [tilespmem:s16], [sflag:$0x3], $0x80, s31, s14, $0xb8;
	[tilespmem:$0x1F300] =	vst v63  }
0x2e: {  	s24 =	simm.s32 $0x400;
	_ =	swait.ge [sflag:s10], $0x2000  }
0x2f: {  	s25 =	simm.s32 $0x800;
	s23 =	simm.s32 $0x100;
	[sflag:s10] =	ssyncset.done $0x0  }
.LBB2_2:
0x30: {  	p0 =	sne.s32 s25, $0x13400;
	s26 =	sadd.s32 $0xFFFFFFC0, s23;
	[sflag:s10] =	ssyncadd.s32 $0xFFFFE000  }
0x31: {  	[tilespmem:s16], [sflag:$0x2] =	stream.indirect.gather [hbm4b:s4+s14], $0x80, s26, s14, $0xb8;
	[tilespmem:$0x1F300] =	vst v63  }
0x32: {  	s26 =	smov.u32 s25;
	s25 =	sadd.s32 $0x400, s25;
	_ =	swait.ge [sflag:s17], $0x2000  }
0x33: {  	s28 =	sshra.s32 s24, $0x2;
	s24 =	smov.u32 s26;
	[sflag:s17] =	ssyncset.done $0x0  }
0x34: {  	s26 =	sadd.s32 $0x2800, s28;
	[sflag:s17] =	ssyncadd.s32 $0xFFFFE000  }
0x35: {  	[spmem:s2] =	stream.indirect.scatter.add.f32 [tilespmem:s15], [sflag:$0x3], $0x80, s26, s14, $0xb8;
	[tilespmem:$0x1F300] =	vst v63  }
0x36: {  	_ =	swait.ge [sflag:s10], $0x2000  }
0x37: {  	[sflag:s10] =	ssyncset.done $0x0  }
0x38: {  	[sflag:s10] =	ssyncadd.s32 $0xFFFFE000  }
0x39: {  	[tilespmem:s15], [sflag:$0x1] =	stream.indirect.gather [hbm4b:s4+s14], $0x80, s23, s14, $0xb8;
	[tilespmem:$0x1F300] =	vst v63  }
0x3a: {  	_ =	swait.ge [sflag:s18], $0x2000  }
.Ltmp0:
0x3b: {  	[sflag:s18] =	ssyncset.done $0x0;
	(pc) =	sbr.rel @p0 .LBB2_2-.Ltmp0, $4  }
0x3c: {  	s26 =	sadd.s32 $0x2880, s28;
	[sflag:s18] =	ssyncadd.s32 $0xFFFFE000  }
0x3d: {  	[spmem:s2] =	stream.indirect.scatter.add.f32 [tilespmem:s16], [sflag:$0x3], $0x80, s26, s14, $0xb8;
	[tilespmem:$0x1F300] =	vst v63  }
0x3e: {  	_ =	swait.ge [sflag:s10], $0x2000  }
0x3f: {  	s23 =	sadd.s32 $0x80, s23;
	[sflag:s10] =	ssyncset.done $0x0  }
0x40: {  	s25 =	sadd.s32 $0xFFFFFFC0, s23;
	[sflag:s10] =	ssyncadd.s32 $0xFFFFE000  }
0x41: {  	[tilespmem:s16], [sflag:$0x2] =	stream.indirect.gather [hbm4b:s4+s14], $0x80, s25, s14, $0xb8;
	[tilespmem:$0x1F300] =	vst v63  }
0x42: {  	_ =	swait.ge [sflag:s17], $0x2000  }
0x43: {  	s24 =	sshra.s32 s24, $0x2;
	[sflag:s17] =	ssyncset.done $0x0  }
0x44: {  	s30 =	sadd.s32 $0x2800, s24;
	[sflag:s17] =	ssyncadd.s32 $0xFFFFE000  }
0x45: {  	[spmem:s2] =	stream.indirect.scatter.add.f32 [tilespmem:s15], [sflag:$0x3], $0x80, s30, s14, $0xb8;
	[tilespmem:$0x1F300] =	vst v63  }
0x46: {  	_ =	swait.ge [sflag:s10], $0x2000  }
0x47: {  	[sflag:s10] =	ssyncset.done $0x0  }
0x48: {  	[sflag:s10] =	ssyncadd.s32 $0xFFFFE000  }
0x49: {  	[tilespmem:s15], [sflag:$0x1] =	stream.indirect.gather [hbm4b:s4+s14], $0x80, s23, s14, $0xb8;
	[tilespmem:$0x1F300] =	vst v63  }
0x4a: {  	_ =	swait.ge [sflag:s18], $0x2000  }
0x4b: {  	[sflag:s18] =	ssyncset.done $0x0  }
0x4c: {  	s31 =	sadd.s32 $0x2880, s24;
	[sflag:s18] =	ssyncadd.s32 $0xFFFFE000  }
0x4d: {  	[spmem:s2] =	stream.indirect.scatter.add.f32 [tilespmem:s16], [sflag:$0x3], $0x80, s31, s14, $0xb8;
	[tilespmem:$0x1F300] =	vst v63  }
0x4e: {  	_ =	swait.ge [sflag:s10], $0x2000  }
0x4f: {  	[sflag:s10] =	ssyncset.done $0x0  }
0x50: {  	[sflag:s10] =	ssyncadd.s32 $0xFFFFE000  }
0x51: {  	[tilespmem:s16], [sflag:$0x2] =	stream.indirect.gather [hbm4b:s4+s14], $0x80, s19, s14, $0xb8;
	[tilespmem:$0x1F300] =	vst v63  }
0x52: {  	_ =	swait.ge [sflag:s17], $0x2000  }
0x53: {  	[sflag:s17] =	ssyncset.done $0x0  }
0x54: {  	[sflag:s17] =	ssyncadd.s32 $0xFFFFE000  }
0x55: {  	[spmem:s2] =	stream.indirect.scatter.add.f32 [tilespmem:s15], [sflag:$0x3], $0x80, s20, s14, $0xb8;
	[tilespmem:$0x1F300] =	vst v63  }
0x56: {  	_ =	swait.ge [sflag:s10], $0x2000  }
0x57: {  	[sflag:s10] =	ssyncset.done $0x0  }
0x58: {  	[sflag:s10] =	ssyncadd.s32 $0xFFFFE000  }
0x59: {  	_ =	swait.ge [sflag:s18], $0x2000  }
0x5a: {  	[sflag:s18] =	ssyncset.done $0x0  }
0x5b: {  	[sflag:s18] =	ssyncadd.s32 $0xFFFFE000  }
0x5c: {  	[spmem:s2] =	stream.indirect.scatter.add.f32 [tilespmem:s16], [sflag:$0x3], $0x80, s21, s14, $0xb8;
	[tilespmem:$0x1F300] =	vst v63  }
0x5d: {  	_ =	swait.ge [sflag:s10], $0x2000  }
0x5e: {  	s22 =	sadd.s32 $0x1, s22;
	[sflag:s10] =	ssyncset.done $0x0  }
0x5f: {  	p0 =	sne.s32 s22, s9;
	[sflag:s10] =	ssyncadd.s32 $0xFFFFE000  }
.Ltmp1:
0x60: {  	[bflag:$0x0] =	sbarrier.arrive $0xFFFF;
	(pc) =	sbr.rel @p0 .LBB2_1-.Ltmp1, $4  }
0x61: {  	[hbm:s8], [sflag:s12] =	dma.local [spmem:s13], $0x2780  }
0x62: {  	_ =	swait.ge [sflag:s10], $0x2780  }
0x63: {  	[sflag:s10] =	ssyncset.done $0x0  }
0x64: {  	[sflag:s10] =	ssyncadd.s32 $0xFFFFD880  }
0x65: {  	_ =	sfence.sel $0x180000  }
0x66: {  	[bflag:$0x0] =	sbarrier.arrive $0xFFFF  }
0x67: {  	p0 =	sne.s32 s0, $0x0;
	_ =	strace $0x90000047  }
0x68: {  	s0 =	sadd.s32 @!p0 $0x100000, s1;
	[bflag:$0x2] =	sbarrier.arrive $0xFFFF  }
0x69: {  	[sflag:s0] =	ssyncadd.tile.s32 @!p0 $0x1;
	_ =	shalt  }
.Lfunc_end2:
_tile_overlayer_lowered:
.L_overlay_start_2:
0x6a: {  	(tag) =	ssettag $0x2  }
0x6b: {  	s0 =	rddreg [dreg:$0x0];
	s2 =	stileid.u32  }
0x6c: {  	s1 =	rddreg [dreg:$0x1];
	p0 =	sne.s32 s2, $0x0  }
0x6d: {  	s3 =	rddreg [dreg:$0x2];
	[bflag:$0x3] =	sbarrier.arrive $0xFFFF;
	s2 =	simm.s32 @!p0 $0x1C03  }
0x6e: {  	[timem:s3], [sflag:s2] =	dma.local @!p0 [hbm:s0], s1  }
0x6f: {  	s0 =	simm.s32 @!p0 $0x3  }
0x70: {  	_ =	swait.ge @!p0 [sflag:s0], s1  }
0x71: {  	s1 =	ssub.s32 @!p0 $0x0, s1;
	[sflag:s0] =	ssyncset.done @!p0 $0x0  }
0x72: {  	[sflag:s0] =	ssyncadd.s32 @!p0 s1  }
0x73: {  	[bflag:$0x3] =	sbarrier.arrive $0xFFFF  }
0x74: {  	_ =	shalt  }

// kernel: kernel.22.cloned.1.call-start
scs
__scs_entry_jumppad:
0x0: {  	(pc) =	sbr.rel $0x88, $3  }
0x1: {  	(tag) =	ssettag $0x0;
	lr =	simm.s32 $0x1  }
0x2: {  	[smem:$0x3F8F] =	sst lr;
	_ =	strace $0xD0000000  }
0x3: {  	_ = 	snop  }
0x4: {  	_ = 	snop  }
0x5: {  	_ = 	snop  }
0x6: {  	_ = 	snop  }
0x7: {  	_ = 	snop  }
__scs_overlays_trampoline_lowered:
0x8: {  	[smem:$0x3F9E] =	sst s0  }
0x9: {  	[smem:$0x3F9F] =	sst s1  }
0xa: {  	[smem:$0x3FA0] =	sst s2  }
0xb: {  	[smem:$0x3FA1] =	sst s3  }
0xc: {  	[smem:$0x3FA2] =	sst s4  }
0xd: {  	[smem:$0x3FA3] =	sst s5  }
0xe: {  	[smem:$0x3FA4] =	sst s6  }
0xf: {  	[smem:$0x3FA5] =	sst s7  }
0x10: {  	[smem:$0x3FA6] =	sst s8  }
0x11: {  	[smem:$0x3FA7] =	sst s9;
	s0 =	simm.s32 @!p0 $0x0  }
0x12: {  	s1 =	sld [smem:$0x3F8D];
	s0 =	simm.s32 @p0 $0x1  }
0x13: {  	[smem:$0x3FA8] =	sst s0;
	s0 =	simm.s32 @!p1 $0x0  }
0x14: {  	s2 =	sld [smem:$0x3F8C];
	s0 =	simm.s32 @p1 $0x1  }
0x15: {  	[smem:$0x3FA9] =	sst s0;
	s0 =	simm.s32 @!p2 $0x0  }
0x16: {  	s3 =	sld [smem:$0x3FDB];
	s0 =	simm.s32 @p2 $0x1  }
0x17: {  	s4 =	simm.s32 $0x1BF5;
	[smem:$0x3FAB] =	sst s0  }
0x18: {  	s0 =	sld [smem:$0x3F8E];
	_ =	swait.ge [sflag:s4], $0x0  }
0x19: {  	s7 =	sld [smem:$0x3F8F]  }
0x1a: {  	s8 =	sadd.s32 $0xFFFFE003, lr  }
0x1b: {  	s9 =	sadd.s32 $0xFFFFFEF7, lr;
	s5 =	simm.s32 $0xFFFFFFFF;
	p2 =	slt.u32 s8, $0xFFFFF086  }
0x1c: {  	p1 =	slt.u32 s9, $0xF7A;
	s5 =	simm.s32 @!p2 $0x0  }
0x1d: {  	s5 =	simm.s32 @p1 $0x1;
	p0 =	seq.s32 s7, s2  }
0x1e: {  	s7 =	smul.u32 @!p0 $0xF7A, s2;
	p2 =	seq.s32 @!p0 s5, $0x0  }
0x1f: {  	s9 =	smul.u32 $0xF7A, s1;
	s8 =	simm.s32 @!p0 $0x1BF5;
	p2 =	por !p2, p0  }
0x20: {  	[sflag:s8] =	ssyncset.s32 @!p0 $0xFFFFF086;
	s6 =	sadd.s32 @!p0 s3, s7;
	s7 =	simm.s32 @!p0 $0x108  }
0x21: {  	s3 =	sadd.s32 s3, s9;
	s6 =	sadd.s32 @!p0 $0x88, s6;
	s7 =	simm.s32 @p2 $0x1082  }
0x22: {  	[simem:s7], [sflag:s8] =	dma.local @!p0 [hbm:s6], $0xF7A  }
0x23: {  	s9 =	sor.u32 $0xD0000000, s2;
	s6 =	simm.s32 $0x108;
	_ =	swait.ge @!p0 [sflag:s8], $0x0  }
0x24: {  	s3 =	sadd.s32 $0x88, s3;
	s6 =	simm.s32 @!p1 $0x1082;
	[sflag:s4] =	ssyncset.s32 $0xFFFFF086  }
0x25: {  	[simem:s6], [sflag:s4] =	dma.local [hbm:s3], $0xF7A  }
0x26: {  	[smem:$0x3F8F] =	sst s1;
	(tag) =	ssettag s2;
	_ =	strace s9  }
0x27: {  	s1 =	sld [smem:$0x3F9F]  }
0x28: {  	s2 =	sld [smem:$0x3FA0]  }
0x29: {  	s4 =	sld [smem:$0x3FA2]  }
0x2a: {  	p0 =	seq.s32 s5, $0x0;
	s5 =	sld [smem:$0x3FA3]  }
0x2b: {  	s6 =	sld [smem:$0x3FA4]  }
0x2c: {  	s7 =	sld [smem:$0x3FA5]  }
0x2d: {  	s3 =	simm.s32 $0x108;
	s8 =	sld [smem:$0x3FA6]  }
0x2e: {  	s3 =	simm.s32 @!p0 $0x1082;
	s9 =	sld [smem:$0x3FA7]  }
0x2f: {  	lr =	sadd.s32 s0, s3;
	s0 =	sld [smem:$0x3F9E]  }
0x30: {  	s3 =	sld [smem:$0x3FA1]  }
0x31: {  	[smem:$0x3FAA] =	sst s10  }
0x32: {  	s10 =	sld [smem:$0x3FA8];
	_ =	sdelay $0x3  }
0x33: {  	p0 =	seq.s32 s10, $0x1;
	s10 =	sld [smem:$0x3FAA];
	_ =	sdelay $0x3  }
0x34: {  	[smem:$0x3FAA] =	sst s10  }
0x35: {  	s10 =	sld [smem:$0x3FA9];
	_ =	sdelay $0x3  }
0x36: {  	p1 =	seq.s32 s10, $0x1;
	s10 =	sld [smem:$0x3FAA];
	_ =	sdelay $0x3  }
0x37: {  	[smem:$0x3FAA] =	sst s10  }
0x38: {  	s10 =	sld [smem:$0x3FAB]  }
0x39: {  	_ = 	snop;
	(pc) =	sbr.ind lr, $3  }
0x3a: {  	_ = 	snop  }
0x3b: {  	_ = 	snop  }
0x3c: {  	p2 =	seq.s32 s10, $0x1;
	s10 =	sld [smem:$0x3FAA]  }
0x3d: {  	_ =	shalt  }
0x3e: {  	_ =	shalt  }
0x3f: {  	_ =	shalt  }
0x40: {  	_ =	shalt  }
0x41: {  	_ =	shalt  }
0x42: {  	_ =	shalt  }
0x43: {  	_ =	shalt  }
0x44: {  	_ =	shalt  }
0x45: {  	_ =	shalt  }
0x46: {  	_ =	shalt  }
0x47: {  	_ =	shalt  }
0x48: {  	_ =	shalt  }
0x49: {  	_ =	shalt  }
0x4a: {  	_ =	shalt  }
0x4b: {  	_ =	shalt  }
0x4c: {  	_ =	shalt  }
0x4d: {  	_ =	shalt  }
0x4e: {  	_ =	shalt  }
0x4f: {  	_ =	shalt  }
0x50: {  	_ =	shalt  }
0x51: {  	_ =	shalt  }
0x52: {  	_ =	shalt  }
0x53: {  	_ =	shalt  }
0x54: {  	_ =	shalt  }
0x55: {  	_ =	shalt  }
0x56: {  	_ =	shalt  }
0x57: {  	_ =	shalt  }
0x58: {  	_ =	shalt  }
0x59: {  	_ =	shalt  }
0x5a: {  	_ =	shalt  }
0x5b: {  	_ =	shalt  }
0x5c: {  	_ =	shalt  }
0x5d: {  	_ =	shalt  }
0x5e: {  	_ =	shalt  }
0x5f: {  	_ =	shalt  }
0x60: {  	_ =	shalt  }
0x61: {  	_ =	shalt  }
0x62: {  	_ =	shalt  }
0x63: {  	_ =	shalt  }
0x64: {  	_ =	shalt  }
0x65: {  	_ =	shalt  }
0x66: {  	_ =	shalt  }
0x67: {  	_ =	shalt  }
0x68: {  	_ =	shalt  }
0x69: {  	_ =	shalt  }
0x6a: {  	_ =	shalt  }
0x6b: {  	_ =	shalt  }
0x6c: {  	_ =	shalt  }
0x6d: {  	_ =	shalt  }
0x6e: {  	_ =	shalt  }
0x6f: {  	_ =	shalt  }
0x70: {  	_ =	shalt  }
0x71: {  	_ =	shalt  }
0x72: {  	_ =	shalt  }
0x73: {  	_ =	shalt  }
0x74: {  	_ =	shalt  }
0x75: {  	_ =	shalt  }
0x76: {  	_ =	shalt  }
0x77: {  	_ =	shalt  }
0x78: {  	_ =	shalt  }
0x79: {  	_ =	shalt  }
0x7a: {  	_ =	shalt  }
0x7b: {  	_ =	shalt  }
0x7c: {  	_ =	shalt  }
0x7d: {  	_ =	shalt  }
0x7e: {  	_ =	shalt  }
0x7f: {  	_ =	shalt  }
0x80: {  	_ =	shalt  }
0x81: {  	_ =	shalt  }
0x82: {  	_ =	shalt  }
0x83: {  	_ =	shalt  }
0x84: {  	_ =	shalt  }
0x85: {  	_ =	shalt  }
0x86: {  	_ =	shalt  }
0x87: {  	_ =	shalt  }
.Lfunc_end0:
.L_simem_size_0:
called_computation.2_lowered:
.L_overlay_start_0:
0x88: {  	s2 =	sld [smem:$0x3FD9]  }
0x89: {  	s3 =	sld [smem:$0x3FFE];
	_ =	sdelay $0x1  }
0x8a: {  	s1 =	srdreg.scid  }
0x8b: {  	s0 =	sand.u32 $0x1, s1  }
0x8c: {  	s16 =	sshll.u32 s0, $0xA;
	s2 =	sadd.s32 s3, s2  }
0x8d: {  	s2 =	sadd.s32 s2, s16  }
0x8e: {  	[smem:$0x3FB6] =	sst s2  }
0x8f: {  	_ = 	snop  }
0x90: {  	(tm) =	ssettm $0x1  }
0x91: {  	s17 =	sld [smem:$0x3FFB];
	_ =	sdelay $0x3  }
0x92: {  	_ =	strace s17  }
0x93: {  	s2 =	sld [smem:$0x3FFC];
	_ =	sdelay $0x3  }
0x94: {  	_ =	strace s2  }
0x95: {  	s2 =	sld [smem:$0x3FFD];
	_ =	sdelay $0x3  }
0x96: {  	_ =	strace s2  }
0x97: {  	_ =	strace $0x8FFFFFFF  }
0x98: {  	s18 =	sld [smem:$0x3FDB];
	_ =	sdelay $0x1  }
0x99: {  	s19 =	simm.s32 $_scs_section_size  }
0x9a: {  	s4 =	simm.s32 $_size__tile_overlayer_lowered;
	s5 =	simm.s32 $_tile_overlayer_lowered  }
0x9b: {  	s22 =	simm.s32 $0x1BFF;
	s21 =	sshll.u32 s5, $0x1;
	s2 =	sadd.s32 s19, s18  }
0x9c: {  	s6 =	simm.s32 $0x0;
	s20 =	sshll.u32 s4, $0x1;
	s4 =	sadd.s32 s21, s2  }
0x9d: {  	[timem:s6], [sflag:s22] =	dma.local [hbm:s4], s20  }
0x9e: {  	_ =	swait.ge [sflag:s22], s20  }
0x9f: {  	s3 =	ssub.s32 $0x0, s20;
	[sflag:s22] =	ssyncset.done $0x0  }
0xa0: {  	[sflag:s22] =	ssyncadd.s32 s3;
	_ =	sdelay $0x1  }
0xa1: {  	s23 =	simm.s32 $0x1B8B  }
0xa2: {  	_ =	swait.ge [sflag:s23], $0x1  }
0xa3: {  	[sflag:s23] =	ssyncset.done $0x0  }
0xa4: {  	s25 =	simm.s32 $0x1B8E;
	s24 =	sld [smem:$0x3FFE];
	[sflag:s23] =	ssyncadd.s32 $0xFFFFFFFF  }
0xa5: {  	s26 =	simm.s32 $execute0_lowered;
	[smem:$0x3FD2] =	sst s25  }
0xa6: {  	s4 =	sshll.u32 s26, $0x1;
	_ =	strace $0x8000004C;
	[dreg:$0x1] =	wrdreg $0xFFFFFFFF  }
0xa7: {  	s28 =	simm.s32 $_size_execute0_lowered;
	s2 =	sadd.s32 s2, s4;
	[dreg:$0x0] =	wrdreg $0x0  }
0xa8: {  	s4 =	sshll.u32 s28, $0x1;
	[dreg:$0x2] =	wrdreg s2  }
0xa9: {  	[dreg:$0x3] =	wrdreg s4  }
0xaa: {  	[dreg:$0x4] =	wrdreg $0xC0  }
0xab: {  	_ =	task [dreg:s6], $0x5FFFF  }
0xac: {  	[dreg:$0x1] =	wrdreg $0xFFFFFFFF  }
0xad: {  	[dreg:$0x0] =	wrdreg $0x60  }
0xae: {  	[dreg:$0x2] =	wrdreg s24  }
0xaf: {  	[dreg:$0x3] =	wrdreg $0xB7000  }
0xb0: {  	[dreg:$0x4] =	wrdreg $0x9  }
0xb1: {  	_ =	task.clear_ibuf [dreg:s6], $0x5FFFF;
	_ =	strace $0x9000004C  }
0xb2: {  	s29 =	simm.s32 $0x9;
	_ =	strace $0x8000004E  }
0xb3: {  	_ =	swait.ge [sflag:s29], $0x1  }
0xb4: {  	[sflag:s29] =	ssyncadd.s32 $0xFFFFFFFF  }
0xb5: {  	_ =	strace $0x9000004E  }
0xb6: {  	_ =	sfence  }
0xb7: {  	s30 =	sld [smem:$0x0];
	_ =	sdelay $0x2  }
0xb8: {  	s31 =	sshll.u32 s1, $0xD;
	s1 =	sshrl.u32 s1, $0x2  }
0xb9: {  	s3 =	sand.u32 $0x4000, s31;
	s1 =	sadd.s32 s1, s30  }
0xba: {  	s0 =	sor.u32 s3, s0;
	s1 =	sshll.u32 s1, $0x11  }
0xbb: {  	s0 =	sor.u32 s1, s0  }
0xbc: {  	s0 =	sadd.s32 $0x8F2B, s0  }
0xbd: {  	[sflag:s0] =	ssyncadd.remote.s32 $0x1  }
0xbe: {  	_ =	sfence.sel $0xFFFF  }
0xbf: {  	[dreg:$0x0] =	wrdreg $0xFFFFFFFF;
	(pc) =	sbr.abs _section_cstart, $3  }
0xc0: {  	[dreg:$0x1] =	wrdreg $0xFFFFFFFF  }
0xc1: {  	_ =	task.clear_ibuf [dreg:s6], $0x2FFFF;
	_ =	strace $0x9FFFFFFF  }
0xc2: {  	(tm) =	ssettm $0x7FFFFFFF  }
0xc3: {  	_ =	shalt  }
tec
execute0_lowered:
.L_overlay_start_1:
0x0: {  	(tag) =	ssettag $0x1  }
0x1: {  	s6 =	rddreg [dreg:$0x0]  }
0x2: {  	s0 =	srdreg.scid;
	s2 =	rddreg [dreg:$0x1]  }
0x3: {  	s3 =	simm.s32 $0x0;
	s14 =	simm.s32 $0x40;
	s15 =	simm.s32 $0x7700  }
0x4: {  	s16 =	simm.s32 $0x9700;
	s17 =	simm.s32 $0x1;
	s18 =	simm.s32 $0x2  }
0x5: {  	s19 =	simm.s32 $0x2740;
	s5 =	sand.u32 $0x1, s0;
	s0 =	stileid.u32  }
0x6: {  	s20 =	simm.s32 $0x7600;
	s21 =	simm.s32 $0x7680;
	s9 =	smul.u32 $0x13C00, s0  }
0x7: {  	s22 =	simm.s32 $0x0;
	[smem:$0x7FF] =	sst s3;
	s10 =	smul.u32 $0x13C000, s5  }
0x8: {  	s1 =	sshll.u32 s5, $0x4;
	s5 =	ssub.s32 $0x2, s5;
	s12 =	smul.u32 $0x4F000, s0  }
0x9: {  	s31 =	sshll.u32 s0, $0x6;
	s4 =	sor.u32 s0, s1;
	s1 =	rddreg [dreg:$0x2]  }
0xa: {  	_ =	strace $0x8000004D;
	s29 =	sshrl.u32 s5, $0x1;
	s7 =	smul.u32 $0x500, s4  }
0xb: {  	s8 =	smul.u32 $0x9E0, s4;
	s4 =	sadd.s32 $0x25200, s6;
	s11 =	sshrl.u32 s9, $0x3  }
0xc: {  	s9 =	sadd.s32 s9, s10;
	s10 =	ssub.s32 s5, s29;
	s30 =	sshrl.u32 s12, $0x2  }
0xd: {  	s12 =	sor.u32 $0x1C03, s31;
	s9 =	sshrl.u32 s9, $0x3;
	s11 =	sadd.s32 s11, s6  }
0xe: {  	s13 =	sadd.s32 s30, s2;
	s7 =	sadd.s32 s7, s6;
	s8 =	sadd.s32 s8, s6  }
0xf: {  	s9 =	sadd.s32 s9, s6;
	s13 =	sshrl.u32 s13, $0x3;
	s5 =	sadd.s32 $0x7600, s7  }
0x10: {  	s6 =	sadd.s32 $0x11600, s8;
	s7 =	sadd.s32 $0x73600, s11;
	s8 =	sadd.s32 $0x9AE00, s9  }
0x11: {  	s9 =	smax.u32 s10, $0x1;
	s10 =	simm.s32 $0x3;
	s11 =	simm.s32 $0x2800  }
.LBB2_1:
0x12: {  	[tilespmem:s3], [sflag:$0x3] =	stream.linear.gather [hbm4b:s5+s3], $0x2780, $0x38;
	[tilespmem:$0x1F300] =	vst v63  }
0x13: {  	_ =	swait.ge [sflag:s10], $0x2780  }
0x14: {  	[sflag:s10] =	ssyncset.done $0x0  }
0x15: {  	[sflag:s10] =	ssyncadd.s32 $0xFFFFD880  }
0x16: {  	[tilespmem:s11], [sflag:$0x3] =	stream.linear.gather [hbm4b:s6+s3], $0x4F00, $0x38;
	[tilespmem:$0x1F300] =	vst v63  }
0x17: {  	_ =	swait.ge [sflag:s10], $0x4F00  }
0x18: {  	[sflag:s10] =	ssyncset.done $0x0  }
0x19: {  	[sflag:s10] =	ssyncadd.s32 $0xFFFFB100  }
0x1a: {  	[spmem:s13], [sflag:s12] =	dma.local [hbm:s7], $0x2780  }
0x1b: {  	_ =	swait.ge [sflag:s10], $0x2780  }
0x1c: {  	[sflag:s10] =	ssyncset.done $0x0  }
0x1d: {  	[sflag:s10] =	ssyncadd.s32 $0xFFFFD880  }
0x1e: {  	[bflag:$0x0] =	sbarrier.arrive $0xFFFF  }
0x1f: {  	[tilespmem:s15], [sflag:$0x1] =	stream.indirect.gather [hbm4b:s4+s14], $0x80, s3, s14, $0xb8;
	[tilespmem:$0x1F300] =	vst v63  }
0x20: {  	s23 =	simm.s32 $0x40  }
0x21: {  	[tilespmem:s16], [sflag:$0x2] =	stream.indirect.gather [hbm4b:s4+s14], $0x80, s23, s14, $0xb8;
	[tilespmem:$0x1F300] =	vst v63  }
0x22: {  	_ =	swait.ge [sflag:s17], $0x2000  }
0x23: {  	[sflag:s17] =	ssyncset.done $0x0  }
0x24: {  	s29 =	simm.s32 $0x2800;
	[sflag:s17] =	ssyncadd.s32 $0xFFFFE000  }
0x25: {  	[spmem:s2] =	stream.indirect.scatter.add.f32 [tilespmem:s15], [sflag:$0x3], $0x80, s29, s14, $0xb8;
	[tilespmem:$0x1F300] =	vst v63  }
0x26: {  	_ =	swait.ge [sflag:s10], $0x2000  }
0x27: {  	[sflag:s10] =	ssyncset.done $0x0  }
0x28: {  	s30 =	simm.s32 $0x80;
	[sflag:s10] =	ssyncadd.s32 $0xFFFFE000  }
0x29: {  	[tilespmem:s15], [sflag:$0x1] =	stream.indirect.gather [hbm4b:s4+s14], $0x80, s30, s14, $0xb8;
	[tilespmem:$0x1F300] =	vst v63  }
0x2a: {  	_ =	swait.ge [sflag:s18], $0x2000  }
0x2b: {  	[sflag:s18] =	ssyncset.done $0x0  }
0x2c: {  	s31 =	simm.s32 $0x2880;
	[sflag:s18] =	ssyncadd.s32 $0xFFFFE000  }
0x2d: {  	[spmem:s2] =	stream.indirect.scatter.add.f32 [tilespmem:s16], [sflag:$0x3], $0x80, s31, s14, $0xb8;
	[tilespmem:$0x1F300] =	vst v63  }
0x2e: {  	s24 =	simm.s32 $0x400;
	_ =	swait.ge [sflag:s10], $0x2000  }
0x2f: {  	s25 =	simm.s32 $0x800;
	s23 =	simm.s32 $0x100;
	[sflag:s10] =	ssyncset.done $0x0  }
.LBB2_2:
0x30: {  	p0 =	sne.s32 s25, $0x13400;
	s26 =	sadd.s32 $0xFFFFFFC0, s23;
	[sflag:s10] =	ssyncadd.s32 $0xFFFFE000  }
0x31: {  	[tilespmem:s16], [sflag:$0x2] =	stream.indirect.gather [hbm4b:s4+s14], $0x80, s26, s14, $0xb8;
	[tilespmem:$0x1F300] =	vst v63  }
0x32: {  	s26 =	smov.u32 s25;
	s25 =	sadd.s32 $0x400, s25;
	_ =	swait.ge [sflag:s17], $0x2000  }
0x33: {  	s28 =	sshra.s32 s24, $0x2;
	s24 =	smov.u32 s26;
	[sflag:s17] =	ssyncset.done $0x0  }
0x34: {  	s26 =	sadd.s32 $0x2800, s28;
	[sflag:s17] =	ssyncadd.s32 $0xFFFFE000  }
0x35: {  	[spmem:s2] =	stream.indirect.scatter.add.f32 [tilespmem:s15], [sflag:$0x3], $0x80, s26, s14, $0xb8;
	[tilespmem:$0x1F300] =	vst v63  }
0x36: {  	_ =	swait.ge [sflag:s10], $0x2000  }
0x37: {  	[sflag:s10] =	ssyncset.done $0x0  }
0x38: {  	[sflag:s10] =	ssyncadd.s32 $0xFFFFE000  }
0x39: {  	[tilespmem:s15], [sflag:$0x1] =	stream.indirect.gather [hbm4b:s4+s14], $0x80, s23, s14, $0xb8;
	[tilespmem:$0x1F300] =	vst v63  }
0x3a: {  	_ =	swait.ge [sflag:s18], $0x2000  }
.Ltmp0:
0x3b: {  	[sflag:s18] =	ssyncset.done $0x0;
	(pc) =	sbr.rel @p0 .LBB2_2-.Ltmp0, $4  }
0x3c: {  	s26 =	sadd.s32 $0x2880, s28;
	[sflag:s18] =	ssyncadd.s32 $0xFFFFE000  }
0x3d: {  	[spmem:s2] =	stream.indirect.scatter.add.f32 [tilespmem:s16], [sflag:$0x3], $0x80, s26, s14, $0xb8;
	[tilespmem:$0x1F300] =	vst v63  }
0x3e: {  	_ =	swait.ge [sflag:s10], $0x2000  }
0x3f: {  	s23 =	sadd.s32 $0x80, s23;
	[sflag:s10] =	ssyncset.done $0x0  }
0x40: {  	s25 =	sadd.s32 $0xFFFFFFC0, s23;
	[sflag:s10] =	ssyncadd.s32 $0xFFFFE000  }
0x41: {  	[tilespmem:s16], [sflag:$0x2] =	stream.indirect.gather [hbm4b:s4+s14], $0x80, s25, s14, $0xb8;
	[tilespmem:$0x1F300] =	vst v63  }
0x42: {  	_ =	swait.ge [sflag:s17], $0x2000  }
0x43: {  	s24 =	sshra.s32 s24, $0x2;
	[sflag:s17] =	ssyncset.done $0x0  }
0x44: {  	s30 =	sadd.s32 $0x2800, s24;
	[sflag:s17] =	ssyncadd.s32 $0xFFFFE000  }
0x45: {  	[spmem:s2] =	stream.indirect.scatter.add.f32 [tilespmem:s15], [sflag:$0x3], $0x80, s30, s14, $0xb8;
	[tilespmem:$0x1F300] =	vst v63  }
0x46: {  	_ =	swait.ge [sflag:s10], $0x2000  }
0x47: {  	[sflag:s10] =	ssyncset.done $0x0  }
0x48: {  	[sflag:s10] =	ssyncadd.s32 $0xFFFFE000  }
0x49: {  	[tilespmem:s15], [sflag:$0x1] =	stream.indirect.gather [hbm4b:s4+s14], $0x80, s23, s14, $0xb8;
	[tilespmem:$0x1F300] =	vst v63  }
0x4a: {  	_ =	swait.ge [sflag:s18], $0x2000  }
0x4b: {  	[sflag:s18] =	ssyncset.done $0x0  }
0x4c: {  	s31 =	sadd.s32 $0x2880, s24;
	[sflag:s18] =	ssyncadd.s32 $0xFFFFE000  }
0x4d: {  	[spmem:s2] =	stream.indirect.scatter.add.f32 [tilespmem:s16], [sflag:$0x3], $0x80, s31, s14, $0xb8;
	[tilespmem:$0x1F300] =	vst v63  }
0x4e: {  	_ =	swait.ge [sflag:s10], $0x2000  }
0x4f: {  	[sflag:s10] =	ssyncset.done $0x0  }
0x50: {  	[sflag:s10] =	ssyncadd.s32 $0xFFFFE000  }
0x51: {  	[tilespmem:s16], [sflag:$0x2] =	stream.indirect.gather [hbm4b:s4+s14], $0x80, s19, s14, $0xb8;
	[tilespmem:$0x1F300] =	vst v63  }
0x52: {  	_ =	swait.ge [sflag:s17], $0x2000  }
0x53: {  	[sflag:s17] =	ssyncset.done $0x0  }
0x54: {  	[sflag:s17] =	ssyncadd.s32 $0xFFFFE000  }
0x55: {  	[spmem:s2] =	stream.indirect.scatter.add.f32 [tilespmem:s15], [sflag:$0x3], $0x80, s20, s14, $0xb8;
	[tilespmem:$0x1F300] =	vst v63  }
0x56: {  	_ =	swait.ge [sflag:s10], $0x2000  }
0x57: {  	[sflag:s10] =	ssyncset.done $0x0  }
0x58: {  	[sflag:s10] =	ssyncadd.s32 $0xFFFFE000  }
0x59: {  	_ =	swait.ge [sflag:s18], $0x2000  }
0x5a: {  	[sflag:s18] =	ssyncset.done $0x0  }
0x5b: {  	[sflag:s18] =	ssyncadd.s32 $0xFFFFE000  }
0x5c: {  	[spmem:s2] =	stream.indirect.scatter.add.f32 [tilespmem:s16], [sflag:$0x3], $0x80, s21, s14, $0xb8;
	[tilespmem:$0x1F300] =	vst v63  }
0x5d: {  	_ =	swait.ge [sflag:s10], $0x2000  }
0x5e: {  	s22 =	sadd.s32 $0x1, s22;
	[sflag:s10] =	ssyncset.done $0x0  }
0x5f: {  	p0 =	sne.s32 s22, s9;
	[sflag:s10] =	ssyncadd.s32 $0xFFFFE000  }
.Ltmp1:
0x60: {  	[bflag:$0x0] =	sbarrier.arrive $0xFFFF;
	(pc) =	sbr.rel @p0 .LBB2_1-.Ltmp1, $4  }
0x61: {  	[hbm:s8], [sflag:s12] =	dma.local [spmem:s13], $0x2780  }
0x62: {  	_ =	swait.ge [sflag:s10], $0x2780  }
0x63: {  	[sflag:s10] =	ssyncset.done $0x0  }
0x64: {  	[sflag:s10] =	ssyncadd.s32 $0xFFFFD880  }
0x65: {  	_ =	sfence.sel $0x180000  }
0x66: {  	[bflag:$0x0] =	sbarrier.arrive $0xFFFF  }
0x67: {  	p0 =	sne.s32 s0, $0x0;
	_ =	strace $0x9000004D  }
0x68: {  	s0 =	sadd.s32 @!p0 $0x100000, s1;
	[bflag:$0x2] =	sbarrier.arrive $0xFFFF  }
0x69: {  	[sflag:s0] =	ssyncadd.tile.s32 @!p0 $0x1;
	_ =	shalt  }
.Lfunc_end2:
_tile_overlayer_lowered:
.L_overlay_start_2:
0x6a: {  	(tag) =	ssettag $0x2  }
0x6b: {  	s0 =	rddreg [dreg:$0x0];
	s2 =	stileid.u32  }
0x6c: {  	s1 =	rddreg [dreg:$0x1];
	p0 =	sne.s32 s2, $0x0  }
0x6d: {  	s3 =	rddreg [dreg:$0x2];
	[bflag:$0x3] =	sbarrier.arrive $0xFFFF;
	s2 =	simm.s32 @!p0 $0x1C03  }
0x6e: {  	[timem:s3], [sflag:s2] =	dma.local @!p0 [hbm:s0], s1  }
0x6f: {  	s0 =	simm.s32 @!p0 $0x3  }
0x70: {  	_ =	swait.ge @!p0 [sflag:s0], s1  }
0x71: {  	s1 =	ssub.s32 @!p0 $0x0, s1;
	[sflag:s0] =	ssyncset.done @!p0 $0x0  }
0x72: {  	[sflag:s0] =	ssyncadd.s32 @!p0 s1  }
0x73: {  	[bflag:$0x3] =	sbarrier.arrive $0xFFFF  }
0x74: {  	_ =	shalt  }

// kernel: kernel.25.cloned.1.call-start
scs
__scs_entry_jumppad:
0x0: {  	(pc) =	sbr.rel $0x88, $3  }
0x1: {  	(tag) =	ssettag $0x0;
	lr =	simm.s32 $0x1  }
0x2: {  	[smem:$0x3F8F] =	sst lr;
	_ =	strace $0xD0000000  }
0x3: {  	_ = 	snop  }
0x4: {  	_ = 	snop  }
0x5: {  	_ = 	snop  }
0x6: {  	_ = 	snop  }
0x7: {  	_ = 	snop  }
__scs_overlays_trampoline_lowered:
0x8: {  	[smem:$0x3F9E] =	sst s0  }
0x9: {  	[smem:$0x3F9F] =	sst s1  }
0xa: {  	[smem:$0x3FA0] =	sst s2  }
0xb: {  	[smem:$0x3FA1] =	sst s3  }
0xc: {  	[smem:$0x3FA2] =	sst s4  }
0xd: {  	[smem:$0x3FA3] =	sst s5  }
0xe: {  	[smem:$0x3FA4] =	sst s6  }
0xf: {  	[smem:$0x3FA5] =	sst s7  }
0x10: {  	[smem:$0x3FA6] =	sst s8  }
0x11: {  	[smem:$0x3FA7] =	sst s9;
	s0 =	simm.s32 @!p0 $0x0  }
0x12: {  	s1 =	sld [smem:$0x3F8D];
	s0 =	simm.s32 @p0 $0x1  }
0x13: {  	[smem:$0x3FA8] =	sst s0;
	s0 =	simm.s32 @!p1 $0x0  }
0x14: {  	s2 =	sld [smem:$0x3F8C];
	s0 =	simm.s32 @p1 $0x1  }
0x15: {  	[smem:$0x3FA9] =	sst s0;
	s0 =	simm.s32 @!p2 $0x0  }
0x16: {  	s3 =	sld [smem:$0x3FDB];
	s0 =	simm.s32 @p2 $0x1  }
0x17: {  	s4 =	simm.s32 $0x1BF5;
	[smem:$0x3FAB] =	sst s0  }
0x18: {  	s0 =	sld [smem:$0x3F8E];
	_ =	swait.ge [sflag:s4], $0x0  }
0x19: {  	s7 =	sld [smem:$0x3F8F]  }
0x1a: {  	s8 =	sadd.s32 $0xFFFFE003, lr  }
0x1b: {  	s9 =	sadd.s32 $0xFFFFFEF7, lr;
	s5 =	simm.s32 $0xFFFFFFFF;
	p2 =	slt.u32 s8, $0xFFFFF086  }
0x1c: {  	p1 =	slt.u32 s9, $0xF7A;
	s5 =	simm.s32 @!p2 $0x0  }
0x1d: {  	s5 =	simm.s32 @p1 $0x1;
	p0 =	seq.s32 s7, s2  }
0x1e: {  	s7 =	smul.u32 @!p0 $0xF7A, s2;
	p2 =	seq.s32 @!p0 s5, $0x0  }
0x1f: {  	s9 =	smul.u32 $0xF7A, s1;
	s8 =	simm.s32 @!p0 $0x1BF5;
	p2 =	por !p2, p0  }
0x20: {  	[sflag:s8] =	ssyncset.s32 @!p0 $0xFFFFF086;
	s6 =	sadd.s32 @!p0 s3, s7;
	s7 =	simm.s32 @!p0 $0x108  }
0x21: {  	s3 =	sadd.s32 s3, s9;
	s6 =	sadd.s32 @!p0 $0x88, s6;
	s7 =	simm.s32 @p2 $0x1082  }
0x22: {  	[simem:s7], [sflag:s8] =	dma.local @!p0 [hbm:s6], $0xF7A  }
0x23: {  	s9 =	sor.u32 $0xD0000000, s2;
	s6 =	simm.s32 $0x108;
	_ =	swait.ge @!p0 [sflag:s8], $0x0  }
0x24: {  	s3 =	sadd.s32 $0x88, s3;
	s6 =	simm.s32 @!p1 $0x1082;
	[sflag:s4] =	ssyncset.s32 $0xFFFFF086  }
0x25: {  	[simem:s6], [sflag:s4] =	dma.local [hbm:s3], $0xF7A  }
0x26: {  	[smem:$0x3F8F] =	sst s1;
	(tag) =	ssettag s2;
	_ =	strace s9  }
0x27: {  	s1 =	sld [smem:$0x3F9F]  }
0x28: {  	s2 =	sld [smem:$0x3FA0]  }
0x29: {  	s4 =	sld [smem:$0x3FA2]  }
0x2a: {  	p0 =	seq.s32 s5, $0x0;
	s5 =	sld [smem:$0x3FA3]  }
0x2b: {  	s6 =	sld [smem:$0x3FA4]  }
0x2c: {  	s7 =	sld [smem:$0x3FA5]  }
0x2d: {  	s3 =	simm.s32 $0x108;
	s8 =	sld [smem:$0x3FA6]  }
0x2e: {  	s3 =	simm.s32 @!p0 $0x1082;
	s9 =	sld [smem:$0x3FA7]  }
0x2f: {  	lr =	sadd.s32 s0, s3;
	s0 =	sld [smem:$0x3F9E]  }
0x30: {  	s3 =	sld [smem:$0x3FA1]  }
0x31: {  	[smem:$0x3FAA] =	sst s10  }
0x32: {  	s10 =	sld [smem:$0x3FA8];
	_ =	sdelay $0x3  }
0x33: {  	p0 =	seq.s32 s10, $0x1;
	s10 =	sld [smem:$0x3FAA];
	_ =	sdelay $0x3  }
0x34: {  	[smem:$0x3FAA] =	sst s10  }
0x35: {  	s10 =	sld [smem:$0x3FA9];
	_ =	sdelay $0x3  }
0x36: {  	p1 =	seq.s32 s10, $0x1;
	s10 =	sld [smem:$0x3FAA];
	_ =	sdelay $0x3  }
0x37: {  	[smem:$0x3FAA] =	sst s10  }
0x38: {  	s10 =	sld [smem:$0x3FAB]  }
0x39: {  	_ = 	snop;
	(pc) =	sbr.ind lr, $3  }
0x3a: {  	_ = 	snop  }
0x3b: {  	_ = 	snop  }
0x3c: {  	p2 =	seq.s32 s10, $0x1;
	s10 =	sld [smem:$0x3FAA]  }
0x3d: {  	_ =	shalt  }
0x3e: {  	_ =	shalt  }
0x3f: {  	_ =	shalt  }
0x40: {  	_ =	shalt  }
0x41: {  	_ =	shalt  }
0x42: {  	_ =	shalt  }
0x43: {  	_ =	shalt  }
0x44: {  	_ =	shalt  }
0x45: {  	_ =	shalt  }
0x46: {  	_ =	shalt  }
0x47: {  	_ =	shalt  }
0x48: {  	_ =	shalt  }
0x49: {  	_ =	shalt  }
0x4a: {  	_ =	shalt  }
0x4b: {  	_ =	shalt  }
0x4c: {  	_ =	shalt  }
0x4d: {  	_ =	shalt  }
0x4e: {  	_ =	shalt  }
0x4f: {  	_ =	shalt  }
0x50: {  	_ =	shalt  }
0x51: {  	_ =	shalt  }
0x52: {  	_ =	shalt  }
0x53: {  	_ =	shalt  }
0x54: {  	_ =	shalt  }
0x55: {  	_ =	shalt  }
0x56: {  	_ =	shalt  }
0x57: {  	_ =	shalt  }
0x58: {  	_ =	shalt  }
0x59: {  	_ =	shalt  }
0x5a: {  	_ =	shalt  }
0x5b: {  	_ =	shalt  }
0x5c: {  	_ =	shalt  }
0x5d: {  	_ =	shalt  }
0x5e: {  	_ =	shalt  }
0x5f: {  	_ =	shalt  }
0x60: {  	_ =	shalt  }
0x61: {  	_ =	shalt  }
0x62: {  	_ =	shalt  }
0x63: {  	_ =	shalt  }
0x64: {  	_ =	shalt  }
0x65: {  	_ =	shalt  }
0x66: {  	_ =	shalt  }
0x67: {  	_ =	shalt  }
0x68: {  	_ =	shalt  }
0x69: {  	_ =	shalt  }
0x6a: {  	_ =	shalt  }
0x6b: {  	_ =	shalt  }
0x6c: {  	_ =	shalt  }
0x6d: {  	_ =	shalt  }
0x6e: {  	_ =	shalt  }
0x6f: {  	_ =	shalt  }
0x70: {  	_ =	shalt  }
0x71: {  	_ =	shalt  }
0x72: {  	_ =	shalt  }
0x73: {  	_ =	shalt  }
0x74: {  	_ =	shalt  }
0x75: {  	_ =	shalt  }
0x76: {  	_ =	shalt  }
0x77: {  	_ =	shalt  }
0x78: {  	_ =	shalt  }
0x79: {  	_ =	shalt  }
0x7a: {  	_ =	shalt  }
0x7b: {  	_ =	shalt  }
0x7c: {  	_ =	shalt  }
0x7d: {  	_ =	shalt  }
0x7e: {  	_ =	shalt  }
0x7f: {  	_ =	shalt  }
0x80: {  	_ =	shalt  }
0x81: {  	_ =	shalt  }
0x82: {  	_ =	shalt  }
0x83: {  	_ =	shalt  }
0x84: {  	_ =	shalt  }
0x85: {  	_ =	shalt  }
0x86: {  	_ =	shalt  }
0x87: {  	_ =	shalt  }
.Lfunc_end0:
.L_simem_size_0:
called_computation.3_lowered:
.L_overlay_start_0:
0x88: {  	s2 =	sld [smem:$0x3FD9]  }
0x89: {  	s3 =	sld [smem:$0x3FFE];
	_ =	sdelay $0x1  }
0x8a: {  	s1 =	srdreg.scid  }
0x8b: {  	s0 =	sand.u32 $0x1, s1  }
0x8c: {  	s16 =	sshll.u32 s0, $0xA;
	s2 =	sadd.s32 s3, s2  }
0x8d: {  	s2 =	sadd.s32 s2, s16  }
0x8e: {  	[smem:$0x3FB6] =	sst s2  }
0x8f: {  	_ = 	snop  }
0x90: {  	(tm) =	ssettm $0x1  }
0x91: {  	s17 =	sld [smem:$0x3FFB];
	_ =	sdelay $0x3  }
0x92: {  	_ =	strace s17  }
0x93: {  	s2 =	sld [smem:$0x3FFC];
	_ =	sdelay $0x3  }
0x94: {  	_ =	strace s2  }
0x95: {  	s2 =	sld [smem:$0x3FFD];
	_ =	sdelay $0x3  }
0x96: {  	_ =	strace s2  }
0x97: {  	_ =	strace $0x8FFFFFFF  }
0x98: {  	s18 =	sld [smem:$0x3FDB];
	_ =	sdelay $0x1  }
0x99: {  	s19 =	simm.s32 $_scs_section_size  }
0x9a: {  	s4 =	simm.s32 $_size__tile_overlayer_lowered;
	s5 =	simm.s32 $_tile_overlayer_lowered  }
0x9b: {  	s22 =	simm.s32 $0x1BFF;
	s21 =	sshll.u32 s5, $0x1;
	s2 =	sadd.s32 s19, s18  }
0x9c: {  	s6 =	simm.s32 $0x0;
	s20 =	sshll.u32 s4, $0x1;
	s4 =	sadd.s32 s21, s2  }
0x9d: {  	[timem:s6], [sflag:s22] =	dma.local [hbm:s4], s20  }
0x9e: {  	_ =	swait.ge [sflag:s22], s20  }
0x9f: {  	s3 =	ssub.s32 $0x0, s20;
	[sflag:s22] =	ssyncset.done $0x0  }
0xa0: {  	[sflag:s22] =	ssyncadd.s32 s3;
	_ =	sdelay $0x1  }
0xa1: {  	s23 =	simm.s32 $0x1B8B  }
0xa2: {  	_ =	swait.ge [sflag:s23], $0x1  }
0xa3: {  	[sflag:s23] =	ssyncset.done $0x0  }
0xa4: {  	s25 =	simm.s32 $0x1B8E;
	s24 =	sld [smem:$0x3FFE];
	[sflag:s23] =	ssyncadd.s32 $0xFFFFFFFF  }
0xa5: {  	s26 =	simm.s32 $execute0_lowered;
	[smem:$0x3FD2] =	sst s25  }
0xa6: {  	s4 =	sshll.u32 s26, $0x1;
	_ =	strace $0x8000004F;
	[dreg:$0x1] =	wrdreg $0xFFFFFFFF  }
0xa7: {  	s28 =	simm.s32 $_size_execute0_lowered;
	s2 =	sadd.s32 s2, s4;
	[dreg:$0x0] =	wrdreg $0x0  }
0xa8: {  	s4 =	sshll.u32 s28, $0x1;
	[dreg:$0x2] =	wrdreg s2  }
0xa9: {  	[dreg:$0x3] =	wrdreg s4  }
0xaa: {  	[dreg:$0x4] =	wrdreg $0xC0  }
0xab: {  	_ =	task [dreg:s6], $0x5FFFF  }
0xac: {  	[dreg:$0x1] =	wrdreg $0xFFFFFFFF  }
0xad: {  	[dreg:$0x0] =	wrdreg $0x60  }
0xae: {  	[dreg:$0x2] =	wrdreg s24  }
0xaf: {  	[dreg:$0x3] =	wrdreg $0xB7000  }
0xb0: {  	[dreg:$0x4] =	wrdreg $0x9  }
0xb1: {  	_ =	task.clear_ibuf [dreg:s6], $0x5FFFF;
	_ =	strace $0x9000004F  }
0xb2: {  	s29 =	simm.s32 $0x9;
	_ =	strace $0x80000051  }
0xb3: {  	_ =	swait.ge [sflag:s29], $0x1  }
0xb4: {  	[sflag:s29] =	ssyncadd.s32 $0xFFFFFFFF  }
0xb5: {  	_ =	strace $0x90000051  }
0xb6: {  	_ =	sfence  }
0xb7: {  	s30 =	sld [smem:$0x0];
	_ =	sdelay $0x2  }
0xb8: {  	s31 =	sshll.u32 s1, $0xD;
	s1 =	sshrl.u32 s1, $0x2  }
0xb9: {  	s3 =	sand.u32 $0x4000, s31;
	s1 =	sadd.s32 s1, s30  }
0xba: {  	s0 =	sor.u32 s3, s0;
	s1 =	sshll.u32 s1, $0x11  }
0xbb: {  	s0 =	sor.u32 s1, s0  }
0xbc: {  	s0 =	sadd.s32 $0x8F2B, s0  }
0xbd: {  	[sflag:s0] =	ssyncadd.remote.s32 $0x1  }
0xbe: {  	_ =	sfence.sel $0xFFFF  }
0xbf: {  	[dreg:$0x0] =	wrdreg $0xFFFFFFFF;
	(pc) =	sbr.abs _section_cstart, $3  }
0xc0: {  	[dreg:$0x1] =	wrdreg $0xFFFFFFFF  }
0xc1: {  	_ =	task.clear_ibuf [dreg:s6], $0x2FFFF;
	_ =	strace $0x9FFFFFFF  }
0xc2: {  	(tm) =	ssettm $0x7FFFFFFF  }
0xc3: {  	_ =	shalt  }
tec
execute0_lowered:
.L_overlay_start_1:
0x0: {  	(tag) =	ssettag $0x1  }
0x1: {  	s6 =	rddreg [dreg:$0x0]  }
0x2: {  	s0 =	srdreg.scid;
	s2 =	rddreg [dreg:$0x1]  }
0x3: {  	s3 =	simm.s32 $0x0;
	s14 =	simm.s32 $0x40;
	s15 =	simm.s32 $0x7700  }
0x4: {  	s16 =	simm.s32 $0x9700;
	s17 =	simm.s32 $0x1;
	s18 =	simm.s32 $0x2  }
0x5: {  	s19 =	simm.s32 $0x2740;
	s5 =	sand.u32 $0x1, s0;
	s0 =	stileid.u32  }
0x6: {  	s20 =	simm.s32 $0x7600;
	s21 =	simm.s32 $0x7680;
	s9 =	smul.u32 $0x13C00, s0  }
0x7: {  	s22 =	simm.s32 $0x0;
	[smem:$0x7FF] =	sst s3;
	s10 =	smul.u32 $0x13C000, s5  }
0x8: {  	s1 =	sshll.u32 s5, $0x4;
	s5 =	ssub.s32 $0x2, s5;
	s12 =	smul.u32 $0x4F000, s0  }
0x9: {  	s31 =	sshll.u32 s0, $0x6;
	s4 =	sor.u32 s0, s1;
	s1 =	rddreg [dreg:$0x2]  }
0xa: {  	_ =	strace $0x80000050;
	s29 =	sshrl.u32 s5, $0x1;
	s7 =	smul.u32 $0x500, s4  }
0xb: {  	s8 =	smul.u32 $0x9E0, s4;
	s4 =	sadd.s32 $0x25200, s6;
	s11 =	sshrl.u32 s9, $0x3  }
0xc: {  	s9 =	sadd.s32 s9, s10;
	s10 =	ssub.s32 s5, s29;
	s30 =	sshrl.u32 s12, $0x2  }
0xd: {  	s12 =	sor.u32 $0x1C03, s31;
	s9 =	sshrl.u32 s9, $0x3;
	s11 =	sadd.s32 s11, s6  }
0xe: {  	s13 =	sadd.s32 s30, s2;
	s7 =	sadd.s32 s7, s6;
	s8 =	sadd.s32 s8, s6  }
0xf: {  	s9 =	sadd.s32 s9, s6;
	s13 =	sshrl.u32 s13, $0x3;
	s5 =	sadd.s32 $0x7600, s7  }
0x10: {  	s6 =	sadd.s32 $0x11600, s8;
	s7 =	sadd.s32 $0x73600, s11;
	s8 =	sadd.s32 $0x9AE00, s9  }
0x11: {  	s9 =	smax.u32 s10, $0x1;
	s10 =	simm.s32 $0x3;
	s11 =	simm.s32 $0x2800  }
.LBB2_1:
0x12: {  	[tilespmem:s3], [sflag:$0x3] =	stream.linear.gather [hbm4b:s5+s3], $0x2780, $0x38;
	[tilespmem:$0x1F300] =	vst v63  }
0x13: {  	_ =	swait.ge [sflag:s10], $0x2780  }
0x14: {  	[sflag:s10] =	ssyncset.done $0x0  }
0x15: {  	[sflag:s10] =	ssyncadd.s32 $0xFFFFD880  }
0x16: {  	[tilespmem:s11], [sflag:$0x3] =	stream.linear.gather [hbm4b:s6+s3], $0x4F00, $0x38;
	[tilespmem:$0x1F300] =	vst v63  }
0x17: {  	_ =	swait.ge [sflag:s10], $0x4F00  }
0x18: {  	[sflag:s10] =	ssyncset.done $0x0  }
0x19: {  	[sflag:s10] =	ssyncadd.s32 $0xFFFFB100  }
0x1a: {  	[spmem:s13], [sflag:s12] =	dma.local [hbm:s7], $0x2780  }
0x1b: {  	_ =	swait.ge [sflag:s10], $0x2780  }
0x1c: {  	[sflag:s10] =	ssyncset.done $0x0  }
0x1d: {  	[sflag:s10] =	ssyncadd.s32 $0xFFFFD880  }
0x1e: {  	[bflag:$0x0] =	sbarrier.arrive $0xFFFF  }
0x1f: {  	[tilespmem:s15], [sflag:$0x1] =	stream.indirect.gather [hbm4b:s4+s14], $0x80, s3, s14, $0xb8;
	[tilespmem:$0x1F300] =	vst v63  }
0x20: {  	s23 =	simm.s32 $0x40  }
0x21: {  	[tilespmem:s16], [sflag:$0x2] =	stream.indirect.gather [hbm4b:s4+s14], $0x80, s23, s14, $0xb8;
	[tilespmem:$0x1F300] =	vst v63  }
0x22: {  	_ =	swait.ge [sflag:s17], $0x2000  }
0x23: {  	[sflag:s17] =	ssyncset.done $0x0  }
0x24: {  	s29 =	simm.s32 $0x2800;
	[sflag:s17] =	ssyncadd.s32 $0xFFFFE000  }
0x25: {  	[spmem:s2] =	stream.indirect.scatter.add.f32 [tilespmem:s15], [sflag:$0x3], $0x80, s29, s14, $0xb8;
	[tilespmem:$0x1F300] =	vst v63  }
0x26: {  	_ =	swait.ge [sflag:s10], $0x2000  }
0x27: {  	[sflag:s10] =	ssyncset.done $0x0  }
0x28: {  	s30 =	simm.s32 $0x80;
	[sflag:s10] =	ssyncadd.s32 $0xFFFFE000  }
0x29: {  	[tilespmem:s15], [sflag:$0x1] =	stream.indirect.gather [hbm4b:s4+s14], $0x80, s30, s14, $0xb8;
	[tilespmem:$0x1F300] =	vst v63  }
0x2a: {  	_ =	swait.ge [sflag:s18], $0x2000  }
0x2b: {  	[sflag:s18] =	ssyncset.done $0x0  }
0x2c: {  	s31 =	simm.s32 $0x2880;
	[sflag:s18] =	ssyncadd.s32 $0xFFFFE000  }
0x2d: {  	[spmem:s2] =	stream.indirect.scatter.add.f32 [tilespmem:s16], [sflag:$0x3], $0x80, s31, s14, $0xb8;
	[tilespmem:$0x1F300] =	vst v63  }
0x2e: {  	s24 =	simm.s32 $0x400;
	_ =	swait.ge [sflag:s10], $0x2000  }
0x2f: {  	s25 =	simm.s32 $0x800;
	s23 =	simm.s32 $0x100;
	[sflag:s10] =	ssyncset.done $0x0  }
.LBB2_2:
0x30: {  	p0 =	sne.s32 s25, $0x13400;
	s26 =	sadd.s32 $0xFFFFFFC0, s23;
	[sflag:s10] =	ssyncadd.s32 $0xFFFFE000  }
0x31: {  	[tilespmem:s16], [sflag:$0x2] =	stream.indirect.gather [hbm4b:s4+s14], $0x80, s26, s14, $0xb8;
	[tilespmem:$0x1F300] =	vst v63  }
0x32: {  	s26 =	smov.u32 s25;
	s25 =	sadd.s32 $0x400, s25;
	_ =	swait.ge [sflag:s17], $0x2000  }
0x33: {  	s28 =	sshra.s32 s24, $0x2;
	s24 =	smov.u32 s26;
	[sflag:s17] =	ssyncset.done $0x0  }
0x34: {  	s26 =	sadd.s32 $0x2800, s28;
	[sflag:s17] =	ssyncadd.s32 $0xFFFFE000  }
0x35: {  	[spmem:s2] =	stream.indirect.scatter.add.f32 [tilespmem:s15], [sflag:$0x3], $0x80, s26, s14, $0xb8;
	[tilespmem:$0x1F300] =	vst v63  }
0x36: {  	_ =	swait.ge [sflag:s10], $0x2000  }
0x37: {  	[sflag:s10] =	ssyncset.done $0x0  }
0x38: {  	[sflag:s10] =	ssyncadd.s32 $0xFFFFE000  }
0x39: {  	[tilespmem:s15], [sflag:$0x1] =	stream.indirect.gather [hbm4b:s4+s14], $0x80, s23, s14, $0xb8;
	[tilespmem:$0x1F300] =	vst v63  }
0x3a: {  	_ =	swait.ge [sflag:s18], $0x2000  }
.Ltmp0:
0x3b: {  	[sflag:s18] =	ssyncset.done $0x0;
	(pc) =	sbr.rel @p0 .LBB2_2-.Ltmp0, $4  }
0x3c: {  	s26 =	sadd.s32 $0x2880, s28;
	[sflag:s18] =	ssyncadd.s32 $0xFFFFE000  }
0x3d: {  	[spmem:s2] =	stream.indirect.scatter.add.f32 [tilespmem:s16], [sflag:$0x3], $0x80, s26, s14, $0xb8;
	[tilespmem:$0x1F300] =	vst v63  }
0x3e: {  	_ =	swait.ge [sflag:s10], $0x2000  }
0x3f: {  	s23 =	sadd.s32 $0x80, s23;
	[sflag:s10] =	ssyncset.done $0x0  }
0x40: {  	s25 =	sadd.s32 $0xFFFFFFC0, s23;
	[sflag:s10] =	ssyncadd.s32 $0xFFFFE000  }
0x41: {  	[tilespmem:s16], [sflag:$0x2] =	stream.indirect.gather [hbm4b:s4+s14], $0x80, s25, s14, $0xb8;
	[tilespmem:$0x1F300] =	vst v63  }
0x42: {  	_ =	swait.ge [sflag:s17], $0x2000  }
0x43: {  	s24 =	sshra.s32 s24, $0x2;
	[sflag:s17] =	ssyncset.done $0x0  }
0x44: {  	s30 =	sadd.s32 $0x2800, s24;
	[sflag:s17] =	ssyncadd.s32 $0xFFFFE000  }
0x45: {  	[spmem:s2] =	stream.indirect.scatter.add.f32 [tilespmem:s15], [sflag:$0x3], $0x80, s30, s14, $0xb8;
	[tilespmem:$0x1F300] =	vst v63  }
0x46: {  	_ =	swait.ge [sflag:s10], $0x2000  }
0x47: {  	[sflag:s10] =	ssyncset.done $0x0  }
0x48: {  	[sflag:s10] =	ssyncadd.s32 $0xFFFFE000  }
0x49: {  	[tilespmem:s15], [sflag:$0x1] =	stream.indirect.gather [hbm4b:s4+s14], $0x80, s23, s14, $0xb8;
	[tilespmem:$0x1F300] =	vst v63  }
0x4a: {  	_ =	swait.ge [sflag:s18], $0x2000  }
0x4b: {  	[sflag:s18] =	ssyncset.done $0x0  }
0x4c: {  	s31 =	sadd.s32 $0x2880, s24;
	[sflag:s18] =	ssyncadd.s32 $0xFFFFE000  }
0x4d: {  	[spmem:s2] =	stream.indirect.scatter.add.f32 [tilespmem:s16], [sflag:$0x3], $0x80, s31, s14, $0xb8;
	[tilespmem:$0x1F300] =	vst v63  }
0x4e: {  	_ =	swait.ge [sflag:s10], $0x2000  }
0x4f: {  	[sflag:s10] =	ssyncset.done $0x0  }
0x50: {  	[sflag:s10] =	ssyncadd.s32 $0xFFFFE000  }
0x51: {  	[tilespmem:s16], [sflag:$0x2] =	stream.indirect.gather [hbm4b:s4+s14], $0x80, s19, s14, $0xb8;
	[tilespmem:$0x1F300] =	vst v63  }
0x52: {  	_ =	swait.ge [sflag:s17], $0x2000  }
0x53: {  	[sflag:s17] =	ssyncset.done $0x0  }
0x54: {  	[sflag:s17] =	ssyncadd.s32 $0xFFFFE000  }
0x55: {  	[spmem:s2] =	stream.indirect.scatter.add.f32 [tilespmem:s15], [sflag:$0x3], $0x80, s20, s14, $0xb8;
	[tilespmem:$0x1F300] =	vst v63  }
0x56: {  	_ =	swait.ge [sflag:s10], $0x2000  }
0x57: {  	[sflag:s10] =	ssyncset.done $0x0  }
0x58: {  	[sflag:s10] =	ssyncadd.s32 $0xFFFFE000  }
0x59: {  	_ =	swait.ge [sflag:s18], $0x2000  }
0x5a: {  	[sflag:s18] =	ssyncset.done $0x0  }
0x5b: {  	[sflag:s18] =	ssyncadd.s32 $0xFFFFE000  }
0x5c: {  	[spmem:s2] =	stream.indirect.scatter.add.f32 [tilespmem:s16], [sflag:$0x3], $0x80, s21, s14, $0xb8;
	[tilespmem:$0x1F300] =	vst v63  }
0x5d: {  	_ =	swait.ge [sflag:s10], $0x2000  }
0x5e: {  	s22 =	sadd.s32 $0x1, s22;
	[sflag:s10] =	ssyncset.done $0x0  }
0x5f: {  	p0 =	sne.s32 s22, s9;
	[sflag:s10] =	ssyncadd.s32 $0xFFFFE000  }
.Ltmp1:
0x60: {  	[bflag:$0x0] =	sbarrier.arrive $0xFFFF;
	(pc) =	sbr.rel @p0 .LBB2_1-.Ltmp1, $4  }
0x61: {  	[hbm:s8], [sflag:s12] =	dma.local [spmem:s13], $0x2780  }
0x62: {  	_ =	swait.ge [sflag:s10], $0x2780  }
0x63: {  	[sflag:s10] =	ssyncset.done $0x0  }
0x64: {  	[sflag:s10] =	ssyncadd.s32 $0xFFFFD880  }
0x65: {  	_ =	sfence.sel $0x180000  }
0x66: {  	[bflag:$0x0] =	sbarrier.arrive $0xFFFF  }
0x67: {  	p0 =	sne.s32 s0, $0x0;
	_ =	strace $0x90000050  }
0x68: {  	s0 =	sadd.s32 @!p0 $0x100000, s1;
	[bflag:$0x2] =	sbarrier.arrive $0xFFFF  }
0x69: {  	[sflag:s0] =	ssyncadd.tile.s32 @!p0 $0x1;
	_ =	shalt  }
.Lfunc_end2:
_tile_overlayer_lowered:
.L_overlay_start_2:
0x6a: {  	(tag) =	ssettag $0x2  }
0x6b: {  	s0 =	rddreg [dreg:$0x0];
	s2 =	stileid.u32  }
0x6c: {  	s1 =	rddreg [dreg:$0x1];
	p0 =	sne.s32 s2, $0x0  }
0x6d: {  	s3 =	rddreg [dreg:$0x2];
	[bflag:$0x3] =	sbarrier.arrive $0xFFFF;
	s2 =	simm.s32 @!p0 $0x1C03  }
0x6e: {  	[timem:s3], [sflag:s2] =	dma.local @!p0 [hbm:s0], s1  }
0x6f: {  	s0 =	simm.s32 @!p0 $0x3  }
0x70: {  	_ =	swait.ge @!p0 [sflag:s0], s1  }
0x71: {  	s1 =	ssub.s32 @!p0 $0x0, s1;
	[sflag:s0] =	ssyncset.done @!p0 $0x0  }
0x72: {  	[sflag:s0] =	ssyncadd.s32 @!p0 s1  }
0x73: {  	[bflag:$0x3] =	sbarrier.arrive $0xFFFF  }
0x74: {  	_ =	shalt  }

// kernel: kernel.28.cloned.1.call-start
scs
__scs_entry_jumppad:
0x0: {  	(pc) =	sbr.rel $0x88, $3  }
0x1: {  	(tag) =	ssettag $0x0;
	lr =	simm.s32 $0x1  }
0x2: {  	[smem:$0x3F8F] =	sst lr;
	_ =	strace $0xD0000000  }
0x3: {  	_ = 	snop  }
0x4: {  	_ = 	snop  }
0x5: {  	_ = 	snop  }
0x6: {  	_ = 	snop  }
0x7: {  	_ = 	snop  }
__scs_overlays_trampoline_lowered:
0x8: {  	[smem:$0x3F9E] =	sst s0  }
0x9: {  	[smem:$0x3F9F] =	sst s1  }
0xa: {  	[smem:$0x3FA0] =	sst s2  }
0xb: {  	[smem:$0x3FA1] =	sst s3  }
0xc: {  	[smem:$0x3FA2] =	sst s4  }
0xd: {  	[smem:$0x3FA3] =	sst s5  }
0xe: {  	[smem:$0x3FA4] =	sst s6  }
0xf: {  	[smem:$0x3FA5] =	sst s7  }
0x10: {  	[smem:$0x3FA6] =	sst s8  }
0x11: {  	[smem:$0x3FA7] =	sst s9;
	s0 =	simm.s32 @!p0 $0x0  }
0x12: {  	s1 =	sld [smem:$0x3F8D];
	s0 =	simm.s32 @p0 $0x1  }
0x13: {  	[smem:$0x3FA8] =	sst s0;
	s0 =	simm.s32 @!p1 $0x0  }
0x14: {  	s2 =	sld [smem:$0x3F8C];
	s0 =	simm.s32 @p1 $0x1  }
0x15: {  	[smem:$0x3FA9] =	sst s0;
	s0 =	simm.s32 @!p2 $0x0  }
0x16: {  	s3 =	sld [smem:$0x3FDB];
	s0 =	simm.s32 @p2 $0x1  }
0x17: {  	s4 =	simm.s32 $0x1BF5;
	[smem:$0x3FAB] =	sst s0  }
0x18: {  	s0 =	sld [smem:$0x3F8E];
	_ =	swait.ge [sflag:s4], $0x0  }
0x19: {  	s7 =	sld [smem:$0x3F8F]  }
0x1a: {  	s8 =	sadd.s32 $0xFFFFE003, lr  }
0x1b: {  	s9 =	sadd.s32 $0xFFFFFEF7, lr;
	s5 =	simm.s32 $0xFFFFFFFF;
	p2 =	slt.u32 s8, $0xFFFFF086  }
0x1c: {  	p1 =	slt.u32 s9, $0xF7A;
	s5 =	simm.s32 @!p2 $0x0  }
0x1d: {  	s5 =	simm.s32 @p1 $0x1;
	p0 =	seq.s32 s7, s2  }
0x1e: {  	s7 =	smul.u32 @!p0 $0xF7A, s2;
	p2 =	seq.s32 @!p0 s5, $0x0  }
0x1f: {  	s9 =	smul.u32 $0xF7A, s1;
	s8 =	simm.s32 @!p0 $0x1BF5;
	p2 =	por !p2, p0  }
0x20: {  	[sflag:s8] =	ssyncset.s32 @!p0 $0xFFFFF086;
	s6 =	sadd.s32 @!p0 s3, s7;
	s7 =	simm.s32 @!p0 $0x108  }
0x21: {  	s3 =	sadd.s32 s3, s9;
	s6 =	sadd.s32 @!p0 $0x88, s6;
	s7 =	simm.s32 @p2 $0x1082  }
0x22: {  	[simem:s7], [sflag:s8] =	dma.local @!p0 [hbm:s6], $0xF7A  }
0x23: {  	s9 =	sor.u32 $0xD0000000, s2;
	s6 =	simm.s32 $0x108;
	_ =	swait.ge @!p0 [sflag:s8], $0x0  }
0x24: {  	s3 =	sadd.s32 $0x88, s3;
	s6 =	simm.s32 @!p1 $0x1082;
	[sflag:s4] =	ssyncset.s32 $0xFFFFF086  }
0x25: {  	[simem:s6], [sflag:s4] =	dma.local [hbm:s3], $0xF7A  }
0x26: {  	[smem:$0x3F8F] =	sst s1;
	(tag) =	ssettag s2;
	_ =	strace s9  }
0x27: {  	s1 =	sld [smem:$0x3F9F]  }
0x28: {  	s2 =	sld [smem:$0x3FA0]  }
0x29: {  	s4 =	sld [smem:$0x3FA2]  }
0x2a: {  	p0 =	seq.s32 s5, $0x0;
	s5 =	sld [smem:$0x3FA3]  }
0x2b: {  	s6 =	sld [smem:$0x3FA4]  }
0x2c: {  	s7 =	sld [smem:$0x3FA5]  }
0x2d: {  	s3 =	simm.s32 $0x108;
	s8 =	sld [smem:$0x3FA6]  }
0x2e: {  	s3 =	simm.s32 @!p0 $0x1082;
	s9 =	sld [smem:$0x3FA7]  }
0x2f: {  	lr =	sadd.s32 s0, s3;
	s0 =	sld [smem:$0x3F9E]  }
0x30: {  	s3 =	sld [smem:$0x3FA1]  }
0x31: {  	[smem:$0x3FAA] =	sst s10  }
0x32: {  	s10 =	sld [smem:$0x3FA8];
	_ =	sdelay $0x3  }
0x33: {  	p0 =	seq.s32 s10, $0x1;
	s10 =	sld [smem:$0x3FAA];
	_ =	sdelay $0x3  }
0x34: {  	[smem:$0x3FAA] =	sst s10  }
0x35: {  	s10 =	sld [smem:$0x3FA9];
	_ =	sdelay $0x3  }
0x36: {  	p1 =	seq.s32 s10, $0x1;
	s10 =	sld [smem:$0x3FAA];
	_ =	sdelay $0x3  }
0x37: {  	[smem:$0x3FAA] =	sst s10  }
0x38: {  	s10 =	sld [smem:$0x3FAB]  }
0x39: {  	_ = 	snop;
	(pc) =	sbr.ind lr, $3  }
0x3a: {  	_ = 	snop  }
0x3b: {  	_ = 	snop  }
0x3c: {  	p2 =	seq.s32 s10, $0x1;
	s10 =	sld [smem:$0x3FAA]  }
0x3d: {  	_ =	shalt  }
0x3e: {  	_ =	shalt  }
0x3f: {  	_ =	shalt  }
0x40: {  	_ =	shalt  }
0x41: {  	_ =	shalt  }
0x42: {  	_ =	shalt  }
0x43: {  	_ =	shalt  }
0x44: {  	_ =	shalt  }
0x45: {  	_ =	shalt  }
0x46: {  	_ =	shalt  }
0x47: {  	_ =	shalt  }
0x48: {  	_ =	shalt  }
0x49: {  	_ =	shalt  }
0x4a: {  	_ =	shalt  }
0x4b: {  	_ =	shalt  }
0x4c: {  	_ =	shalt  }
0x4d: {  	_ =	shalt  }
0x4e: {  	_ =	shalt  }
0x4f: {  	_ =	shalt  }
0x50: {  	_ =	shalt  }
0x51: {  	_ =	shalt  }
0x52: {  	_ =	shalt  }
0x53: {  	_ =	shalt  }
0x54: {  	_ =	shalt  }
0x55: {  	_ =	shalt  }
0x56: {  	_ =	shalt  }
0x57: {  	_ =	shalt  }
0x58: {  	_ =	shalt  }
0x59: {  	_ =	shalt  }
0x5a: {  	_ =	shalt  }
0x5b: {  	_ =	shalt  }
0x5c: {  	_ =	shalt  }
0x5d: {  	_ =	shalt  }
0x5e: {  	_ =	shalt  }
0x5f: {  	_ =	shalt  }
0x60: {  	_ =	shalt  }
0x61: {  	_ =	shalt  }
0x62: {  	_ =	shalt  }
0x63: {  	_ =	shalt  }
0x64: {  	_ =	shalt  }
0x65: {  	_ =	shalt  }
0x66: {  	_ =	shalt  }
0x67: {  	_ =	shalt  }
0x68: {  	_ =	shalt  }
0x69: {  	_ =	shalt  }
0x6a: {  	_ =	shalt  }
0x6b: {  	_ =	shalt  }
0x6c: {  	_ =	shalt  }
0x6d: {  	_ =	shalt  }
0x6e: {  	_ =	shalt  }
0x6f: {  	_ =	shalt  }
0x70: {  	_ =	shalt  }
0x71: {  	_ =	shalt  }
0x72: {  	_ =	shalt  }
0x73: {  	_ =	shalt  }
0x74: {  	_ =	shalt  }
0x75: {  	_ =	shalt  }
0x76: {  	_ =	shalt  }
0x77: {  	_ =	shalt  }
0x78: {  	_ =	shalt  }
0x79: {  	_ =	shalt  }
0x7a: {  	_ =	shalt  }
0x7b: {  	_ =	shalt  }
0x7c: {  	_ =	shalt  }
0x7d: {  	_ =	shalt  }
0x7e: {  	_ =	shalt  }
0x7f: {  	_ =	shalt  }
0x80: {  	_ =	shalt  }
0x81: {  	_ =	shalt  }
0x82: {  	_ =	shalt  }
0x83: {  	_ =	shalt  }
0x84: {  	_ =	shalt  }
0x85: {  	_ =	shalt  }
0x86: {  	_ =	shalt  }
0x87: {  	_ =	shalt  }
.Lfunc_end0:
.L_simem_size_0:
called_computation.4_lowered:
.L_overlay_start_0:
0x88: {  	s2 =	sld [smem:$0x3FD9]  }
0x89: {  	s3 =	sld [smem:$0x3FFE];
	_ =	sdelay $0x1  }
0x8a: {  	s1 =	srdreg.scid  }
0x8b: {  	s0 =	sand.u32 $0x1, s1  }
0x8c: {  	s16 =	sshll.u32 s0, $0xA;
	s2 =	sadd.s32 s3, s2  }
0x8d: {  	s2 =	sadd.s32 s2, s16  }
0x8e: {  	[smem:$0x3FB6] =	sst s2  }
0x8f: {  	_ = 	snop  }
0x90: {  	(tm) =	ssettm $0x1  }
0x91: {  	s17 =	sld [smem:$0x3FFB];
	_ =	sdelay $0x3  }
0x92: {  	_ =	strace s17  }
0x93: {  	s2 =	sld [smem:$0x3FFC];
	_ =	sdelay $0x3  }
0x94: {  	_ =	strace s2  }
0x95: {  	s2 =	sld [smem:$0x3FFD];
	_ =	sdelay $0x3  }
0x96: {  	_ =	strace s2  }
0x97: {  	_ =	strace $0x8FFFFFFF  }
0x98: {  	s18 =	sld [smem:$0x3FDB];
	_ =	sdelay $0x1  }
0x99: {  	s19 =	simm.s32 $_scs_section_size  }
0x9a: {  	s4 =	simm.s32 $_size__tile_overlayer_lowered;
	s5 =	simm.s32 $_tile_overlayer_lowered  }
0x9b: {  	s22 =	simm.s32 $0x1BFF;
	s21 =	sshll.u32 s5, $0x1;
	s2 =	sadd.s32 s19, s18  }
0x9c: {  	s6 =	simm.s32 $0x0;
	s20 =	sshll.u32 s4, $0x1;
	s4 =	sadd.s32 s21, s2  }
0x9d: {  	[timem:s6], [sflag:s22] =	dma.local [hbm:s4], s20  }
0x9e: {  	_ =	swait.ge [sflag:s22], s20  }
0x9f: {  	s3 =	ssub.s32 $0x0, s20;
	[sflag:s22] =	ssyncset.done $0x0  }
0xa0: {  	[sflag:s22] =	ssyncadd.s32 s3;
	_ =	sdelay $0x1  }
0xa1: {  	s23 =	simm.s32 $0x1B8B  }
0xa2: {  	_ =	swait.ge [sflag:s23], $0x1  }
0xa3: {  	[sflag:s23] =	ssyncset.done $0x0  }
0xa4: {  	s25 =	simm.s32 $0x1B8E;
	s24 =	sld [smem:$0x3FFE];
	[sflag:s23] =	ssyncadd.s32 $0xFFFFFFFF  }
0xa5: {  	s26 =	simm.s32 $execute0_lowered;
	[smem:$0x3FD2] =	sst s25  }
0xa6: {  	s4 =	sshll.u32 s26, $0x1;
	_ =	strace $0x80000052;
	[dreg:$0x1] =	wrdreg $0xFFFFFFFF  }
0xa7: {  	s28 =	simm.s32 $_size_execute0_lowered;
	s2 =	sadd.s32 s2, s4;
	[dreg:$0x0] =	wrdreg $0x0  }
0xa8: {  	s4 =	sshll.u32 s28, $0x1;
	[dreg:$0x2] =	wrdreg s2  }
0xa9: {  	[dreg:$0x3] =	wrdreg s4  }
0xaa: {  	[dreg:$0x4] =	wrdreg $0xC0  }
0xab: {  	_ =	task [dreg:s6], $0x5FFFF  }
0xac: {  	[dreg:$0x1] =	wrdreg $0xFFFFFFFF  }
0xad: {  	[dreg:$0x0] =	wrdreg $0x60  }
0xae: {  	[dreg:$0x2] =	wrdreg s24  }
0xaf: {  	[dreg:$0x3] =	wrdreg $0xB7000  }
0xb0: {  	[dreg:$0x4] =	wrdreg $0x9  }
0xb1: {  	_ =	task.clear_ibuf [dreg:s6], $0x5FFFF;
	_ =	strace $0x90000052  }
0xb2: {  	s29 =	simm.s32 $0x9;
	_ =	strace $0x80000054  }
0xb3: {  	_ =	swait.ge [sflag:s29], $0x1  }
0xb4: {  	[sflag:s29] =	ssyncadd.s32 $0xFFFFFFFF  }
0xb5: {  	_ =	strace $0x90000054  }
0xb6: {  	_ =	sfence  }
0xb7: {  	s30 =	sld [smem:$0x0];
	_ =	sdelay $0x2  }
0xb8: {  	s31 =	sshll.u32 s1, $0xD;
	s1 =	sshrl.u32 s1, $0x2  }
0xb9: {  	s3 =	sand.u32 $0x4000, s31;
	s1 =	sadd.s32 s1, s30  }
0xba: {  	s0 =	sor.u32 s3, s0;
	s1 =	sshll.u32 s1, $0x11  }
0xbb: {  	s0 =	sor.u32 s1, s0  }
0xbc: {  	s0 =	sadd.s32 $0x8F2B, s0  }
0xbd: {  	[sflag:s0] =	ssyncadd.remote.s32 $0x1  }
0xbe: {  	_ =	sfence.sel $0xFFFF  }
0xbf: {  	[dreg:$0x0] =	wrdreg $0xFFFFFFFF;
	(pc) =	sbr.abs _section_cstart, $3  }
0xc0: {  	[dreg:$0x1] =	wrdreg $0xFFFFFFFF  }
0xc1: {  	_ =	task.clear_ibuf [dreg:s6], $0x2FFFF;
	_ =	strace $0x9FFFFFFF  }
0xc2: {  	(tm) =	ssettm $0x7FFFFFFF  }
0xc3: {  	_ =	shalt  }
tec
execute0_lowered:
.L_overlay_start_1:
0x0: {  	(tag) =	ssettag $0x1  }
0x1: {  	s6 =	rddreg [dreg:$0x0]  }
0x2: {  	s0 =	srdreg.scid;
	s2 =	rddreg [dreg:$0x1]  }
0x3: {  	s3 =	simm.s32 $0x0;
	s14 =	simm.s32 $0x40;
	s15 =	simm.s32 $0x7700  }
0x4: {  	s16 =	simm.s32 $0x9700;
	s17 =	simm.s32 $0x1;
	s18 =	simm.s32 $0x2  }
0x5: {  	s19 =	simm.s32 $0x2740;
	s5 =	sand.u32 $0x1, s0;
	s0 =	stileid.u32  }
0x6: {  	s20 =	simm.s32 $0x7600;
	s21 =	simm.s32 $0x7680;
	s9 =	smul.u32 $0x13C00, s0  }
0x7: {  	s22 =	simm.s32 $0x0;
	[smem:$0x7FF] =	sst s3;
	s10 =	smul.u32 $0x13C000, s5  }
0x8: {  	s1 =	sshll.u32 s5, $0x4;
	s5 =	ssub.s32 $0x2, s5;
	s12 =	smul.u32 $0x4F000, s0  }
0x9: {  	s31 =	sshll.u32 s0, $0x6;
	s4 =	sor.u32 s0, s1;
	s1 =	rddreg [dreg:$0x2]  }
0xa: {  	_ =	strace $0x80000053;
	s29 =	sshrl.u32 s5, $0x1;
	s7 =	smul.u32 $0x500, s4  }
0xb: {  	s8 =	smul.u32 $0x9E0, s4;
	s4 =	sadd.s32 $0x25200, s6;
	s11 =	sshrl.u32 s9, $0x3  }
0xc: {  	s9 =	sadd.s32 s9, s10;
	s10 =	ssub.s32 s5, s29;
	s30 =	sshrl.u32 s12, $0x2  }
0xd: {  	s12 =	sor.u32 $0x1C03, s31;
	s9 =	sshrl.u32 s9, $0x3;
	s11 =	sadd.s32 s11, s6  }
0xe: {  	s13 =	sadd.s32 s30, s2;
	s7 =	sadd.s32 s7, s6;
	s8 =	sadd.s32 s8, s6  }
0xf: {  	s9 =	sadd.s32 s9, s6;
	s13 =	sshrl.u32 s13, $0x3;
	s5 =	sadd.s32 $0x7600, s7  }
0x10: {  	s6 =	sadd.s32 $0x11600, s8;
	s7 =	sadd.s32 $0x73600, s11;
	s8 =	sadd.s32 $0x9AE00, s9  }
0x11: {  	s9 =	smax.u32 s10, $0x1;
	s10 =	simm.s32 $0x3;
	s11 =	simm.s32 $0x2800  }
.LBB2_1:
0x12: {  	[tilespmem:s3], [sflag:$0x3] =	stream.linear.gather [hbm4b:s5+s3], $0x2780, $0x38;
	[tilespmem:$0x1F300] =	vst v63  }
0x13: {  	_ =	swait.ge [sflag:s10], $0x2780  }
0x14: {  	[sflag:s10] =	ssyncset.done $0x0  }
0x15: {  	[sflag:s10] =	ssyncadd.s32 $0xFFFFD880  }
0x16: {  	[tilespmem:s11], [sflag:$0x3] =	stream.linear.gather [hbm4b:s6+s3], $0x4F00, $0x38;
	[tilespmem:$0x1F300] =	vst v63  }
0x17: {  	_ =	swait.ge [sflag:s10], $0x4F00  }
0x18: {  	[sflag:s10] =	ssyncset.done $0x0  }
0x19: {  	[sflag:s10] =	ssyncadd.s32 $0xFFFFB100  }
0x1a: {  	[spmem:s13], [sflag:s12] =	dma.local [hbm:s7], $0x2780  }
0x1b: {  	_ =	swait.ge [sflag:s10], $0x2780  }
0x1c: {  	[sflag:s10] =	ssyncset.done $0x0  }
0x1d: {  	[sflag:s10] =	ssyncadd.s32 $0xFFFFD880  }
0x1e: {  	[bflag:$0x0] =	sbarrier.arrive $0xFFFF  }
0x1f: {  	[tilespmem:s15], [sflag:$0x1] =	stream.indirect.gather [hbm4b:s4+s14], $0x80, s3, s14, $0xb8;
	[tilespmem:$0x1F300] =	vst v63  }
0x20: {  	s23 =	simm.s32 $0x40  }
0x21: {  	[tilespmem:s16], [sflag:$0x2] =	stream.indirect.gather [hbm4b:s4+s14], $0x80, s23, s14, $0xb8;
	[tilespmem:$0x1F300] =	vst v63  }
0x22: {  	_ =	swait.ge [sflag:s17], $0x2000  }
0x23: {  	[sflag:s17] =	ssyncset.done $0x0  }
0x24: {  	s29 =	simm.s32 $0x2800;
	[sflag:s17] =	ssyncadd.s32 $0xFFFFE000  }
0x25: {  	[spmem:s2] =	stream.indirect.scatter.add.f32 [tilespmem:s15], [sflag:$0x3], $0x80, s29, s14, $0xb8;
	[tilespmem:$0x1F300] =	vst v63  }
0x26: {  	_ =	swait.ge [sflag:s10], $0x2000  }
0x27: {  	[sflag:s10] =	ssyncset.done $0x0  }
0x28: {  	s30 =	simm.s32 $0x80;
	[sflag:s10] =	ssyncadd.s32 $0xFFFFE000  }
0x29: {  	[tilespmem:s15], [sflag:$0x1] =	stream.indirect.gather [hbm4b:s4+s14], $0x80, s30, s14, $0xb8;
	[tilespmem:$0x1F300] =	vst v63  }
0x2a: {  	_ =	swait.ge [sflag:s18], $0x2000  }
0x2b: {  	[sflag:s18] =	ssyncset.done $0x0  }
0x2c: {  	s31 =	simm.s32 $0x2880;
	[sflag:s18] =	ssyncadd.s32 $0xFFFFE000  }
0x2d: {  	[spmem:s2] =	stream.indirect.scatter.add.f32 [tilespmem:s16], [sflag:$0x3], $0x80, s31, s14, $0xb8;
	[tilespmem:$0x1F300] =	vst v63  }
0x2e: {  	s24 =	simm.s32 $0x400;
	_ =	swait.ge [sflag:s10], $0x2000  }
0x2f: {  	s25 =	simm.s32 $0x800;
	s23 =	simm.s32 $0x100;
	[sflag:s10] =	ssyncset.done $0x0  }
.LBB2_2:
0x30: {  	p0 =	sne.s32 s25, $0x13400;
	s26 =	sadd.s32 $0xFFFFFFC0, s23;
	[sflag:s10] =	ssyncadd.s32 $0xFFFFE000  }
0x31: {  	[tilespmem:s16], [sflag:$0x2] =	stream.indirect.gather [hbm4b:s4+s14], $0x80, s26, s14, $0xb8;
	[tilespmem:$0x1F300] =	vst v63  }
0x32: {  	s26 =	smov.u32 s25;
	s25 =	sadd.s32 $0x400, s25;
	_ =	swait.ge [sflag:s17], $0x2000  }
0x33: {  	s28 =	sshra.s32 s24, $0x2;
	s24 =	smov.u32 s26;
	[sflag:s17] =	ssyncset.done $0x0  }
0x34: {  	s26 =	sadd.s32 $0x2800, s28;
	[sflag:s17] =	ssyncadd.s32 $0xFFFFE000  }
0x35: {  	[spmem:s2] =	stream.indirect.scatter.add.f32 [tilespmem:s15], [sflag:$0x3], $0x80, s26, s14, $0xb8;
	[tilespmem:$0x1F300] =	vst v63  }
0x36: {  	_ =	swait.ge [sflag:s10], $0x2000  }
0x37: {  	[sflag:s10] =	ssyncset.done $0x0  }
0x38: {  	[sflag:s10] =	ssyncadd.s32 $0xFFFFE000  }
0x39: {  	[tilespmem:s15], [sflag:$0x1] =	stream.indirect.gather [hbm4b:s4+s14], $0x80, s23, s14, $0xb8;
	[tilespmem:$0x1F300] =	vst v63  }
0x3a: {  	_ =	swait.ge [sflag:s18], $0x2000  }
.Ltmp0:
0x3b: {  	[sflag:s18] =	ssyncset.done $0x0;
	(pc) =	sbr.rel @p0 .LBB2_2-.Ltmp0, $4  }
0x3c: {  	s26 =	sadd.s32 $0x2880, s28;
	[sflag:s18] =	ssyncadd.s32 $0xFFFFE000  }
0x3d: {  	[spmem:s2] =	stream.indirect.scatter.add.f32 [tilespmem:s16], [sflag:$0x3], $0x80, s26, s14, $0xb8;
	[tilespmem:$0x1F300] =	vst v63  }
0x3e: {  	_ =	swait.ge [sflag:s10], $0x2000  }
0x3f: {  	s23 =	sadd.s32 $0x80, s23;
	[sflag:s10] =	ssyncset.done $0x0  }
0x40: {  	s25 =	sadd.s32 $0xFFFFFFC0, s23;
	[sflag:s10] =	ssyncadd.s32 $0xFFFFE000  }
0x41: {  	[tilespmem:s16], [sflag:$0x2] =	stream.indirect.gather [hbm4b:s4+s14], $0x80, s25, s14, $0xb8;
	[tilespmem:$0x1F300] =	vst v63  }
0x42: {  	_ =	swait.ge [sflag:s17], $0x2000  }
0x43: {  	s24 =	sshra.s32 s24, $0x2;
	[sflag:s17] =	ssyncset.done $0x0  }
0x44: {  	s30 =	sadd.s32 $0x2800, s24;
	[sflag:s17] =	ssyncadd.s32 $0xFFFFE000  }
0x45: {  	[spmem:s2] =	stream.indirect.scatter.add.f32 [tilespmem:s15], [sflag:$0x3], $0x80, s30, s14, $0xb8;
	[tilespmem:$0x1F300] =	vst v63  }
0x46: {  	_ =	swait.ge [sflag:s10], $0x2000  }
0x47: {  	[sflag:s10] =	ssyncset.done $0x0  }
0x48: {  	[sflag:s10] =	ssyncadd.s32 $0xFFFFE000  }
0x49: {  	[tilespmem:s15], [sflag:$0x1] =	stream.indirect.gather [hbm4b:s4+s14], $0x80, s23, s14, $0xb8;
	[tilespmem:$0x1F300] =	vst v63  }
0x4a: {  	_ =	swait.ge [sflag:s18], $0x2000  }
0x4b: {  	[sflag:s18] =	ssyncset.done $0x0  }
0x4c: {  	s31 =	sadd.s32 $0x2880, s24;
	[sflag:s18] =	ssyncadd.s32 $0xFFFFE000  }
0x4d: {  	[spmem:s2] =	stream.indirect.scatter.add.f32 [tilespmem:s16], [sflag:$0x3], $0x80, s31, s14, $0xb8;
	[tilespmem:$0x1F300] =	vst v63  }
0x4e: {  	_ =	swait.ge [sflag:s10], $0x2000  }
0x4f: {  	[sflag:s10] =	ssyncset.done $0x0  }
0x50: {  	[sflag:s10] =	ssyncadd.s32 $0xFFFFE000  }
0x51: {  	[tilespmem:s16], [sflag:$0x2] =	stream.indirect.gather [hbm4b:s4+s14], $0x80, s19, s14, $0xb8;
	[tilespmem:$0x1F300] =	vst v63  }
0x52: {  	_ =	swait.ge [sflag:s17], $0x2000  }
0x53: {  	[sflag:s17] =	ssyncset.done $0x0  }
0x54: {  	[sflag:s17] =	ssyncadd.s32 $0xFFFFE000  }
0x55: {  	[spmem:s2] =	stream.indirect.scatter.add.f32 [tilespmem:s15], [sflag:$0x3], $0x80, s20, s14, $0xb8;
	[tilespmem:$0x1F300] =	vst v63  }
0x56: {  	_ =	swait.ge [sflag:s10], $0x2000  }
0x57: {  	[sflag:s10] =	ssyncset.done $0x0  }
0x58: {  	[sflag:s10] =	ssyncadd.s32 $0xFFFFE000  }
0x59: {  	_ =	swait.ge [sflag:s18], $0x2000  }
0x5a: {  	[sflag:s18] =	ssyncset.done $0x0  }
0x5b: {  	[sflag:s18] =	ssyncadd.s32 $0xFFFFE000  }
0x5c: {  	[spmem:s2] =	stream.indirect.scatter.add.f32 [tilespmem:s16], [sflag:$0x3], $0x80, s21, s14, $0xb8;
	[tilespmem:$0x1F300] =	vst v63  }
0x5d: {  	_ =	swait.ge [sflag:s10], $0x2000  }
0x5e: {  	s22 =	sadd.s32 $0x1, s22;
	[sflag:s10] =	ssyncset.done $0x0  }
0x5f: {  	p0 =	sne.s32 s22, s9;
	[sflag:s10] =	ssyncadd.s32 $0xFFFFE000  }
.Ltmp1:
0x60: {  	[bflag:$0x0] =	sbarrier.arrive $0xFFFF;
	(pc) =	sbr.rel @p0 .LBB2_1-.Ltmp1, $4  }
0x61: {  	[hbm:s8], [sflag:s12] =	dma.local [spmem:s13], $0x2780  }
0x62: {  	_ =	swait.ge [sflag:s10], $0x2780  }
0x63: {  	[sflag:s10] =	ssyncset.done $0x0  }
0x64: {  	[sflag:s10] =	ssyncadd.s32 $0xFFFFD880  }
0x65: {  	_ =	sfence.sel $0x180000  }
0x66: {  	[bflag:$0x0] =	sbarrier.arrive $0xFFFF  }
0x67: {  	p0 =	sne.s32 s0, $0x0;
	_ =	strace $0x90000053  }
0x68: {  	s0 =	sadd.s32 @!p0 $0x100000, s1;
	[bflag:$0x2] =	sbarrier.arrive $0xFFFF  }
0x69: {  	[sflag:s0] =	ssyncadd.tile.s32 @!p0 $0x1;
	_ =	shalt  }
.Lfunc_end2:
_tile_overlayer_lowered:
.L_overlay_start_2:
0x6a: {  	(tag) =	ssettag $0x2  }
0x6b: {  	s0 =	rddreg [dreg:$0x0];
	s2 =	stileid.u32  }
0x6c: {  	s1 =	rddreg [dreg:$0x1];
	p0 =	sne.s32 s2, $0x0  }
0x6d: {  	s3 =	rddreg [dreg:$0x2];
	[bflag:$0x3] =	sbarrier.arrive $0xFFFF;
	s2 =	simm.s32 @!p0 $0x1C03  }
0x6e: {  	[timem:s3], [sflag:s2] =	dma.local @!p0 [hbm:s0], s1  }
0x6f: {  	s0 =	simm.s32 @!p0 $0x3  }
0x70: {  	_ =	swait.ge @!p0 [sflag:s0], s1  }
0x71: {  	s1 =	ssub.s32 @!p0 $0x0, s1;
	[sflag:s0] =	ssyncset.done @!p0 $0x0  }
0x72: {  	[sflag:s0] =	ssyncadd.s32 @!p0 s1  }
0x73: {  	[bflag:$0x3] =	sbarrier.arrive $0xFFFF  }
0x74: {  	_ =	shalt  }

// kernel: kernel.31.cloned.1.call-start
scs
__scs_entry_jumppad:
0x0: {  	(pc) =	sbr.rel $0x88, $3  }
0x1: {  	(tag) =	ssettag $0x0;
	lr =	simm.s32 $0x1  }
0x2: {  	[smem:$0x3F8F] =	sst lr;
	_ =	strace $0xD0000000  }
0x3: {  	_ = 	snop  }
0x4: {  	_ = 	snop  }
0x5: {  	_ = 	snop  }
0x6: {  	_ = 	snop  }
0x7: {  	_ = 	snop  }
__scs_overlays_trampoline_lowered:
0x8: {  	[smem:$0x3F9E] =	sst s0  }
0x9: {  	[smem:$0x3F9F] =	sst s1  }
0xa: {  	[smem:$0x3FA0] =	sst s2  }
0xb: {  	[smem:$0x3FA1] =	sst s3  }
0xc: {  	[smem:$0x3FA2] =	sst s4  }
0xd: {  	[smem:$0x3FA3] =	sst s5  }
0xe: {  	[smem:$0x3FA4] =	sst s6  }
0xf: {  	[smem:$0x3FA5] =	sst s7  }
0x10: {  	[smem:$0x3FA6] =	sst s8  }
0x11: {  	[smem:$0x3FA7] =	sst s9;
	s0 =	simm.s32 @!p0 $0x0  }
0x12: {  	s1 =	sld [smem:$0x3F8D];
	s0 =	simm.s32 @p0 $0x1  }
0x13: {  	[smem:$0x3FA8] =	sst s0;
	s0 =	simm.s32 @!p1 $0x0  }
0x14: {  	s2 =	sld [smem:$0x3F8C];
	s0 =	simm.s32 @p1 $0x1  }
0x15: {  	[smem:$0x3FA9] =	sst s0;
	s0 =	simm.s32 @!p2 $0x0  }
0x16: {  	s3 =	sld [smem:$0x3FDB];
	s0 =	simm.s32 @p2 $0x1  }
0x17: {  	s4 =	simm.s32 $0x1BF5;
	[smem:$0x3FAB] =	sst s0  }
0x18: {  	s0 =	sld [smem:$0x3F8E];
	_ =	swait.ge [sflag:s4], $0x0  }
0x19: {  	s7 =	sld [smem:$0x3F8F]  }
0x1a: {  	s8 =	sadd.s32 $0xFFFFE003, lr  }
0x1b: {  	s9 =	sadd.s32 $0xFFFFFEF7, lr;
	s5 =	simm.s32 $0xFFFFFFFF;
	p2 =	slt.u32 s8, $0xFFFFF086  }
0x1c: {  	p1 =	slt.u32 s9, $0xF7A;
	s5 =	simm.s32 @!p2 $0x0  }
0x1d: {  	s5 =	simm.s32 @p1 $0x1;
	p0 =	seq.s32 s7, s2  }
0x1e: {  	s7 =	smul.u32 @!p0 $0xF7A, s2;
	p2 =	seq.s32 @!p0 s5, $0x0  }
0x1f: {  	s9 =	smul.u32 $0xF7A, s1;
	s8 =	simm.s32 @!p0 $0x1BF5;
	p2 =	por !p2, p0  }
0x20: {  	[sflag:s8] =	ssyncset.s32 @!p0 $0xFFFFF086;
	s6 =	sadd.s32 @!p0 s3, s7;
	s7 =	simm.s32 @!p0 $0x108  }
0x21: {  	s3 =	sadd.s32 s3, s9;
	s6 =	sadd.s32 @!p0 $0x88, s6;
	s7 =	simm.s32 @p2 $0x1082  }
0x22: {  	[simem:s7], [sflag:s8] =	dma.local @!p0 [hbm:s6], $0xF7A  }
0x23: {  	s9 =	sor.u32 $0xD0000000, s2;
	s6 =	simm.s32 $0x108;
	_ =	swait.ge @!p0 [sflag:s8], $0x0  }
0x24: {  	s3 =	sadd.s32 $0x88, s3;
	s6 =	simm.s32 @!p1 $0x1082;
	[sflag:s4] =	ssyncset.s32 $0xFFFFF086  }
0x25: {  	[simem:s6], [sflag:s4] =	dma.local [hbm:s3], $0xF7A  }
0x26: {  	[smem:$0x3F8F] =	sst s1;
	(tag) =	ssettag s2;
	_ =	strace s9  }
0x27: {  	s1 =	sld [smem:$0x3F9F]  }
0x28: {  	s2 =	sld [smem:$0x3FA0]  }
0x29: {  	s4 =	sld [smem:$0x3FA2]  }
0x2a: {  	p0 =	seq.s32 s5, $0x0;
	s5 =	sld [smem:$0x3FA3]  }
0x2b: {  	s6 =	sld [smem:$0x3FA4]  }
0x2c: {  	s7 =	sld [smem:$0x3FA5]  }
0x2d: {  	s3 =	simm.s32 $0x108;
	s8 =	sld [smem:$0x3FA6]  }
0x2e: {  	s3 =	simm.s32 @!p0 $0x1082;
	s9 =	sld [smem:$0x3FA7]  }
0x2f: {  	lr =	sadd.s32 s0, s3;
	s0 =	sld [smem:$0x3F9E]  }
0x30: {  	s3 =	sld [smem:$0x3FA1]  }
0x31: {  	[smem:$0x3FAA] =	sst s10  }
0x32: {  	s10 =	sld [smem:$0x3FA8];
	_ =	sdelay $0x3  }
0x33: {  	p0 =	seq.s32 s10, $0x1;
	s10 =	sld [smem:$0x3FAA];
	_ =	sdelay $0x3  }
0x34: {  	[smem:$0x3FAA] =	sst s10  }
0x35: {  	s10 =	sld [smem:$0x3FA9];
	_ =	sdelay $0x3  }
0x36: {  	p1 =	seq.s32 s10, $0x1;
	s10 =	sld [smem:$0x3FAA];
	_ =	sdelay $0x3  }
0x37: {  	[smem:$0x3FAA] =	sst s10  }
0x38: {  	s10 =	sld [smem:$0x3FAB]  }
0x39: {  	_ = 	snop;
	(pc) =	sbr.ind lr, $3  }
0x3a: {  	_ = 	snop  }
0x3b: {  	_ = 	snop  }
0x3c: {  	p2 =	seq.s32 s10, $0x1;
	s10 =	sld [smem:$0x3FAA]  }
0x3d: {  	_ =	shalt  }
0x3e: {  	_ =	shalt  }
0x3f: {  	_ =	shalt  }
0x40: {  	_ =	shalt  }
0x41: {  	_ =	shalt  }
0x42: {  	_ =	shalt  }
0x43: {  	_ =	shalt  }
0x44: {  	_ =	shalt  }
0x45: {  	_ =	shalt  }
0x46: {  	_ =	shalt  }
0x47: {  	_ =	shalt  }
0x48: {  	_ =	shalt  }
0x49: {  	_ =	shalt  }
0x4a: {  	_ =	shalt  }
0x4b: {  	_ =	shalt  }
0x4c: {  	_ =	shalt  }
0x4d: {  	_ =	shalt  }
0x4e: {  	_ =	shalt  }
0x4f: {  	_ =	shalt  }
0x50: {  	_ =	shalt  }
0x51: {  	_ =	shalt  }
0x52: {  	_ =	shalt  }
0x53: {  	_ =	shalt  }
0x54: {  	_ =	shalt  }
0x55: {  	_ =	shalt  }
0x56: {  	_ =	shalt  }
0x57: {  	_ =	shalt  }
0x58: {  	_ =	shalt  }
0x59: {  	_ =	shalt  }
0x5a: {  	_ =	shalt  }
0x5b: {  	_ =	shalt  }
0x5c: {  	_ =	shalt  }
0x5d: {  	_ =	shalt  }
0x5e: {  	_ =	shalt  }
0x5f: {  	_ =	shalt  }
0x60: {  	_ =	shalt  }
0x61: {  	_ =	shalt  }
0x62: {  	_ =	shalt  }
0x63: {  	_ =	shalt  }
0x64: {  	_ =	shalt  }
0x65: {  	_ =	shalt  }
0x66: {  	_ =	shalt  }
0x67: {  	_ =	shalt  }
0x68: {  	_ =	shalt  }
0x69: {  	_ =	shalt  }
0x6a: {  	_ =	shalt  }
0x6b: {  	_ =	shalt  }
0x6c: {  	_ =	shalt  }
0x6d: {  	_ =	shalt  }
0x6e: {  	_ =	shalt  }
0x6f: {  	_ =	shalt  }
0x70: {  	_ =	shalt  }
0x71: {  	_ =	shalt  }
0x72: {  	_ =	shalt  }
0x73: {  	_ =	shalt  }
0x74: {  	_ =	shalt  }
0x75: {  	_ =	shalt  }
0x76: {  	_ =	shalt  }
0x77: {  	_ =	shalt  }
0x78: {  	_ =	shalt  }
0x79: {  	_ =	shalt  }
0x7a: {  	_ =	shalt  }
0x7b: {  	_ =	shalt  }
0x7c: {  	_ =	shalt  }
0x7d: {  	_ =	shalt  }
0x7e: {  	_ =	shalt  }
0x7f: {  	_ =	shalt  }
0x80: {  	_ =	shalt  }
0x81: {  	_ =	shalt  }
0x82: {  	_ =	shalt  }
0x83: {  	_ =	shalt  }
0x84: {  	_ =	shalt  }
0x85: {  	_ =	shalt  }
0x86: {  	_ =	shalt  }
0x87: {  	_ =	shalt  }
.Lfunc_end0:
.L_simem_size_0:
called_computation.5_lowered:
.L_overlay_start_0:
0x88: {  	s2 =	sld [smem:$0x3FD9]  }
0x89: {  	s3 =	sld [smem:$0x3FFE];
	_ =	sdelay $0x1  }
0x8a: {  	s1 =	srdreg.scid  }
0x8b: {  	s0 =	sand.u32 $0x1, s1  }
0x8c: {  	s16 =	sshll.u32 s0, $0xA;
	s2 =	sadd.s32 s3, s2  }
0x8d: {  	s2 =	sadd.s32 s2, s16  }
0x8e: {  	[smem:$0x3FB6] =	sst s2  }
0x8f: {  	_ = 	snop  }
0x90: {  	(tm) =	ssettm $0x1  }
0x91: {  	s17 =	sld [smem:$0x3FFB];
	_ =	sdelay $0x3  }
0x92: {  	_ =	strace s17  }
0x93: {  	s2 =	sld [smem:$0x3FFC];
	_ =	sdelay $0x3  }
0x94: {  	_ =	strace s2  }
0x95: {  	s2 =	sld [smem:$0x3FFD];
	_ =	sdelay $0x3  }
0x96: {  	_ =	strace s2  }
0x97: {  	_ =	strace $0x8FFFFFFF  }
0x98: {  	s18 =	sld [smem:$0x3FDB];
	_ =	sdelay $0x1  }
0x99: {  	s19 =	simm.s32 $_scs_section_size  }
0x9a: {  	s4 =	simm.s32 $_size__tile_overlayer_lowered;
	s5 =	simm.s32 $_tile_overlayer_lowered  }
0x9b: {  	s22 =	simm.s32 $0x1BFF;
	s21 =	sshll.u32 s5, $0x1;
	s2 =	sadd.s32 s19, s18  }
0x9c: {  	s6 =	simm.s32 $0x0;
	s20 =	sshll.u32 s4, $0x1;
	s4 =	sadd.s32 s21, s2  }
0x9d: {  	[timem:s6], [sflag:s22] =	dma.local [hbm:s4], s20  }
0x9e: {  	_ =	swait.ge [sflag:s22], s20  }
0x9f: {  	s3 =	ssub.s32 $0x0, s20;
	[sflag:s22] =	ssyncset.done $0x0  }
0xa0: {  	[sflag:s22] =	ssyncadd.s32 s3;
	_ =	sdelay $0x1  }
0xa1: {  	s23 =	simm.s32 $0x1B8B  }
0xa2: {  	_ =	swait.ge [sflag:s23], $0x1  }
0xa3: {  	[sflag:s23] =	ssyncset.done $0x0  }
0xa4: {  	s25 =	simm.s32 $0x1B8E;
	s24 =	sld [smem:$0x3FFE];
	[sflag:s23] =	ssyncadd.s32 $0xFFFFFFFF  }
0xa5: {  	s26 =	simm.s32 $execute0_lowered;
	[smem:$0x3FD2] =	sst s25  }
0xa6: {  	s4 =	sshll.u32 s26, $0x1;
	_ =	strace $0x80000055;
	[dreg:$0x1] =	wrdreg $0xFFFFFFFF  }
0xa7: {  	s28 =	simm.s32 $_size_execute0_lowered;
	s2 =	sadd.s32 s2, s4;
	[dreg:$0x0] =	wrdreg $0x0  }
0xa8: {  	s4 =	sshll.u32 s28, $0x1;
	[dreg:$0x2] =	wrdreg s2  }
0xa9: {  	[dreg:$0x3] =	wrdreg s4  }
0xaa: {  	[dreg:$0x4] =	wrdreg $0xC0  }
0xab: {  	_ =	task [dreg:s6], $0x5FFFF  }
0xac: {  	[dreg:$0x1] =	wrdreg $0xFFFFFFFF  }
0xad: {  	[dreg:$0x0] =	wrdreg $0x60  }
0xae: {  	[dreg:$0x2] =	wrdreg s24  }
0xaf: {  	[dreg:$0x3] =	wrdreg $0xB7000  }
0xb0: {  	[dreg:$0x4] =	wrdreg $0x9  }
0xb1: {  	_ =	task.clear_ibuf [dreg:s6], $0x5FFFF;
	_ =	strace $0x90000055  }
0xb2: {  	s29 =	simm.s32 $0x9;
	_ =	strace $0x80000057  }
0xb3: {  	_ =	swait.ge [sflag:s29], $0x1  }
0xb4: {  	[sflag:s29] =	ssyncadd.s32 $0xFFFFFFFF  }
0xb5: {  	_ =	strace $0x90000057  }
0xb6: {  	_ =	sfence  }
0xb7: {  	s30 =	sld [smem:$0x0];
	_ =	sdelay $0x2  }
0xb8: {  	s31 =	sshll.u32 s1, $0xD;
	s1 =	sshrl.u32 s1, $0x2  }
0xb9: {  	s3 =	sand.u32 $0x4000, s31;
	s1 =	sadd.s32 s1, s30  }
0xba: {  	s0 =	sor.u32 s3, s0;
	s1 =	sshll.u32 s1, $0x11  }
0xbb: {  	s0 =	sor.u32 s1, s0  }
0xbc: {  	s0 =	sadd.s32 $0x8F2B, s0  }
0xbd: {  	[sflag:s0] =	ssyncadd.remote.s32 $0x1  }
0xbe: {  	_ =	sfence.sel $0xFFFF  }
0xbf: {  	[dreg:$0x0] =	wrdreg $0xFFFFFFFF;
	(pc) =	sbr.abs _section_cstart, $3  }
0xc0: {  	[dreg:$0x1] =	wrdreg $0xFFFFFFFF  }
0xc1: {  	_ =	task.clear_ibuf [dreg:s6], $0x2FFFF;
	_ =	strace $0x9FFFFFFF  }
0xc2: {  	(tm) =	ssettm $0x7FFFFFFF  }
0xc3: {  	_ =	shalt  }
tec
execute0_lowered:
.L_overlay_start_1:
0x0: {  	(tag) =	ssettag $0x1  }
0x1: {  	s6 =	rddreg [dreg:$0x0]  }
0x2: {  	s0 =	srdreg.scid;
	s2 =	rddreg [dreg:$0x1]  }
0x3: {  	s3 =	simm.s32 $0x0;
	s14 =	simm.s32 $0x40;
	s15 =	simm.s32 $0x7700  }
0x4: {  	s16 =	simm.s32 $0x9700;
	s17 =	simm.s32 $0x1;
	s18 =	simm.s32 $0x2  }
0x5: {  	s19 =	simm.s32 $0x2740;
	s5 =	sand.u32 $0x1, s0;
	s0 =	stileid.u32  }
0x6: {  	s20 =	simm.s32 $0x7600;
	s21 =	simm.s32 $0x7680;
	s9 =	smul.u32 $0x13C00, s0  }
0x7: {  	s22 =	simm.s32 $0x0;
	[smem:$0x7FF] =	sst s3;
	s10 =	smul.u32 $0x13C000, s5  }
0x8: {  	s1 =	sshll.u32 s5, $0x4;
	s5 =	ssub.s32 $0x2, s5;
	s12 =	smul.u32 $0x4F000, s0  }
0x9: {  	s31 =	sshll.u32 s0, $0x6;
	s4 =	sor.u32 s0, s1;
	s1 =	rddreg [dreg:$0x2]  }
0xa: {  	_ =	strace $0x80000056;
	s29 =	sshrl.u32 s5, $0x1;
	s7 =	smul.u32 $0x500, s4  }
0xb: {  	s8 =	smul.u32 $0x9E0, s4;
	s4 =	sadd.s32 $0x25200, s6;
	s11 =	sshrl.u32 s9, $0x3  }
0xc: {  	s9 =	sadd.s32 s9, s10;
	s10 =	ssub.s32 s5, s29;
	s30 =	sshrl.u32 s12, $0x2  }
0xd: {  	s12 =	sor.u32 $0x1C03, s31;
	s9 =	sshrl.u32 s9, $0x3;
	s11 =	sadd.s32 s11, s6  }
0xe: {  	s13 =	sadd.s32 s30, s2;
	s7 =	sadd.s32 s7, s6;
	s8 =	sadd.s32 s8, s6  }
0xf: {  	s9 =	sadd.s32 s9, s6;
	s13 =	sshrl.u32 s13, $0x3;
	s5 =	sadd.s32 $0x7600, s7  }
0x10: {  	s6 =	sadd.s32 $0x11600, s8;
	s7 =	sadd.s32 $0x73600, s11;
	s8 =	sadd.s32 $0x9AE00, s9  }
0x11: {  	s9 =	smax.u32 s10, $0x1;
	s10 =	simm.s32 $0x3;
	s11 =	simm.s32 $0x2800  }
.LBB2_1:
0x12: {  	[tilespmem:s3], [sflag:$0x3] =	stream.linear.gather [hbm4b:s5+s3], $0x2780, $0x38;
	[tilespmem:$0x1F300] =	vst v63  }
0x13: {  	_ =	swait.ge [sflag:s10], $0x2780  }
0x14: {  	[sflag:s10] =	ssyncset.done $0x0  }
0x15: {  	[sflag:s10] =	ssyncadd.s32 $0xFFFFD880  }
0x16: {  	[tilespmem:s11], [sflag:$0x3] =	stream.linear.gather [hbm4b:s6+s3], $0x4F00, $0x38;
	[tilespmem:$0x1F300] =	vst v63  }
0x17: {  	_ =	swait.ge [sflag:s10], $0x4F00  }
0x18: {  	[sflag:s10] =	ssyncset.done $0x0  }
0x19: {  	[sflag:s10] =	ssyncadd.s32 $0xFFFFB100  }
0x1a: {  	[spmem:s13], [sflag:s12] =	dma.local [hbm:s7], $0x2780  }
0x1b: {  	_ =	swait.ge [sflag:s10], $0x2780  }
0x1c: {  	[sflag:s10] =	ssyncset.done $0x0  }
0x1d: {  	[sflag:s10] =	ssyncadd.s32 $0xFFFFD880  }
0x1e: {  	[bflag:$0x0] =	sbarrier.arrive $0xFFFF  }
0x1f: {  	[tilespmem:s15], [sflag:$0x1] =	stream.indirect.gather [hbm4b:s4+s14], $0x80, s3, s14, $0xb8;
	[tilespmem:$0x1F300] =	vst v63  }
0x20: {  	s23 =	simm.s32 $0x40  }
0x21: {  	[tilespmem:s16], [sflag:$0x2] =	stream.indirect.gather [hbm4b:s4+s14], $0x80, s23, s14, $0xb8;
	[tilespmem:$0x1F300] =	vst v63  }
0x22: {  	_ =	swait.ge [sflag:s17], $0x2000  }
0x23: {  	[sflag:s17] =	ssyncset.done $0x0  }
0x24: {  	s29 =	simm.s32 $0x2800;
	[sflag:s17] =	ssyncadd.s32 $0xFFFFE000  }
0x25: {  	[spmem:s2] =	stream.indirect.scatter.add.f32 [tilespmem:s15], [sflag:$0x3], $0x80, s29, s14, $0xb8;
	[tilespmem:$0x1F300] =	vst v63  }
0x26: {  	_ =	swait.ge [sflag:s10], $0x2000  }
0x27: {  	[sflag:s10] =	ssyncset.done $0x0  }
0x28: {  	s30 =	simm.s32 $0x80;
	[sflag:s10] =	ssyncadd.s32 $0xFFFFE000  }
0x29: {  	[tilespmem:s15], [sflag:$0x1] =	stream.indirect.gather [hbm4b:s4+s14], $0x80, s30, s14, $0xb8;
	[tilespmem:$0x1F300] =	vst v63  }
0x2a: {  	_ =	swait.ge [sflag:s18], $0x2000  }
0x2b: {  	[sflag:s18] =	ssyncset.done $0x0  }
0x2c: {  	s31 =	simm.s32 $0x2880;
	[sflag:s18] =	ssyncadd.s32 $0xFFFFE000  }
0x2d: {  	[spmem:s2] =	stream.indirect.scatter.add.f32 [tilespmem:s16], [sflag:$0x3], $0x80, s31, s14, $0xb8;
	[tilespmem:$0x1F300] =	vst v63  }
0x2e: {  	s24 =	simm.s32 $0x400;
	_ =	swait.ge [sflag:s10], $0x2000  }
0x2f: {  	s25 =	simm.s32 $0x800;
	s23 =	simm.s32 $0x100;
	[sflag:s10] =	ssyncset.done $0x0  }
.LBB2_2:
0x30: {  	p0 =	sne.s32 s25, $0x13400;
	s26 =	sadd.s32 $0xFFFFFFC0, s23;
	[sflag:s10] =	ssyncadd.s32 $0xFFFFE000  }
0x31: {  	[tilespmem:s16], [sflag:$0x2] =	stream.indirect.gather [hbm4b:s4+s14], $0x80, s26, s14, $0xb8;
	[tilespmem:$0x1F300] =	vst v63  }
0x32: {  	s26 =	smov.u32 s25;
	s25 =	sadd.s32 $0x400, s25;
	_ =	swait.ge [sflag:s17], $0x2000  }
0x33: {  	s28 =	sshra.s32 s24, $0x2;
	s24 =	smov.u32 s26;
	[sflag:s17] =	ssyncset.done $0x0  }
0x34: {  	s26 =	sadd.s32 $0x2800, s28;
	[sflag:s17] =	ssyncadd.s32 $0xFFFFE000  }
0x35: {  	[spmem:s2] =	stream.indirect.scatter.add.f32 [tilespmem:s15], [sflag:$0x3], $0x80, s26, s14, $0xb8;
	[tilespmem:$0x1F300] =	vst v63  }
0x36: {  	_ =	swait.ge [sflag:s10], $0x2000  }
0x37: {  	[sflag:s10] =	ssyncset.done $0x0  }
0x38: {  	[sflag:s10] =	ssyncadd.s32 $0xFFFFE000  }
0x39: {  	[tilespmem:s15], [sflag:$0x1] =	stream.indirect.gather [hbm4b:s4+s14], $0x80, s23, s14, $0xb8;
	[tilespmem:$0x1F300] =	vst v63  }
0x3a: {  	_ =	swait.ge [sflag:s18], $0x2000  }
.Ltmp0:
0x3b: {  	[sflag:s18] =	ssyncset.done $0x0;
	(pc) =	sbr.rel @p0 .LBB2_2-.Ltmp0, $4  }
0x3c: {  	s26 =	sadd.s32 $0x2880, s28;
	[sflag:s18] =	ssyncadd.s32 $0xFFFFE000  }
0x3d: {  	[spmem:s2] =	stream.indirect.scatter.add.f32 [tilespmem:s16], [sflag:$0x3], $0x80, s26, s14, $0xb8;
	[tilespmem:$0x1F300] =	vst v63  }
0x3e: {  	_ =	swait.ge [sflag:s10], $0x2000  }
0x3f: {  	s23 =	sadd.s32 $0x80, s23;
	[sflag:s10] =	ssyncset.done $0x0  }
0x40: {  	s25 =	sadd.s32 $0xFFFFFFC0, s23;
	[sflag:s10] =	ssyncadd.s32 $0xFFFFE000  }
0x41: {  	[tilespmem:s16], [sflag:$0x2] =	stream.indirect.gather [hbm4b:s4+s14], $0x80, s25, s14, $0xb8;
	[tilespmem:$0x1F300] =	vst v63  }
0x42: {  	_ =	swait.ge [sflag:s17], $0x2000  }
0x43: {  	s24 =	sshra.s32 s24, $0x2;
	[sflag:s17] =	ssyncset.done $0x0  }
0x44: {  	s30 =	sadd.s32 $0x2800, s24;
	[sflag:s17] =	ssyncadd.s32 $0xFFFFE000  }
0x45: {  	[spmem:s2] =	stream.indirect.scatter.add.f32 [tilespmem:s15], [sflag:$0x3], $0x80, s30, s14, $0xb8;
	[tilespmem:$0x1F300] =	vst v63  }
0x46: {  	_ =	swait.ge [sflag:s10], $0x2000  }
0x47: {  	[sflag:s10] =	ssyncset.done $0x0  }
0x48: {  	[sflag:s10] =	ssyncadd.s32 $0xFFFFE000  }
0x49: {  	[tilespmem:s15], [sflag:$0x1] =	stream.indirect.gather [hbm4b:s4+s14], $0x80, s23, s14, $0xb8;
	[tilespmem:$0x1F300] =	vst v63  }
0x4a: {  	_ =	swait.ge [sflag:s18], $0x2000  }
0x4b: {  	[sflag:s18] =	ssyncset.done $0x0  }
0x4c: {  	s31 =	sadd.s32 $0x2880, s24;
	[sflag:s18] =	ssyncadd.s32 $0xFFFFE000  }
0x4d: {  	[spmem:s2] =	stream.indirect.scatter.add.f32 [tilespmem:s16], [sflag:$0x3], $0x80, s31, s14, $0xb8;
	[tilespmem:$0x1F300] =	vst v63  }
0x4e: {  	_ =	swait.ge [sflag:s10], $0x2000  }
0x4f: {  	[sflag:s10] =	ssyncset.done $0x0  }
0x50: {  	[sflag:s10] =	ssyncadd.s32 $0xFFFFE000  }
0x51: {  	[tilespmem:s16], [sflag:$0x2] =	stream.indirect.gather [hbm4b:s4+s14], $0x80, s19, s14, $0xb8;
	[tilespmem:$0x1F300] =	vst v63  }
0x52: {  	_ =	swait.ge [sflag:s17], $0x2000  }
0x53: {  	[sflag:s17] =	ssyncset.done $0x0  }
0x54: {  	[sflag:s17] =	ssyncadd.s32 $0xFFFFE000  }
0x55: {  	[spmem:s2] =	stream.indirect.scatter.add.f32 [tilespmem:s15], [sflag:$0x3], $0x80, s20, s14, $0xb8;
	[tilespmem:$0x1F300] =	vst v63  }
0x56: {  	_ =	swait.ge [sflag:s10], $0x2000  }
0x57: {  	[sflag:s10] =	ssyncset.done $0x0  }
0x58: {  	[sflag:s10] =	ssyncadd.s32 $0xFFFFE000  }
0x59: {  	_ =	swait.ge [sflag:s18], $0x2000  }
0x5a: {  	[sflag:s18] =	ssyncset.done $0x0  }
0x5b: {  	[sflag:s18] =	ssyncadd.s32 $0xFFFFE000  }
0x5c: {  	[spmem:s2] =	stream.indirect.scatter.add.f32 [tilespmem:s16], [sflag:$0x3], $0x80, s21, s14, $0xb8;
	[tilespmem:$0x1F300] =	vst v63  }
0x5d: {  	_ =	swait.ge [sflag:s10], $0x2000  }
0x5e: {  	s22 =	sadd.s32 $0x1, s22;
	[sflag:s10] =	ssyncset.done $0x0  }
0x5f: {  	p0 =	sne.s32 s22, s9;
	[sflag:s10] =	ssyncadd.s32 $0xFFFFE000  }
.Ltmp1:
0x60: {  	[bflag:$0x0] =	sbarrier.arrive $0xFFFF;
	(pc) =	sbr.rel @p0 .LBB2_1-.Ltmp1, $4  }
0x61: {  	[hbm:s8], [sflag:s12] =	dma.local [spmem:s13], $0x2780  }
0x62: {  	_ =	swait.ge [sflag:s10], $0x2780  }
0x63: {  	[sflag:s10] =	ssyncset.done $0x0  }
0x64: {  	[sflag:s10] =	ssyncadd.s32 $0xFFFFD880  }
0x65: {  	_ =	sfence.sel $0x180000  }
0x66: {  	[bflag:$0x0] =	sbarrier.arrive $0xFFFF  }
0x67: {  	p0 =	sne.s32 s0, $0x0;
	_ =	strace $0x90000056  }
0x68: {  	s0 =	sadd.s32 @!p0 $0x100000, s1;
	[bflag:$0x2] =	sbarrier.arrive $0xFFFF  }
0x69: {  	[sflag:s0] =	ssyncadd.tile.s32 @!p0 $0x1;
	_ =	shalt  }
.Lfunc_end2:
_tile_overlayer_lowered:
.L_overlay_start_2:
0x6a: {  	(tag) =	ssettag $0x2  }
0x6b: {  	s0 =	rddreg [dreg:$0x0];
	s2 =	stileid.u32  }
0x6c: {  	s1 =	rddreg [dreg:$0x1];
	p0 =	sne.s32 s2, $0x0  }
0x6d: {  	s3 =	rddreg [dreg:$0x2];
	[bflag:$0x3] =	sbarrier.arrive $0xFFFF;
	s2 =	simm.s32 @!p0 $0x1C03  }
0x6e: {  	[timem:s3], [sflag:s2] =	dma.local @!p0 [hbm:s0], s1  }
0x6f: {  	s0 =	simm.s32 @!p0 $0x3  }
0x70: {  	_ =	swait.ge @!p0 [sflag:s0], s1  }
0x71: {  	s1 =	ssub.s32 @!p0 $0x0, s1;
	[sflag:s0] =	ssyncset.done @!p0 $0x0  }
0x72: {  	[sflag:s0] =	ssyncadd.s32 @!p0 s1  }
0x73: {  	[bflag:$0x3] =	sbarrier.arrive $0xFFFF  }
0x74: {  	_ =	shalt  }

</sc_bundles>
